<compile_context>
chip_gen: v7x
topology: tpu7x:2x2x1
jax: 0.10.2.dev20260603
libtpu: 0.0.44.dev20260713+nightly
codegen_flags: <defaults>
</compile_context>

<pallas_src>
import functools
import jax
import jax.numpy as jnp
from jax import lax
from jax.experimental import pallas as pl
from jax.experimental.pallas import tpu as pltpu
from jax.experimental.pallas import tpu_sc as plsc

B, C, H, W = 1024, 3, 64, 64
PAD = 3
ROWS = C * H
NW = 32
SPW = B // NW
RC = 12582912.0


def _body(x_hbm, oh_hbm, ow_hbm, out_hbm, oh_v, ow_v, src_v, out_v, rowmap_v,
          gsem0, gsem1, ssem0, ssem1):
    wid = lax.axis_index("s") * 2 + lax.axis_index("c")
    base = wid * SPW
    pltpu.sync_copy(oh_hbm.at[pl.ds(base, SPW)], oh_v)
    pltpu.sync_copy(ow_hbm.at[pl.ds(base, SPW)], ow_v)
    iota = lax.iota(jnp.int32, 16)
    gsems = (gsem0, gsem1)
    ssems = (ssem0, ssem1)

    def reflect(i, n):
        i = jnp.where(i < 0, -i, i)
        return jnp.where(i > n - 1, 2 * (n - 1) - i, i)

    def start_load(s, p):
        pltpu.async_copy(x_hbm.at[pl.ds((base + s) * (ROWS // 2), ROWS // 2)],
                         src_v.at[p], gsems[p])

    start_load(0, 0)
    start_load(1, 1)

    def pair_body(so, carry):
        for p in (0, 1):
            s = 2 * so + p
            pltpu.make_async_copy(x_hbm.at[pl.ds(0, ROWS // 2)], src_v.at[p],
                                  gsems[p]).wait()
            @pl.when(so > 0)
            def _():
                pltpu.make_async_copy(out_v.at[p],
                                      out_hbm.at[pl.ds(0, ROWS // 2)],
                                      ssems[p]).wait()

            sv = jnp.full((16,), s, jnp.int32)
            oy = plsc.load_gather(oh_v, [sv])
            ox = plsc.load_gather(ow_v, [sv])
            cols = [reflect(iota + (16 * g - PAD) + ox, W) for g in range(4)]
            for grp in range(ROWS // 16):
                ch = (16 * grp) // H
                ybase = (16 * grp) % H
                ry = reflect(iota + (ybase - PAD) + oy, H)
                rowmap_v[pl.ds(16 * grp, 16)] = (ch * H + ry) * W

            src_p = src_v.at[p]
            out_p = out_v.at[p]

            @plsc.parallel_loop(0, ROWS, unroll=16)
            def _row(t):
                tvr = jnp.full((16,), t, jnp.int32)
                rowv = plsc.load_gather(rowmap_v, [tvr])
                for g in range(4):
                    f = rowv + cols[g]
                    i0 = lax.shift_right_logical(f, 7)
                    i1 = jnp.bitwise_and(f, 127)
                    v = plsc.load_gather(src_p, [i0, i1])
                    v = jnp.minimum(v, 255.0)
                    v = jnp.maximum(v, 0.0)
                    v = (v + RC) - RC
                    out_p[t // 2, pl.ds((t % 2) * 64 + 16 * g, 16)] = v
            pltpu.async_copy(
                out_p,
                out_hbm.at[pl.ds((base + s) * (ROWS // 2), ROWS // 2)],
                ssems[p])

            @pl.when(so < SPW // 2 - 1)
            def _():
                start_load(s + 2, p)
        return carry

    lax.fori_loop(0, SPW // 2, pair_body, 0)
    for p in (0, 1):
        pltpu.make_async_copy(out_v.at[p], out_hbm.at[pl.ds(0, ROWS // 2)],
                              ssems[p]).wait()


@jax.jit
def kernel(x_uint8, offs_h, offs_w):
    x2d = x_uint8.reshape(B * ROWS // 2, 2 * W)
    oh = offs_h.reshape(B).astype(jnp.int32)
    ow = offs_w.reshape(B).astype(jnp.int32)
    mesh = plsc.VectorSubcoreMesh(core_axis_name="c", subcore_axis_name="s")
    run = pl.kernel(
        _body,
        mesh=mesh,
        compiler_params=pltpu.CompilerParams(needs_layout_passes=False),
        out_type=jax.ShapeDtypeStruct((B * ROWS // 2, 2 * W), jnp.float32),
        scratch_types=[
            pltpu.VMEM((SPW,), jnp.int32),
            pltpu.VMEM((SPW,), jnp.int32),
            pltpu.VMEM((2, ROWS // 2, 2 * W), jnp.float32),
            pltpu.VMEM((2, ROWS // 2, 2 * W), jnp.float32),
            pltpu.VMEM((ROWS,), jnp.int32),
            pltpu.SemaphoreType.DMA,
            pltpu.SemaphoreType.DMA,
            pltpu.SemaphoreType.DMA,
            pltpu.SemaphoreType.DMA,
        ],
    )
    out = run(x2d, oh, ow)
    return out.reshape(B, C, H, W).astype(x_uint8.dtype)

# --- scband reference (transcript-rebuilt; emitter-appended) ---
"""Pipeline reference for scband-dractransform-chaser-fruitbot-88837103550497 (READ-ONLY COPY).

The authoritative reference and input builder live on the scoring server;
editing this copy changes nothing except your own understanding.
"""

import jax, jax.numpy as jnp
import numpy as np

CROP_PAD = 3
B, C, H, W = 1024, 3, 64, 64


def setup_inputs(seed: int = 0) -> dict:
    key = jax.random.key(seed)
    k1, k2, k3 = jax.random.split(key, 3)
    # uint8-like image tensor (stored as float32 for harness compatibility)
    x = jax.random.uniform(k1, (B, C, H, W), dtype=jnp.float32)
    # per-sample crop offsets (the torch module draws these with torch.randint inside forward;
    # we materialize them as explicit integer inputs for determinism)
    offs_h = jax.random.randint(k2, (B, 1, 1), 0, 2 * CROP_PAD + 1)
    offs_w = jax.random.randint(k3, (B, 1, 1), 0, 2 * CROP_PAD + 1)
    return {"x_uint8": x, "offs_h": offs_h, "offs_w": offs_w}


def reference(x_uint8, offs_h, offs_w):
    pad = CROP_PAD
    x = x_uint8.astype(jnp.float32) / 255.0
    b, c, h, w = x.shape
    # reflect pad
    xp = jnp.pad(x, ((0, 0), (0, 0), (pad, pad), (pad, pad)), mode='reflect')
    hp, wp = h + 2 * pad, w + 2 * pad
    grid_y = jnp.arange(h).reshape(1, h, 1) + offs_h  # (b, h, 1)
    grid_x = jnp.arange(w).reshape(1, 1, w) + offs_w  # (b, 1, w)
    grid_y = jnp.broadcast_to(grid_y, (b, h, w))
    grid_x = jnp.broadcast_to(grid_x, (b, h, w))
    idx = grid_y * wp + grid_x  # (b, h, w)
    xf = xp.reshape(b, c, hp * wp)
    idx_full = jnp.broadcast_to(idx.reshape(b, 1, h * w), (b, c, h * w))
    out = jnp.take_along_axis(xf, idx_full, axis=2).reshape(b, c, h, w)
    # p_color = 0.0 -> color jitter branch is never taken
    out = jnp.clip(out, 0.0, 1.0)
    return jnp.round(out * 255.0).astype(x_uint8.dtype)

if __name__ == "__main__":
    import jax
    _d = setup_inputs()
    print(jax.jit(kernel)(*tuple(_d.values())))

</pallas_src>

<mosaic_0001>
#map = affine_map<(d0, d1) -> (0, 0)>
#map1 = affine_map<(d0, d1) -> (0)>
module attributes {stable_mosaic.version = 14 : i64} {
  func.func @_body(%arg0: i32, %arg1: i32, %arg2: memref<98304x128xf32, #tpu.memory_space<hbm>>, %arg3: memref<1024xi32, #tpu.memory_space<hbm>>, %arg4: memref<1024xi32, #tpu.memory_space<hbm>>, %arg5: memref<98304x128xf32, #tpu.memory_space<hbm>>, %arg6: memref<32xi32, #tpu.memory_space<vmem>>, %arg7: memref<32xi32, #tpu.memory_space<vmem>>, %arg8: memref<2x96x128xf32, #tpu.memory_space<vmem>>, %arg9: memref<2x96x128xf32, #tpu.memory_space<vmem>>, %arg10: memref<192xi32, #tpu.memory_space<vmem>>, %arg11: memref<!tpu.dma_semaphore, #tpu.memory_space<semaphore_mem>>, %arg12: memref<!tpu.dma_semaphore, #tpu.memory_space<semaphore_mem>>, %arg13: memref<!tpu.dma_semaphore, #tpu.memory_space<semaphore_mem>>, %arg14: memref<!tpu.dma_semaphore, #tpu.memory_space<semaphore_mem>>) attributes {dimension_semantics = [#tpu.dimension_semantics<core_parallel>, #tpu.dimension_semantics<subcore_parallel>], iteration_bounds = array<i64: 2, 16>, scalar_prefetch = 0 : i64, scratch_operands = 9 : i64, tpu.core_type = #tpu.core_type<sc_vector_subcore>, window_params = [{transform_indices = #map}, {transform_indices = #map1}, {transform_indices = #map1}, {transform_indices = #map}]} {
    %mul3A = arith.constant 2 : i32
    %mul3A_0 = arith.muli %arg1, %mul3A : i32
    %add3A = arith.addi %mul3A_0, %arg0 : i32
    %mul3A_1 = arith.constant 32 : i32
    %mul3A_2 = arith.muli %add3A, %mul3A_1 : i32
    "tpu.region"() ({
      %run_scoped3A = tpu.sem_alloc : memref<!tpu.dma_semaphore, #tpu.memory_space<semaphore_mem>>
      %dma_start3A_70 = tpu.memref_slice %arg3[%mul3A_2] : memref<1024xi32, #tpu.memory_space<hbm>> -> memref<32xi32, #tpu.memory_space<hbm>>
      %dma_start3A_71 = tpu.memref_slice %arg3[%mul3A_2] : memref<1024xi32, #tpu.memory_space<hbm>> -> memref<32xi32, #tpu.memory_space<hbm>>
      tpu.enqueue_dma source(%dma_start3A_71 : memref<32xi32, #tpu.memory_space<hbm>>) target(%arg6 : memref<32xi32, #tpu.memory_space<vmem>>) target_semaphore(%run_scoped3A : memref<!tpu.dma_semaphore, #tpu.memory_space<semaphore_mem>>)
      %dma_wait3A_72 = tpu.memref_slice %arg3[%mul3A_2] : memref<1024xi32, #tpu.memory_space<hbm>> -> memref<32xi32, #tpu.memory_space<hbm>>
      %dma_wait3A_73 = tpu.memref_slice %arg3[%mul3A_2] : memref<1024xi32, #tpu.memory_space<hbm>> -> memref<32xi32, #tpu.memory_space<hbm>>
      tpu.wait_dma2 semaphore(%run_scoped3A : memref<!tpu.dma_semaphore, #tpu.memory_space<semaphore_mem>>) src(%dma_wait3A_73 : memref<32xi32, #tpu.memory_space<hbm>>) dst(%arg6 : memref<32xi32, #tpu.memory_space<vmem>>)
      tpu.yield
    }) : () -> ()
    "tpu.region"() ({
      %run_scoped3A = tpu.sem_alloc : memref<!tpu.dma_semaphore, #tpu.memory_space<semaphore_mem>>
      %dma_start3A_70 = tpu.memref_slice %arg4[%mul3A_2] : memref<1024xi32, #tpu.memory_space<hbm>> -> memref<32xi32, #tpu.memory_space<hbm>>
      %dma_start3A_71 = tpu.memref_slice %arg4[%mul3A_2] : memref<1024xi32, #tpu.memory_space<hbm>> -> memref<32xi32, #tpu.memory_space<hbm>>
      tpu.enqueue_dma source(%dma_start3A_71 : memref<32xi32, #tpu.memory_space<hbm>>) target(%arg7 : memref<32xi32, #tpu.memory_space<vmem>>) target_semaphore(%run_scoped3A : memref<!tpu.dma_semaphore, #tpu.memory_space<semaphore_mem>>)
      %dma_wait3A_72 = tpu.memref_slice %arg4[%mul3A_2] : memref<1024xi32, #tpu.memory_space<hbm>> -> memref<32xi32, #tpu.memory_space<hbm>>
      %dma_wait3A_73 = tpu.memref_slice %arg4[%mul3A_2] : memref<1024xi32, #tpu.memory_space<hbm>> -> memref<32xi32, #tpu.memory_space<hbm>>
      tpu.wait_dma2 semaphore(%run_scoped3A : memref<!tpu.dma_semaphore, #tpu.memory_space<semaphore_mem>>) src(%dma_wait3A_73 : memref<32xi32, #tpu.memory_space<hbm>>) dst(%arg7 : memref<32xi32, #tpu.memory_space<vmem>>)
      tpu.yield
    }) : () -> ()
    %iota3A = tpu.iota {dimensions = array<i32: 0>} : vector<16xi32>
    %add3A_3 = arith.constant 0 : i32
    %add3A_4 = arith.addi %mul3A_2, %add3A_3 : i32
    %mul3A_5 = arith.constant 96 : i32
    %mul3A_6 = arith.muli %add3A_4, %mul3A_5 : i32
    %dma_start3A = arith.constant 0 : i32
    %dma_start3A_7 = arith.constant 0 : i32
    %dma_start3A_8 = arith.constant 0 : i32
    %dma_start3A_9 = tpu.memref_slice %arg8[%dma_start3A, %dma_start3A_7, %dma_start3A_8] : memref<2x96x128xf32, #tpu.memory_space<vmem>> -> memref<1x96x128xf32, #tpu.memory_space<vmem>>
    %dma_start3A_10 = tpu.memref_squeeze %dma_start3A_9 : memref<1x96x128xf32, #tpu.memory_space<vmem>> -> memref<96x128xf32, #tpu.memory_space<vmem>>
    %dma_start3A_11 = arith.constant 0 : i32
    %dma_start3A_12 = tpu.memref_slice %arg2[%mul3A_6, %dma_start3A_11] : memref<98304x128xf32, #tpu.memory_space<hbm>> -> memref<96x128xf32, #tpu.memory_space<hbm>>
    %dma_start3A_13 = arith.constant 0 : i32
    %dma_start3A_14 = arith.constant 0 : i32
    %dma_start3A_15 = tpu.memref_slice %arg8[%dma_start3A, %dma_start3A_13, %dma_start3A_14] : memref<2x96x128xf32, #tpu.memory_space<vmem>> -> memref<1x96x128xf32, #tpu.memory_space<vmem>>
    %dma_start3A_16 = tpu.memref_squeeze %dma_start3A_15 : memref<1x96x128xf32, #tpu.memory_space<vmem>> -> memref<96x128xf32, #tpu.memory_space<vmem>>
    %dma_start3A_17 = arith.constant 0 : i32
    %dma_start3A_18 = tpu.memref_slice %arg2[%mul3A_6, %dma_start3A_17] : memref<98304x128xf32, #tpu.memory_space<hbm>> -> memref<96x128xf32, #tpu.memory_space<hbm>>
    tpu.enqueue_dma source(%dma_start3A_18 : memref<96x128xf32, #tpu.memory_space<hbm>>) target(%dma_start3A_16 : memref<96x128xf32, #tpu.memory_space<vmem>>) target_semaphore(%arg11 : memref<!tpu.dma_semaphore, #tpu.memory_space<semaphore_mem>>)
    %add3A_19 = arith.constant 1 : i32
    %add3A_20 = arith.addi %mul3A_2, %add3A_19 : i32
    %mul3A_21 = arith.constant 96 : i32
    %mul3A_22 = arith.muli %add3A_20, %mul3A_21 : i32
    %dma_start3A_23 = arith.constant 1 : i32
    %dma_start3A_24 = arith.constant 0 : i32
    %dma_start3A_25 = arith.constant 0 : i32
    %dma_start3A_26 = tpu.memref_slice %arg8[%dma_start3A_23, %dma_start3A_24, %dma_start3A_25] : memref<2x96x128xf32, #tpu.memory_space<vmem>> -> memref<1x96x128xf32, #tpu.memory_space<vmem>>
    %dma_start3A_27 = tpu.memref_squeeze %dma_start3A_26 : memref<1x96x128xf32, #tpu.memory_space<vmem>> -> memref<96x128xf32, #tpu.memory_space<vmem>>
    %dma_start3A_28 = arith.constant 0 : i32
    %dma_start3A_29 = tpu.memref_slice %arg2[%mul3A_22, %dma_start3A_28] : memref<98304x128xf32, #tpu.memory_space<hbm>> -> memref<96x128xf32, #tpu.memory_space<hbm>>
    %dma_start3A_30 = arith.constant 0 : i32
    %dma_start3A_31 = arith.constant 0 : i32
    %dma_start3A_32 = tpu.memref_slice %arg8[%dma_start3A_23, %dma_start3A_30, %dma_start3A_31] : memref<2x96x128xf32, #tpu.memory_space<vmem>> -> memref<1x96x128xf32, #tpu.memory_space<vmem>>
    %dma_start3A_33 = tpu.memref_squeeze %dma_start3A_32 : memref<1x96x128xf32, #tpu.memory_space<vmem>> -> memref<96x128xf32, #tpu.memory_space<vmem>>
    %dma_start3A_34 = arith.constant 0 : i32
    %dma_start3A_35 = tpu.memref_slice %arg2[%mul3A_22, %dma_start3A_34] : memref<98304x128xf32, #tpu.memory_space<hbm>> -> memref<96x128xf32, #tpu.memory_space<hbm>>
    tpu.enqueue_dma source(%dma_start3A_35 : memref<96x128xf32, #tpu.memory_space<hbm>>) target(%dma_start3A_33 : memref<96x128xf32, #tpu.memory_space<vmem>>) target_semaphore(%arg12 : memref<!tpu.dma_semaphore, #tpu.memory_space<semaphore_mem>>)
    %scan3A = arith.constant 0 : i32
    %scan3A_36 = arith.constant 0 : i32
    %scan3A_37 = arith.constant 16 : i32
    %scan3A_38 = arith.addi %scan3A_36, %scan3A_37 : i32
    %scan3A_39 = arith.constant 1 : i32
    scf.for %scan3A_70 = %scan3A_36 to %scan3A_38 step %scan3A_39  : i32 {
      %mul3A_71 = arith.constant 2 : i32
      %mul3A_72 = arith.muli %mul3A_71, %scan3A_70 : i32
      %add3A_73 = arith.constant 0 : i32
      %add3A_74 = arith.addi %mul3A_72, %add3A_73 : i32
      %dma_wait3A_75 = arith.constant 0 : i32
      %dma_wait3A_76 = arith.constant 0 : i32
      %dma_wait3A_77 = arith.constant 0 : i32
      %dma_wait3A_78 = tpu.memref_slice %arg8[%dma_wait3A_75, %dma_wait3A_76, %dma_wait3A_77] : memref<2x96x128xf32, #tpu.memory_space<vmem>> -> memref<1x96x128xf32, #tpu.memory_space<vmem>>
      %dma_wait3A_79 = tpu.memref_squeeze %dma_wait3A_78 : memref<1x96x128xf32, #tpu.memory_space<vmem>> -> memref<96x128xf32, #tpu.memory_space<vmem>>
      %dma_wait3A_80 = arith.constant 0 : i32
      %dma_wait3A_81 = arith.constant 0 : i32
      %dma_wait3A_82 = tpu.memref_slice %arg2[%dma_wait3A_80, %dma_wait3A_81] : memref<98304x128xf32, #tpu.memory_space<hbm>> -> memref<96x128xf32, #tpu.memory_space<hbm>>
      %dma_wait3A_83 = arith.constant 0 : i32
      %dma_wait3A_84 = arith.constant 0 : i32
      %dma_wait3A_85 = tpu.memref_slice %arg8[%dma_wait3A_75, %dma_wait3A_83, %dma_wait3A_84] : memref<2x96x128xf32, #tpu.memory_space<vmem>> -> memref<1x96x128xf32, #tpu.memory_space<vmem>>
      %dma_wait3A_86 = tpu.memref_squeeze %dma_wait3A_85 : memref<1x96x128xf32, #tpu.memory_space<vmem>> -> memref<96x128xf32, #tpu.memory_space<vmem>>
      %dma_wait3A_87 = arith.constant 0 : i32
      %dma_wait3A_88 = arith.constant 0 : i32
      %dma_wait3A_89 = tpu.memref_slice %arg2[%dma_wait3A_87, %dma_wait3A_88] : memref<98304x128xf32, #tpu.memory_space<hbm>> -> memref<96x128xf32, #tpu.memory_space<hbm>>
      tpu.wait_dma2 semaphore(%arg11 : memref<!tpu.dma_semaphore, #tpu.memory_space<semaphore_mem>>) src(%dma_wait3A_89 : memref<96x128xf32, #tpu.memory_space<hbm>>) dst(%dma_wait3A_86 : memref<96x128xf32, #tpu.memory_space<vmem>>)
      %gt3A = arith.constant 0 : i32
      %gt3A_90 = arith.cmpi sgt, %scan3A_70, %gt3A : i32
      %convert_element_type3A = arith.extui %gt3A_90 : i1 to i32
      %cond3A = arith.constant 0 : i32
      %cond3A_91 = arith.cmpi ne, %convert_element_type3A, %cond3A : i32
      scf.if %cond3A_91 {
        %dma_wait3A_934 = arith.constant 0 : i32
        %dma_wait3A_935 = arith.constant 0 : i32
        %dma_wait3A_936 = arith.constant 0 : i32
        %dma_wait3A_937 = tpu.memref_slice %arg9[%dma_wait3A_934, %dma_wait3A_935, %dma_wait3A_936] : memref<2x96x128xf32, #tpu.memory_space<vmem>> -> memref<1x96x128xf32, #tpu.memory_space<vmem>>
        %dma_wait3A_938 = tpu.memref_squeeze %dma_wait3A_937 : memref<1x96x128xf32, #tpu.memory_space<vmem>> -> memref<96x128xf32, #tpu.memory_space<vmem>>
        %dma_wait3A_939 = arith.constant 0 : i32
        %dma_wait3A_940 = arith.constant 0 : i32
        %dma_wait3A_941 = tpu.memref_slice %arg5[%dma_wait3A_939, %dma_wait3A_940] : memref<98304x128xf32, #tpu.memory_space<hbm>> -> memref<96x128xf32, #tpu.memory_space<hbm>>
        %dma_wait3A_942 = arith.constant 0 : i32
        %dma_wait3A_943 = arith.constant 0 : i32
        %dma_wait3A_944 = tpu.memref_slice %arg5[%dma_wait3A_942, %dma_wait3A_943] : memref<98304x128xf32, #tpu.memory_space<hbm>> -> memref<96x128xf32, #tpu.memory_space<hbm>>
        %dma_wait3A_945 = arith.constant 0 : i32
        %dma_wait3A_946 = arith.constant 0 : i32
        %dma_wait3A_947 = tpu.memref_slice %arg9[%dma_wait3A_934, %dma_wait3A_945, %dma_wait3A_946] : memref<2x96x128xf32, #tpu.memory_space<vmem>> -> memref<1x96x128xf32, #tpu.memory_space<vmem>>
        %dma_wait3A_948 = tpu.memref_squeeze %dma_wait3A_947 : memref<1x96x128xf32, #tpu.memory_space<vmem>> -> memref<96x128xf32, #tpu.memory_space<vmem>>
        tpu.wait_dma2 semaphore(%arg13 : memref<!tpu.dma_semaphore, #tpu.memory_space<semaphore_mem>>) src(%dma_wait3A_948 : memref<96x128xf32, #tpu.memory_space<vmem>>) dst(%dma_wait3A_944 : memref<96x128xf32, #tpu.memory_space<hbm>>)
      } else {
      }
      %broadcast_in_dim3A = vector.broadcast %add3A_74 : i32 to vector<16xi32>
      %gather3A = tpu.vector_load_idx %arg6[%broadcast_in_dim3A] : memref<32xi32, #tpu.memory_space<vmem>>[vector<16xi32>], vector<16xi32>,
      %gather3A_92 = tpu.vector_load_idx %arg7[%broadcast_in_dim3A] : memref<32xi32, #tpu.memory_space<vmem>>[vector<16xi32>], vector<16xi32>,
      %add3A_93 = arith.constant -3 : i32
      %add3A_94 = vector.broadcast %add3A_93 : i32 to vector<16xi32>
      %add3A_95 = arith.addi %iota3A, %add3A_94 : vector<16xi32>
      %add3A_96 = arith.addi %add3A_95, %gather3A_92 : vector<16xi32>
      %lt3A = arith.constant 0 : i32
      %lt3A_97 = vector.broadcast %lt3A : i32 to vector<16xi32>
      %lt3A_98 = arith.cmpi slt, %add3A_96, %lt3A_97 : vector<16xi32>
      %neg3A = arith.constant 0 : i32
      %neg3A_99 = vector.broadcast %neg3A : i32 to vector<16xi32>
      %neg3A_100 = arith.subi %neg3A_99, %add3A_96 : vector<16xi32>
      %select_n3A = arith.select %lt3A_98, %neg3A_100, %add3A_96 : vector<16xi1>, vector<16xi32>
      %gt3A_101 = arith.constant 63 : i32
      %gt3A_102 = vector.broadcast %gt3A_101 : i32 to vector<16xi32>
      %gt3A_103 = arith.cmpi sgt, %select_n3A, %gt3A_102 : vector<16xi32>
      %sub3A = arith.constant 126 : i32
      %sub3A_104 = vector.broadcast %sub3A : i32 to vector<16xi32>
      %sub3A_105 = arith.subi %sub3A_104, %select_n3A : vector<16xi32>
      %select_n3A_106 = arith.select %gt3A_103, %sub3A_105, %select_n3A : vector<16xi1>, vector<16xi32>
      %add3A_107 = arith.constant 13 : i32
      %add3A_108 = vector.broadcast %add3A_107 : i32 to vector<16xi32>
      %add3A_109 = arith.addi %iota3A, %add3A_108 : vector<16xi32>
      %add3A_110 = arith.addi %add3A_109, %gather3A_92 : vector<16xi32>
      %lt3A_111 = arith.constant 0 : i32
      %lt3A_112 = vector.broadcast %lt3A_111 : i32 to vector<16xi32>
      %lt3A_113 = arith.cmpi slt, %add3A_110, %lt3A_112 : vector<16xi32>
      %neg3A_114 = arith.constant 0 : i32
      %neg3A_115 = vector.broadcast %neg3A_114 : i32 to vector<16xi32>
      %neg3A_116 = arith.subi %neg3A_115, %add3A_110 : vector<16xi32>
      %select_n3A_117 = arith.select %lt3A_113, %neg3A_116, %add3A_110 : vector<16xi1>, vector<16xi32>
      %gt3A_118 = arith.constant 63 : i32
      %gt3A_119 = vector.broadcast %gt3A_118 : i32 to vector<16xi32>
      %gt3A_120 = arith.cmpi sgt, %select_n3A_117, %gt3A_119 : vector<16xi32>
      %sub3A_121 = arith.constant 126 : i32
      %sub3A_122 = vector.broadcast %sub3A_121 : i32 to vector<16xi32>
      %sub3A_123 = arith.subi %sub3A_122, %select_n3A_117 : vector<16xi32>
      %select_n3A_124 = arith.select %gt3A_120, %sub3A_123, %select_n3A_117 : vector<16xi1>, vector<16xi32>
      %add3A_125 = arith.constant 29 : i32
      %add3A_126 = vector.broadcast %add3A_125 : i32 to vector<16xi32>
      %add3A_127 = arith.addi %iota3A, %add3A_126 : vector<16xi32>
      %add3A_128 = arith.addi %add3A_127, %gather3A_92 : vector<16xi32>
      %lt3A_129 = arith.constant 0 : i32
      %lt3A_130 = vector.broadcast %lt3A_129 : i32 to vector<16xi32>
      %lt3A_131 = arith.cmpi slt, %add3A_128, %lt3A_130 : vector<16xi32>
      %neg3A_132 = arith.constant 0 : i32
      %neg3A_133 = vector.broadcast %neg3A_132 : i32 to vector<16xi32>
      %neg3A_134 = arith.subi %neg3A_133, %add3A_128 : vector<16xi32>
      %select_n3A_135 = arith.select %lt3A_131, %neg3A_134, %add3A_128 : vector<16xi1>, vector<16xi32>
      %gt3A_136 = arith.constant 63 : i32
      %gt3A_137 = vector.broadcast %gt3A_136 : i32 to vector<16xi32>
      %gt3A_138 = arith.cmpi sgt, %select_n3A_135, %gt3A_137 : vector<16xi32>
      %sub3A_139 = arith.constant 126 : i32
      %sub3A_140 = vector.broadcast %sub3A_139 : i32 to vector<16xi32>
      %sub3A_141 = arith.subi %sub3A_140, %select_n3A_135 : vector<16xi32>
      %select_n3A_142 = arith.select %gt3A_138, %sub3A_141, %select_n3A_135 : vector<16xi1>, vector<16xi32>
      %add3A_143 = arith.constant 45 : i32
      %add3A_144 = vector.broadcast %add3A_143 : i32 to vector<16xi32>
      %add3A_145 = arith.addi %iota3A, %add3A_144 : vector<16xi32>
      %add3A_146 = arith.addi %add3A_145, %gather3A_92 : vector<16xi32>
      %lt3A_147 = arith.constant 0 : i32
      %lt3A_148 = vector.broadcast %lt3A_147 : i32 to vector<16xi32>
      %lt3A_149 = arith.cmpi slt, %add3A_146, %lt3A_148 : vector<16xi32>
      %neg3A_150 = arith.constant 0 : i32
      %neg3A_151 = vector.broadcast %neg3A_150 : i32 to vector<16xi32>
      %neg3A_152 = arith.subi %neg3A_151, %add3A_146 : vector<16xi32>
      %select_n3A_153 = arith.select %lt3A_149, %neg3A_152, %add3A_146 : vector<16xi1>, vector<16xi32>
      %gt3A_154 = arith.constant 63 : i32
      %gt3A_155 = vector.broadcast %gt3A_154 : i32 to vector<16xi32>
      %gt3A_156 = arith.cmpi sgt, %select_n3A_153, %gt3A_155 : vector<16xi32>
      %sub3A_157 = arith.constant 126 : i32
      %sub3A_158 = vector.broadcast %sub3A_157 : i32 to vector<16xi32>
      %sub3A_159 = arith.subi %sub3A_158, %select_n3A_153 : vector<16xi32>
      %select_n3A_160 = arith.select %gt3A_156, %sub3A_159, %select_n3A_153 : vector<16xi1>, vector<16xi32>
      %add3A_161 = arith.constant -3 : i32
      %add3A_162 = vector.broadcast %add3A_161 : i32 to vector<16xi32>
      %add3A_163 = arith.addi %iota3A, %add3A_162 : vector<16xi32>
      %add3A_164 = arith.addi %add3A_163, %gather3A : vector<16xi32>
      %lt3A_165 = arith.constant 0 : i32
      %lt3A_166 = vector.broadcast %lt3A_165 : i32 to vector<16xi32>
      %lt3A_167 = arith.cmpi slt, %add3A_164, %lt3A_166 : vector<16xi32>
      %neg3A_168 = arith.constant 0 : i32
      %neg3A_169 = vector.broadcast %neg3A_168 : i32 to vector<16xi32>
      %neg3A_170 = arith.subi %neg3A_169, %add3A_164 : vector<16xi32>
      %select_n3A_171 = arith.select %lt3A_167, %neg3A_170, %add3A_164 : vector<16xi1>, vector<16xi32>
      %gt3A_172 = arith.constant 63 : i32
      %gt3A_173 = vector.broadcast %gt3A_172 : i32 to vector<16xi32>
      %gt3A_174 = arith.cmpi sgt, %select_n3A_171, %gt3A_173 : vector<16xi32>
      %sub3A_175 = arith.constant 126 : i32
      %sub3A_176 = vector.broadcast %sub3A_175 : i32 to vector<16xi32>
      %sub3A_177 = arith.subi %sub3A_176, %select_n3A_171 : vector<16xi32>
      %select_n3A_178 = arith.select %gt3A_174, %sub3A_177, %select_n3A_171 : vector<16xi1>, vector<16xi32>
      %add3A_179 = arith.constant 0 : i32
      %add3A_180 = vector.broadcast %add3A_179 : i32 to vector<16xi32>
      %add3A_181 = arith.addi %add3A_180, %select_n3A_178 : vector<16xi32>
      %mul3A_182 = arith.constant 64 : i32
      %mul3A_183 = vector.broadcast %mul3A_182 : i32 to vector<16xi32>
      %mul3A_184 = arith.muli %add3A_181, %mul3A_183 : vector<16xi32>
      %swap3A = arith.constant 0 : index
      %swap3A_185 = tpu.vector_load %arg10[%swap3A] {strides = array<i32>} : memref<192xi32, #tpu.memory_space<vmem>>, vector<16xi32>,
      tpu.vector_store %arg10[%swap3A], %mul3A_184 {strides = array<i32>} : memref<192xi32, #tpu.memory_space<vmem>>, vector<16xi32>,
      %add3A_186 = arith.constant 13 : i32
      %add3A_187 = vector.broadcast %add3A_186 : i32 to vector<16xi32>
      %add3A_188 = arith.addi %iota3A, %add3A_187 : vector<16xi32>
      %add3A_189 = arith.addi %add3A_188, %gather3A : vector<16xi32>
      %lt3A_190 = arith.constant 0 : i32
      %lt3A_191 = vector.broadcast %lt3A_190 : i32 to vector<16xi32>
      %lt3A_192 = arith.cmpi slt, %add3A_189, %lt3A_191 : vector<16xi32>
      %neg3A_193 = arith.constant 0 : i32
      %neg3A_194 = vector.broadcast %neg3A_193 : i32 to vector<16xi32>
      %neg3A_195 = arith.subi %neg3A_194, %add3A_189 : vector<16xi32>
      %select_n3A_196 = arith.select %lt3A_192, %neg3A_195, %add3A_189 : vector<16xi1>, vector<16xi32>
      %gt3A_197 = arith.constant 63 : i32
      %gt3A_198 = vector.broadcast %gt3A_197 : i32 to vector<16xi32>
      %gt3A_199 = arith.cmpi sgt, %select_n3A_196, %gt3A_198 : vector<16xi32>
      %sub3A_200 = arith.constant 126 : i32
      %sub3A_201 = vector.broadcast %sub3A_200 : i32 to vector<16xi32>
      %sub3A_202 = arith.subi %sub3A_201, %select_n3A_196 : vector<16xi32>
      %select_n3A_203 = arith.select %gt3A_199, %sub3A_202, %select_n3A_196 : vector<16xi1>, vector<16xi32>
      %add3A_204 = arith.constant 0 : i32
      %add3A_205 = vector.broadcast %add3A_204 : i32 to vector<16xi32>
      %add3A_206 = arith.addi %add3A_205, %select_n3A_203 : vector<16xi32>
      %mul3A_207 = arith.constant 64 : i32
      %mul3A_208 = vector.broadcast %mul3A_207 : i32 to vector<16xi32>
      %mul3A_209 = arith.muli %add3A_206, %mul3A_208 : vector<16xi32>
      %swap3A_210 = arith.constant 16 : index
      %swap3A_211 = tpu.vector_load %arg10[%swap3A_210] {strides = array<i32>} : memref<192xi32, #tpu.memory_space<vmem>>, vector<16xi32>,
      tpu.vector_store %arg10[%swap3A_210], %mul3A_209 {strides = array<i32>} : memref<192xi32, #tpu.memory_space<vmem>>, vector<16xi32>,
      %add3A_212 = arith.constant 29 : i32
      %add3A_213 = vector.broadcast %add3A_212 : i32 to vector<16xi32>
      %add3A_214 = arith.addi %iota3A, %add3A_213 : vector<16xi32>
      %add3A_215 = arith.addi %add3A_214, %gather3A : vector<16xi32>
      %lt3A_216 = arith.constant 0 : i32
      %lt3A_217 = vector.broadcast %lt3A_216 : i32 to vector<16xi32>
      %lt3A_218 = arith.cmpi slt, %add3A_215, %lt3A_217 : vector<16xi32>
      %neg3A_219 = arith.constant 0 : i32
      %neg3A_220 = vector.broadcast %neg3A_219 : i32 to vector<16xi32>
      %neg3A_221 = arith.subi %neg3A_220, %add3A_215 : vector<16xi32>
      %select_n3A_222 = arith.select %lt3A_218, %neg3A_221, %add3A_215 : vector<16xi1>, vector<16xi32>
      %gt3A_223 = arith.constant 63 : i32
      %gt3A_224 = vector.broadcast %gt3A_223 : i32 to vector<16xi32>
      %gt3A_225 = arith.cmpi sgt, %select_n3A_222, %gt3A_224 : vector<16xi32>
      %sub3A_226 = arith.constant 126 : i32
      %sub3A_227 = vector.broadcast %sub3A_226 : i32 to vector<16xi32>
      %sub3A_228 = arith.subi %sub3A_227, %select_n3A_222 : vector<16xi32>
      %select_n3A_229 = arith.select %gt3A_225, %sub3A_228, %select_n3A_222 : vector<16xi1>, vector<16xi32>
      %add3A_230 = arith.constant 0 : i32
      %add3A_231 = vector.broadcast %add3A_230 : i32 to vector<16xi32>
      %add3A_232 = arith.addi %add3A_231, %select_n3A_229 : vector<16xi32>
      %mul3A_233 = arith.constant 64 : i32
      %mul3A_234 = vector.broadcast %mul3A_233 : i32 to vector<16xi32>
      %mul3A_235 = arith.muli %add3A_232, %mul3A_234 : vector<16xi32>
      %swap3A_236 = arith.constant 32 : index
      %swap3A_237 = tpu.vector_load %arg10[%swap3A_236] {strides = array<i32>} : memref<192xi32, #tpu.memory_space<vmem>>, vector<16xi32>,
      tpu.vector_store %arg10[%swap3A_236], %mul3A_235 {strides = array<i32>} : memref<192xi32, #tpu.memory_space<vmem>>, vector<16xi32>,
      %add3A_238 = arith.constant 45 : i32
      %add3A_239 = vector.broadcast %add3A_238 : i32 to vector<16xi32>
      %add3A_240 = arith.addi %iota3A, %add3A_239 : vector<16xi32>
      %add3A_241 = arith.addi %add3A_240, %gather3A : vector<16xi32>
      %lt3A_242 = arith.constant 0 : i32
      %lt3A_243 = vector.broadcast %lt3A_242 : i32 to vector<16xi32>
      %lt3A_244 = arith.cmpi slt, %add3A_241, %lt3A_243 : vector<16xi32>
      %neg3A_245 = arith.constant 0 : i32
      %neg3A_246 = vector.broadcast %neg3A_245 : i32 to vector<16xi32>
      %neg3A_247 = arith.subi %neg3A_246, %add3A_241 : vector<16xi32>
      %select_n3A_248 = arith.select %lt3A_244, %neg3A_247, %add3A_241 : vector<16xi1>, vector<16xi32>
      %gt3A_249 = arith.constant 63 : i32
      %gt3A_250 = vector.broadcast %gt3A_249 : i32 to vector<16xi32>
      %gt3A_251 = arith.cmpi sgt, %select_n3A_248, %gt3A_250 : vector<16xi32>
      %sub3A_252 = arith.constant 126 : i32
      %sub3A_253 = vector.broadcast %sub3A_252 : i32 to vector<16xi32>
      %sub3A_254 = arith.subi %sub3A_253, %select_n3A_248 : vector<16xi32>
      %select_n3A_255 = arith.select %gt3A_251, %sub3A_254, %select_n3A_248 : vector<16xi1>, vector<16xi32>
      %add3A_256 = arith.constant 0 : i32
      %add3A_257 = vector.broadcast %add3A_256 : i32 to vector<16xi32>
      %add3A_258 = arith.addi %add3A_257, %select_n3A_255 : vector<16xi32>
      %mul3A_259 = arith.constant 64 : i32
      %mul3A_260 = vector.broadcast %mul3A_259 : i32 to vector<16xi32>
      %mul3A_261 = arith.muli %add3A_258, %mul3A_260 : vector<16xi32>
      %swap3A_262 = arith.constant 48 : index
      %swap3A_263 = tpu.vector_load %arg10[%swap3A_262] {strides = array<i32>} : memref<192xi32, #tpu.memory_space<vmem>>, vector<16xi32>,
      tpu.vector_store %arg10[%swap3A_262], %mul3A_261 {strides = array<i32>} : memref<192xi32, #tpu.memory_space<vmem>>, vector<16xi32>,
      %add3A_264 = arith.constant -3 : i32
      %add3A_265 = vector.broadcast %add3A_264 : i32 to vector<16xi32>
      %add3A_266 = arith.addi %iota3A, %add3A_265 : vector<16xi32>
      %add3A_267 = arith.addi %add3A_266, %gather3A : vector<16xi32>
      %lt3A_268 = arith.constant 0 : i32
      %lt3A_269 = vector.broadcast %lt3A_268 : i32 to vector<16xi32>
      %lt3A_270 = arith.cmpi slt, %add3A_267, %lt3A_269 : vector<16xi32>
      %neg3A_271 = arith.constant 0 : i32
      %neg3A_272 = vector.broadcast %neg3A_271 : i32 to vector<16xi32>
      %neg3A_273 = arith.subi %neg3A_272, %add3A_267 : vector<16xi32>
      %select_n3A_274 = arith.select %lt3A_270, %neg3A_273, %add3A_267 : vector<16xi1>, vector<16xi32>
      %gt3A_275 = arith.constant 63 : i32
      %gt3A_276 = vector.broadcast %gt3A_275 : i32 to vector<16xi32>
      %gt3A_277 = arith.cmpi sgt, %select_n3A_274, %gt3A_276 : vector<16xi32>
      %sub3A_278 = arith.constant 126 : i32
      %sub3A_279 = vector.broadcast %sub3A_278 : i32 to vector<16xi32>
      %sub3A_280 = arith.subi %sub3A_279, %select_n3A_274 : vector<16xi32>
      %select_n3A_281 = arith.select %gt3A_277, %sub3A_280, %select_n3A_274 : vector<16xi1>, vector<16xi32>
      %add3A_282 = arith.constant 64 : i32
      %add3A_283 = vector.broadcast %add3A_282 : i32 to vector<16xi32>
      %add3A_284 = arith.addi %add3A_283, %select_n3A_281 : vector<16xi32>
      %mul3A_285 = arith.constant 64 : i32
      %mul3A_286 = vector.broadcast %mul3A_285 : i32 to vector<16xi32>
      %mul3A_287 = arith.muli %add3A_284, %mul3A_286 : vector<16xi32>
      %swap3A_288 = arith.constant 64 : index
      %swap3A_289 = tpu.vector_load %arg10[%swap3A_288] {strides = array<i32>} : memref<192xi32, #tpu.memory_space<vmem>>, vector<16xi32>,
      tpu.vector_store %arg10[%swap3A_288], %mul3A_287 {strides = array<i32>} : memref<192xi32, #tpu.memory_space<vmem>>, vector<16xi32>,
      %add3A_290 = arith.constant 13 : i32
      %add3A_291 = vector.broadcast %add3A_290 : i32 to vector<16xi32>
      %add3A_292 = arith.addi %iota3A, %add3A_291 : vector<16xi32>
      %add3A_293 = arith.addi %add3A_292, %gather3A : vector<16xi32>
      %lt3A_294 = arith.constant 0 : i32
      %lt3A_295 = vector.broadcast %lt3A_294 : i32 to vector<16xi32>
      %lt3A_296 = arith.cmpi slt, %add3A_293, %lt3A_295 : vector<16xi32>
      %neg3A_297 = arith.constant 0 : i32
      %neg3A_298 = vector.broadcast %neg3A_297 : i32 to vector<16xi32>
      %neg3A_299 = arith.subi %neg3A_298, %add3A_293 : vector<16xi32>
      %select_n3A_300 = arith.select %lt3A_296, %neg3A_299, %add3A_293 : vector<16xi1>, vector<16xi32>
      %gt3A_301 = arith.constant 63 : i32
      %gt3A_302 = vector.broadcast %gt3A_301 : i32 to vector<16xi32>
      %gt3A_303 = arith.cmpi sgt, %select_n3A_300, %gt3A_302 : vector<16xi32>
      %sub3A_304 = arith.constant 126 : i32
      %sub3A_305 = vector.broadcast %sub3A_304 : i32 to vector<16xi32>
      %sub3A_306 = arith.subi %sub3A_305, %select_n3A_300 : vector<16xi32>
      %select_n3A_307 = arith.select %gt3A_303, %sub3A_306, %select_n3A_300 : vector<16xi1>, vector<16xi32>
      %add3A_308 = arith.constant 64 : i32
      %add3A_309 = vector.broadcast %add3A_308 : i32 to vector<16xi32>
      %add3A_310 = arith.addi %add3A_309, %select_n3A_307 : vector<16xi32>
      %mul3A_311 = arith.constant 64 : i32
      %mul3A_312 = vector.broadcast %mul3A_311 : i32 to vector<16xi32>
      %mul3A_313 = arith.muli %add3A_310, %mul3A_312 : vector<16xi32>
      %swap3A_314 = arith.constant 80 : index
      %swap3A_315 = tpu.vector_load %arg10[%swap3A_314] {strides = array<i32>} : memref<192xi32, #tpu.memory_space<vmem>>, vector<16xi32>,
      tpu.vector_store %arg10[%swap3A_314], %mul3A_313 {strides = array<i32>} : memref<192xi32, #tpu.memory_space<vmem>>, vector<16xi32>,
      %add3A_316 = arith.constant 29 : i32
      %add3A_317 = vector.broadcast %add3A_316 : i32 to vector<16xi32>
      %add3A_318 = arith.addi %iota3A, %add3A_317 : vector<16xi32>
      %add3A_319 = arith.addi %add3A_318, %gather3A : vector<16xi32>
      %lt3A_320 = arith.constant 0 : i32
      %lt3A_321 = vector.broadcast %lt3A_320 : i32 to vector<16xi32>
      %lt3A_322 = arith.cmpi slt, %add3A_319, %lt3A_321 : vector<16xi32>
      %neg3A_323 = arith.constant 0 : i32
      %neg3A_324 = vector.broadcast %neg3A_323 : i32 to vector<16xi32>
      %neg3A_325 = arith.subi %neg3A_324, %add3A_319 : vector<16xi32>
      %select_n3A_326 = arith.select %lt3A_322, %neg3A_325, %add3A_319 : vector<16xi1>, vector<16xi32>
      %gt3A_327 = arith.constant 63 : i32
      %gt3A_328 = vector.broadcast %gt3A_327 : i32 to vector<16xi32>
      %gt3A_329 = arith.cmpi sgt, %select_n3A_326, %gt3A_328 : vector<16xi32>
      %sub3A_330 = arith.constant 126 : i32
      %sub3A_331 = vector.broadcast %sub3A_330 : i32 to vector<16xi32>
      %sub3A_332 = arith.subi %sub3A_331, %select_n3A_326 : vector<16xi32>
      %select_n3A_333 = arith.select %gt3A_329, %sub3A_332, %select_n3A_326 : vector<16xi1>, vector<16xi32>
      %add3A_334 = arith.constant 64 : i32
      %add3A_335 = vector.broadcast %add3A_334 : i32 to vector<16xi32>
      %add3A_336 = arith.addi %add3A_335, %select_n3A_333 : vector<16xi32>
      %mul3A_337 = arith.constant 64 : i32
      %mul3A_338 = vector.broadcast %mul3A_337 : i32 to vector<16xi32>
      %mul3A_339 = arith.muli %add3A_336, %mul3A_338 : vector<16xi32>
      %swap3A_340 = arith.constant 96 : index
      %swap3A_341 = tpu.vector_load %arg10[%swap3A_340] {strides = array<i32>} : memref<192xi32, #tpu.memory_space<vmem>>, vector<16xi32>,
      tpu.vector_store %arg10[%swap3A_340], %mul3A_339 {strides = array<i32>} : memref<192xi32, #tpu.memory_space<vmem>>, vector<16xi32>,
      %add3A_342 = arith.constant 45 : i32
      %add3A_343 = vector.broadcast %add3A_342 : i32 to vector<16xi32>
      %add3A_344 = arith.addi %iota3A, %add3A_343 : vector<16xi32>
      %add3A_345 = arith.addi %add3A_344, %gather3A : vector<16xi32>
      %lt3A_346 = arith.constant 0 : i32
      %lt3A_347 = vector.broadcast %lt3A_346 : i32 to vector<16xi32>
      %lt3A_348 = arith.cmpi slt, %add3A_345, %lt3A_347 : vector<16xi32>
      %neg3A_349 = arith.constant 0 : i32
      %neg3A_350 = vector.broadcast %neg3A_349 : i32 to vector<16xi32>
      %neg3A_351 = arith.subi %neg3A_350, %add3A_345 : vector<16xi32>
      %select_n3A_352 = arith.select %lt3A_348, %neg3A_351, %add3A_345 : vector<16xi1>, vector<16xi32>
      %gt3A_353 = arith.constant 63 : i32
      %gt3A_354 = vector.broadcast %gt3A_353 : i32 to vector<16xi32>
      %gt3A_355 = arith.cmpi sgt, %select_n3A_352, %gt3A_354 : vector<16xi32>
      %sub3A_356 = arith.constant 126 : i32
      %sub3A_357 = vector.broadcast %sub3A_356 : i32 to vector<16xi32>
      %sub3A_358 = arith.subi %sub3A_357, %select_n3A_352 : vector<16xi32>
      %select_n3A_359 = arith.select %gt3A_355, %sub3A_358, %select_n3A_352 : vector<16xi1>, vector<16xi32>
      %add3A_360 = arith.constant 64 : i32
      %add3A_361 = vector.broadcast %add3A_360 : i32 to vector<16xi32>
      %add3A_362 = arith.addi %add3A_361, %select_n3A_359 : vector<16xi32>
      %mul3A_363 = arith.constant 64 : i32
      %mul3A_364 = vector.broadcast %mul3A_363 : i32 to vector<16xi32>
      %mul3A_365 = arith.muli %add3A_362, %mul3A_364 : vector<16xi32>
      %swap3A_366 = arith.constant 112 : index
      %swap3A_367 = tpu.vector_load %arg10[%swap3A_366] {strides = array<i32>} : memref<192xi32, #tpu.memory_space<vmem>>, vector<16xi32>,
      tpu.vector_store %arg10[%swap3A_366], %mul3A_365 {strides = array<i32>} : memref<192xi32, #tpu.memory_space<vmem>>, vector<16xi32>,
      %add3A_368 = arith.constant -3 : i32
      %add3A_369 = vector.broadcast %add3A_368 : i32 to vector<16xi32>
      %add3A_370 = arith.addi %iota3A, %add3A_369 : vector<16xi32>
      %add3A_371 = arith.addi %add3A_370, %gather3A : vector<16xi32>
      %lt3A_372 = arith.constant 0 : i32
      %lt3A_373 = vector.broadcast %lt3A_372 : i32 to vector<16xi32>
      %lt3A_374 = arith.cmpi slt, %add3A_371, %lt3A_373 : vector<16xi32>
      %neg3A_375 = arith.constant 0 : i32
      %neg3A_376 = vector.broadcast %neg3A_375 : i32 to vector<16xi32>
      %neg3A_377 = arith.subi %neg3A_376, %add3A_371 : vector<16xi32>
      %select_n3A_378 = arith.select %lt3A_374, %neg3A_377, %add3A_371 : vector<16xi1>, vector<16xi32>
      %gt3A_379 = arith.constant 63 : i32
      %gt3A_380 = vector.broadcast %gt3A_379 : i32 to vector<16xi32>
      %gt3A_381 = arith.cmpi sgt, %select_n3A_378, %gt3A_380 : vector<16xi32>
      %sub3A_382 = arith.constant 126 : i32
      %sub3A_383 = vector.broadcast %sub3A_382 : i32 to vector<16xi32>
      %sub3A_384 = arith.subi %sub3A_383, %select_n3A_378 : vector<16xi32>
      %select_n3A_385 = arith.select %gt3A_381, %sub3A_384, %select_n3A_378 : vector<16xi1>, vector<16xi32>
      %add3A_386 = arith.constant 128 : i32
      %add3A_387 = vector.broadcast %add3A_386 : i32 to vector<16xi32>
      %add3A_388 = arith.addi %add3A_387, %select_n3A_385 : vector<16xi32>
      %mul3A_389 = arith.constant 64 : i32
      %mul3A_390 = vector.broadcast %mul3A_389 : i32 to vector<16xi32>
      %mul3A_391 = arith.muli %add3A_388, %mul3A_390 : vector<16xi32>
      %swap3A_392 = arith.constant 128 : index
      %swap3A_393 = tpu.vector_load %arg10[%swap3A_392] {strides = array<i32>} : memref<192xi32, #tpu.memory_space<vmem>>, vector<16xi32>,
      tpu.vector_store %arg10[%swap3A_392], %mul3A_391 {strides = array<i32>} : memref<192xi32, #tpu.memory_space<vmem>>, vector<16xi32>,
      %add3A_394 = arith.constant 13 : i32
      %add3A_395 = vector.broadcast %add3A_394 : i32 to vector<16xi32>
      %add3A_396 = arith.addi %iota3A, %add3A_395 : vector<16xi32>
      %add3A_397 = arith.addi %add3A_396, %gather3A : vector<16xi32>
      %lt3A_398 = arith.constant 0 : i32
      %lt3A_399 = vector.broadcast %lt3A_398 : i32 to vector<16xi32>
      %lt3A_400 = arith.cmpi slt, %add3A_397, %lt3A_399 : vector<16xi32>
      %neg3A_401 = arith.constant 0 : i32
      %neg3A_402 = vector.broadcast %neg3A_401 : i32 to vector<16xi32>
      %neg3A_403 = arith.subi %neg3A_402, %add3A_397 : vector<16xi32>
      %select_n3A_404 = arith.select %lt3A_400, %neg3A_403, %add3A_397 : vector<16xi1>, vector<16xi32>
      %gt3A_405 = arith.constant 63 : i32
      %gt3A_406 = vector.broadcast %gt3A_405 : i32 to vector<16xi32>
      %gt3A_407 = arith.cmpi sgt, %select_n3A_404, %gt3A_406 : vector<16xi32>
      %sub3A_408 = arith.constant 126 : i32
      %sub3A_409 = vector.broadcast %sub3A_408 : i32 to vector<16xi32>
      %sub3A_410 = arith.subi %sub3A_409, %select_n3A_404 : vector<16xi32>
      %select_n3A_411 = arith.select %gt3A_407, %sub3A_410, %select_n3A_404 : vector<16xi1>, vector<16xi32>
      %add3A_412 = arith.constant 128 : i32
      %add3A_413 = vector.broadcast %add3A_412 : i32 to vector<16xi32>
      %add3A_414 = arith.addi %add3A_413, %select_n3A_411 : vector<16xi32>
      %mul3A_415 = arith.constant 64 : i32
      %mul3A_416 = vector.broadcast %mul3A_415 : i32 to vector<16xi32>
      %mul3A_417 = arith.muli %add3A_414, %mul3A_416 : vector<16xi32>
      %swap3A_418 = arith.constant 144 : index
      %swap3A_419 = tpu.vector_load %arg10[%swap3A_418] {strides = array<i32>} : memref<192xi32, #tpu.memory_space<vmem>>, vector<16xi32>,
      tpu.vector_store %arg10[%swap3A_418], %mul3A_417 {strides = array<i32>} : memref<192xi32, #tpu.memory_space<vmem>>, vector<16xi32>,
      %add3A_420 = arith.constant 29 : i32
      %add3A_421 = vector.broadcast %add3A_420 : i32 to vector<16xi32>
      %add3A_422 = arith.addi %iota3A, %add3A_421 : vector<16xi32>
      %add3A_423 = arith.addi %add3A_422, %gather3A : vector<16xi32>
      %lt3A_424 = arith.constant 0 : i32
      %lt3A_425 = vector.broadcast %lt3A_424 : i32 to vector<16xi32>
      %lt3A_426 = arith.cmpi slt, %add3A_423, %lt3A_425 : vector<16xi32>
      %neg3A_427 = arith.constant 0 : i32
      %neg3A_428 = vector.broadcast %neg3A_427 : i32 to vector<16xi32>
      %neg3A_429 = arith.subi %neg3A_428, %add3A_423 : vector<16xi32>
      %select_n3A_430 = arith.select %lt3A_426, %neg3A_429, %add3A_423 : vector<16xi1>, vector<16xi32>
      %gt3A_431 = arith.constant 63 : i32
      %gt3A_432 = vector.broadcast %gt3A_431 : i32 to vector<16xi32>
      %gt3A_433 = arith.cmpi sgt, %select_n3A_430, %gt3A_432 : vector<16xi32>
      %sub3A_434 = arith.constant 126 : i32
      %sub3A_435 = vector.broadcast %sub3A_434 : i32 to vector<16xi32>
      %sub3A_436 = arith.subi %sub3A_435, %select_n3A_430 : vector<16xi32>
      %select_n3A_437 = arith.select %gt3A_433, %sub3A_436, %select_n3A_430 : vector<16xi1>, vector<16xi32>
      %add3A_438 = arith.constant 128 : i32
      %add3A_439 = vector.broadcast %add3A_438 : i32 to vector<16xi32>
      %add3A_440 = arith.addi %add3A_439, %select_n3A_437 : vector<16xi32>
      %mul3A_441 = arith.constant 64 : i32
      %mul3A_442 = vector.broadcast %mul3A_441 : i32 to vector<16xi32>
      %mul3A_443 = arith.muli %add3A_440, %mul3A_442 : vector<16xi32>
      %swap3A_444 = arith.constant 160 : index
      %swap3A_445 = tpu.vector_load %arg10[%swap3A_444] {strides = array<i32>} : memref<192xi32, #tpu.memory_space<vmem>>, vector<16xi32>,
      tpu.vector_store %arg10[%swap3A_444], %mul3A_443 {strides = array<i32>} : memref<192xi32, #tpu.memory_space<vmem>>, vector<16xi32>,
      %add3A_446 = arith.constant 45 : i32
      %add3A_447 = vector.broadcast %add3A_446 : i32 to vector<16xi32>
      %add3A_448 = arith.addi %iota3A, %add3A_447 : vector<16xi32>
      %add3A_449 = arith.addi %add3A_448, %gather3A : vector<16xi32>
      %lt3A_450 = arith.constant 0 : i32
      %lt3A_451 = vector.broadcast %lt3A_450 : i32 to vector<16xi32>
      %lt3A_452 = arith.cmpi slt, %add3A_449, %lt3A_451 : vector<16xi32>
      %neg3A_453 = arith.constant 0 : i32
      %neg3A_454 = vector.broadcast %neg3A_453 : i32 to vector<16xi32>
      %neg3A_455 = arith.subi %neg3A_454, %add3A_449 : vector<16xi32>
      %select_n3A_456 = arith.select %lt3A_452, %neg3A_455, %add3A_449 : vector<16xi1>, vector<16xi32>
      %gt3A_457 = arith.constant 63 : i32
      %gt3A_458 = vector.broadcast %gt3A_457 : i32 to vector<16xi32>
      %gt3A_459 = arith.cmpi sgt, %select_n3A_456, %gt3A_458 : vector<16xi32>
      %sub3A_460 = arith.constant 126 : i32
      %sub3A_461 = vector.broadcast %sub3A_460 : i32 to vector<16xi32>
      %sub3A_462 = arith.subi %sub3A_461, %select_n3A_456 : vector<16xi32>
      %select_n3A_463 = arith.select %gt3A_459, %sub3A_462, %select_n3A_456 : vector<16xi1>, vector<16xi32>
      %add3A_464 = arith.constant 128 : i32
      %add3A_465 = vector.broadcast %add3A_464 : i32 to vector<16xi32>
      %add3A_466 = arith.addi %add3A_465, %select_n3A_463 : vector<16xi32>
      %mul3A_467 = arith.constant 64 : i32
      %mul3A_468 = vector.broadcast %mul3A_467 : i32 to vector<16xi32>
      %mul3A_469 = arith.muli %add3A_466, %mul3A_468 : vector<16xi32>
      %swap3A_470 = arith.constant 176 : index
      %swap3A_471 = tpu.vector_load %arg10[%swap3A_470] {strides = array<i32>} : memref<192xi32, #tpu.memory_space<vmem>>, vector<16xi32>,
      tpu.vector_store %arg10[%swap3A_470], %mul3A_469 {strides = array<i32>} : memref<192xi32, #tpu.memory_space<vmem>>, vector<16xi32>,
      %parallel_loop3A = arith.constant 0 : i32
      %parallel_loop3A_472 = arith.constant 192 : i32
      %parallel_loop3A_473 = arith.constant 1 : i32
      %parallel_loop3A_474 = arith.constant 0 : i32
      %parallel_loop3A_475 = arith.constant 0 : i32
      scf.for %parallel_loop3A_934 = %parallel_loop3A to %parallel_loop3A_472 step %parallel_loop3A_473  : i32 {
        %parallel_loop3A_935 = vector.broadcast %parallel_loop3A_934 : i32 to vector<16xi32>
        %parallel_loop3A_936 = tpu.vector_load_idx %arg10[%parallel_loop3A_935] : memref<192xi32, #tpu.memory_space<vmem>>[vector<16xi32>], vector<16xi32>,
        %parallel_loop3A_937 = arith.addi %parallel_loop3A_936, %select_n3A_106 : vector<16xi32>
        %parallel_loop3A_938 = arith.constant 7 : i32
        %parallel_loop3A_939 = vector.broadcast %parallel_loop3A_938 : i32 to vector<16xi32>
        %parallel_loop3A_940 = arith.shrui %parallel_loop3A_937, %parallel_loop3A_939 : vector<16xi32>
        %parallel_loop3A_941 = arith.constant 127 : i32
        %parallel_loop3A_942 = vector.broadcast %parallel_loop3A_941 : i32 to vector<16xi32>
        %parallel_loop3A_943 = arith.andi %parallel_loop3A_937, %parallel_loop3A_942 : vector<16xi32>
        %parallel_loop3A_944 = arith.constant 0 : i32
        %parallel_loop3A_945 = arith.constant 0 : i32
        %parallel_loop3A_946 = tpu.memref_slice %arg8[%parallel_loop3A_474, %parallel_loop3A_944, %parallel_loop3A_945] : memref<2x96x128xf32, #tpu.memory_space<vmem>> -> memref<1x96x128xf32, #tpu.memory_space<vmem>>
        %parallel_loop3A_947 = tpu.memref_squeeze %parallel_loop3A_946 : memref<1x96x128xf32, #tpu.memory_space<vmem>> -> memref<96x128xf32, #tpu.memory_space<vmem>>
        %parallel_loop3A_948 = tpu.vector_load_idx %parallel_loop3A_947[%parallel_loop3A_940, %parallel_loop3A_943] : memref<96x128xf32, #tpu.memory_space<vmem>>[vector<16xi32>, vector<16xi32>], vector<16xf32>,
        %parallel_loop3A_949 = arith.constant 2.550000e+02 : f32
        %parallel_loop3A_950 = vector.broadcast %parallel_loop3A_949 : f32 to vector<16xf32>
        %parallel_loop3A_951 = arith.minimumf %parallel_loop3A_948, %parallel_loop3A_950 : vector<16xf32>
        %parallel_loop3A_952 = arith.constant 0.000000e+00 : f32
        %parallel_loop3A_953 = vector.broadcast %parallel_loop3A_952 : f32 to vector<16xf32>
        %parallel_loop3A_954 = arith.maximumf %parallel_loop3A_951, %parallel_loop3A_953 : vector<16xf32>
        %parallel_loop3A_955 = arith.constant 0x4B400000 : f32
        %parallel_loop3A_956 = vector.broadcast %parallel_loop3A_955 : f32 to vector<16xf32>
        %parallel_loop3A_957 = arith.addf %parallel_loop3A_954, %parallel_loop3A_956 : vector<16xf32>
        %parallel_loop3A_958 = arith.constant 0x4B400000 : f32
        %parallel_loop3A_959 = vector.broadcast %parallel_loop3A_958 : f32 to vector<16xf32>
        %parallel_loop3A_960 = arith.subf %parallel_loop3A_957, %parallel_loop3A_959 : vector<16xf32>
        %parallel_loop3A_961 = arith.constant 2 : i32
        %parallel_loop3A_962 = arith.divsi %parallel_loop3A_934, %parallel_loop3A_961 : i32
        %parallel_loop3A_963 = arith.constant 0 : i32
        %parallel_loop3A_964 = arith.cmpi sgt, %parallel_loop3A_934, %parallel_loop3A_963 : i32
        %parallel_loop3A_965 = arith.extui %parallel_loop3A_964 : i1 to i32
        %parallel_loop3A_966 = arith.constant 0 : i32
        %parallel_loop3A_967 = arith.cmpi slt, %parallel_loop3A_934, %parallel_loop3A_966 : i32
        %parallel_loop3A_968 = arith.extui %parallel_loop3A_967 : i1 to i32
        %parallel_loop3A_969 = arith.subi %parallel_loop3A_965, %parallel_loop3A_968 : i32
        %parallel_loop3A_970 = arith.constant 0 : i32
        %parallel_loop3A_971 = arith.cmpi sgt, %parallel_loop3A_961, %parallel_loop3A_970 : i32
        %parallel_loop3A_972 = arith.extui %parallel_loop3A_971 : i1 to i32
        %parallel_loop3A_973 = arith.constant 0 : i32
        %parallel_loop3A_974 = arith.cmpi slt, %parallel_loop3A_961, %parallel_loop3A_973 : i32
        %parallel_loop3A_975 = arith.extui %parallel_loop3A_974 : i1 to i32
        %parallel_loop3A_976 = arith.subi %parallel_loop3A_972, %parallel_loop3A_975 : i32
        %parallel_loop3A_977 = arith.cmpi ne, %parallel_loop3A_969, %parallel_loop3A_976 : i32
        %parallel_loop3A_978 = arith.remsi %parallel_loop3A_934, %parallel_loop3A_961 : i32
        %parallel_loop3A_979 = arith.constant 0 : i32
        %parallel_loop3A_980 = arith.cmpi ne, %parallel_loop3A_978, %parallel_loop3A_979 : i32
        %parallel_loop3A_981 = arith.andi %parallel_loop3A_977, %parallel_loop3A_980 : i1
        %parallel_loop3A_982 = arith.constant 1 : i32
        %parallel_loop3A_983 = arith.subi %parallel_loop3A_962, %parallel_loop3A_982 : i32
        %parallel_loop3A_984 = arith.select %parallel_loop3A_981, %parallel_loop3A_983, %parallel_loop3A_962 : i32
        %parallel_loop3A_985 = arith.constant 2 : i32
        %parallel_loop3A_986 = arith.constant 0 : i32
        %parallel_loop3A_987 = arith.cmpi eq, %parallel_loop3A_985, %parallel_loop3A_986 : i32
        %parallel_loop3A_988 = arith.constant 1 : i32
        %parallel_loop3A_989 = arith.select %parallel_loop3A_987, %parallel_loop3A_988, %parallel_loop3A_985 : i32
        %parallel_loop3A_990 = arith.remsi %parallel_loop3A_934, %parallel_loop3A_989 : i32
        %parallel_loop3A_991 = arith.constant 0 : i32
        %parallel_loop3A_992 = arith.cmpi ne, %parallel_loop3A_990, %parallel_loop3A_991 : i32
        %parallel_loop3A_993 = arith.constant 0 : i32
        %parallel_loop3A_994 = arith.cmpi slt, %parallel_loop3A_990, %parallel_loop3A_993 : i32
        %parallel_loop3A_995 = arith.constant 0 : i32
        %parallel_loop3A_996 = arith.cmpi slt, %parallel_loop3A_989, %parallel_loop3A_995 : i32
        %parallel_loop3A_997 = arith.xori %parallel_loop3A_994, %parallel_loop3A_996 : i1
        %parallel_loop3A_998 = arith.andi %parallel_loop3A_997, %parallel_loop3A_992 : i1
        %parallel_loop3A_999 = arith.addi %parallel_loop3A_990, %parallel_loop3A_989 : i32
        %parallel_loop3A_1000 = arith.select %parallel_loop3A_998, %parallel_loop3A_999, %parallel_loop3A_990 : i32
        %parallel_loop3A_1001 = arith.constant 64 : i32
        %parallel_loop3A_1002 = arith.muli %parallel_loop3A_1000, %parallel_loop3A_1001 : i32
        %parallel_loop3A_1003 = arith.constant 0 : i32
        %parallel_loop3A_1004 = arith.addi %parallel_loop3A_1002, %parallel_loop3A_1003 : i32
        %parallel_loop3A_1005 = arith.constant 0 : i32
        %parallel_loop3A_1006 = arith.constant 0 : i32
        %parallel_loop3A_1007 = tpu.memref_slice %arg9[%parallel_loop3A_475, %parallel_loop3A_1005, %parallel_loop3A_1006] : memref<2x96x128xf32, #tpu.memory_space<vmem>> -> memref<1x96x128xf32, #tpu.memory_space<vmem>>
        %parallel_loop3A_1008 = tpu.memref_squeeze %parallel_loop3A_1007 : memref<1x96x128xf32, #tpu.memory_space<vmem>> -> memref<96x128xf32, #tpu.memory_space<vmem>>
        %parallel_loop3A_1009 = arith.index_cast %parallel_loop3A_984 : i32 to index
        %parallel_loop3A_1010 = arith.index_cast %parallel_loop3A_1004 : i32 to index
        %parallel_loop3A_1011 = tpu.vector_load %parallel_loop3A_1008[%parallel_loop3A_1009, %parallel_loop3A_1010] {strides = array<i32>} : memref<96x128xf32, #tpu.memory_space<vmem>>, vector<16xf32>,
        tpu.vector_store %parallel_loop3A_1008[%parallel_loop3A_1009, %parallel_loop3A_1010], %parallel_loop3A_960 {strides = array<i32>} : memref<96x128xf32, #tpu.memory_space<vmem>>, vector<16xf32>,
        %parallel_loop3A_1012 = arith.addi %parallel_loop3A_936, %select_n3A_124 : vector<16xi32>
        %parallel_loop3A_1013 = arith.constant 7 : i32
        %parallel_loop3A_1014 = vector.broadcast %parallel_loop3A_1013 : i32 to vector<16xi32>
        %parallel_loop3A_1015 = arith.shrui %parallel_loop3A_1012, %parallel_loop3A_1014 : vector<16xi32>
        %parallel_loop3A_1016 = arith.constant 127 : i32
        %parallel_loop3A_1017 = vector.broadcast %parallel_loop3A_1016 : i32 to vector<16xi32>
        %parallel_loop3A_1018 = arith.andi %parallel_loop3A_1012, %parallel_loop3A_1017 : vector<16xi32>
        %parallel_loop3A_1019 = arith.constant 0 : i32
        %parallel_loop3A_1020 = arith.constant 0 : i32
        %parallel_loop3A_1021 = tpu.memref_slice %arg8[%parallel_loop3A_474, %parallel_loop3A_1019, %parallel_loop3A_1020] : memref<2x96x128xf32, #tpu.memory_space<vmem>> -> memref<1x96x128xf32, #tpu.memory_space<vmem>>
        %parallel_loop3A_1022 = tpu.memref_squeeze %parallel_loop3A_1021 : memref<1x96x128xf32, #tpu.memory_space<vmem>> -> memref<96x128xf32, #tpu.memory_space<vmem>>
        %parallel_loop3A_1023 = tpu.vector_load_idx %parallel_loop3A_1022[%parallel_loop3A_1015, %parallel_loop3A_1018] : memref<96x128xf32, #tpu.memory_space<vmem>>[vector<16xi32>, vector<16xi32>], vector<16xf32>,
        %parallel_loop3A_1024 = arith.constant 2.550000e+02 : f32
        %parallel_loop3A_1025 = vector.broadcast %parallel_loop3A_1024 : f32 to vector<16xf32>
        %parallel_loop3A_1026 = arith.minimumf %parallel_loop3A_1023, %parallel_loop3A_1025 : vector<16xf32>
        %parallel_loop3A_1027 = arith.constant 0.000000e+00 : f32
        %parallel_loop3A_1028 = vector.broadcast %parallel_loop3A_1027 : f32 to vector<16xf32>
        %parallel_loop3A_1029 = arith.maximumf %parallel_loop3A_1026, %parallel_loop3A_1028 : vector<16xf32>
        %parallel_loop3A_1030 = arith.constant 0x4B400000 : f32
        %parallel_loop3A_1031 = vector.broadcast %parallel_loop3A_1030 : f32 to vector<16xf32>
        %parallel_loop3A_1032 = arith.addf %parallel_loop3A_1029, %parallel_loop3A_1031 : vector<16xf32>
        %parallel_loop3A_1033 = arith.constant 0x4B400000 : f32
        %parallel_loop3A_1034 = vector.broadcast %parallel_loop3A_1033 : f32 to vector<16xf32>
        %parallel_loop3A_1035 = arith.subf %parallel_loop3A_1032, %parallel_loop3A_1034 : vector<16xf32>
        %parallel_loop3A_1036 = arith.constant 2 : i32
        %parallel_loop3A_1037 = arith.divsi %parallel_loop3A_934, %parallel_loop3A_1036 : i32
        %parallel_loop3A_1038 = arith.constant 0 : i32
        %parallel_loop3A_1039 = arith.cmpi sgt, %parallel_loop3A_934, %parallel_loop3A_1038 : i32
        %parallel_loop3A_1040 = arith.extui %parallel_loop3A_1039 : i1 to i32
        %parallel_loop3A_1041 = arith.constant 0 : i32
        %parallel_loop3A_1042 = arith.cmpi slt, %parallel_loop3A_934, %parallel_loop3A_1041 : i32
        %parallel_loop3A_1043 = arith.extui %parallel_loop3A_1042 : i1 to i32
        %parallel_loop3A_1044 = arith.subi %parallel_loop3A_1040, %parallel_loop3A_1043 : i32
        %parallel_loop3A_1045 = arith.constant 0 : i32
        %parallel_loop3A_1046 = arith.cmpi sgt, %parallel_loop3A_1036, %parallel_loop3A_1045 : i32
        %parallel_loop3A_1047 = arith.extui %parallel_loop3A_1046 : i1 to i32
        %parallel_loop3A_1048 = arith.constant 0 : i32
        %parallel_loop3A_1049 = arith.cmpi slt, %parallel_loop3A_1036, %parallel_loop3A_1048 : i32
        %parallel_loop3A_1050 = arith.extui %parallel_loop3A_1049 : i1 to i32
        %parallel_loop3A_1051 = arith.subi %parallel_loop3A_1047, %parallel_loop3A_1050 : i32
        %parallel_loop3A_1052 = arith.cmpi ne, %parallel_loop3A_1044, %parallel_loop3A_1051 : i32
        %parallel_loop3A_1053 = arith.remsi %parallel_loop3A_934, %parallel_loop3A_1036 : i32
        %parallel_loop3A_1054 = arith.constant 0 : i32
        %parallel_loop3A_1055 = arith.cmpi ne, %parallel_loop3A_1053, %parallel_loop3A_1054 : i32
        %parallel_loop3A_1056 = arith.andi %parallel_loop3A_1052, %parallel_loop3A_1055 : i1
        %parallel_loop3A_1057 = arith.constant 1 : i32
        %parallel_loop3A_1058 = arith.subi %parallel_loop3A_1037, %parallel_loop3A_1057 : i32
        %parallel_loop3A_1059 = arith.select %parallel_loop3A_1056, %parallel_loop3A_1058, %parallel_loop3A_1037 : i32
        %parallel_loop3A_1060 = arith.constant 2 : i32
        %parallel_loop3A_1061 = arith.constant 0 : i32
        %parallel_loop3A_1062 = arith.cmpi eq, %parallel_loop3A_1060, %parallel_loop3A_1061 : i32
        %parallel_loop3A_1063 = arith.constant 1 : i32
        %parallel_loop3A_1064 = arith.select %parallel_loop3A_1062, %parallel_loop3A_1063, %parallel_loop3A_1060 : i32
        %parallel_loop3A_1065 = arith.remsi %parallel_loop3A_934, %parallel_loop3A_1064 : i32
        %parallel_loop3A_1066 = arith.constant 0 : i32
        %parallel_loop3A_1067 = arith.cmpi ne, %parallel_loop3A_1065, %parallel_loop3A_1066 : i32
        %parallel_loop3A_1068 = arith.constant 0 : i32
        %parallel_loop3A_1069 = arith.cmpi slt, %parallel_loop3A_1065, %parallel_loop3A_1068 : i32
        %parallel_loop3A_1070 = arith.constant 0 : i32
        %parallel_loop3A_1071 = arith.cmpi slt, %parallel_loop3A_1064, %parallel_loop3A_1070 : i32
        %parallel_loop3A_1072 = arith.xori %parallel_loop3A_1069, %parallel_loop3A_1071 : i1
        %parallel_loop3A_1073 = arith.andi %parallel_loop3A_1072, %parallel_loop3A_1067 : i1
        %parallel_loop3A_1074 = arith.addi %parallel_loop3A_1065, %parallel_loop3A_1064 : i32
        %parallel_loop3A_1075 = arith.select %parallel_loop3A_1073, %parallel_loop3A_1074, %parallel_loop3A_1065 : i32
        %parallel_loop3A_1076 = arith.constant 64 : i32
        %parallel_loop3A_1077 = arith.muli %parallel_loop3A_1075, %parallel_loop3A_1076 : i32
        %parallel_loop3A_1078 = arith.constant 16 : i32
        %parallel_loop3A_1079 = arith.addi %parallel_loop3A_1077, %parallel_loop3A_1078 : i32
        %parallel_loop3A_1080 = arith.constant 0 : i32
        %parallel_loop3A_1081 = arith.constant 0 : i32
        %parallel_loop3A_1082 = tpu.memref_slice %arg9[%parallel_loop3A_475, %parallel_loop3A_1080, %parallel_loop3A_1081] : memref<2x96x128xf32, #tpu.memory_space<vmem>> -> memref<1x96x128xf32, #tpu.memory_space<vmem>>
        %parallel_loop3A_1083 = tpu.memref_squeeze %parallel_loop3A_1082 : memref<1x96x128xf32, #tpu.memory_space<vmem>> -> memref<96x128xf32, #tpu.memory_space<vmem>>
        %parallel_loop3A_1084 = arith.index_cast %parallel_loop3A_1059 : i32 to index
        %parallel_loop3A_1085 = arith.index_cast %parallel_loop3A_1079 : i32 to index
        %parallel_loop3A_1086 = tpu.vector_load %parallel_loop3A_1083[%parallel_loop3A_1084, %parallel_loop3A_1085] {strides = array<i32>} : memref<96x128xf32, #tpu.memory_space<vmem>>, vector<16xf32>,
        tpu.vector_store %parallel_loop3A_1083[%parallel_loop3A_1084, %parallel_loop3A_1085], %parallel_loop3A_1035 {strides = array<i32>} : memref<96x128xf32, #tpu.memory_space<vmem>>, vector<16xf32>,
        %parallel_loop3A_1087 = arith.addi %parallel_loop3A_936, %select_n3A_142 : vector<16xi32>
        %parallel_loop3A_1088 = arith.constant 7 : i32
        %parallel_loop3A_1089 = vector.broadcast %parallel_loop3A_1088 : i32 to vector<16xi32>
        %parallel_loop3A_1090 = arith.shrui %parallel_loop3A_1087, %parallel_loop3A_1089 : vector<16xi32>
        %parallel_loop3A_1091 = arith.constant 127 : i32
        %parallel_loop3A_1092 = vector.broadcast %parallel_loop3A_1091 : i32 to vector<16xi32>
        %parallel_loop3A_1093 = arith.andi %parallel_loop3A_1087, %parallel_loop3A_1092 : vector<16xi32>
        %parallel_loop3A_1094 = arith.constant 0 : i32
        %parallel_loop3A_1095 = arith.constant 0 : i32
        %parallel_loop3A_1096 = tpu.memref_slice %arg8[%parallel_loop3A_474, %parallel_loop3A_1094, %parallel_loop3A_1095] : memref<2x96x128xf32, #tpu.memory_space<vmem>> -> memref<1x96x128xf32, #tpu.memory_space<vmem>>
        %parallel_loop3A_1097 = tpu.memref_squeeze %parallel_loop3A_1096 : memref<1x96x128xf32, #tpu.memory_space<vmem>> -> memref<96x128xf32, #tpu.memory_space<vmem>>
        %parallel_loop3A_1098 = tpu.vector_load_idx %parallel_loop3A_1097[%parallel_loop3A_1090, %parallel_loop3A_1093] : memref<96x128xf32, #tpu.memory_space<vmem>>[vector<16xi32>, vector<16xi32>], vector<16xf32>,
        %parallel_loop3A_1099 = arith.constant 2.550000e+02 : f32
        %parallel_loop3A_1100 = vector.broadcast %parallel_loop3A_1099 : f32 to vector<16xf32>
        %parallel_loop3A_1101 = arith.minimumf %parallel_loop3A_1098, %parallel_loop3A_1100 : vector<16xf32>
        %parallel_loop3A_1102 = arith.constant 0.000000e+00 : f32
        %parallel_loop3A_1103 = vector.broadcast %parallel_loop3A_1102 : f32 to vector<16xf32>
        %parallel_loop3A_1104 = arith.maximumf %parallel_loop3A_1101, %parallel_loop3A_1103 : vector<16xf32>
        %parallel_loop3A_1105 = arith.constant 0x4B400000 : f32
        %parallel_loop3A_1106 = vector.broadcast %parallel_loop3A_1105 : f32 to vector<16xf32>
        %parallel_loop3A_1107 = arith.addf %parallel_loop3A_1104, %parallel_loop3A_1106 : vector<16xf32>
        %parallel_loop3A_1108 = arith.constant 0x4B400000 : f32
        %parallel_loop3A_1109 = vector.broadcast %parallel_loop3A_1108 : f32 to vector<16xf32>
        %parallel_loop3A_1110 = arith.subf %parallel_loop3A_1107, %parallel_loop3A_1109 : vector<16xf32>
        %parallel_loop3A_1111 = arith.constant 2 : i32
        %parallel_loop3A_1112 = arith.divsi %parallel_loop3A_934, %parallel_loop3A_1111 : i32
        %parallel_loop3A_1113 = arith.constant 0 : i32
        %parallel_loop3A_1114 = arith.cmpi sgt, %parallel_loop3A_934, %parallel_loop3A_1113 : i32
        %parallel_loop3A_1115 = arith.extui %parallel_loop3A_1114 : i1 to i32
        %parallel_loop3A_1116 = arith.constant 0 : i32
        %parallel_loop3A_1117 = arith.cmpi slt, %parallel_loop3A_934, %parallel_loop3A_1116 : i32
        %parallel_loop3A_1118 = arith.extui %parallel_loop3A_1117 : i1 to i32
        %parallel_loop3A_1119 = arith.subi %parallel_loop3A_1115, %parallel_loop3A_1118 : i32
        %parallel_loop3A_1120 = arith.constant 0 : i32
        %parallel_loop3A_1121 = arith.cmpi sgt, %parallel_loop3A_1111, %parallel_loop3A_1120 : i32
        %parallel_loop3A_1122 = arith.extui %parallel_loop3A_1121 : i1 to i32
        %parallel_loop3A_1123 = arith.constant 0 : i32
        %parallel_loop3A_1124 = arith.cmpi slt, %parallel_loop3A_1111, %parallel_loop3A_1123 : i32
        %parallel_loop3A_1125 = arith.extui %parallel_loop3A_1124 : i1 to i32
        %parallel_loop3A_1126 = arith.subi %parallel_loop3A_1122, %parallel_loop3A_1125 : i32
        %parallel_loop3A_1127 = arith.cmpi ne, %parallel_loop3A_1119, %parallel_loop3A_1126 : i32
        %parallel_loop3A_1128 = arith.remsi %parallel_loop3A_934, %parallel_loop3A_1111 : i32
        %parallel_loop3A_1129 = arith.constant 0 : i32
        %parallel_loop3A_1130 = arith.cmpi ne, %parallel_loop3A_1128, %parallel_loop3A_1129 : i32
        %parallel_loop3A_1131 = arith.andi %parallel_loop3A_1127, %parallel_loop3A_1130 : i1
        %parallel_loop3A_1132 = arith.constant 1 : i32
        %parallel_loop3A_1133 = arith.subi %parallel_loop3A_1112, %parallel_loop3A_1132 : i32
        %parallel_loop3A_1134 = arith.select %parallel_loop3A_1131, %parallel_loop3A_1133, %parallel_loop3A_1112 : i32
        %parallel_loop3A_1135 = arith.constant 2 : i32
        %parallel_loop3A_1136 = arith.constant 0 : i32
        %parallel_loop3A_1137 = arith.cmpi eq, %parallel_loop3A_1135, %parallel_loop3A_1136 : i32
        %parallel_loop3A_1138 = arith.constant 1 : i32
        %parallel_loop3A_1139 = arith.select %parallel_loop3A_1137, %parallel_loop3A_1138, %parallel_loop3A_1135 : i32
        %parallel_loop3A_1140 = arith.remsi %parallel_loop3A_934, %parallel_loop3A_1139 : i32
        %parallel_loop3A_1141 = arith.constant 0 : i32
        %parallel_loop3A_1142 = arith.cmpi ne, %parallel_loop3A_1140, %parallel_loop3A_1141 : i32
        %parallel_loop3A_1143 = arith.constant 0 : i32
        %parallel_loop3A_1144 = arith.cmpi slt, %parallel_loop3A_1140, %parallel_loop3A_1143 : i32
        %parallel_loop3A_1145 = arith.constant 0 : i32
        %parallel_loop3A_1146 = arith.cmpi slt, %parallel_loop3A_1139, %parallel_loop3A_1145 : i32
        %parallel_loop3A_1147 = arith.xori %parallel_loop3A_1144, %parallel_loop3A_1146 : i1
        %parallel_loop3A_1148 = arith.andi %parallel_loop3A_1147, %parallel_loop3A_1142 : i1
        %parallel_loop3A_1149 = arith.addi %parallel_loop3A_1140, %parallel_loop3A_1139 : i32
        %parallel_loop3A_1150 = arith.select %parallel_loop3A_1148, %parallel_loop3A_1149, %parallel_loop3A_1140 : i32
        %parallel_loop3A_1151 = arith.constant 64 : i32
        %parallel_loop3A_1152 = arith.muli %parallel_loop3A_1150, %parallel_loop3A_1151 : i32
        %parallel_loop3A_1153 = arith.constant 32 : i32
        %parallel_loop3A_1154 = arith.addi %parallel_loop3A_1152, %parallel_loop3A_1153 : i32
        %parallel_loop3A_1155 = arith.constant 0 : i32
        %parallel_loop3A_1156 = arith.constant 0 : i32
        %parallel_loop3A_1157 = tpu.memref_slice %arg9[%parallel_loop3A_475, %parallel_loop3A_1155, %parallel_loop3A_1156] : memref<2x96x128xf32, #tpu.memory_space<vmem>> -> memref<1x96x128xf32, #tpu.memory_space<vmem>>
        %parallel_loop3A_1158 = tpu.memref_squeeze %parallel_loop3A_1157 : memref<1x96x128xf32, #tpu.memory_space<vmem>> -> memref<96x128xf32, #tpu.memory_space<vmem>>
        %parallel_loop3A_1159 = arith.index_cast %parallel_loop3A_1134 : i32 to index
        %parallel_loop3A_1160 = arith.index_cast %parallel_loop3A_1154 : i32 to index
        %parallel_loop3A_1161 = tpu.vector_load %parallel_loop3A_1158[%parallel_loop3A_1159, %parallel_loop3A_1160] {strides = array<i32>} : memref<96x128xf32, #tpu.memory_space<vmem>>, vector<16xf32>,
        tpu.vector_store %parallel_loop3A_1158[%parallel_loop3A_1159, %parallel_loop3A_1160], %parallel_loop3A_1110 {strides = array<i32>} : memref<96x128xf32, #tpu.memory_space<vmem>>, vector<16xf32>,
        %parallel_loop3A_1162 = arith.addi %parallel_loop3A_936, %select_n3A_160 : vector<16xi32>
        %parallel_loop3A_1163 = arith.constant 7 : i32
        %parallel_loop3A_1164 = vector.broadcast %parallel_loop3A_1163 : i32 to vector<16xi32>
        %parallel_loop3A_1165 = arith.shrui %parallel_loop3A_1162, %parallel_loop3A_1164 : vector<16xi32>
        %parallel_loop3A_1166 = arith.constant 127 : i32
        %parallel_loop3A_1167 = vector.broadcast %parallel_loop3A_1166 : i32 to vector<16xi32>
        %parallel_loop3A_1168 = arith.andi %parallel_loop3A_1162, %parallel_loop3A_1167 : vector<16xi32>
        %parallel_loop3A_1169 = arith.constant 0 : i32
        %parallel_loop3A_1170 = arith.constant 0 : i32
        %parallel_loop3A_1171 = tpu.memref_slice %arg8[%parallel_loop3A_474, %parallel_loop3A_1169, %parallel_loop3A_1170] : memref<2x96x128xf32, #tpu.memory_space<vmem>> -> memref<1x96x128xf32, #tpu.memory_space<vmem>>
        %parallel_loop3A_1172 = tpu.memref_squeeze %parallel_loop3A_1171 : memref<1x96x128xf32, #tpu.memory_space<vmem>> -> memref<96x128xf32, #tpu.memory_space<vmem>>
        %parallel_loop3A_1173 = tpu.vector_load_idx %parallel_loop3A_1172[%parallel_loop3A_1165, %parallel_loop3A_1168] : memref<96x128xf32, #tpu.memory_space<vmem>>[vector<16xi32>, vector<16xi32>], vector<16xf32>,
        %parallel_loop3A_1174 = arith.constant 2.550000e+02 : f32
        %parallel_loop3A_1175 = vector.broadcast %parallel_loop3A_1174 : f32 to vector<16xf32>
        %parallel_loop3A_1176 = arith.minimumf %parallel_loop3A_1173, %parallel_loop3A_1175 : vector<16xf32>
        %parallel_loop3A_1177 = arith.constant 0.000000e+00 : f32
        %parallel_loop3A_1178 = vector.broadcast %parallel_loop3A_1177 : f32 to vector<16xf32>
        %parallel_loop3A_1179 = arith.maximumf %parallel_loop3A_1176, %parallel_loop3A_1178 : vector<16xf32>
        %parallel_loop3A_1180 = arith.constant 0x4B400000 : f32
        %parallel_loop3A_1181 = vector.broadcast %parallel_loop3A_1180 : f32 to vector<16xf32>
        %parallel_loop3A_1182 = arith.addf %parallel_loop3A_1179, %parallel_loop3A_1181 : vector<16xf32>
        %parallel_loop3A_1183 = arith.constant 0x4B400000 : f32
        %parallel_loop3A_1184 = vector.broadcast %parallel_loop3A_1183 : f32 to vector<16xf32>
        %parallel_loop3A_1185 = arith.subf %parallel_loop3A_1182, %parallel_loop3A_1184 : vector<16xf32>
        %parallel_loop3A_1186 = arith.constant 2 : i32
        %parallel_loop3A_1187 = arith.divsi %parallel_loop3A_934, %parallel_loop3A_1186 : i32
        %parallel_loop3A_1188 = arith.constant 0 : i32
        %parallel_loop3A_1189 = arith.cmpi sgt, %parallel_loop3A_934, %parallel_loop3A_1188 : i32
        %parallel_loop3A_1190 = arith.extui %parallel_loop3A_1189 : i1 to i32
        %parallel_loop3A_1191 = arith.constant 0 : i32
        %parallel_loop3A_1192 = arith.cmpi slt, %parallel_loop3A_934, %parallel_loop3A_1191 : i32
        %parallel_loop3A_1193 = arith.extui %parallel_loop3A_1192 : i1 to i32
        %parallel_loop3A_1194 = arith.subi %parallel_loop3A_1190, %parallel_loop3A_1193 : i32
        %parallel_loop3A_1195 = arith.constant 0 : i32
        %parallel_loop3A_1196 = arith.cmpi sgt, %parallel_loop3A_1186, %parallel_loop3A_1195 : i32
        %parallel_loop3A_1197 = arith.extui %parallel_loop3A_1196 : i1 to i32
        %parallel_loop3A_1198 = arith.constant 0 : i32
        %parallel_loop3A_1199 = arith.cmpi slt, %parallel_loop3A_1186, %parallel_loop3A_1198 : i32
        %parallel_loop3A_1200 = arith.extui %parallel_loop3A_1199 : i1 to i32
        %parallel_loop3A_1201 = arith.subi %parallel_loop3A_1197, %parallel_loop3A_1200 : i32
        %parallel_loop3A_1202 = arith.cmpi ne, %parallel_loop3A_1194, %parallel_loop3A_1201 : i32
        %parallel_loop3A_1203 = arith.remsi %parallel_loop3A_934, %parallel_loop3A_1186 : i32
        %parallel_loop3A_1204 = arith.constant 0 : i32
        %parallel_loop3A_1205 = arith.cmpi ne, %parallel_loop3A_1203, %parallel_loop3A_1204 : i32
        %parallel_loop3A_1206 = arith.andi %parallel_loop3A_1202, %parallel_loop3A_1205 : i1
        %parallel_loop3A_1207 = arith.constant 1 : i32
        %parallel_loop3A_1208 = arith.subi %parallel_loop3A_1187, %parallel_loop3A_1207 : i32
        %parallel_loop3A_1209 = arith.select %parallel_loop3A_1206, %parallel_loop3A_1208, %parallel_loop3A_1187 : i32
        %parallel_loop3A_1210 = arith.constant 2 : i32
        %parallel_loop3A_1211 = arith.constant 0 : i32
        %parallel_loop3A_1212 = arith.cmpi eq, %parallel_loop3A_1210, %parallel_loop3A_1211 : i32
        %parallel_loop3A_1213 = arith.constant 1 : i32
        %parallel_loop3A_1214 = arith.select %parallel_loop3A_1212, %parallel_loop3A_1213, %parallel_loop3A_1210 : i32
        %parallel_loop3A_1215 = arith.remsi %parallel_loop3A_934, %parallel_loop3A_1214 : i32
        %parallel_loop3A_1216 = arith.constant 0 : i32
        %parallel_loop3A_1217 = arith.cmpi ne, %parallel_loop3A_1215, %parallel_loop3A_1216 : i32
        %parallel_loop3A_1218 = arith.constant 0 : i32
        %parallel_loop3A_1219 = arith.cmpi slt, %parallel_loop3A_1215, %parallel_loop3A_1218 : i32
        %parallel_loop3A_1220 = arith.constant 0 : i32
        %parallel_loop3A_1221 = arith.cmpi slt, %parallel_loop3A_1214, %parallel_loop3A_1220 : i32
        %parallel_loop3A_1222 = arith.xori %parallel_loop3A_1219, %parallel_loop3A_1221 : i1
        %parallel_loop3A_1223 = arith.andi %parallel_loop3A_1222, %parallel_loop3A_1217 : i1
        %parallel_loop3A_1224 = arith.addi %parallel_loop3A_1215, %parallel_loop3A_1214 : i32
        %parallel_loop3A_1225 = arith.select %parallel_loop3A_1223, %parallel_loop3A_1224, %parallel_loop3A_1215 : i32
        %parallel_loop3A_1226 = arith.constant 64 : i32
        %parallel_loop3A_1227 = arith.muli %parallel_loop3A_1225, %parallel_loop3A_1226 : i32
        %parallel_loop3A_1228 = arith.constant 48 : i32
        %parallel_loop3A_1229 = arith.addi %parallel_loop3A_1227, %parallel_loop3A_1228 : i32
        %parallel_loop3A_1230 = arith.constant 0 : i32
        %parallel_loop3A_1231 = arith.constant 0 : i32
        %parallel_loop3A_1232 = tpu.memref_slice %arg9[%parallel_loop3A_475, %parallel_loop3A_1230, %parallel_loop3A_1231] : memref<2x96x128xf32, #tpu.memory_space<vmem>> -> memref<1x96x128xf32, #tpu.memory_space<vmem>>
        %parallel_loop3A_1233 = tpu.memref_squeeze %parallel_loop3A_1232 : memref<1x96x128xf32, #tpu.memory_space<vmem>> -> memref<96x128xf32, #tpu.memory_space<vmem>>
        %parallel_loop3A_1234 = arith.index_cast %parallel_loop3A_1209 : i32 to index
        %parallel_loop3A_1235 = arith.index_cast %parallel_loop3A_1229 : i32 to index
        %parallel_loop3A_1236 = tpu.vector_load %parallel_loop3A_1233[%parallel_loop3A_1234, %parallel_loop3A_1235] {strides = array<i32>} : memref<96x128xf32, #tpu.memory_space<vmem>>, vector<16xf32>,
        tpu.vector_store %parallel_loop3A_1233[%parallel_loop3A_1234, %parallel_loop3A_1235], %parallel_loop3A_1185 {strides = array<i32>} : memref<96x128xf32, #tpu.memory_space<vmem>>, vector<16xf32>,
      } {sc.loop_unroll_factor = 16 : i64, sc.parallel_access}
      %add3A_476 = arith.addi %mul3A_2, %add3A_74 : i32
      %mul3A_477 = arith.constant 96 : i32
      %mul3A_478 = arith.muli %add3A_476, %mul3A_477 : i32
      %dma_start3A_479 = arith.constant 0 : i32
      %dma_start3A_480 = arith.constant 0 : i32
      %dma_start3A_481 = arith.constant 0 : i32
      %dma_start3A_482 = tpu.memref_slice %arg9[%dma_start3A_479, %dma_start3A_480, %dma_start3A_481] : memref<2x96x128xf32, #tpu.memory_space<vmem>> -> memref<1x96x128xf32, #tpu.memory_space<vmem>>
      %dma_start3A_483 = tpu.memref_squeeze %dma_start3A_482 : memref<1x96x128xf32, #tpu.memory_space<vmem>> -> memref<96x128xf32, #tpu.memory_space<vmem>>
      %dma_start3A_484 = arith.constant 0 : i32
      %dma_start3A_485 = tpu.memref_slice %arg5[%mul3A_478, %dma_start3A_484] : memref<98304x128xf32, #tpu.memory_space<hbm>> -> memref<96x128xf32, #tpu.memory_space<hbm>>
      %dma_start3A_486 = arith.constant 0 : i32
      %dma_start3A_487 = tpu.memref_slice %arg5[%mul3A_478, %dma_start3A_486] : memref<98304x128xf32, #tpu.memory_space<hbm>> -> memref<96x128xf32, #tpu.memory_space<hbm>>
      %dma_start3A_488 = arith.constant 0 : i32
      %dma_start3A_489 = arith.constant 0 : i32
      %dma_start3A_490 = tpu.memref_slice %arg9[%dma_start3A_479, %dma_start3A_488, %dma_start3A_489] : memref<2x96x128xf32, #tpu.memory_space<vmem>> -> memref<1x96x128xf32, #tpu.memory_space<vmem>>
      %dma_start3A_491 = tpu.memref_squeeze %dma_start3A_490 : memref<1x96x128xf32, #tpu.memory_space<vmem>> -> memref<96x128xf32, #tpu.memory_space<vmem>>
      tpu.enqueue_dma source(%dma_start3A_491 : memref<96x128xf32, #tpu.memory_space<vmem>>) target(%dma_start3A_487 : memref<96x128xf32, #tpu.memory_space<hbm>>) target_semaphore(%arg13 : memref<!tpu.dma_semaphore, #tpu.memory_space<semaphore_mem>>)
      %lt3A_492 = arith.constant 15 : i32
      %lt3A_493 = arith.cmpi slt, %scan3A_70, %lt3A_492 : i32
      %convert_element_type3A_494 = arith.extui %lt3A_493 : i1 to i32
      %cond3A_495 = arith.constant 0 : i32
      %cond3A_496 = arith.cmpi ne, %convert_element_type3A_494, %cond3A_495 : i32
      scf.if %cond3A_496 {
        %add3A_934 = arith.constant 2 : i32
        %add3A_935 = arith.addi %add3A_74, %add3A_934 : i32
        %add3A_936 = arith.addi %mul3A_2, %add3A_935 : i32
        %mul3A_937 = arith.constant 96 : i32
        %mul3A_938 = arith.muli %add3A_936, %mul3A_937 : i32
        %dma_start3A_939 = arith.constant 0 : i32
        %dma_start3A_940 = arith.constant 0 : i32
        %dma_start3A_941 = arith.constant 0 : i32
        %dma_start3A_942 = tpu.memref_slice %arg8[%dma_start3A_939, %dma_start3A_940, %dma_start3A_941] : memref<2x96x128xf32, #tpu.memory_space<vmem>> -> memref<1x96x128xf32, #tpu.memory_space<vmem>>
        %dma_start3A_943 = tpu.memref_squeeze %dma_start3A_942 : memref<1x96x128xf32, #tpu.memory_space<vmem>> -> memref<96x128xf32, #tpu.memory_space<vmem>>
        %dma_start3A_944 = arith.constant 0 : i32
        %dma_start3A_945 = tpu.memref_slice %arg2[%mul3A_938, %dma_start3A_944] : memref<98304x128xf32, #tpu.memory_space<hbm>> -> memref<96x128xf32, #tpu.memory_space<hbm>>
        %dma_start3A_946 = arith.constant 0 : i32
        %dma_start3A_947 = arith.constant 0 : i32
        %dma_start3A_948 = tpu.memref_slice %arg8[%dma_start3A_939, %dma_start3A_946, %dma_start3A_947] : memref<2x96x128xf32, #tpu.memory_space<vmem>> -> memref<1x96x128xf32, #tpu.memory_space<vmem>>
        %dma_start3A_949 = tpu.memref_squeeze %dma_start3A_948 : memref<1x96x128xf32, #tpu.memory_space<vmem>> -> memref<96x128xf32, #tpu.memory_space<vmem>>
        %dma_start3A_950 = arith.constant 0 : i32
        %dma_start3A_951 = tpu.memref_slice %arg2[%mul3A_938, %dma_start3A_950] : memref<98304x128xf32, #tpu.memory_space<hbm>> -> memref<96x128xf32, #tpu.memory_space<hbm>>
        tpu.enqueue_dma source(%dma_start3A_951 : memref<96x128xf32, #tpu.memory_space<hbm>>) target(%dma_start3A_949 : memref<96x128xf32, #tpu.memory_space<vmem>>) target_semaphore(%arg11 : memref<!tpu.dma_semaphore, #tpu.memory_space<semaphore_mem>>)
      } else {
      }
      %mul3A_497 = arith.constant 2 : i32
      %mul3A_498 = arith.muli %mul3A_497, %scan3A_70 : i32
      %add3A_499 = arith.constant 1 : i32
      %add3A_500 = arith.addi %mul3A_498, %add3A_499 : i32
      %dma_wait3A_501 = arith.constant 1 : i32
      %dma_wait3A_502 = arith.constant 0 : i32
      %dma_wait3A_503 = arith.constant 0 : i32
      %dma_wait3A_504 = tpu.memref_slice %arg8[%dma_wait3A_501, %dma_wait3A_502, %dma_wait3A_503] : memref<2x96x128xf32, #tpu.memory_space<vmem>> -> memref<1x96x128xf32, #tpu.memory_space<vmem>>
      %dma_wait3A_505 = tpu.memref_squeeze %dma_wait3A_504 : memref<1x96x128xf32, #tpu.memory_space<vmem>> -> memref<96x128xf32, #tpu.memory_space<vmem>>
      %dma_wait3A_506 = arith.constant 0 : i32
      %dma_wait3A_507 = arith.constant 0 : i32
      %dma_wait3A_508 = tpu.memref_slice %arg2[%dma_wait3A_506, %dma_wait3A_507] : memref<98304x128xf32, #tpu.memory_space<hbm>> -> memref<96x128xf32, #tpu.memory_space<hbm>>
      %dma_wait3A_509 = arith.constant 0 : i32
      %dma_wait3A_510 = arith.constant 0 : i32
      %dma_wait3A_511 = tpu.memref_slice %arg8[%dma_wait3A_501, %dma_wait3A_509, %dma_wait3A_510] : memref<2x96x128xf32, #tpu.memory_space<vmem>> -> memref<1x96x128xf32, #tpu.memory_space<vmem>>
      %dma_wait3A_512 = tpu.memref_squeeze %dma_wait3A_511 : memref<1x96x128xf32, #tpu.memory_space<vmem>> -> memref<96x128xf32, #tpu.memory_space<vmem>>
      %dma_wait3A_513 = arith.constant 0 : i32
      %dma_wait3A_514 = arith.constant 0 : i32
      %dma_wait3A_515 = tpu.memref_slice %arg2[%dma_wait3A_513, %dma_wait3A_514] : memref<98304x128xf32, #tpu.memory_space<hbm>> -> memref<96x128xf32, #tpu.memory_space<hbm>>
      tpu.wait_dma2 semaphore(%arg12 : memref<!tpu.dma_semaphore, #tpu.memory_space<semaphore_mem>>) src(%dma_wait3A_515 : memref<96x128xf32, #tpu.memory_space<hbm>>) dst(%dma_wait3A_512 : memref<96x128xf32, #tpu.memory_space<vmem>>)
      %gt3A_516 = arith.constant 0 : i32
      %gt3A_517 = arith.cmpi sgt, %scan3A_70, %gt3A_516 : i32
      %convert_element_type3A_518 = arith.extui %gt3A_517 : i1 to i32
      %cond3A_519 = arith.constant 0 : i32
      %cond3A_520 = arith.cmpi ne, %convert_element_type3A_518, %cond3A_519 : i32
      scf.if %cond3A_520 {
        %dma_wait3A_934 = arith.constant 1 : i32
        %dma_wait3A_935 = arith.constant 0 : i32
        %dma_wait3A_936 = arith.constant 0 : i32
        %dma_wait3A_937 = tpu.memref_slice %arg9[%dma_wait3A_934, %dma_wait3A_935, %dma_wait3A_936] : memref<2x96x128xf32, #tpu.memory_space<vmem>> -> memref<1x96x128xf32, #tpu.memory_space<vmem>>
        %dma_wait3A_938 = tpu.memref_squeeze %dma_wait3A_937 : memref<1x96x128xf32, #tpu.memory_space<vmem>> -> memref<96x128xf32, #tpu.memory_space<vmem>>
        %dma_wait3A_939 = arith.constant 0 : i32
        %dma_wait3A_940 = arith.constant 0 : i32
        %dma_wait3A_941 = tpu.memref_slice %arg5[%dma_wait3A_939, %dma_wait3A_940] : memref<98304x128xf32, #tpu.memory_space<hbm>> -> memref<96x128xf32, #tpu.memory_space<hbm>>
        %dma_wait3A_942 = arith.constant 0 : i32
        %dma_wait3A_943 = arith.constant 0 : i32
        %dma_wait3A_944 = tpu.memref_slice %arg5[%dma_wait3A_942, %dma_wait3A_943] : memref<98304x128xf32, #tpu.memory_space<hbm>> -> memref<96x128xf32, #tpu.memory_space<hbm>>
        %dma_wait3A_945 = arith.constant 0 : i32
        %dma_wait3A_946 = arith.constant 0 : i32
        %dma_wait3A_947 = tpu.memref_slice %arg9[%dma_wait3A_934, %dma_wait3A_945, %dma_wait3A_946] : memref<2x96x128xf32, #tpu.memory_space<vmem>> -> memref<1x96x128xf32, #tpu.memory_space<vmem>>
        %dma_wait3A_948 = tpu.memref_squeeze %dma_wait3A_947 : memref<1x96x128xf32, #tpu.memory_space<vmem>> -> memref<96x128xf32, #tpu.memory_space<vmem>>
        tpu.wait_dma2 semaphore(%arg14 : memref<!tpu.dma_semaphore, #tpu.memory_space<semaphore_mem>>) src(%dma_wait3A_948 : memref<96x128xf32, #tpu.memory_space<vmem>>) dst(%dma_wait3A_944 : memref<96x128xf32, #tpu.memory_space<hbm>>)
      } else {
      }
      %broadcast_in_dim3A_521 = vector.broadcast %add3A_500 : i32 to vector<16xi32>
      %gather3A_522 = tpu.vector_load_idx %arg6[%broadcast_in_dim3A_521] : memref<32xi32, #tpu.memory_space<vmem>>[vector<16xi32>], vector<16xi32>,
      %gather3A_523 = tpu.vector_load_idx %arg7[%broadcast_in_dim3A_521] : memref<32xi32, #tpu.memory_space<vmem>>[vector<16xi32>], vector<16xi32>,
      %add3A_524 = arith.constant -3 : i32
      %add3A_525 = vector.broadcast %add3A_524 : i32 to vector<16xi32>
      %add3A_526 = arith.addi %iota3A, %add3A_525 : vector<16xi32>
      %add3A_527 = arith.addi %add3A_526, %gather3A_523 : vector<16xi32>
      %lt3A_528 = arith.constant 0 : i32
      %lt3A_529 = vector.broadcast %lt3A_528 : i32 to vector<16xi32>
      %lt3A_530 = arith.cmpi slt, %add3A_527, %lt3A_529 : vector<16xi32>
      %neg3A_531 = arith.constant 0 : i32
      %neg3A_532 = vector.broadcast %neg3A_531 : i32 to vector<16xi32>
      %neg3A_533 = arith.subi %neg3A_532, %add3A_527 : vector<16xi32>
      %select_n3A_534 = arith.select %lt3A_530, %neg3A_533, %add3A_527 : vector<16xi1>, vector<16xi32>
      %gt3A_535 = arith.constant 63 : i32
      %gt3A_536 = vector.broadcast %gt3A_535 : i32 to vector<16xi32>
      %gt3A_537 = arith.cmpi sgt, %select_n3A_534, %gt3A_536 : vector<16xi32>
      %sub3A_538 = arith.constant 126 : i32
      %sub3A_539 = vector.broadcast %sub3A_538 : i32 to vector<16xi32>
      %sub3A_540 = arith.subi %sub3A_539, %select_n3A_534 : vector<16xi32>
      %select_n3A_541 = arith.select %gt3A_537, %sub3A_540, %select_n3A_534 : vector<16xi1>, vector<16xi32>
      %add3A_542 = arith.constant 13 : i32
      %add3A_543 = vector.broadcast %add3A_542 : i32 to vector<16xi32>
      %add3A_544 = arith.addi %iota3A, %add3A_543 : vector<16xi32>
      %add3A_545 = arith.addi %add3A_544, %gather3A_523 : vector<16xi32>
      %lt3A_546 = arith.constant 0 : i32
      %lt3A_547 = vector.broadcast %lt3A_546 : i32 to vector<16xi32>
      %lt3A_548 = arith.cmpi slt, %add3A_545, %lt3A_547 : vector<16xi32>
      %neg3A_549 = arith.constant 0 : i32
      %neg3A_550 = vector.broadcast %neg3A_549 : i32 to vector<16xi32>
      %neg3A_551 = arith.subi %neg3A_550, %add3A_545 : vector<16xi32>
      %select_n3A_552 = arith.select %lt3A_548, %neg3A_551, %add3A_545 : vector<16xi1>, vector<16xi32>
      %gt3A_553 = arith.constant 63 : i32
      %gt3A_554 = vector.broadcast %gt3A_553 : i32 to vector<16xi32>
      %gt3A_555 = arith.cmpi sgt, %select_n3A_552, %gt3A_554 : vector<16xi32>
      %sub3A_556 = arith.constant 126 : i32
      %sub3A_557 = vector.broadcast %sub3A_556 : i32 to vector<16xi32>
      %sub3A_558 = arith.subi %sub3A_557, %select_n3A_552 : vector<16xi32>
      %select_n3A_559 = arith.select %gt3A_555, %sub3A_558, %select_n3A_552 : vector<16xi1>, vector<16xi32>
      %add3A_560 = arith.constant 29 : i32
      %add3A_561 = vector.broadcast %add3A_560 : i32 to vector<16xi32>
      %add3A_562 = arith.addi %iota3A, %add3A_561 : vector<16xi32>
      %add3A_563 = arith.addi %add3A_562, %gather3A_523 : vector<16xi32>
      %lt3A_564 = arith.constant 0 : i32
      %lt3A_565 = vector.broadcast %lt3A_564 : i32 to vector<16xi32>
      %lt3A_566 = arith.cmpi slt, %add3A_563, %lt3A_565 : vector<16xi32>
      %neg3A_567 = arith.constant 0 : i32
      %neg3A_568 = vector.broadcast %neg3A_567 : i32 to vector<16xi32>
      %neg3A_569 = arith.subi %neg3A_568, %add3A_563 : vector<16xi32>
      %select_n3A_570 = arith.select %lt3A_566, %neg3A_569, %add3A_563 : vector<16xi1>, vector<16xi32>
      %gt3A_571 = arith.constant 63 : i32
      %gt3A_572 = vector.broadcast %gt3A_571 : i32 to vector<16xi32>
      %gt3A_573 = arith.cmpi sgt, %select_n3A_570, %gt3A_572 : vector<16xi32>
      %sub3A_574 = arith.constant 126 : i32
      %sub3A_575 = vector.broadcast %sub3A_574 : i32 to vector<16xi32>
      %sub3A_576 = arith.subi %sub3A_575, %select_n3A_570 : vector<16xi32>
      %select_n3A_577 = arith.select %gt3A_573, %sub3A_576, %select_n3A_570 : vector<16xi1>, vector<16xi32>
      %add3A_578 = arith.constant 45 : i32
      %add3A_579 = vector.broadcast %add3A_578 : i32 to vector<16xi32>
      %add3A_580 = arith.addi %iota3A, %add3A_579 : vector<16xi32>
      %add3A_581 = arith.addi %add3A_580, %gather3A_523 : vector<16xi32>
      %lt3A_582 = arith.constant 0 : i32
      %lt3A_583 = vector.broadcast %lt3A_582 : i32 to vector<16xi32>
      %lt3A_584 = arith.cmpi slt, %add3A_581, %lt3A_583 : vector<16xi32>
      %neg3A_585 = arith.constant 0 : i32
      %neg3A_586 = vector.broadcast %neg3A_585 : i32 to vector<16xi32>
      %neg3A_587 = arith.subi %neg3A_586, %add3A_581 : vector<16xi32>
      %select_n3A_588 = arith.select %lt3A_584, %neg3A_587, %add3A_581 : vector<16xi1>, vector<16xi32>
      %gt3A_589 = arith.constant 63 : i32
      %gt3A_590 = vector.broadcast %gt3A_589 : i32 to vector<16xi32>
      %gt3A_591 = arith.cmpi sgt, %select_n3A_588, %gt3A_590 : vector<16xi32>
      %sub3A_592 = arith.constant 126 : i32
      %sub3A_593 = vector.broadcast %sub3A_592 : i32 to vector<16xi32>
      %sub3A_594 = arith.subi %sub3A_593, %select_n3A_588 : vector<16xi32>
      %select_n3A_595 = arith.select %gt3A_591, %sub3A_594, %select_n3A_588 : vector<16xi1>, vector<16xi32>
      %add3A_596 = arith.constant -3 : i32
      %add3A_597 = vector.broadcast %add3A_596 : i32 to vector<16xi32>
      %add3A_598 = arith.addi %iota3A, %add3A_597 : vector<16xi32>
      %add3A_599 = arith.addi %add3A_598, %gather3A_522 : vector<16xi32>
      %lt3A_600 = arith.constant 0 : i32
      %lt3A_601 = vector.broadcast %lt3A_600 : i32 to vector<16xi32>
      %lt3A_602 = arith.cmpi slt, %add3A_599, %lt3A_601 : vector<16xi32>
      %neg3A_603 = arith.constant 0 : i32
      %neg3A_604 = vector.broadcast %neg3A_603 : i32 to vector<16xi32>
      %neg3A_605 = arith.subi %neg3A_604, %add3A_599 : vector<16xi32>
      %select_n3A_606 = arith.select %lt3A_602, %neg3A_605, %add3A_599 : vector<16xi1>, vector<16xi32>
      %gt3A_607 = arith.constant 63 : i32
      %gt3A_608 = vector.broadcast %gt3A_607 : i32 to vector<16xi32>
      %gt3A_609 = arith.cmpi sgt, %select_n3A_606, %gt3A_608 : vector<16xi32>
      %sub3A_610 = arith.constant 126 : i32
      %sub3A_611 = vector.broadcast %sub3A_610 : i32 to vector<16xi32>
      %sub3A_612 = arith.subi %sub3A_611, %select_n3A_606 : vector<16xi32>
      %select_n3A_613 = arith.select %gt3A_609, %sub3A_612, %select_n3A_606 : vector<16xi1>, vector<16xi32>
      %add3A_614 = arith.constant 0 : i32
      %add3A_615 = vector.broadcast %add3A_614 : i32 to vector<16xi32>
      %add3A_616 = arith.addi %add3A_615, %select_n3A_613 : vector<16xi32>
      %mul3A_617 = arith.constant 64 : i32
      %mul3A_618 = vector.broadcast %mul3A_617 : i32 to vector<16xi32>
      %mul3A_619 = arith.muli %add3A_616, %mul3A_618 : vector<16xi32>
      %swap3A_620 = arith.constant 0 : index
      %swap3A_621 = tpu.vector_load %arg10[%swap3A_620] {strides = array<i32>} : memref<192xi32, #tpu.memory_space<vmem>>, vector<16xi32>,
      tpu.vector_store %arg10[%swap3A_620], %mul3A_619 {strides = array<i32>} : memref<192xi32, #tpu.memory_space<vmem>>, vector<16xi32>,
      %add3A_622 = arith.constant 13 : i32
      %add3A_623 = vector.broadcast %add3A_622 : i32 to vector<16xi32>
      %add3A_624 = arith.addi %iota3A, %add3A_623 : vector<16xi32>
      %add3A_625 = arith.addi %add3A_624, %gather3A_522 : vector<16xi32>
      %lt3A_626 = arith.constant 0 : i32
      %lt3A_627 = vector.broadcast %lt3A_626 : i32 to vector<16xi32>
      %lt3A_628 = arith.cmpi slt, %add3A_625, %lt3A_627 : vector<16xi32>
      %neg3A_629 = arith.constant 0 : i32
      %neg3A_630 = vector.broadcast %neg3A_629 : i32 to vector<16xi32>
      %neg3A_631 = arith.subi %neg3A_630, %add3A_625 : vector<16xi32>
      %select_n3A_632 = arith.select %lt3A_628, %neg3A_631, %add3A_625 : vector<16xi1>, vector<16xi32>
      %gt3A_633 = arith.constant 63 : i32
      %gt3A_634 = vector.broadcast %gt3A_633 : i32 to vector<16xi32>
      %gt3A_635 = arith.cmpi sgt, %select_n3A_632, %gt3A_634 : vector<16xi32>
      %sub3A_636 = arith.constant 126 : i32
      %sub3A_637 = vector.broadcast %sub3A_636 : i32 to vector<16xi32>
      %sub3A_638 = arith.subi %sub3A_637, %select_n3A_632 : vector<16xi32>
      %select_n3A_639 = arith.select %gt3A_635, %sub3A_638, %select_n3A_632 : vector<16xi1>, vector<16xi32>
      %add3A_640 = arith.constant 0 : i32
      %add3A_641 = vector.broadcast %add3A_640 : i32 to vector<16xi32>
      %add3A_642 = arith.addi %add3A_641, %select_n3A_639 : vector<16xi32>
      %mul3A_643 = arith.constant 64 : i32
      %mul3A_644 = vector.broadcast %mul3A_643 : i32 to vector<16xi32>
      %mul3A_645 = arith.muli %add3A_642, %mul3A_644 : vector<16xi32>
      %swap3A_646 = arith.constant 16 : index
      %swap3A_647 = tpu.vector_load %arg10[%swap3A_646] {strides = array<i32>} : memref<192xi32, #tpu.memory_space<vmem>>, vector<16xi32>,
      tpu.vector_store %arg10[%swap3A_646], %mul3A_645 {strides = array<i32>} : memref<192xi32, #tpu.memory_space<vmem>>, vector<16xi32>,
      %add3A_648 = arith.constant 29 : i32
      %add3A_649 = vector.broadcast %add3A_648 : i32 to vector<16xi32>
      %add3A_650 = arith.addi %iota3A, %add3A_649 : vector<16xi32>
      %add3A_651 = arith.addi %add3A_650, %gather3A_522 : vector<16xi32>
      %lt3A_652 = arith.constant 0 : i32
      %lt3A_653 = vector.broadcast %lt3A_652 : i32 to vector<16xi32>
      %lt3A_654 = arith.cmpi slt, %add3A_651, %lt3A_653 : vector<16xi32>
      %neg3A_655 = arith.constant 0 : i32
      %neg3A_656 = vector.broadcast %neg3A_655 : i32 to vector<16xi32>
      %neg3A_657 = arith.subi %neg3A_656, %add3A_651 : vector<16xi32>
      %select_n3A_658 = arith.select %lt3A_654, %neg3A_657, %add3A_651 : vector<16xi1>, vector<16xi32>
      %gt3A_659 = arith.constant 63 : i32
      %gt3A_660 = vector.broadcast %gt3A_659 : i32 to vector<16xi32>
      %gt3A_661 = arith.cmpi sgt, %select_n3A_658, %gt3A_660 : vector<16xi32>
      %sub3A_662 = arith.constant 126 : i32
      %sub3A_663 = vector.broadcast %sub3A_662 : i32 to vector<16xi32>
      %sub3A_664 = arith.subi %sub3A_663, %select_n3A_658 : vector<16xi32>
      %select_n3A_665 = arith.select %gt3A_661, %sub3A_664, %select_n3A_658 : vector<16xi1>, vector<16xi32>
      %add3A_666 = arith.constant 0 : i32
      %add3A_667 = vector.broadcast %add3A_666 : i32 to vector<16xi32>
      %add3A_668 = arith.addi %add3A_667, %select_n3A_665 : vector<16xi32>
      %mul3A_669 = arith.constant 64 : i32
      %mul3A_670 = vector.broadcast %mul3A_669 : i32 to vector<16xi32>
      %mul3A_671 = arith.muli %add3A_668, %mul3A_670 : vector<16xi32>
      %swap3A_672 = arith.constant 32 : index
      %swap3A_673 = tpu.vector_load %arg10[%swap3A_672] {strides = array<i32>} : memref<192xi32, #tpu.memory_space<vmem>>, vector<16xi32>,
      tpu.vector_store %arg10[%swap3A_672], %mul3A_671 {strides = array<i32>} : memref<192xi32, #tpu.memory_space<vmem>>, vector<16xi32>,
      %add3A_674 = arith.constant 45 : i32
      %add3A_675 = vector.broadcast %add3A_674 : i32 to vector<16xi32>
      %add3A_676 = arith.addi %iota3A, %add3A_675 : vector<16xi32>
      %add3A_677 = arith.addi %add3A_676, %gather3A_522 : vector<16xi32>
      %lt3A_678 = arith.constant 0 : i32
      %lt3A_679 = vector.broadcast %lt3A_678 : i32 to vector<16xi32>
      %lt3A_680 = arith.cmpi slt, %add3A_677, %lt3A_679 : vector<16xi32>
      %neg3A_681 = arith.constant 0 : i32
      %neg3A_682 = vector.broadcast %neg3A_681 : i32 to vector<16xi32>
      %neg3A_683 = arith.subi %neg3A_682, %add3A_677 : vector<16xi32>
      %select_n3A_684 = arith.select %lt3A_680, %neg3A_683, %add3A_677 : vector<16xi1>, vector<16xi32>
      %gt3A_685 = arith.constant 63 : i32
      %gt3A_686 = vector.broadcast %gt3A_685 : i32 to vector<16xi32>
      %gt3A_687 = arith.cmpi sgt, %select_n3A_684, %gt3A_686 : vector<16xi32>
      %sub3A_688 = arith.constant 126 : i32
      %sub3A_689 = vector.broadcast %sub3A_688 : i32 to vector<16xi32>
      %sub3A_690 = arith.subi %sub3A_689, %select_n3A_684 : vector<16xi32>
      %select_n3A_691 = arith.select %gt3A_687, %sub3A_690, %select_n3A_684 : vector<16xi1>, vector<16xi32>
      %add3A_692 = arith.constant 0 : i32
      %add3A_693 = vector.broadcast %add3A_692 : i32 to vector<16xi32>
      %add3A_694 = arith.addi %add3A_693, %select_n3A_691 : vector<16xi32>
      %mul3A_695 = arith.constant 64 : i32
      %mul3A_696 = vector.broadcast %mul3A_695 : i32 to vector<16xi32>
      %mul3A_697 = arith.muli %add3A_694, %mul3A_696 : vector<16xi32>
      %swap3A_698 = arith.constant 48 : index
      %swap3A_699 = tpu.vector_load %arg10[%swap3A_698] {strides = array<i32>} : memref<192xi32, #tpu.memory_space<vmem>>, vector<16xi32>,
      tpu.vector_store %arg10[%swap3A_698], %mul3A_697 {strides = array<i32>} : memref<192xi32, #tpu.memory_space<vmem>>, vector<16xi32>,
      %add3A_700 = arith.constant -3 : i32
      %add3A_701 = vector.broadcast %add3A_700 : i32 to vector<16xi32>
      %add3A_702 = arith.addi %iota3A, %add3A_701 : vector<16xi32>
      %add3A_703 = arith.addi %add3A_702, %gather3A_522 : vector<16xi32>
      %lt3A_704 = arith.constant 0 : i32
      %lt3A_705 = vector.broadcast %lt3A_704 : i32 to vector<16xi32>
      %lt3A_706 = arith.cmpi slt, %add3A_703, %lt3A_705 : vector<16xi32>
      %neg3A_707 = arith.constant 0 : i32
      %neg3A_708 = vector.broadcast %neg3A_707 : i32 to vector<16xi32>
      %neg3A_709 = arith.subi %neg3A_708, %add3A_703 : vector<16xi32>
      %select_n3A_710 = arith.select %lt3A_706, %neg3A_709, %add3A_703 : vector<16xi1>, vector<16xi32>
      %gt3A_711 = arith.constant 63 : i32
      %gt3A_712 = vector.broadcast %gt3A_711 : i32 to vector<16xi32>
      %gt3A_713 = arith.cmpi sgt, %select_n3A_710, %gt3A_712 : vector<16xi32>
      %sub3A_714 = arith.constant 126 : i32
      %sub3A_715 = vector.broadcast %sub3A_714 : i32 to vector<16xi32>
      %sub3A_716 = arith.subi %sub3A_715, %select_n3A_710 : vector<16xi32>
      %select_n3A_717 = arith.select %gt3A_713, %sub3A_716, %select_n3A_710 : vector<16xi1>, vector<16xi32>
      %add3A_718 = arith.constant 64 : i32
      %add3A_719 = vector.broadcast %add3A_718 : i32 to vector<16xi32>
      %add3A_720 = arith.addi %add3A_719, %select_n3A_717 : vector<16xi32>
      %mul3A_721 = arith.constant 64 : i32
      %mul3A_722 = vector.broadcast %mul3A_721 : i32 to vector<16xi32>
      %mul3A_723 = arith.muli %add3A_720, %mul3A_722 : vector<16xi32>
      %swap3A_724 = arith.constant 64 : index
      %swap3A_725 = tpu.vector_load %arg10[%swap3A_724] {strides = array<i32>} : memref<192xi32, #tpu.memory_space<vmem>>, vector<16xi32>,
      tpu.vector_store %arg10[%swap3A_724], %mul3A_723 {strides = array<i32>} : memref<192xi32, #tpu.memory_space<vmem>>, vector<16xi32>,
      %add3A_726 = arith.constant 13 : i32
      %add3A_727 = vector.broadcast %add3A_726 : i32 to vector<16xi32>
      %add3A_728 = arith.addi %iota3A, %add3A_727 : vector<16xi32>
      %add3A_729 = arith.addi %add3A_728, %gather3A_522 : vector<16xi32>
      %lt3A_730 = arith.constant 0 : i32
      %lt3A_731 = vector.broadcast %lt3A_730 : i32 to vector<16xi32>
      %lt3A_732 = arith.cmpi slt, %add3A_729, %lt3A_731 : vector<16xi32>
      %neg3A_733 = arith.constant 0 : i32
      %neg3A_734 = vector.broadcast %neg3A_733 : i32 to vector<16xi32>
      %neg3A_735 = arith.subi %neg3A_734, %add3A_729 : vector<16xi32>
      %select_n3A_736 = arith.select %lt3A_732, %neg3A_735, %add3A_729 : vector<16xi1>, vector<16xi32>
      %gt3A_737 = arith.constant 63 : i32
      %gt3A_738 = vector.broadcast %gt3A_737 : i32 to vector<16xi32>
      %gt3A_739 = arith.cmpi sgt, %select_n3A_736, %gt3A_738 : vector<16xi32>
      %sub3A_740 = arith.constant 126 : i32
      %sub3A_741 = vector.broadcast %sub3A_740 : i32 to vector<16xi32>
      %sub3A_742 = arith.subi %sub3A_741, %select_n3A_736 : vector<16xi32>
      %select_n3A_743 = arith.select %gt3A_739, %sub3A_742, %select_n3A_736 : vector<16xi1>, vector<16xi32>
      %add3A_744 = arith.constant 64 : i32
      %add3A_745 = vector.broadcast %add3A_744 : i32 to vector<16xi32>
      %add3A_746 = arith.addi %add3A_745, %select_n3A_743 : vector<16xi32>
      %mul3A_747 = arith.constant 64 : i32
      %mul3A_748 = vector.broadcast %mul3A_747 : i32 to vector<16xi32>
      %mul3A_749 = arith.muli %add3A_746, %mul3A_748 : vector<16xi32>
      %swap3A_750 = arith.constant 80 : index
      %swap3A_751 = tpu.vector_load %arg10[%swap3A_750] {strides = array<i32>} : memref<192xi32, #tpu.memory_space<vmem>>, vector<16xi32>,
      tpu.vector_store %arg10[%swap3A_750], %mul3A_749 {strides = array<i32>} : memref<192xi32, #tpu.memory_space<vmem>>, vector<16xi32>,
      %add3A_752 = arith.constant 29 : i32
      %add3A_753 = vector.broadcast %add3A_752 : i32 to vector<16xi32>
      %add3A_754 = arith.addi %iota3A, %add3A_753 : vector<16xi32>
      %add3A_755 = arith.addi %add3A_754, %gather3A_522 : vector<16xi32>
      %lt3A_756 = arith.constant 0 : i32
      %lt3A_757 = vector.broadcast %lt3A_756 : i32 to vector<16xi32>
      %lt3A_758 = arith.cmpi slt, %add3A_755, %lt3A_757 : vector<16xi32>
      %neg3A_759 = arith.constant 0 : i32
      %neg3A_760 = vector.broadcast %neg3A_759 : i32 to vector<16xi32>
      %neg3A_761 = arith.subi %neg3A_760, %add3A_755 : vector<16xi32>
      %select_n3A_762 = arith.select %lt3A_758, %neg3A_761, %add3A_755 : vector<16xi1>, vector<16xi32>
      %gt3A_763 = arith.constant 63 : i32
      %gt3A_764 = vector.broadcast %gt3A_763 : i32 to vector<16xi32>
      %gt3A_765 = arith.cmpi sgt, %select_n3A_762, %gt3A_764 : vector<16xi32>
      %sub3A_766 = arith.constant 126 : i32
      %sub3A_767 = vector.broadcast %sub3A_766 : i32 to vector<16xi32>
      %sub3A_768 = arith.subi %sub3A_767, %select_n3A_762 : vector<16xi32>
      %select_n3A_769 = arith.select %gt3A_765, %sub3A_768, %select_n3A_762 : vector<16xi1>, vector<16xi32>
      %add3A_770 = arith.constant 64 : i32
      %add3A_771 = vector.broadcast %add3A_770 : i32 to vector<16xi32>
      %add3A_772 = arith.addi %add3A_771, %select_n3A_769 : vector<16xi32>
      %mul3A_773 = arith.constant 64 : i32
      %mul3A_774 = vector.broadcast %mul3A_773 : i32 to vector<16xi32>
      %mul3A_775 = arith.muli %add3A_772, %mul3A_774 : vector<16xi32>
      %swap3A_776 = arith.constant 96 : index
      %swap3A_777 = tpu.vector_load %arg10[%swap3A_776] {strides = array<i32>} : memref<192xi32, #tpu.memory_space<vmem>>, vector<16xi32>,
      tpu.vector_store %arg10[%swap3A_776], %mul3A_775 {strides = array<i32>} : memref<192xi32, #tpu.memory_space<vmem>>, vector<16xi32>,
      %add3A_778 = arith.constant 45 : i32
      %add3A_779 = vector.broadcast %add3A_778 : i32 to vector<16xi32>
      %add3A_780 = arith.addi %iota3A, %add3A_779 : vector<16xi32>
      %add3A_781 = arith.addi %add3A_780, %gather3A_522 : vector<16xi32>
      %lt3A_782 = arith.constant 0 : i32
      %lt3A_783 = vector.broadcast %lt3A_782 : i32 to vector<16xi32>
      %lt3A_784 = arith.cmpi slt, %add3A_781, %lt3A_783 : vector<16xi32>
      %neg3A_785 = arith.constant 0 : i32
      %neg3A_786 = vector.broadcast %neg3A_785 : i32 to vector<16xi32>
      %neg3A_787 = arith.subi %neg3A_786, %add3A_781 : vector<16xi32>
      %select_n3A_788 = arith.select %lt3A_784, %neg3A_787, %add3A_781 : vector<16xi1>, vector<16xi32>
      %gt3A_789 = arith.constant 63 : i32
      %gt3A_790 = vector.broadcast %gt3A_789 : i32 to vector<16xi32>
      %gt3A_791 = arith.cmpi sgt, %select_n3A_788, %gt3A_790 : vector<16xi32>
      %sub3A_792 = arith.constant 126 : i32
      %sub3A_793 = vector.broadcast %sub3A_792 : i32 to vector<16xi32>
      %sub3A_794 = arith.subi %sub3A_793, %select_n3A_788 : vector<16xi32>
      %select_n3A_795 = arith.select %gt3A_791, %sub3A_794, %select_n3A_788 : vector<16xi1>, vector<16xi32>
      %add3A_796 = arith.constant 64 : i32
      %add3A_797 = vector.broadcast %add3A_796 : i32 to vector<16xi32>
      %add3A_798 = arith.addi %add3A_797, %select_n3A_795 : vector<16xi32>
      %mul3A_799 = arith.constant 64 : i32
      %mul3A_800 = vector.broadcast %mul3A_799 : i32 to vector<16xi32>
      %mul3A_801 = arith.muli %add3A_798, %mul3A_800 : vector<16xi32>
      %swap3A_802 = arith.constant 112 : index
      %swap3A_803 = tpu.vector_load %arg10[%swap3A_802] {strides = array<i32>} : memref<192xi32, #tpu.memory_space<vmem>>, vector<16xi32>,
      tpu.vector_store %arg10[%swap3A_802], %mul3A_801 {strides = array<i32>} : memref<192xi32, #tpu.memory_space<vmem>>, vector<16xi32>,
      %add3A_804 = arith.constant -3 : i32
      %add3A_805 = vector.broadcast %add3A_804 : i32 to vector<16xi32>
      %add3A_806 = arith.addi %iota3A, %add3A_805 : vector<16xi32>
      %add3A_807 = arith.addi %add3A_806, %gather3A_522 : vector<16xi32>
      %lt3A_808 = arith.constant 0 : i32
      %lt3A_809 = vector.broadcast %lt3A_808 : i32 to vector<16xi32>
      %lt3A_810 = arith.cmpi slt, %add3A_807, %lt3A_809 : vector<16xi32>
      %neg3A_811 = arith.constant 0 : i32
      %neg3A_812 = vector.broadcast %neg3A_811 : i32 to vector<16xi32>
      %neg3A_813 = arith.subi %neg3A_812, %add3A_807 : vector<16xi32>
      %select_n3A_814 = arith.select %lt3A_810, %neg3A_813, %add3A_807 : vector<16xi1>, vector<16xi32>
      %gt3A_815 = arith.constant 63 : i32
      %gt3A_816 = vector.broadcast %gt3A_815 : i32 to vector<16xi32>
      %gt3A_817 = arith.cmpi sgt, %select_n3A_814, %gt3A_816 : vector<16xi32>
      %sub3A_818 = arith.constant 126 : i32
      %sub3A_819 = vector.broadcast %sub3A_818 : i32 to vector<16xi32>
      %sub3A_820 = arith.subi %sub3A_819, %select_n3A_814 : vector<16xi32>
      %select_n3A_821 = arith.select %gt3A_817, %sub3A_820, %select_n3A_814 : vector<16xi1>, vector<16xi32>
      %add3A_822 = arith.constant 128 : i32
      %add3A_823 = vector.broadcast %add3A_822 : i32 to vector<16xi32>
      %add3A_824 = arith.addi %add3A_823, %select_n3A_821 : vector<16xi32>
      %mul3A_825 = arith.constant 64 : i32
      %mul3A_826 = vector.broadcast %mul3A_825 : i32 to vector<16xi32>
      %mul3A_827 = arith.muli %add3A_824, %mul3A_826 : vector<16xi32>
      %swap3A_828 = arith.constant 128 : index
      %swap3A_829 = tpu.vector_load %arg10[%swap3A_828] {strides = array<i32>} : memref<192xi32, #tpu.memory_space<vmem>>, vector<16xi32>,
      tpu.vector_store %arg10[%swap3A_828], %mul3A_827 {strides = array<i32>} : memref<192xi32, #tpu.memory_space<vmem>>, vector<16xi32>,
      %add3A_830 = arith.constant 13 : i32
      %add3A_831 = vector.broadcast %add3A_830 : i32 to vector<16xi32>
      %add3A_832 = arith.addi %iota3A, %add3A_831 : vector<16xi32>
      %add3A_833 = arith.addi %add3A_832, %gather3A_522 : vector<16xi32>
      %lt3A_834 = arith.constant 0 : i32
      %lt3A_835 = vector.broadcast %lt3A_834 : i32 to vector<16xi32>
      %lt3A_836 = arith.cmpi slt, %add3A_833, %lt3A_835 : vector<16xi32>
      %neg3A_837 = arith.constant 0 : i32
      %neg3A_838 = vector.broadcast %neg3A_837 : i32 to vector<16xi32>
      %neg3A_839 = arith.subi %neg3A_838, %add3A_833 : vector<16xi32>
      %select_n3A_840 = arith.select %lt3A_836, %neg3A_839, %add3A_833 : vector<16xi1>, vector<16xi32>
      %gt3A_841 = arith.constant 63 : i32
      %gt3A_842 = vector.broadcast %gt3A_841 : i32 to vector<16xi32>
      %gt3A_843 = arith.cmpi sgt, %select_n3A_840, %gt3A_842 : vector<16xi32>
      %sub3A_844 = arith.constant 126 : i32
      %sub3A_845 = vector.broadcast %sub3A_844 : i32 to vector<16xi32>
      %sub3A_846 = arith.subi %sub3A_845, %select_n3A_840 : vector<16xi32>
      %select_n3A_847 = arith.select %gt3A_843, %sub3A_846, %select_n3A_840 : vector<16xi1>, vector<16xi32>
      %add3A_848 = arith.constant 128 : i32
      %add3A_849 = vector.broadcast %add3A_848 : i32 to vector<16xi32>
      %add3A_850 = arith.addi %add3A_849, %select_n3A_847 : vector<16xi32>
      %mul3A_851 = arith.constant 64 : i32
      %mul3A_852 = vector.broadcast %mul3A_851 : i32 to vector<16xi32>
      %mul3A_853 = arith.muli %add3A_850, %mul3A_852 : vector<16xi32>
      %swap3A_854 = arith.constant 144 : index
      %swap3A_855 = tpu.vector_load %arg10[%swap3A_854] {strides = array<i32>} : memref<192xi32, #tpu.memory_space<vmem>>, vector<16xi32>,
      tpu.vector_store %arg10[%swap3A_854], %mul3A_853 {strides = array<i32>} : memref<192xi32, #tpu.memory_space<vmem>>, vector<16xi32>,
      %add3A_856 = arith.constant 29 : i32
      %add3A_857 = vector.broadcast %add3A_856 : i32 to vector<16xi32>
      %add3A_858 = arith.addi %iota3A, %add3A_857 : vector<16xi32>
      %add3A_859 = arith.addi %add3A_858, %gather3A_522 : vector<16xi32>
      %lt3A_860 = arith.constant 0 : i32
      %lt3A_861 = vector.broadcast %lt3A_860 : i32 to vector<16xi32>
      %lt3A_862 = arith.cmpi slt, %add3A_859, %lt3A_861 : vector<16xi32>
      %neg3A_863 = arith.constant 0 : i32
      %neg3A_864 = vector.broadcast %neg3A_863 : i32 to vector<16xi32>
      %neg3A_865 = arith.subi %neg3A_864, %add3A_859 : vector<16xi32>
      %select_n3A_866 = arith.select %lt3A_862, %neg3A_865, %add3A_859 : vector<16xi1>, vector<16xi32>
      %gt3A_867 = arith.constant 63 : i32
      %gt3A_868 = vector.broadcast %gt3A_867 : i32 to vector<16xi32>
      %gt3A_869 = arith.cmpi sgt, %select_n3A_866, %gt3A_868 : vector<16xi32>
      %sub3A_870 = arith.constant 126 : i32
      %sub3A_871 = vector.broadcast %sub3A_870 : i32 to vector<16xi32>
      %sub3A_872 = arith.subi %sub3A_871, %select_n3A_866 : vector<16xi32>
      %select_n3A_873 = arith.select %gt3A_869, %sub3A_872, %select_n3A_866 : vector<16xi1>, vector<16xi32>
      %add3A_874 = arith.constant 128 : i32
      %add3A_875 = vector.broadcast %add3A_874 : i32 to vector<16xi32>
      %add3A_876 = arith.addi %add3A_875, %select_n3A_873 : vector<16xi32>
      %mul3A_877 = arith.constant 64 : i32
      %mul3A_878 = vector.broadcast %mul3A_877 : i32 to vector<16xi32>
      %mul3A_879 = arith.muli %add3A_876, %mul3A_878 : vector<16xi32>
      %swap3A_880 = arith.constant 160 : index
      %swap3A_881 = tpu.vector_load %arg10[%swap3A_880] {strides = array<i32>} : memref<192xi32, #tpu.memory_space<vmem>>, vector<16xi32>,
      tpu.vector_store %arg10[%swap3A_880], %mul3A_879 {strides = array<i32>} : memref<192xi32, #tpu.memory_space<vmem>>, vector<16xi32>,
      %add3A_882 = arith.constant 45 : i32
      %add3A_883 = vector.broadcast %add3A_882 : i32 to vector<16xi32>
      %add3A_884 = arith.addi %iota3A, %add3A_883 : vector<16xi32>
      %add3A_885 = arith.addi %add3A_884, %gather3A_522 : vector<16xi32>
      %lt3A_886 = arith.constant 0 : i32
      %lt3A_887 = vector.broadcast %lt3A_886 : i32 to vector<16xi32>
      %lt3A_888 = arith.cmpi slt, %add3A_885, %lt3A_887 : vector<16xi32>
      %neg3A_889 = arith.constant 0 : i32
      %neg3A_890 = vector.broadcast %neg3A_889 : i32 to vector<16xi32>
      %neg3A_891 = arith.subi %neg3A_890, %add3A_885 : vector<16xi32>
      %select_n3A_892 = arith.select %lt3A_888, %neg3A_891, %add3A_885 : vector<16xi1>, vector<16xi32>
      %gt3A_893 = arith.constant 63 : i32
      %gt3A_894 = vector.broadcast %gt3A_893 : i32 to vector<16xi32>
      %gt3A_895 = arith.cmpi sgt, %select_n3A_892, %gt3A_894 : vector<16xi32>
      %sub3A_896 = arith.constant 126 : i32
      %sub3A_897 = vector.broadcast %sub3A_896 : i32 to vector<16xi32>
      %sub3A_898 = arith.subi %sub3A_897, %select_n3A_892 : vector<16xi32>
      %select_n3A_899 = arith.select %gt3A_895, %sub3A_898, %select_n3A_892 : vector<16xi1>, vector<16xi32>
      %add3A_900 = arith.constant 128 : i32
      %add3A_901 = vector.broadcast %add3A_900 : i32 to vector<16xi32>
      %add3A_902 = arith.addi %add3A_901, %select_n3A_899 : vector<16xi32>
      %mul3A_903 = arith.constant 64 : i32
      %mul3A_904 = vector.broadcast %mul3A_903 : i32 to vector<16xi32>
      %mul3A_905 = arith.muli %add3A_902, %mul3A_904 : vector<16xi32>
      %swap3A_906 = arith.constant 176 : index
      %swap3A_907 = tpu.vector_load %arg10[%swap3A_906] {strides = array<i32>} : memref<192xi32, #tpu.memory_space<vmem>>, vector<16xi32>,
      tpu.vector_store %arg10[%swap3A_906], %mul3A_905 {strides = array<i32>} : memref<192xi32, #tpu.memory_space<vmem>>, vector<16xi32>,
      %parallel_loop3A_908 = arith.constant 0 : i32
      %parallel_loop3A_909 = arith.constant 192 : i32
      %parallel_loop3A_910 = arith.constant 1 : i32
      %parallel_loop3A_911 = arith.constant 1 : i32
      %parallel_loop3A_912 = arith.constant 1 : i32
      scf.for %parallel_loop3A_934 = %parallel_loop3A_908 to %parallel_loop3A_909 step %parallel_loop3A_910  : i32 {
        %parallel_loop3A_935 = vector.broadcast %parallel_loop3A_934 : i32 to vector<16xi32>
        %parallel_loop3A_936 = tpu.vector_load_idx %arg10[%parallel_loop3A_935] : memref<192xi32, #tpu.memory_space<vmem>>[vector<16xi32>], vector<16xi32>,
        %parallel_loop3A_937 = arith.addi %parallel_loop3A_936, %select_n3A_541 : vector<16xi32>
        %parallel_loop3A_938 = arith.constant 7 : i32
        %parallel_loop3A_939 = vector.broadcast %parallel_loop3A_938 : i32 to vector<16xi32>
        %parallel_loop3A_940 = arith.shrui %parallel_loop3A_937, %parallel_loop3A_939 : vector<16xi32>
        %parallel_loop3A_941 = arith.constant 127 : i32
        %parallel_loop3A_942 = vector.broadcast %parallel_loop3A_941 : i32 to vector<16xi32>
        %parallel_loop3A_943 = arith.andi %parallel_loop3A_937, %parallel_loop3A_942 : vector<16xi32>
        %parallel_loop3A_944 = arith.constant 0 : i32
        %parallel_loop3A_945 = arith.constant 0 : i32
        %parallel_loop3A_946 = tpu.memref_slice %arg8[%parallel_loop3A_911, %parallel_loop3A_944, %parallel_loop3A_945] : memref<2x96x128xf32, #tpu.memory_space<vmem>> -> memref<1x96x128xf32, #tpu.memory_space<vmem>>
        %parallel_loop3A_947 = tpu.memref_squeeze %parallel_loop3A_946 : memref<1x96x128xf32, #tpu.memory_space<vmem>> -> memref<96x128xf32, #tpu.memory_space<vmem>>
        %parallel_loop3A_948 = tpu.vector_load_idx %parallel_loop3A_947[%parallel_loop3A_940, %parallel_loop3A_943] : memref<96x128xf32, #tpu.memory_space<vmem>>[vector<16xi32>, vector<16xi32>], vector<16xf32>,
        %parallel_loop3A_949 = arith.constant 2.550000e+02 : f32
        %parallel_loop3A_950 = vector.broadcast %parallel_loop3A_949 : f32 to vector<16xf32>
        %parallel_loop3A_951 = arith.minimumf %parallel_loop3A_948, %parallel_loop3A_950 : vector<16xf32>
        %parallel_loop3A_952 = arith.constant 0.000000e+00 : f32
        %parallel_loop3A_953 = vector.broadcast %parallel_loop3A_952 : f32 to vector<16xf32>
        %parallel_loop3A_954 = arith.maximumf %parallel_loop3A_951, %parallel_loop3A_953 : vector<16xf32>
        %parallel_loop3A_955 = arith.constant 0x4B400000 : f32
        %parallel_loop3A_956 = vector.broadcast %parallel_loop3A_955 : f32 to vector<16xf32>
        %parallel_loop3A_957 = arith.addf %parallel_loop3A_954, %parallel_loop3A_956 : vector<16xf32>
        %parallel_loop3A_958 = arith.constant 0x4B400000 : f32
        %parallel_loop3A_959 = vector.broadcast %parallel_loop3A_958 : f32 to vector<16xf32>
        %parallel_loop3A_960 = arith.subf %parallel_loop3A_957, %parallel_loop3A_959 : vector<16xf32>
        %parallel_loop3A_961 = arith.constant 2 : i32
        %parallel_loop3A_962 = arith.divsi %parallel_loop3A_934, %parallel_loop3A_961 : i32
        %parallel_loop3A_963 = arith.constant 0 : i32
        %parallel_loop3A_964 = arith.cmpi sgt, %parallel_loop3A_934, %parallel_loop3A_963 : i32
        %parallel_loop3A_965 = arith.extui %parallel_loop3A_964 : i1 to i32
        %parallel_loop3A_966 = arith.constant 0 : i32
        %parallel_loop3A_967 = arith.cmpi slt, %parallel_loop3A_934, %parallel_loop3A_966 : i32
        %parallel_loop3A_968 = arith.extui %parallel_loop3A_967 : i1 to i32
        %parallel_loop3A_969 = arith.subi %parallel_loop3A_965, %parallel_loop3A_968 : i32
        %parallel_loop3A_970 = arith.constant 0 : i32
        %parallel_loop3A_971 = arith.cmpi sgt, %parallel_loop3A_961, %parallel_loop3A_970 : i32
        %parallel_loop3A_972 = arith.extui %parallel_loop3A_971 : i1 to i32
        %parallel_loop3A_973 = arith.constant 0 : i32
        %parallel_loop3A_974 = arith.cmpi slt, %parallel_loop3A_961, %parallel_loop3A_973 : i32
        %parallel_loop3A_975 = arith.extui %parallel_loop3A_974 : i1 to i32
        %parallel_loop3A_976 = arith.subi %parallel_loop3A_972, %parallel_loop3A_975 : i32
        %parallel_loop3A_977 = arith.cmpi ne, %parallel_loop3A_969, %parallel_loop3A_976 : i32
        %parallel_loop3A_978 = arith.remsi %parallel_loop3A_934, %parallel_loop3A_961 : i32
        %parallel_loop3A_979 = arith.constant 0 : i32
        %parallel_loop3A_980 = arith.cmpi ne, %parallel_loop3A_978, %parallel_loop3A_979 : i32
        %parallel_loop3A_981 = arith.andi %parallel_loop3A_977, %parallel_loop3A_980 : i1
        %parallel_loop3A_982 = arith.constant 1 : i32
        %parallel_loop3A_983 = arith.subi %parallel_loop3A_962, %parallel_loop3A_982 : i32
        %parallel_loop3A_984 = arith.select %parallel_loop3A_981, %parallel_loop3A_983, %parallel_loop3A_962 : i32
        %parallel_loop3A_985 = arith.constant 2 : i32
        %parallel_loop3A_986 = arith.constant 0 : i32
        %parallel_loop3A_987 = arith.cmpi eq, %parallel_loop3A_985, %parallel_loop3A_986 : i32
        %parallel_loop3A_988 = arith.constant 1 : i32
        %parallel_loop3A_989 = arith.select %parallel_loop3A_987, %parallel_loop3A_988, %parallel_loop3A_985 : i32
        %parallel_loop3A_990 = arith.remsi %parallel_loop3A_934, %parallel_loop3A_989 : i32
        %parallel_loop3A_991 = arith.constant 0 : i32
        %parallel_loop3A_992 = arith.cmpi ne, %parallel_loop3A_990, %parallel_loop3A_991 : i32
        %parallel_loop3A_993 = arith.constant 0 : i32
        %parallel_loop3A_994 = arith.cmpi slt, %parallel_loop3A_990, %parallel_loop3A_993 : i32
        %parallel_loop3A_995 = arith.constant 0 : i32
        %parallel_loop3A_996 = arith.cmpi slt, %parallel_loop3A_989, %parallel_loop3A_995 : i32
        %parallel_loop3A_997 = arith.xori %parallel_loop3A_994, %parallel_loop3A_996 : i1
        %parallel_loop3A_998 = arith.andi %parallel_loop3A_997, %parallel_loop3A_992 : i1
        %parallel_loop3A_999 = arith.addi %parallel_loop3A_990, %parallel_loop3A_989 : i32
        %parallel_loop3A_1000 = arith.select %parallel_loop3A_998, %parallel_loop3A_999, %parallel_loop3A_990 : i32
        %parallel_loop3A_1001 = arith.constant 64 : i32
        %parallel_loop3A_1002 = arith.muli %parallel_loop3A_1000, %parallel_loop3A_1001 : i32
        %parallel_loop3A_1003 = arith.constant 0 : i32
        %parallel_loop3A_1004 = arith.addi %parallel_loop3A_1002, %parallel_loop3A_1003 : i32
        %parallel_loop3A_1005 = arith.constant 0 : i32
        %parallel_loop3A_1006 = arith.constant 0 : i32
        %parallel_loop3A_1007 = tpu.memref_slice %arg9[%parallel_loop3A_912, %parallel_loop3A_1005, %parallel_loop3A_1006] : memref<2x96x128xf32, #tpu.memory_space<vmem>> -> memref<1x96x128xf32, #tpu.memory_space<vmem>>
        %parallel_loop3A_1008 = tpu.memref_squeeze %parallel_loop3A_1007 : memref<1x96x128xf32, #tpu.memory_space<vmem>> -> memref<96x128xf32, #tpu.memory_space<vmem>>
        %parallel_loop3A_1009 = arith.index_cast %parallel_loop3A_984 : i32 to index
        %parallel_loop3A_1010 = arith.index_cast %parallel_loop3A_1004 : i32 to index
        %parallel_loop3A_1011 = tpu.vector_load %parallel_loop3A_1008[%parallel_loop3A_1009, %parallel_loop3A_1010] {strides = array<i32>} : memref<96x128xf32, #tpu.memory_space<vmem>>, vector<16xf32>,
        tpu.vector_store %parallel_loop3A_1008[%parallel_loop3A_1009, %parallel_loop3A_1010], %parallel_loop3A_960 {strides = array<i32>} : memref<96x128xf32, #tpu.memory_space<vmem>>, vector<16xf32>,
        %parallel_loop3A_1012 = arith.addi %parallel_loop3A_936, %select_n3A_559 : vector<16xi32>
        %parallel_loop3A_1013 = arith.constant 7 : i32
        %parallel_loop3A_1014 = vector.broadcast %parallel_loop3A_1013 : i32 to vector<16xi32>
        %parallel_loop3A_1015 = arith.shrui %parallel_loop3A_1012, %parallel_loop3A_1014 : vector<16xi32>
        %parallel_loop3A_1016 = arith.constant 127 : i32
        %parallel_loop3A_1017 = vector.broadcast %parallel_loop3A_1016 : i32 to vector<16xi32>
        %parallel_loop3A_1018 = arith.andi %parallel_loop3A_1012, %parallel_loop3A_1017 : vector<16xi32>
        %parallel_loop3A_1019 = arith.constant 0 : i32
        %parallel_loop3A_1020 = arith.constant 0 : i32
        %parallel_loop3A_1021 = tpu.memref_slice %arg8[%parallel_loop3A_911, %parallel_loop3A_1019, %parallel_loop3A_1020] : memref<2x96x128xf32, #tpu.memory_space<vmem>> -> memref<1x96x128xf32, #tpu.memory_space<vmem>>
        %parallel_loop3A_1022 = tpu.memref_squeeze %parallel_loop3A_1021 : memref<1x96x128xf32, #tpu.memory_space<vmem>> -> memref<96x128xf32, #tpu.memory_space<vmem>>
        %parallel_loop3A_1023 = tpu.vector_load_idx %parallel_loop3A_1022[%parallel_loop3A_1015, %parallel_loop3A_1018] : memref<96x128xf32, #tpu.memory_space<vmem>>[vector<16xi32>, vector<16xi32>], vector<16xf32>,
        %parallel_loop3A_1024 = arith.constant 2.550000e+02 : f32
        %parallel_loop3A_1025 = vector.broadcast %parallel_loop3A_1024 : f32 to vector<16xf32>
        %parallel_loop3A_1026 = arith.minimumf %parallel_loop3A_1023, %parallel_loop3A_1025 : vector<16xf32>
        %parallel_loop3A_1027 = arith.constant 0.000000e+00 : f32
        %parallel_loop3A_1028 = vector.broadcast %parallel_loop3A_1027 : f32 to vector<16xf32>
        %parallel_loop3A_1029 = arith.maximumf %parallel_loop3A_1026, %parallel_loop3A_1028 : vector<16xf32>
        %parallel_loop3A_1030 = arith.constant 0x4B400000 : f32
        %parallel_loop3A_1031 = vector.broadcast %parallel_loop3A_1030 : f32 to vector<16xf32>
        %parallel_loop3A_1032 = arith.addf %parallel_loop3A_1029, %parallel_loop3A_1031 : vector<16xf32>
        %parallel_loop3A_1033 = arith.constant 0x4B400000 : f32
        %parallel_loop3A_1034 = vector.broadcast %parallel_loop3A_1033 : f32 to vector<16xf32>
        %parallel_loop3A_1035 = arith.subf %parallel_loop3A_1032, %parallel_loop3A_1034 : vector<16xf32>
        %parallel_loop3A_1036 = arith.constant 2 : i32
        %parallel_loop3A_1037 = arith.divsi %parallel_loop3A_934, %parallel_loop3A_1036 : i32
        %parallel_loop3A_1038 = arith.constant 0 : i32
        %parallel_loop3A_1039 = arith.cmpi sgt, %parallel_loop3A_934, %parallel_loop3A_1038 : i32
        %parallel_loop3A_1040 = arith.extui %parallel_loop3A_1039 : i1 to i32
        %parallel_loop3A_1041 = arith.constant 0 : i32
        %parallel_loop3A_1042 = arith.cmpi slt, %parallel_loop3A_934, %parallel_loop3A_1041 : i32
        %parallel_loop3A_1043 = arith.extui %parallel_loop3A_1042 : i1 to i32
        %parallel_loop3A_1044 = arith.subi %parallel_loop3A_1040, %parallel_loop3A_1043 : i32
        %parallel_loop3A_1045 = arith.constant 0 : i32
        %parallel_loop3A_1046 = arith.cmpi sgt, %parallel_loop3A_1036, %parallel_loop3A_1045 : i32
        %parallel_loop3A_1047 = arith.extui %parallel_loop3A_1046 : i1 to i32
        %parallel_loop3A_1048 = arith.constant 0 : i32
        %parallel_loop3A_1049 = arith.cmpi slt, %parallel_loop3A_1036, %parallel_loop3A_1048 : i32
        %parallel_loop3A_1050 = arith.extui %parallel_loop3A_1049 : i1 to i32
        %parallel_loop3A_1051 = arith.subi %parallel_loop3A_1047, %parallel_loop3A_1050 : i32
        %parallel_loop3A_1052 = arith.cmpi ne, %parallel_loop3A_1044, %parallel_loop3A_1051 : i32
        %parallel_loop3A_1053 = arith.remsi %parallel_loop3A_934, %parallel_loop3A_1036 : i32
        %parallel_loop3A_1054 = arith.constant 0 : i32
        %parallel_loop3A_1055 = arith.cmpi ne, %parallel_loop3A_1053, %parallel_loop3A_1054 : i32
        %parallel_loop3A_1056 = arith.andi %parallel_loop3A_1052, %parallel_loop3A_1055 : i1
        %parallel_loop3A_1057 = arith.constant 1 : i32
        %parallel_loop3A_1058 = arith.subi %parallel_loop3A_1037, %parallel_loop3A_1057 : i32
        %parallel_loop3A_1059 = arith.select %parallel_loop3A_1056, %parallel_loop3A_1058, %parallel_loop3A_1037 : i32
        %parallel_loop3A_1060 = arith.constant 2 : i32
        %parallel_loop3A_1061 = arith.constant 0 : i32
        %parallel_loop3A_1062 = arith.cmpi eq, %parallel_loop3A_1060, %parallel_loop3A_1061 : i32
        %parallel_loop3A_1063 = arith.constant 1 : i32
        %parallel_loop3A_1064 = arith.select %parallel_loop3A_1062, %parallel_loop3A_1063, %parallel_loop3A_1060 : i32
        %parallel_loop3A_1065 = arith.remsi %parallel_loop3A_934, %parallel_loop3A_1064 : i32
        %parallel_loop3A_1066 = arith.constant 0 : i32
        %parallel_loop3A_1067 = arith.cmpi ne, %parallel_loop3A_1065, %parallel_loop3A_1066 : i32
        %parallel_loop3A_1068 = arith.constant 0 : i32
        %parallel_loop3A_1069 = arith.cmpi slt, %parallel_loop3A_1065, %parallel_loop3A_1068 : i32
        %parallel_loop3A_1070 = arith.constant 0 : i32
        %parallel_loop3A_1071 = arith.cmpi slt, %parallel_loop3A_1064, %parallel_loop3A_1070 : i32
        %parallel_loop3A_1072 = arith.xori %parallel_loop3A_1069, %parallel_loop3A_1071 : i1
        %parallel_loop3A_1073 = arith.andi %parallel_loop3A_1072, %parallel_loop3A_1067 : i1
        %parallel_loop3A_1074 = arith.addi %parallel_loop3A_1065, %parallel_loop3A_1064 : i32
        %parallel_loop3A_1075 = arith.select %parallel_loop3A_1073, %parallel_loop3A_1074, %parallel_loop3A_1065 : i32
        %parallel_loop3A_1076 = arith.constant 64 : i32
        %parallel_loop3A_1077 = arith.muli %parallel_loop3A_1075, %parallel_loop3A_1076 : i32
        %parallel_loop3A_1078 = arith.constant 16 : i32
        %parallel_loop3A_1079 = arith.addi %parallel_loop3A_1077, %parallel_loop3A_1078 : i32
        %parallel_loop3A_1080 = arith.constant 0 : i32
        %parallel_loop3A_1081 = arith.constant 0 : i32
        %parallel_loop3A_1082 = tpu.memref_slice %arg9[%parallel_loop3A_912, %parallel_loop3A_1080, %parallel_loop3A_1081] : memref<2x96x128xf32, #tpu.memory_space<vmem>> -> memref<1x96x128xf32, #tpu.memory_space<vmem>>
        %parallel_loop3A_1083 = tpu.memref_squeeze %parallel_loop3A_1082 : memref<1x96x128xf32, #tpu.memory_space<vmem>> -> memref<96x128xf32, #tpu.memory_space<vmem>>
        %parallel_loop3A_1084 = arith.index_cast %parallel_loop3A_1059 : i32 to index
        %parallel_loop3A_1085 = arith.index_cast %parallel_loop3A_1079 : i32 to index
        %parallel_loop3A_1086 = tpu.vector_load %parallel_loop3A_1083[%parallel_loop3A_1084, %parallel_loop3A_1085] {strides = array<i32>} : memref<96x128xf32, #tpu.memory_space<vmem>>, vector<16xf32>,
        tpu.vector_store %parallel_loop3A_1083[%parallel_loop3A_1084, %parallel_loop3A_1085], %parallel_loop3A_1035 {strides = array<i32>} : memref<96x128xf32, #tpu.memory_space<vmem>>, vector<16xf32>,
        %parallel_loop3A_1087 = arith.addi %parallel_loop3A_936, %select_n3A_577 : vector<16xi32>
        %parallel_loop3A_1088 = arith.constant 7 : i32
        %parallel_loop3A_1089 = vector.broadcast %parallel_loop3A_1088 : i32 to vector<16xi32>
        %parallel_loop3A_1090 = arith.shrui %parallel_loop3A_1087, %parallel_loop3A_1089 : vector<16xi32>
        %parallel_loop3A_1091 = arith.constant 127 : i32
        %parallel_loop3A_1092 = vector.broadcast %parallel_loop3A_1091 : i32 to vector<16xi32>
        %parallel_loop3A_1093 = arith.andi %parallel_loop3A_1087, %parallel_loop3A_1092 : vector<16xi32>
        %parallel_loop3A_1094 = arith.constant 0 : i32
        %parallel_loop3A_1095 = arith.constant 0 : i32
        %parallel_loop3A_1096 = tpu.memref_slice %arg8[%parallel_loop3A_911, %parallel_loop3A_1094, %parallel_loop3A_1095] : memref<2x96x128xf32, #tpu.memory_space<vmem>> -> memref<1x96x128xf32, #tpu.memory_space<vmem>>
        %parallel_loop3A_1097 = tpu.memref_squeeze %parallel_loop3A_1096 : memref<1x96x128xf32, #tpu.memory_space<vmem>> -> memref<96x128xf32, #tpu.memory_space<vmem>>
        %parallel_loop3A_1098 = tpu.vector_load_idx %parallel_loop3A_1097[%parallel_loop3A_1090, %parallel_loop3A_1093] : memref<96x128xf32, #tpu.memory_space<vmem>>[vector<16xi32>, vector<16xi32>], vector<16xf32>,
        %parallel_loop3A_1099 = arith.constant 2.550000e+02 : f32
        %parallel_loop3A_1100 = vector.broadcast %parallel_loop3A_1099 : f32 to vector<16xf32>
        %parallel_loop3A_1101 = arith.minimumf %parallel_loop3A_1098, %parallel_loop3A_1100 : vector<16xf32>
        %parallel_loop3A_1102 = arith.constant 0.000000e+00 : f32
        %parallel_loop3A_1103 = vector.broadcast %parallel_loop3A_1102 : f32 to vector<16xf32>
        %parallel_loop3A_1104 = arith.maximumf %parallel_loop3A_1101, %parallel_loop3A_1103 : vector<16xf32>
        %parallel_loop3A_1105 = arith.constant 0x4B400000 : f32
        %parallel_loop3A_1106 = vector.broadcast %parallel_loop3A_1105 : f32 to vector<16xf32>
        %parallel_loop3A_1107 = arith.addf %parallel_loop3A_1104, %parallel_loop3A_1106 : vector<16xf32>
        %parallel_loop3A_1108 = arith.constant 0x4B400000 : f32
        %parallel_loop3A_1109 = vector.broadcast %parallel_loop3A_1108 : f32 to vector<16xf32>
        %parallel_loop3A_1110 = arith.subf %parallel_loop3A_1107, %parallel_loop3A_1109 : vector<16xf32>
        %parallel_loop3A_1111 = arith.constant 2 : i32
        %parallel_loop3A_1112 = arith.divsi %parallel_loop3A_934, %parallel_loop3A_1111 : i32
        %parallel_loop3A_1113 = arith.constant 0 : i32
        %parallel_loop3A_1114 = arith.cmpi sgt, %parallel_loop3A_934, %parallel_loop3A_1113 : i32
        %parallel_loop3A_1115 = arith.extui %parallel_loop3A_1114 : i1 to i32
        %parallel_loop3A_1116 = arith.constant 0 : i32
        %parallel_loop3A_1117 = arith.cmpi slt, %parallel_loop3A_934, %parallel_loop3A_1116 : i32
        %parallel_loop3A_1118 = arith.extui %parallel_loop3A_1117 : i1 to i32
        %parallel_loop3A_1119 = arith.subi %parallel_loop3A_1115, %parallel_loop3A_1118 : i32
        %parallel_loop3A_1120 = arith.constant 0 : i32
        %parallel_loop3A_1121 = arith.cmpi sgt, %parallel_loop3A_1111, %parallel_loop3A_1120 : i32
        %parallel_loop3A_1122 = arith.extui %parallel_loop3A_1121 : i1 to i32
        %parallel_loop3A_1123 = arith.constant 0 : i32
        %parallel_loop3A_1124 = arith.cmpi slt, %parallel_loop3A_1111, %parallel_loop3A_1123 : i32
        %parallel_loop3A_1125 = arith.extui %parallel_loop3A_1124 : i1 to i32
        %parallel_loop3A_1126 = arith.subi %parallel_loop3A_1122, %parallel_loop3A_1125 : i32
        %parallel_loop3A_1127 = arith.cmpi ne, %parallel_loop3A_1119, %parallel_loop3A_1126 : i32
        %parallel_loop3A_1128 = arith.remsi %parallel_loop3A_934, %parallel_loop3A_1111 : i32
        %parallel_loop3A_1129 = arith.constant 0 : i32
        %parallel_loop3A_1130 = arith.cmpi ne, %parallel_loop3A_1128, %parallel_loop3A_1129 : i32
        %parallel_loop3A_1131 = arith.andi %parallel_loop3A_1127, %parallel_loop3A_1130 : i1
        %parallel_loop3A_1132 = arith.constant 1 : i32
        %parallel_loop3A_1133 = arith.subi %parallel_loop3A_1112, %parallel_loop3A_1132 : i32
        %parallel_loop3A_1134 = arith.select %parallel_loop3A_1131, %parallel_loop3A_1133, %parallel_loop3A_1112 : i32
        %parallel_loop3A_1135 = arith.constant 2 : i32
        %parallel_loop3A_1136 = arith.constant 0 : i32
        %parallel_loop3A_1137 = arith.cmpi eq, %parallel_loop3A_1135, %parallel_loop3A_1136 : i32
        %parallel_loop3A_1138 = arith.constant 1 : i32
        %parallel_loop3A_1139 = arith.select %parallel_loop3A_1137, %parallel_loop3A_1138, %parallel_loop3A_1135 : i32
        %parallel_loop3A_1140 = arith.remsi %parallel_loop3A_934, %parallel_loop3A_1139 : i32
        %parallel_loop3A_1141 = arith.constant 0 : i32
        %parallel_loop3A_1142 = arith.cmpi ne, %parallel_loop3A_1140, %parallel_loop3A_1141 : i32
        %parallel_loop3A_1143 = arith.constant 0 : i32
        %parallel_loop3A_1144 = arith.cmpi slt, %parallel_loop3A_1140, %parallel_loop3A_1143 : i32
        %parallel_loop3A_1145 = arith.constant 0 : i32
        %parallel_loop3A_1146 = arith.cmpi slt, %parallel_loop3A_1139, %parallel_loop3A_1145 : i32
        %parallel_loop3A_1147 = arith.xori %parallel_loop3A_1144, %parallel_loop3A_1146 : i1
        %parallel_loop3A_1148 = arith.andi %parallel_loop3A_1147, %parallel_loop3A_1142 : i1
        %parallel_loop3A_1149 = arith.addi %parallel_loop3A_1140, %parallel_loop3A_1139 : i32
        %parallel_loop3A_1150 = arith.select %parallel_loop3A_1148, %parallel_loop3A_1149, %parallel_loop3A_1140 : i32
        %parallel_loop3A_1151 = arith.constant 64 : i32
        %parallel_loop3A_1152 = arith.muli %parallel_loop3A_1150, %parallel_loop3A_1151 : i32
        %parallel_loop3A_1153 = arith.constant 32 : i32
        %parallel_loop3A_1154 = arith.addi %parallel_loop3A_1152, %parallel_loop3A_1153 : i32
        %parallel_loop3A_1155 = arith.constant 0 : i32
        %parallel_loop3A_1156 = arith.constant 0 : i32
        %parallel_loop3A_1157 = tpu.memref_slice %arg9[%parallel_loop3A_912, %parallel_loop3A_1155, %parallel_loop3A_1156] : memref<2x96x128xf32, #tpu.memory_space<vmem>> -> memref<1x96x128xf32, #tpu.memory_space<vmem>>
        %parallel_loop3A_1158 = tpu.memref_squeeze %parallel_loop3A_1157 : memref<1x96x128xf32, #tpu.memory_space<vmem>> -> memref<96x128xf32, #tpu.memory_space<vmem>>
        %parallel_loop3A_1159 = arith.index_cast %parallel_loop3A_1134 : i32 to index
        %parallel_loop3A_1160 = arith.index_cast %parallel_loop3A_1154 : i32 to index
        %parallel_loop3A_1161 = tpu.vector_load %parallel_loop3A_1158[%parallel_loop3A_1159, %parallel_loop3A_1160] {strides = array<i32>} : memref<96x128xf32, #tpu.memory_space<vmem>>, vector<16xf32>,
        tpu.vector_store %parallel_loop3A_1158[%parallel_loop3A_1159, %parallel_loop3A_1160], %parallel_loop3A_1110 {strides = array<i32>} : memref<96x128xf32, #tpu.memory_space<vmem>>, vector<16xf32>,
        %parallel_loop3A_1162 = arith.addi %parallel_loop3A_936, %select_n3A_595 : vector<16xi32>
        %parallel_loop3A_1163 = arith.constant 7 : i32
        %parallel_loop3A_1164 = vector.broadcast %parallel_loop3A_1163 : i32 to vector<16xi32>
        %parallel_loop3A_1165 = arith.shrui %parallel_loop3A_1162, %parallel_loop3A_1164 : vector<16xi32>
        %parallel_loop3A_1166 = arith.constant 127 : i32
        %parallel_loop3A_1167 = vector.broadcast %parallel_loop3A_1166 : i32 to vector<16xi32>
        %parallel_loop3A_1168 = arith.andi %parallel_loop3A_1162, %parallel_loop3A_1167 : vector<16xi32>
        %parallel_loop3A_1169 = arith.constant 0 : i32
        %parallel_loop3A_1170 = arith.constant 0 : i32
        %parallel_loop3A_1171 = tpu.memref_slice %arg8[%parallel_loop3A_911, %parallel_loop3A_1169, %parallel_loop3A_1170] : memref<2x96x128xf32, #tpu.memory_space<vmem>> -> memref<1x96x128xf32, #tpu.memory_space<vmem>>
        %parallel_loop3A_1172 = tpu.memref_squeeze %parallel_loop3A_1171 : memref<1x96x128xf32, #tpu.memory_space<vmem>> -> memref<96x128xf32, #tpu.memory_space<vmem>>
        %parallel_loop3A_1173 = tpu.vector_load_idx %parallel_loop3A_1172[%parallel_loop3A_1165, %parallel_loop3A_1168] : memref<96x128xf32, #tpu.memory_space<vmem>>[vector<16xi32>, vector<16xi32>], vector<16xf32>,
        %parallel_loop3A_1174 = arith.constant 2.550000e+02 : f32
        %parallel_loop3A_1175 = vector.broadcast %parallel_loop3A_1174 : f32 to vector<16xf32>
        %parallel_loop3A_1176 = arith.minimumf %parallel_loop3A_1173, %parallel_loop3A_1175 : vector<16xf32>
        %parallel_loop3A_1177 = arith.constant 0.000000e+00 : f32
        %parallel_loop3A_1178 = vector.broadcast %parallel_loop3A_1177 : f32 to vector<16xf32>
        %parallel_loop3A_1179 = arith.maximumf %parallel_loop3A_1176, %parallel_loop3A_1178 : vector<16xf32>
        %parallel_loop3A_1180 = arith.constant 0x4B400000 : f32
        %parallel_loop3A_1181 = vector.broadcast %parallel_loop3A_1180 : f32 to vector<16xf32>
        %parallel_loop3A_1182 = arith.addf %parallel_loop3A_1179, %parallel_loop3A_1181 : vector<16xf32>
        %parallel_loop3A_1183 = arith.constant 0x4B400000 : f32
        %parallel_loop3A_1184 = vector.broadcast %parallel_loop3A_1183 : f32 to vector<16xf32>
        %parallel_loop3A_1185 = arith.subf %parallel_loop3A_1182, %parallel_loop3A_1184 : vector<16xf32>
        %parallel_loop3A_1186 = arith.constant 2 : i32
        %parallel_loop3A_1187 = arith.divsi %parallel_loop3A_934, %parallel_loop3A_1186 : i32
        %parallel_loop3A_1188 = arith.constant 0 : i32
        %parallel_loop3A_1189 = arith.cmpi sgt, %parallel_loop3A_934, %parallel_loop3A_1188 : i32
        %parallel_loop3A_1190 = arith.extui %parallel_loop3A_1189 : i1 to i32
        %parallel_loop3A_1191 = arith.constant 0 : i32
        %parallel_loop3A_1192 = arith.cmpi slt, %parallel_loop3A_934, %parallel_loop3A_1191 : i32
        %parallel_loop3A_1193 = arith.extui %parallel_loop3A_1192 : i1 to i32
        %parallel_loop3A_1194 = arith.subi %parallel_loop3A_1190, %parallel_loop3A_1193 : i32
        %parallel_loop3A_1195 = arith.constant 0 : i32
        %parallel_loop3A_1196 = arith.cmpi sgt, %parallel_loop3A_1186, %parallel_loop3A_1195 : i32
        %parallel_loop3A_1197 = arith.extui %parallel_loop3A_1196 : i1 to i32
        %parallel_loop3A_1198 = arith.constant 0 : i32
        %parallel_loop3A_1199 = arith.cmpi slt, %parallel_loop3A_1186, %parallel_loop3A_1198 : i32
        %parallel_loop3A_1200 = arith.extui %parallel_loop3A_1199 : i1 to i32
        %parallel_loop3A_1201 = arith.subi %parallel_loop3A_1197, %parallel_loop3A_1200 : i32
        %parallel_loop3A_1202 = arith.cmpi ne, %parallel_loop3A_1194, %parallel_loop3A_1201 : i32
        %parallel_loop3A_1203 = arith.remsi %parallel_loop3A_934, %parallel_loop3A_1186 : i32
        %parallel_loop3A_1204 = arith.constant 0 : i32
        %parallel_loop3A_1205 = arith.cmpi ne, %parallel_loop3A_1203, %parallel_loop3A_1204 : i32
        %parallel_loop3A_1206 = arith.andi %parallel_loop3A_1202, %parallel_loop3A_1205 : i1
        %parallel_loop3A_1207 = arith.constant 1 : i32
        %parallel_loop3A_1208 = arith.subi %parallel_loop3A_1187, %parallel_loop3A_1207 : i32
        %parallel_loop3A_1209 = arith.select %parallel_loop3A_1206, %parallel_loop3A_1208, %parallel_loop3A_1187 : i32
        %parallel_loop3A_1210 = arith.constant 2 : i32
        %parallel_loop3A_1211 = arith.constant 0 : i32
        %parallel_loop3A_1212 = arith.cmpi eq, %parallel_loop3A_1210, %parallel_loop3A_1211 : i32
        %parallel_loop3A_1213 = arith.constant 1 : i32
        %parallel_loop3A_1214 = arith.select %parallel_loop3A_1212, %parallel_loop3A_1213, %parallel_loop3A_1210 : i32
        %parallel_loop3A_1215 = arith.remsi %parallel_loop3A_934, %parallel_loop3A_1214 : i32
        %parallel_loop3A_1216 = arith.constant 0 : i32
        %parallel_loop3A_1217 = arith.cmpi ne, %parallel_loop3A_1215, %parallel_loop3A_1216 : i32
        %parallel_loop3A_1218 = arith.constant 0 : i32
        %parallel_loop3A_1219 = arith.cmpi slt, %parallel_loop3A_1215, %parallel_loop3A_1218 : i32
        %parallel_loop3A_1220 = arith.constant 0 : i32
        %parallel_loop3A_1221 = arith.cmpi slt, %parallel_loop3A_1214, %parallel_loop3A_1220 : i32
        %parallel_loop3A_1222 = arith.xori %parallel_loop3A_1219, %parallel_loop3A_1221 : i1
        %parallel_loop3A_1223 = arith.andi %parallel_loop3A_1222, %parallel_loop3A_1217 : i1
        %parallel_loop3A_1224 = arith.addi %parallel_loop3A_1215, %parallel_loop3A_1214 : i32
        %parallel_loop3A_1225 = arith.select %parallel_loop3A_1223, %parallel_loop3A_1224, %parallel_loop3A_1215 : i32
        %parallel_loop3A_1226 = arith.constant 64 : i32
        %parallel_loop3A_1227 = arith.muli %parallel_loop3A_1225, %parallel_loop3A_1226 : i32
        %parallel_loop3A_1228 = arith.constant 48 : i32
        %parallel_loop3A_1229 = arith.addi %parallel_loop3A_1227, %parallel_loop3A_1228 : i32
        %parallel_loop3A_1230 = arith.constant 0 : i32
        %parallel_loop3A_1231 = arith.constant 0 : i32
        %parallel_loop3A_1232 = tpu.memref_slice %arg9[%parallel_loop3A_912, %parallel_loop3A_1230, %parallel_loop3A_1231] : memref<2x96x128xf32, #tpu.memory_space<vmem>> -> memref<1x96x128xf32, #tpu.memory_space<vmem>>
        %parallel_loop3A_1233 = tpu.memref_squeeze %parallel_loop3A_1232 : memref<1x96x128xf32, #tpu.memory_space<vmem>> -> memref<96x128xf32, #tpu.memory_space<vmem>>
        %parallel_loop3A_1234 = arith.index_cast %parallel_loop3A_1209 : i32 to index
        %parallel_loop3A_1235 = arith.index_cast %parallel_loop3A_1229 : i32 to index
        %parallel_loop3A_1236 = tpu.vector_load %parallel_loop3A_1233[%parallel_loop3A_1234, %parallel_loop3A_1235] {strides = array<i32>} : memref<96x128xf32, #tpu.memory_space<vmem>>, vector<16xf32>,
        tpu.vector_store %parallel_loop3A_1233[%parallel_loop3A_1234, %parallel_loop3A_1235], %parallel_loop3A_1185 {strides = array<i32>} : memref<96x128xf32, #tpu.memory_space<vmem>>, vector<16xf32>,
      } {sc.loop_unroll_factor = 16 : i64, sc.parallel_access}
      %add3A_913 = arith.addi %mul3A_2, %add3A_500 : i32
      %mul3A_914 = arith.constant 96 : i32
      %mul3A_915 = arith.muli %add3A_913, %mul3A_914 : i32
      %dma_start3A_916 = arith.constant 1 : i32
      %dma_start3A_917 = arith.constant 0 : i32
      %dma_start3A_918 = arith.constant 0 : i32
      %dma_start3A_919 = tpu.memref_slice %arg9[%dma_start3A_916, %dma_start3A_917, %dma_start3A_918] : memref<2x96x128xf32, #tpu.memory_space<vmem>> -> memref<1x96x128xf32, #tpu.memory_space<vmem>>
      %dma_start3A_920 = tpu.memref_squeeze %dma_start3A_919 : memref<1x96x128xf32, #tpu.memory_space<vmem>> -> memref<96x128xf32, #tpu.memory_space<vmem>>
      %dma_start3A_921 = arith.constant 0 : i32
      %dma_start3A_922 = tpu.memref_slice %arg5[%mul3A_915, %dma_start3A_921] : memref<98304x128xf32, #tpu.memory_space<hbm>> -> memref<96x128xf32, #tpu.memory_space<hbm>>
      %dma_start3A_923 = arith.constant 0 : i32
      %dma_start3A_924 = tpu.memref_slice %arg5[%mul3A_915, %dma_start3A_923] : memref<98304x128xf32, #tpu.memory_space<hbm>> -> memref<96x128xf32, #tpu.memory_space<hbm>>
      %dma_start3A_925 = arith.constant 0 : i32
      %dma_start3A_926 = arith.constant 0 : i32
      %dma_start3A_927 = tpu.memref_slice %arg9[%dma_start3A_916, %dma_start3A_925, %dma_start3A_926] : memref<2x96x128xf32, #tpu.memory_space<vmem>> -> memref<1x96x128xf32, #tpu.memory_space<vmem>>
      %dma_start3A_928 = tpu.memref_squeeze %dma_start3A_927 : memref<1x96x128xf32, #tpu.memory_space<vmem>> -> memref<96x128xf32, #tpu.memory_space<vmem>>
      tpu.enqueue_dma source(%dma_start3A_928 : memref<96x128xf32, #tpu.memory_space<vmem>>) target(%dma_start3A_924 : memref<96x128xf32, #tpu.memory_space<hbm>>) target_semaphore(%arg14 : memref<!tpu.dma_semaphore, #tpu.memory_space<semaphore_mem>>)
      %lt3A_929 = arith.constant 15 : i32
      %lt3A_930 = arith.cmpi slt, %scan3A_70, %lt3A_929 : i32
      %convert_element_type3A_931 = arith.extui %lt3A_930 : i1 to i32
      %cond3A_932 = arith.constant 0 : i32
      %cond3A_933 = arith.cmpi ne, %convert_element_type3A_931, %cond3A_932 : i32
      scf.if %cond3A_933 {
        %add3A_934 = arith.constant 2 : i32
        %add3A_935 = arith.addi %add3A_500, %add3A_934 : i32
        %add3A_936 = arith.addi %mul3A_2, %add3A_935 : i32
        %mul3A_937 = arith.constant 96 : i32
        %mul3A_938 = arith.muli %add3A_936, %mul3A_937 : i32
        %dma_start3A_939 = arith.constant 1 : i32
        %dma_start3A_940 = arith.constant 0 : i32
        %dma_start3A_941 = arith.constant 0 : i32
        %dma_start3A_942 = tpu.memref_slice %arg8[%dma_start3A_939, %dma_start3A_940, %dma_start3A_941] : memref<2x96x128xf32, #tpu.memory_space<vmem>> -> memref<1x96x128xf32, #tpu.memory_space<vmem>>
        %dma_start3A_943 = tpu.memref_squeeze %dma_start3A_942 : memref<1x96x128xf32, #tpu.memory_space<vmem>> -> memref<96x128xf32, #tpu.memory_space<vmem>>
        %dma_start3A_944 = arith.constant 0 : i32
        %dma_start3A_945 = tpu.memref_slice %arg2[%mul3A_938, %dma_start3A_944] : memref<98304x128xf32, #tpu.memory_space<hbm>> -> memref<96x128xf32, #tpu.memory_space<hbm>>
        %dma_start3A_946 = arith.constant 0 : i32
        %dma_start3A_947 = arith.constant 0 : i32
        %dma_start3A_948 = tpu.memref_slice %arg8[%dma_start3A_939, %dma_start3A_946, %dma_start3A_947] : memref<2x96x128xf32, #tpu.memory_space<vmem>> -> memref<1x96x128xf32, #tpu.memory_space<vmem>>
        %dma_start3A_949 = tpu.memref_squeeze %dma_start3A_948 : memref<1x96x128xf32, #tpu.memory_space<vmem>> -> memref<96x128xf32, #tpu.memory_space<vmem>>
        %dma_start3A_950 = arith.constant 0 : i32
        %dma_start3A_951 = tpu.memref_slice %arg2[%mul3A_938, %dma_start3A_950] : memref<98304x128xf32, #tpu.memory_space<hbm>> -> memref<96x128xf32, #tpu.memory_space<hbm>>
        tpu.enqueue_dma source(%dma_start3A_951 : memref<96x128xf32, #tpu.memory_space<hbm>>) target(%dma_start3A_949 : memref<96x128xf32, #tpu.memory_space<vmem>>) target_semaphore(%arg12 : memref<!tpu.dma_semaphore, #tpu.memory_space<semaphore_mem>>)
      } else {
      }
    }
    %scan3A_40 = arith.constant 16 : i32
    %dma_wait3A = arith.constant 0 : i32
    %dma_wait3A_41 = arith.constant 0 : i32
    %dma_wait3A_42 = arith.constant 0 : i32
    %dma_wait3A_43 = tpu.memref_slice %arg9[%dma_wait3A, %dma_wait3A_41, %dma_wait3A_42] : memref<2x96x128xf32, #tpu.memory_space<vmem>> -> memref<1x96x128xf32, #tpu.memory_space<vmem>>
    %dma_wait3A_44 = tpu.memref_squeeze %dma_wait3A_43 : memref<1x96x128xf32, #tpu.memory_space<vmem>> -> memref<96x128xf32, #tpu.memory_space<vmem>>
    %dma_wait3A_45 = arith.constant 0 : i32
    %dma_wait3A_46 = arith.constant 0 : i32
    %dma_wait3A_47 = tpu.memref_slice %arg5[%dma_wait3A_45, %dma_wait3A_46] : memref<98304x128xf32, #tpu.memory_space<hbm>> -> memref<96x128xf32, #tpu.memory_space<hbm>>
    %dma_wait3A_48 = arith.constant 0 : i32
    %dma_wait3A_49 = arith.constant 0 : i32
    %dma_wait3A_50 = tpu.memref_slice %arg5[%dma_wait3A_48, %dma_wait3A_49] : memref<98304x128xf32, #tpu.memory_space<hbm>> -> memref<96x128xf32, #tpu.memory_space<hbm>>
    %dma_wait3A_51 = arith.constant 0 : i32
    %dma_wait3A_52 = arith.constant 0 : i32
    %dma_wait3A_53 = tpu.memref_slice %arg9[%dma_wait3A, %dma_wait3A_51, %dma_wait3A_52] : memref<2x96x128xf32, #tpu.memory_space<vmem>> -> memref<1x96x128xf32, #tpu.memory_space<vmem>>
    %dma_wait3A_54 = tpu.memref_squeeze %dma_wait3A_53 : memref<1x96x128xf32, #tpu.memory_space<vmem>> -> memref<96x128xf32, #tpu.memory_space<vmem>>
    tpu.wait_dma2 semaphore(%arg13 : memref<!tpu.dma_semaphore, #tpu.memory_space<semaphore_mem>>) src(%dma_wait3A_54 : memref<96x128xf32, #tpu.memory_space<vmem>>) dst(%dma_wait3A_50 : memref<96x128xf32, #tpu.memory_space<hbm>>)
    %dma_wait3A_55 = arith.constant 1 : i32
    %dma_wait3A_56 = arith.constant 0 : i32
    %dma_wait3A_57 = arith.constant 0 : i32
    %dma_wait3A_58 = tpu.memref_slice %arg9[%dma_wait3A_55, %dma_wait3A_56, %dma_wait3A_57] : memref<2x96x128xf32, #tpu.memory_space<vmem>> -> memref<1x96x128xf32, #tpu.memory_space<vmem>>
    %dma_wait3A_59 = tpu.memref_squeeze %dma_wait3A_58 : memref<1x96x128xf32, #tpu.memory_space<vmem>> -> memref<96x128xf32, #tpu.memory_space<vmem>>
    %dma_wait3A_60 = arith.constant 0 : i32
    %dma_wait3A_61 = arith.constant 0 : i32
    %dma_wait3A_62 = tpu.memref_slice %arg5[%dma_wait3A_60, %dma_wait3A_61] : memref<98304x128xf32, #tpu.memory_space<hbm>> -> memref<96x128xf32, #tpu.memory_space<hbm>>
    %dma_wait3A_63 = arith.constant 0 : i32
    %dma_wait3A_64 = arith.constant 0 : i32
    %dma_wait3A_65 = tpu.memref_slice %arg5[%dma_wait3A_63, %dma_wait3A_64] : memref<98304x128xf32, #tpu.memory_space<hbm>> -> memref<96x128xf32, #tpu.memory_space<hbm>>
    %dma_wait3A_66 = arith.constant 0 : i32
    %dma_wait3A_67 = arith.constant 0 : i32
    %dma_wait3A_68 = tpu.memref_slice %arg9[%dma_wait3A_55, %dma_wait3A_66, %dma_wait3A_67] : memref<2x96x128xf32, #tpu.memory_space<vmem>> -> memref<1x96x128xf32, #tpu.memory_space<vmem>>
    %dma_wait3A_69 = tpu.memref_squeeze %dma_wait3A_68 : memref<1x96x128xf32, #tpu.memory_space<vmem>> -> memref<96x128xf32, #tpu.memory_space<vmem>>
    tpu.wait_dma2 semaphore(%arg14 : memref<!tpu.dma_semaphore, #tpu.memory_space<semaphore_mem>>) src(%dma_wait3A_69 : memref<96x128xf32, #tpu.memory_space<vmem>>) dst(%dma_wait3A_65 : memref<96x128xf32, #tpu.memory_space<hbm>>)
    return
  }
}

</mosaic_0001>

<sc_bundles>
// kernel: kernel.3.cloned.1.call-start
scs
__scs_entry_jumppad:
0x0: {  	(pc) =	sbr.rel $0x88, $3  }
0x1: {  	(tag) =	ssettag $0x0;
	lr =	simm.s32 $0x1  }
0x2: {  	[smem:$0x3F9E] =	sst lr;
	_ =	strace $0xD0000000  }
0x3: {  	_ = 	snop  }
0x4: {  	_ = 	snop  }
0x5: {  	_ = 	snop  }
0x6: {  	_ = 	snop  }
0x7: {  	_ = 	snop  }
__scs_overlays_trampoline_lowered:
0x8: {  	[smem:$0x3FAD] =	sst s0  }
0x9: {  	[smem:$0x3FAE] =	sst s1  }
0xa: {  	[smem:$0x3FAF] =	sst s2  }
0xb: {  	[smem:$0x3FB0] =	sst s3  }
0xc: {  	[smem:$0x3FB1] =	sst s4  }
0xd: {  	[smem:$0x3FB2] =	sst s5  }
0xe: {  	[smem:$0x3FB3] =	sst s6  }
0xf: {  	[smem:$0x3FB4] =	sst s7  }
0x10: {  	[smem:$0x3FB5] =	sst s8  }
0x11: {  	[smem:$0x3FB6] =	sst s9;
	s0 =	simm.s32 @!p0 $0x0  }
0x12: {  	s1 =	sld [smem:$0x3F9C];
	s0 =	simm.s32 @p0 $0x1  }
0x13: {  	[smem:$0x3FB7] =	sst s0;
	s0 =	simm.s32 @!p1 $0x0  }
0x14: {  	s2 =	sld [smem:$0x3F9B];
	s0 =	simm.s32 @p1 $0x1  }
0x15: {  	[smem:$0x3FB8] =	sst s0;
	s0 =	simm.s32 @!p2 $0x0  }
0x16: {  	s3 =	sld [smem:$0x3FDB];
	s0 =	simm.s32 @p2 $0x1  }
0x17: {  	s4 =	simm.s32 $0x1BF5;
	[smem:$0x3FBA] =	sst s0  }
0x18: {  	s0 =	sld [smem:$0x3F9D];
	_ =	swait.ge [sflag:s4], $0x0  }
0x19: {  	s7 =	sld [smem:$0x3F9E]  }
0x1a: {  	s8 =	sadd.s32 $0xFFFFE003, lr  }
0x1b: {  	s9 =	sadd.s32 $0xFFFFFEF7, lr;
	s5 =	simm.s32 $0xFFFFFFFF;
	p2 =	slt.u32 s8, $0xFFFFF086  }
0x1c: {  	p1 =	slt.u32 s9, $0xF7A;
	s5 =	simm.s32 @!p2 $0x0  }
0x1d: {  	s5 =	simm.s32 @p1 $0x1;
	p0 =	seq.s32 s7, s2  }
0x1e: {  	s7 =	smul.u32 @!p0 $0xF7A, s2;
	p2 =	seq.s32 @!p0 s5, $0x0  }
0x1f: {  	s9 =	smul.u32 $0xF7A, s1;
	s8 =	simm.s32 @!p0 $0x1BF5;
	p2 =	por !p2, p0  }
0x20: {  	[sflag:s8] =	ssyncset.s32 @!p0 $0xFFFFF086;
	s6 =	sadd.s32 @!p0 s3, s7;
	s7 =	simm.s32 @!p0 $0x108  }
0x21: {  	s3 =	sadd.s32 s3, s9;
	s6 =	sadd.s32 @!p0 $0x88, s6;
	s7 =	simm.s32 @p2 $0x1082  }
0x22: {  	[simem:s7], [sflag:s8] =	dma.local @!p0 [hbm:s6], $0xF7A  }
0x23: {  	s9 =	sor.u32 $0xD0000000, s2;
	s6 =	simm.s32 $0x108;
	_ =	swait.ge @!p0 [sflag:s8], $0x0  }
0x24: {  	s3 =	sadd.s32 $0x88, s3;
	s6 =	simm.s32 @!p1 $0x1082;
	[sflag:s4] =	ssyncset.s32 $0xFFFFF086  }
0x25: {  	[simem:s6], [sflag:s4] =	dma.local [hbm:s3], $0xF7A  }
0x26: {  	[smem:$0x3F9E] =	sst s1;
	(tag) =	ssettag s2;
	_ =	strace s9  }
0x27: {  	s1 =	sld [smem:$0x3FAE]  }
0x28: {  	s2 =	sld [smem:$0x3FAF]  }
0x29: {  	s4 =	sld [smem:$0x3FB1]  }
0x2a: {  	p0 =	seq.s32 s5, $0x0;
	s5 =	sld [smem:$0x3FB2]  }
0x2b: {  	s6 =	sld [smem:$0x3FB3]  }
0x2c: {  	s7 =	sld [smem:$0x3FB4]  }
0x2d: {  	s3 =	simm.s32 $0x108;
	s8 =	sld [smem:$0x3FB5]  }
0x2e: {  	s3 =	simm.s32 @!p0 $0x1082;
	s9 =	sld [smem:$0x3FB6]  }
0x2f: {  	lr =	sadd.s32 s0, s3;
	s0 =	sld [smem:$0x3FAD]  }
0x30: {  	s3 =	sld [smem:$0x3FB0]  }
0x31: {  	[smem:$0x3FB9] =	sst s10  }
0x32: {  	s10 =	sld [smem:$0x3FB7];
	_ =	sdelay $0x3  }
0x33: {  	p0 =	seq.s32 s10, $0x1;
	s10 =	sld [smem:$0x3FB9];
	_ =	sdelay $0x3  }
0x34: {  	[smem:$0x3FB9] =	sst s10  }
0x35: {  	s10 =	sld [smem:$0x3FB8];
	_ =	sdelay $0x3  }
0x36: {  	p1 =	seq.s32 s10, $0x1;
	s10 =	sld [smem:$0x3FB9];
	_ =	sdelay $0x3  }
0x37: {  	[smem:$0x3FB9] =	sst s10  }
0x38: {  	s10 =	sld [smem:$0x3FBA]  }
0x39: {  	_ = 	snop;
	(pc) =	sbr.ind lr, $3  }
0x3a: {  	_ = 	snop  }
0x3b: {  	_ = 	snop  }
0x3c: {  	p2 =	seq.s32 s10, $0x1;
	s10 =	sld [smem:$0x3FB9]  }
0x3d: {  	_ =	shalt  }
0x3e: {  	_ =	shalt  }
0x3f: {  	_ =	shalt  }
0x40: {  	_ =	shalt  }
0x41: {  	_ =	shalt  }
0x42: {  	_ =	shalt  }
0x43: {  	_ =	shalt  }
0x44: {  	_ =	shalt  }
0x45: {  	_ =	shalt  }
0x46: {  	_ =	shalt  }
0x47: {  	_ =	shalt  }
0x48: {  	_ =	shalt  }
0x49: {  	_ =	shalt  }
0x4a: {  	_ =	shalt  }
0x4b: {  	_ =	shalt  }
0x4c: {  	_ =	shalt  }
0x4d: {  	_ =	shalt  }
0x4e: {  	_ =	shalt  }
0x4f: {  	_ =	shalt  }
0x50: {  	_ =	shalt  }
0x51: {  	_ =	shalt  }
0x52: {  	_ =	shalt  }
0x53: {  	_ =	shalt  }
0x54: {  	_ =	shalt  }
0x55: {  	_ =	shalt  }
0x56: {  	_ =	shalt  }
0x57: {  	_ =	shalt  }
0x58: {  	_ =	shalt  }
0x59: {  	_ =	shalt  }
0x5a: {  	_ =	shalt  }
0x5b: {  	_ =	shalt  }
0x5c: {  	_ =	shalt  }
0x5d: {  	_ =	shalt  }
0x5e: {  	_ =	shalt  }
0x5f: {  	_ =	shalt  }
0x60: {  	_ =	shalt  }
0x61: {  	_ =	shalt  }
0x62: {  	_ =	shalt  }
0x63: {  	_ =	shalt  }
0x64: {  	_ =	shalt  }
0x65: {  	_ =	shalt  }
0x66: {  	_ =	shalt  }
0x67: {  	_ =	shalt  }
0x68: {  	_ =	shalt  }
0x69: {  	_ =	shalt  }
0x6a: {  	_ =	shalt  }
0x6b: {  	_ =	shalt  }
0x6c: {  	_ =	shalt  }
0x6d: {  	_ =	shalt  }
0x6e: {  	_ =	shalt  }
0x6f: {  	_ =	shalt  }
0x70: {  	_ =	shalt  }
0x71: {  	_ =	shalt  }
0x72: {  	_ =	shalt  }
0x73: {  	_ =	shalt  }
0x74: {  	_ =	shalt  }
0x75: {  	_ =	shalt  }
0x76: {  	_ =	shalt  }
0x77: {  	_ =	shalt  }
0x78: {  	_ =	shalt  }
0x79: {  	_ =	shalt  }
0x7a: {  	_ =	shalt  }
0x7b: {  	_ =	shalt  }
0x7c: {  	_ =	shalt  }
0x7d: {  	_ =	shalt  }
0x7e: {  	_ =	shalt  }
0x7f: {  	_ =	shalt  }
0x80: {  	_ =	shalt  }
0x81: {  	_ =	shalt  }
0x82: {  	_ =	shalt  }
0x83: {  	_ =	shalt  }
0x84: {  	_ =	shalt  }
0x85: {  	_ =	shalt  }
0x86: {  	_ =	shalt  }
0x87: {  	_ =	shalt  }
.Lfunc_end0:
.L_simem_size_0:
called_computation.1_lowered:
.L_overlay_start_0:
0x88: {  	s2 =	sld [smem:$0x3FD9]  }
0x89: {  	s3 =	sld [smem:$0x3FFE];
	_ =	sdelay $0x1  }
0x8a: {  	s1 =	srdreg.scid  }
0x8b: {  	s0 =	sand.u32 $0x1, s1  }
0x8c: {  	s17 =	sshll.u32 s0, $0xA;
	s2 =	sadd.s32 s3, s2  }
0x8d: {  	s2 =	sadd.s32 s2, s17  }
0x8e: {  	[smem:$0x3FC5] =	sst s2  }
0x8f: {  	_ = 	snop  }
0x90: {  	s2 =	sld [smem:$0x3FC8]  }
0x91: {  	s18 =	sld [smem:$0x3FC7]  }
0x92: {  	s4 =	sld [smem:$0x3FD0];
	(tm) =	ssettm $0x1  }
0x93: {  	s5 =	sld [smem:$0x3FFB];
	_ =	sdelay $0x3  }
0x94: {  	_ =	strace s5  }
0x95: {  	s5 =	sld [smem:$0x3FFC];
	_ =	sdelay $0x3  }
0x96: {  	_ =	strace s5  }
0x97: {  	s5 =	sld [smem:$0x3FFD];
	_ =	sdelay $0x3  }
0x98: {  	_ =	strace s5  }
0x99: {  	_ =	strace $0x8FFFFFFF  }
0x9a: {  	s19 =	sld [smem:$0x3FDB];
	_ =	sdelay $0x1  }
0x9b: {  	s6 =	simm.s32 $_scs_section_size  }
0x9c: {  	s7 =	simm.s32 $_size__tile_overlayer_lowered;
	s8 =	simm.s32 $_tile_overlayer_lowered  }
0x9d: {  	s22 =	simm.s32 $0x1BFF;
	s21 =	sshll.u32 s8, $0x1;
	s5 =	sadd.s32 s6, s19  }
0x9e: {  	s9 =	simm.s32 $0x0;
	s20 =	sshll.u32 s7, $0x1;
	s7 =	sadd.s32 s21, s5  }
0x9f: {  	[timem:s9], [sflag:s22] =	dma.local [hbm:s7], s20  }
0xa0: {  	_ =	swait.ge [sflag:s22], s20  }
0xa1: {  	s6 =	ssub.s32 $0x0, s20;
	[sflag:s22] =	ssyncset.done $0x0  }
0xa2: {  	[sflag:s22] =	ssyncadd.s32 s6;
	_ =	sdelay $0x1  }
0xa3: {  	s23 =	simm.s32 $0x1B8B  }
0xa4: {  	_ =	swait.ge [sflag:s23], $0x1  }
0xa5: {  	[sflag:s23] =	ssyncset.done $0x0  }
0xa6: {  	s25 =	simm.s32 $0x1B8E;
	s24 =	sld [smem:$0x3FFE];
	[sflag:s23] =	ssyncadd.s32 $0xFFFFFFFF  }
0xa7: {  	s26 =	simm.s32 $execute0_lowered;
	[smem:$0x3FD2] =	sst s25  }
0xa8: {  	s7 =	sshll.u32 s26, $0x1;
	_ =	strace $0x80000046;
	[dreg:$0x1] =	wrdreg $0xFFFFFFFF  }
0xa9: {  	s28 =	simm.s32 $_size_execute0_lowered;
	s5 =	sadd.s32 s5, s7;
	[dreg:$0x0] =	wrdreg $0x0  }
0xaa: {  	s7 =	sshll.u32 s28, $0x1;
	[dreg:$0x2] =	wrdreg s5  }
0xab: {  	[dreg:$0x3] =	wrdreg s7  }
0xac: {  	[dreg:$0x4] =	wrdreg $0xC0  }
0xad: {  	_ =	task [dreg:s9], $0x5FFFF  }
0xae: {  	[dreg:$0x1] =	wrdreg $0xFFFFFFFF  }
0xaf: {  	[dreg:$0x0] =	wrdreg $0x60  }
0xb0: {  	[dreg:$0x2] =	wrdreg s4  }
0xb1: {  	[dreg:$0x3] =	wrdreg s2  }
0xb2: {  	[dreg:$0x4] =	wrdreg s18  }
0xb3: {  	[dreg:$0x5] =	wrdreg s24  }
0xb4: {  	[dreg:$0x6] =	wrdreg $0x9  }
0xb5: {  	_ =	task.clear_ibuf [dreg:s9], $0x7FFFF;
	_ =	strace $0x90000046  }
0xb6: {  	s29 =	simm.s32 $0x9;
	_ =	strace $0x80000048  }
0xb7: {  	_ =	swait.ge [sflag:s29], $0x1  }
0xb8: {  	[sflag:s29] =	ssyncadd.s32 $0xFFFFFFFF  }
0xb9: {  	_ =	strace $0x90000048  }
0xba: {  	_ =	sfence  }
0xbb: {  	s30 =	sld [smem:$0x0];
	_ =	sdelay $0x2  }
0xbc: {  	s31 =	sshll.u32 s1, $0xD;
	s1 =	sshrl.u32 s1, $0x2  }
0xbd: {  	s3 =	sand.u32 $0x4000, s31;
	s1 =	sadd.s32 s1, s30  }
0xbe: {  	s0 =	sor.u32 s3, s0;
	s1 =	sshll.u32 s1, $0x11  }
0xbf: {  	s0 =	sor.u32 s1, s0  }
0xc0: {  	s0 =	sadd.s32 $0x8F2B, s0  }
0xc1: {  	[sflag:s0] =	ssyncadd.remote.s32 $0x1  }
0xc2: {  	_ =	sfence.sel $0xFFFF  }
0xc3: {  	[dreg:$0x0] =	wrdreg $0xFFFFFFFF;
	(pc) =	sbr.abs _section_cstart, $3  }
0xc4: {  	[dreg:$0x1] =	wrdreg $0xFFFFFFFF  }
0xc5: {  	_ =	task.clear_ibuf [dreg:s9], $0x2FFFF;
	_ =	strace $0x9FFFFFFF  }
0xc6: {  	(tm) =	ssettm $0x7FFFFFFF  }
0xc7: {  	_ =	shalt  }
tec
execute0_lowered:
.L_overlay_start_1:
0x0: {  	(tag) =	ssettag $0x1  }
0x1: {  	s1 =	rddreg [dreg:$0x0]  }
0x2: {  	s7 =	rddreg [dreg:$0x1]  }
0x3: {  	s8 =	rddreg [dreg:$0x2]  }
0x4: {  	s4 =	rddreg [dreg:$0x3]  }
0x5: {  	s3 =	srdreg.scid;
	s2 =	stileid.u32  }
0x6: {  	s13 =	simm.s32 $0x5;
	s14 =	simm.s32 $0x80;
	s15 =	simm.s32 $0x100  }
0x7: {  	v6 =	vlaneseq.u32;
	s16 =	simm.s32 $0x3100;
	s5 =	sand.u32 $0x1, s3;
	s3 =	simm.s32 $0x0  }
0x8: {  	s17 =	simm.s32 $0x1;
	s18 =	simm.s32 $0xC100;
	v0 =	vadd.s32 $0xFFFFFFFD, v6;
	[smem:$0x7FF] =	sst s3  }
0x9: {  	s19 =	simm.s32 $0x6100;
	s20 =	simm.s32 $0x2;
	v58 =	vadd.s32 $0xD, v6;
	_ =	strace $0x80000047;
	[tilespmem:$0x1FF80] =	vst v0  }
0xa: {  	s21 =	simm.s32 $0x9100;
	s22 =	simm.s32 $0x3;
	s23 =	simm.s32 $0x4;
	v7 =	vmul.u32 $0xFFFFFFFF, v6;
	v60 =	vadd.s32 $0x1D, v6;
	[tilespmem:$0x1FFA0] =	vst v58  }
0xb: {  	s24 =	simm.s32 $0x0;
	s6 =	sshll.u32 s2, $0x1;
	s4 =	sadd.s32 $0x800, s4;
	v62 =	vadd.s32 $0x2D, v6;
	[tilespmem:$0x1FFC0] =	vst v60  }
.Ltmp0:
0xc: {  	s9 =	ssub.s32 $0x2, s5;
	s6 =	sor.u32 s5, s6;
	v57 =	vadd.s32 $0x3, v7;
	[tilespmem:$0x1FFE0] =	vst v62;
	(pc) =	sbr.rel .LBB2_1-.Ltmp0, $4  }
0xd: {  	s30 =	sshrl.u32 s9, $0x1;
	s10 =	smul.u32 $0xC000, s6;
	s31 =	sshll.u32 s6, $0x2;
	v59 =	vadd.s32 $0xFFFFFFF3, v7;
	[tilespmem:$0x1FF90] =	vst v57  }
0xe: {  	s5 =	sshll.u32 s6, $0x5;
	v61 =	vadd.s32 $0xFFFFFFE3, v7;
	s12 =	ssub.s32 s9, s30;
	s7 =	sadd.s32 s7, s31;
	[tilespmem:$0x1FFB0] =	vst v59  }
0xf: {  	v63 =	vadd.s32 $0xFFFFFFD3, v7;
	s8 =	sadd.s32 s8, s31;
	s11 =	sor.u32 $0x3, s5;
	[tilespmem:$0x1FFD0] =	vst v61;
	s6 =	sadd.s32 s1, s10  }
0x10: {  	[tilespmem:$0x1FFF0] =	vst v63;
	s10 =	sor.u32 $0x2, s5;
	s12 =	smax.u32 s12, $0x1;
	s9 =	sadd.s32 $0x600, s6  }
.LBB2_8:
0x11: {  	s24 =	sadd.s32 $0x1, s24  }
0x12: {  	_ =	swait.ge [sflag:s22], $0x3000;
	p0 =	sne.s32 s24, s12  }
.Ltmp1:
0x13: {  	[sflag:s22] =	ssyncset.done $0x0;
	(pc) =	sbr.rel @!p0 .LBB2_9-.Ltmp1, $4  }
0x14: {  	[sflag:s22] =	ssyncadd.s32 $0xFFFFD000  }
0x15: {  	_ =	swait.ge [sflag:s23], $0x3000  }
0x16: {  	[sflag:s23] =	ssyncset.done $0x0  }
0x17: {  	[sflag:s23] =	ssyncadd.s32 $0xFFFFD000  }
.LBB2_1:
0x18: {  	[tilespmem:s3], [sflag:$0x5] =	stream.linear.gather [hbm4b:s7+s3], $0x20, $0x38;
	[tilespmem:$0xC200] =	vst v63  }
0x19: {  	_ =	swait.ge [sflag:s13], $0x20  }
0x1a: {  	[sflag:s13] =	ssyncset.done $0x0  }
0x1b: {  	[sflag:s13] =	ssyncadd.s32 $0xFFFFFFE0  }
0x1c: {  	[tilespmem:s14], [sflag:$0x5] =	stream.linear.gather [hbm4b:s8+s3], $0x20, $0x38;
	[tilespmem:$0xC200] =	vst v63  }
0x1d: {  	_ =	swait.ge [sflag:s13], $0x20  }
0x1e: {  	[sflag:s13] =	ssyncset.done $0x0  }
0x1f: {  	[sflag:s13] =	ssyncadd.s32 $0xFFFFFFE0  }
0x20: {  	[tilespmem:s15], [sflag:$0x1] =	stream.linear.gather [hbm4b:s6+s3], $0x3000, $0x38;
	[tilespmem:$0xC200] =	vst v63  }
0x21: {  	s25 =	simm.s32 $0x0  }
0x22: {  	[tilespmem:s16], [sflag:$0x2] =	stream.linear.gather [hbm4b:s9+s3], $0x3000, $0x38;
	[tilespmem:$0xC200] =	vst v63  }
.LBB2_2:
0x23: {  	s26 =	sshll.u32 s25, $0x1  }
0x24: {  	_ =	swait.ge [sflag:s17], $0x3000;
	v8 =	vmov s26  }
0x25: {  	p0 =	seq.s32 s25, $0x0;
	[sflag:s17] =	ssyncset.done $0x0;
	v8 =	vand.u32 $0xFFFFFFFE, v8  }
0x26: {  	s28 =	simm.s32 @!p0 $0x3;
	[sflag:s17] =	ssyncadd.s32 $0xFFFFD000;
	v9 =	vbroadcast v8, $0x0  }
0x27: {  	_ =	swait.ge @!p0 [sflag:s28], $0x3000  }
0x28: {  	v0 =	vld [tilespmem:$0x1FF80]  }
0x29: {  	v1 =	vld [tilespmem:$0x1FF90]  }
0x2a: {  	[sflag:s28] =	ssyncset.done @!p0 $0x0;
	v2 =	vld [tilespmem:$0x1FFA0]  }
0x2b: {  	v57 =	vld [tilespmem:$0x1FFD0];
	[sflag:s28] =	ssyncadd.s32 @!p0 $0xFFFFD000  }
0x2c: {  	s28 =	simm.s32 $0x0;
	v8 =	vld.idx.msk [tilespmem:v9+s14+$0x0], $0xffff  }
0x2d: {  	s29 =	simm.s32 $0x1;
	v9 =	vld.idx.msk [tilespmem:v9+s28+$0x0], $0xffff  }
0x2e: {  	v21 =	vmov s29;
	v58 =	vld [tilespmem:$0x1FFE0]  }
0x2f: {  	s29 =	simm.s32 $0x10;
	v21 =	vand.u32 $0xFFFFFFF1, v21  }
0x30: {  	v61 =	vmov s29;
	v21 =	vbroadcast v21, $0x0  }
0x31: {  	v3 =	vld [tilespmem:$0x1FFB0];
	v10 =	vadd.s32 v0, v8;
	v11 =	vsub.s32 v1, v8;
	v12 =	vadd.s32 v2, v8  }
0x32: {  	v4 =	vld [tilespmem:$0x1FFC0];
	v15 =	vsub.s32 v1, v9;
	v16 =	vadd.s32 v2, v9;
	v18 =	vsub.s32 v57, v9  }
0x33: {  	v19 =	vadd.s32 v58, v9;
	v60 =	vadd.s32 v58, v8;
	vm0 =	vlt.s32 v10, $0x0  }
0x34: {  	vm5 =	vlt.s32 v12, $0x0;
	vm7 =	vlt.s32 v16, $0x0;
	v10 =	vsel vm0, v11, v10  }
0x35: {  	vm10 =	vlt.s32 v19, $0x0;
	vm1 =	vgt.s32 v10, $0x3F;
	v13 =	vsub.s32 $0x7E, v10  }
0x36: {  	v11 =	vsub.s32 v3, v8;
	v10 =	vsel vm1, v13, v10;
	v13 =	vadd.s32 v0, v9  }
0x37: {  	v59 =	vld [tilespmem:$0x1FFF0];
	v11 =	vsel vm5, v11, v12;
	v12 =	vadd.s32 v4, v8;
	vm6 =	vlt.s32 v13, $0x0  }
0x38: {  	vm8 =	vlt.s32 v12, $0x0;
	v13 =	vsel vm6, v15, v13;
	v15 =	vsub.s32 v3, v9  }
0x39: {  	vm2 =	vgt.s32 v13, $0x3F;
	v17 =	vsub.s32 $0x7E, v13;
	v15 =	vsel vm7, v15, v16  }
0x3a: {  	v13 =	vsel vm2, v17, v13;
	vm1 =	vgt.s32 v15, $0x3F;
	v16 =	vsub.s32 $0x7E, v15  }
0x3b: {  	v17 =	vsub.s32 v57, v8;
	v15 =	vsel vm1, v16, v15;
	v16 =	vadd.s32 v4, v9  }
0x3c: {  	v13 =	vshll.u32 v13, $0x6;
	v9 =	vsub.s32 v59, v9;
	vm9 =	vlt.s32 v16, $0x0  }
0x3d: {  	v15 =	vshll.u32 v15, $0x6;
	v9 =	vsel vm10, v9, v19;
	[tilespmem:$0xC100] =	vst v13;
	v16 =	vsel vm9, v18, v16  }
0x3e: {  	[tilespmem:$0xC110] =	vst v15;
	v19 =	vadd.s32 $0x1000, v15;
	vm11 =	vgt.s32 v16, $0x3F;
	v18 =	vsub.s32 $0x7E, v16  }
0x3f: {  	v17 =	vsel vm8, v17, v12;
	v15 =	vadd.s32 $0x2000, v15;
	[tilespmem:$0xC150] =	vst v19;
	v16 =	vsel vm11, v18, v16  }
0x40: {  	vm12 =	vgt.s32 v9, $0x3F;
	[tilespmem:$0xC190] =	vst v15;
	v18 =	vsub.s32 $0x7E, v9;
	v12 =	vshll.u32 v16, $0x6  }
0x41: {  	vm14 =	vlt.s32 v60, $0x0;
	v9 =	vsel vm12, v18, v9;
	v18 =	vadd.s32 $0x1000, v13;
	[tilespmem:$0xC120] =	vst v12  }
0x42: {  	vm0 =	vgt.s32 v11, $0x3F;
	v14 =	vsub.s32 $0x7E, v11;
	v13 =	vadd.s32 $0x2000, v13;
	[tilespmem:$0xC140] =	vst v18  }
0x43: {  	v11 =	vsel vm0, v14, v11;
	v8 =	vsub.s32 v59, v8;
	v9 =	vshll.u32 v9, $0x6;
	[tilespmem:$0xC180] =	vst v13  }
0x44: {  	v8 =	vsel vm14, v8, v60;
	vm13 =	vgt.s32 v17, $0x3F;
	v20 =	vadd.s32 $0x1000, v12;
	[tilespmem:$0xC130] =	vst v9  }
0x45: {  	vm15 =	vgt.s32 v8, $0x3F;
	v19 =	vmov s28;
	s28 =	simm.s32 $0xF;
	v12 =	vadd.s32 $0x2000, v12;
	[tilespmem:$0xC160] =	vst v20  }
0x46: {  	v19 =	vand.u32 $0xFFFFFFF0, v19;
	v18 =	vadd.s32 $0x1000, v9;
	v20 =	vmov s28;
	s28 =	simm.s32 $0x2;
	[tilespmem:$0xC1A0] =	vst v12  }
0x47: {  	v19 =	vbroadcast v19, $0x0;
	v9 =	vadd.s32 $0x2000, v9;
	[tilespmem:$0xC170] =	vst v18;
	v18 =	vmov s28;
	s28 =	simm.s32 $0x3  }
0x48: {  	v14 =	vsub.s32 $0x7E, v8;
	[tilespmem:$0xC1B0] =	vst v9;
	v13 =	vand.u32 $0xFFFFFFF2, v18;
	v18 =	vmov s28;
	s28 =	simm.s32 $0x4  }
0x49: {  	v43 =	vld.idx.msk [tilespmem:v21+s18+$0x0], $0xffff;
	v15 =	vbroadcast v13, $0x0;
	v13 =	vand.u32 $0xFFFFFFF3, v18;
	v18 =	vmov s28;
	s28 =	simm.s32 $0x5  }
0x4a: {  	v22 =	vbroadcast v13, $0x0;
	v12 =	vand.u32 $0xFFFFFFF4, v18;
	v13 =	vmov s28;
	s28 =	simm.s32 $0x6  }
0x4b: {  	v9 =	vbroadcast v12, $0x0;
	v12 =	vand.u32 $0xFFFFFFF5, v13;
	v13 =	vmov s28  }
0x4c: {  	v8 =	vsel vm15, v14, v8;
	v16 =	vsub.s32 $0x7E, v17;
	s28 =	simm.s32 $0x7;
	v25 =	vld.idx.msk [tilespmem:v20+s18+$0x0], $0xffff;
	v23 =	vand.u32 $0xFFFFFFF6, v13  }
0x4d: {  	v18 =	vbroadcast v12, $0x0;
	v24 =	vmov s28;
	s28 =	simm.s32 $0x8;
	v13 =	vld.idx.msk [tilespmem:v19+s18+$0x0], $0xffff;
	v19 =	vbroadcast v23, $0x0  }
0x4e: {  	v20 =	vand.u32 $0xFFFFFFF7, v24;
	v23 =	vmov s28;
	s28 =	simm.s32 $0x9;
	v28 =	vadd.s32 v8, v43  }
0x4f: {  	v33 =	vadd.s32 v10, v43;
	v21 =	vand.u32 $0xFFFFFFF8, v23;
	v23 =	vmov s28  }
0x50: {  	v2 =	vadd.s32 v11, v43;
	s28 =	simm.s32 $0xA;
	v44 =	vld.idx.msk [tilespmem:v15+s18+$0x0], $0xffff;
	v15 =	vbroadcast v21, $0x0;
	v21 =	vand.u32 $0xFFFFFFF9, v23  }
0x51: {  	v20 =	vbroadcast v20, $0x0;
	v23 =	vmov s28;
	s28 =	simm.s32 $0xB;
	v21 =	vbroadcast v21, $0x0  }
0x52: {  	v45 =	vld.idx.msk [tilespmem:v22+s18+$0x0], $0xffff;
	v22 =	vand.u32 $0xFFFFFFFA, v23;
	v23 =	vmov s28;
	s28 =	simm.s32 $0xC;
	v31 =	vadd.s32 v10, v25  }
0x53: {  	v34 =	vadd.s32 v11, v25;
	v46 =	vld.idx.msk [tilespmem:v9+s18+$0x0], $0xffff;
	v9 =	vand.u32 $0xFFFFFFFB, v23;
	v23 =	vmov s28  }
0x54: {  	v22 =	vbroadcast v22, $0x0;
	s28 =	simm.s32 $0xD;
	v47 =	vld.idx.msk [tilespmem:v18+s18+$0x0], $0xffff;
	v18 =	vbroadcast v9, $0x0;
	v9 =	vand.u32 $0xFFFFFFFC, v23  }
0x55: {  	v48 =	vld.idx.msk [tilespmem:v19+s18+$0x0], $0xffff;
	v19 =	vbroadcast v9, $0x0;
	v9 =	vsel vm13, v16, v17;
	v16 =	vmov s28  }
0x56: {  	v32 =	vadd.s32 v10, v13;
	v39 =	vadd.s32 v11, v13;
	v14 =	vand.u32 $0xFFFFFFFD, v16  }
0x57: {  	v49 =	vld.idx.msk [tilespmem:v20+s18+$0x0], $0xffff;
	v27 =	vadd.s32 v9, v25;
	v29 =	vadd.s32 v9, v13;
	v26 =	vadd.s32 v8, v44  }
0x58: {  	v55 =	vadd.s32 v10, v44;
	v42 =	vadd.s32 v9, v43;
	v41 =	vadd.s32 v9, v44;
	v50 =	vld.idx.msk [tilespmem:v15+s18+$0x0], $0xffff  }
0x59: {  	s28 =	simm.s32 $0xE;
	v12 =	vadd.s32 v11, v44;
	v16 =	vbroadcast v14, $0x0;
	v14 =	vadd.s32 v8, v45;
	v51 =	vld.idx.msk [tilespmem:v21+s18+$0x0], $0xffff  }
0x5a: {  	v15 =	vmov s28;
	v56 =	vadd.s32 v10, v45;
	v40 =	vadd.s32 v9, v45;
	v52 =	vld.idx.msk [tilespmem:v22+s18+$0x0], $0xffff;
	[tilespmem:$0x1FF70] =	vst v61  }
0x5b: {  	v15 =	vand.u32 $0xFFFFFFFE, v15;
	v23 =	vadd.s32 v8, v46;
	v57 =	vadd.s32 v10, v46;
	v53 =	vld.idx.msk [tilespmem:v18+s18+$0x0], $0xffff  }
0x5c: {  	v37 =	vadd.s32 v9, v46;
	v46 =	vadd.s32 v11, v46;
	v30 =	vbroadcast v15, $0x0;
	v58 =	vld.idx.msk [tilespmem:v31+s15+$0x0], $0xffff  }
0x5d: {  	v22 =	vadd.s32 v8, v47;
	v60 =	vadd.s32 v10, v47;
	v36 =	vadd.s32 v9, v47;
	v59 =	vld.idx.msk [tilespmem:v32+s15+$0x0], $0xffff  }
0x5e: {  	v47 =	vadd.s32 v11, v47;
	v21 =	vadd.s32 v8, v48;
	v35 =	vadd.s32 v9, v48;
	v61 =	vld.idx.msk [tilespmem:v33+s15+$0x0], $0xffff  }
0x5f: {  	v62 =	vadd.s32 v10, v48;
	v48 =	vadd.s32 v11, v48;
	v54 =	vld.idx.msk [tilespmem:v19+s18+$0x0], $0xffff;
	v20 =	vadd.s32 v8, v49  }
0x60: {  	v33 =	vadd.s32 v9, v49;
	v55 =	vld.idx.msk [tilespmem:v55+s15+$0x0], $0xffff;
	v63 =	vadd.s32 v10, v49;
	v49 =	vadd.s32 v11, v49  }
0x61: {  	v19 =	vadd.s32 v8, v50;
	v32 =	vadd.s32 v9, v50;
	v56 =	vld.idx.msk [tilespmem:v56+s15+$0x0], $0xffff;
	v44 =	vadd.s32 v10, v50  }
0x62: {  	v50 =	vadd.s32 v11, v50;
	v18 =	vadd.s32 v8, v51;
	v31 =	vadd.s32 v9, v51;
	v43 =	vld.idx.msk [tilespmem:v57+s15+$0x0], $0xffff  }
0x63: {  	v57 =	vadd.s32 v11, v45;
	v17 =	vadd.s32 v8, v52;
	v45 =	vld.idx.msk [tilespmem:v60+s15+$0x0], $0xffff;
	v60 =	vadd.s32 v10, v51  }
0x64: {  	v24 =	vld.idx.msk [tilespmem:v16+s18+$0x0], $0xffff;
	v3 =	vadd.s32 v10, v52;
	v51 =	vadd.s32 v11, v51;
	v16 =	vadd.s32 v8, v53  }
0x65: {  	v38 =	vld.idx.msk [tilespmem:v30+s18+$0x0], $0xffff;
	v30 =	vadd.s32 v9, v52;
	v4 =	vadd.s32 v10, v53;
	v58 =	vclamp.gez.f32 v58, $2.550000000e+02  }
0x66: {  	v59 =	vclamp.gez.f32 v59, $2.550000000e+02;
	v61 =	vclamp.gez.f32 v61, $2.550000000e+02;
	v52 =	vadd.s32 v11, v52  }
0x67: {  	v62 =	vld.idx.msk [tilespmem:v62+s15+$0x0], $0xffff;
	v15 =	vadd.s32 v8, v54;
	v5 =	vadd.s32 v10, v54;
	v58 =	vadd.f32 $1.258291200e+07, v58  }
0x68: {  	v55 =	vclamp.gez.f32 v55, $2.550000000e+02;
	v59 =	vadd.f32 $1.258291200e+07, v59;
	v61 =	vadd.f32 $1.258291200e+07, v61  }
0x69: {  	v63 =	vld.idx.msk [tilespmem:v63+s15+$0x0], $0xffff;
	v56 =	vclamp.gez.f32 v56, $2.550000000e+02;
	v55 =	vadd.f32 $1.258291200e+07, v55;
	v6 =	vadd.s32 v10, v24  }
0x6a: {  	v44 =	vld.idx.msk [tilespmem:v44+s15+$0x0], $0xffff;
	v43 =	vclamp.gez.f32 v43, $2.550000000e+02;
	v58 =	vadd.f32 $-1.258291200e+07, v58;
	v56 =	vadd.f32 $1.258291200e+07, v56  }
0x6b: {  	v61 =	vadd.f32 $-1.258291200e+07, v61;
	v60 =	vld.idx.msk [tilespmem:v60+s15+$0x0], $0xffff;
	v45 =	vclamp.gez.f32 v45, $2.550000000e+02;
	v43 =	vadd.f32 $1.258291200e+07, v43  }
0x6c: {  	s28 =	simm.s32 $0x6300;
	v3 =	vld.idx.msk [tilespmem:v3+s15+$0x0], $0xffff;
	v55 =	vadd.f32 $-1.258291200e+07, v55;
	v0 =	vadd.s32 v10, v38;
	v62 =	vclamp.gez.f32 v62, $2.550000000e+02  }
0x6d: {  	v4 =	vld.idx.msk [tilespmem:v4+s15+$0x0], $0xffff;
	v7 =	vadd.f32 $1.258291200e+07, v45;
	v45 =	vadd.s32 v11, v38;
	v56 =	vadd.f32 $-1.258291200e+07, v56;
	[tilespmem:s28+$0xFFFFFE40] =	vst v61  }
0x6e: {  	v63 =	vclamp.gez.f32 v63, $2.550000000e+02;
	v62 =	vadd.f32 $1.258291200e+07, v62;
	[tilespmem:s28+$0xFFFFFE80] =	vst v55;
	v2 =	vld.idx.msk [tilespmem:v2+s15+$0x0], $0xffff;
	v55 =	vadd.f32 $-1.258291200e+07, v59  }
0x6f: {  	v63 =	vadd.f32 $1.258291200e+07, v63;
	v44 =	vclamp.gez.f32 v44, $2.550000000e+02;
	v7 =	vadd.f32 $-1.258291200e+07, v7;
	v12 =	vld.idx.msk [tilespmem:v12+s15+$0x0], $0xffff  }
0x70: {  	v6 =	vld.idx.msk [tilespmem:v6+s15+$0x0], $0xffff;
	v44 =	vadd.f32 $1.258291200e+07, v44;
	v62 =	vadd.f32 $-1.258291200e+07, v62;
	[tilespmem:s28+$0xFFFFFE00] =	vst v55;
	v60 =	vclamp.gez.f32 v60, $2.550000000e+02  }
0x71: {  	v3 =	vclamp.gez.f32 v3, $2.550000000e+02;
	v63 =	vadd.f32 $-1.258291200e+07, v63;
	v39 =	vld.idx.msk [tilespmem:v39+s15+$0x0], $0xffff;
	v60 =	vadd.f32 $1.258291200e+07, v60  }
0x72: {  	[tilespmem:s28+$0xFFFFFF40] =	vst v7;
	v0 =	vld.idx.msk [tilespmem:v0+s15+$0x0], $0xffff;
	v3 =	vadd.f32 $1.258291200e+07, v3;
	v4 =	vclamp.gez.f32 v4, $2.550000000e+02;
	v44 =	vadd.f32 $-1.258291200e+07, v44  }
0x73: {  	[tilespmem:s28+$0xFFFFFF80] =	vst v62;
	v47 =	vld.idx.msk [tilespmem:v47+s15+$0x0], $0xffff;
	v1 =	vadd.f32 $1.258291200e+07, v4;
	v2 =	vclamp.gez.f32 v2, $2.550000000e+02;
	v7 =	vadd.f32 $-1.258291200e+07, v60  }
0x74: {  	v59 =	vadd.s32 v11, v24;
	[tilespmem:s28+$0xFFFFFEC0] =	vst v56;
	v48 =	vld.idx.msk [tilespmem:v48+s15+$0x0], $0xffff;
	v3 =	vadd.f32 $-1.258291200e+07, v3;
	v2 =	vadd.f32 $1.258291200e+07, v2  }
0x75: {  	[tilespmem:s28+$0xFFFFFFC0] =	vst v63;
	v12 =	vclamp.gez.f32 v12, $2.550000000e+02;
	v6 =	vclamp.gez.f32 v6, $2.550000000e+02;
	v1 =	vadd.f32 $-1.258291200e+07, v1  }
0x76: {  	v4 =	vadd.s32 v9, v53;
	[tilespmem:s28+$0x0] =	vst v44;
	v62 =	vld.idx.msk [tilespmem:v49+s15+$0x0], $0xffff;
	v12 =	vadd.f32 $1.258291200e+07, v12;
	v6 =	vadd.f32 $1.258291200e+07, v6  }
0x77: {  	[tilespmem:s28+$0x40] =	vst v7;
	v7 =	vld.idx.msk [tilespmem:v50+s15+$0x0], $0xffff;
	v2 =	vadd.f32 $-1.258291200e+07, v2;
	v39 =	vclamp.gez.f32 v39, $2.550000000e+02;
	v0 =	vclamp.gez.f32 v0, $2.550000000e+02  }
0x78: {  	v5 =	vld.idx.msk [tilespmem:v5+s15+$0x0], $0xffff;
	[tilespmem:s28+$0x80] =	vst v3;
	v12 =	vadd.f32 $-1.258291200e+07, v12;
	v47 =	vclamp.gez.f32 v47, $2.550000000e+02;
	v39 =	vadd.f32 $1.258291200e+07, v39  }
0x79: {  	v63 =	vld.idx.msk [tilespmem:v51+s15+$0x0], $0xffff;
	[tilespmem:s28+$0xC0] =	vst v1;
	v0 =	vadd.f32 $1.258291200e+07, v0;
	v6 =	vadd.f32 $-1.258291200e+07, v6;
	v48 =	vclamp.gez.f32 v48, $2.550000000e+02  }
0x7a: {  	v53 =	vadd.s32 v11, v53;
	v52 =	vld.idx.msk [tilespmem:v52+s15+$0x0], $0xffff;
	v47 =	vadd.f32 $1.258291200e+07, v47;
	[tilespmem:s28+$0xFFFFFE50] =	vst v2;
	v48 =	vadd.f32 $1.258291200e+07, v48  }
0x7b: {  	v44 =	vclamp.gez.f32 v62, $2.550000000e+02;
	[tilespmem:s28+$0xFFFFFE90] =	vst v12;
	v39 =	vadd.f32 $-1.258291200e+07, v39;
	v0 =	vadd.f32 $-1.258291200e+07, v0  }
0x7c: {  	v12 =	vld.idx.msk [tilespmem:v42+s15+$0x0], $0xffff;
	[tilespmem:s28+$0x140] =	vst v6;
	v47 =	vadd.f32 $-1.258291200e+07, v47;
	v44 =	vadd.f32 $1.258291200e+07, v44;
	v7 =	vclamp.gez.f32 v7, $2.550000000e+02  }
0x7d: {  	v59 =	vld.idx.msk [tilespmem:v59+s15+$0x0], $0xffff;
	v48 =	vadd.f32 $-1.258291200e+07, v48;
	[tilespmem:s28+$0x180] =	vst v0;
	v0 =	vclamp.gez.f32 v5, $2.550000000e+02;
	v5 =	vadd.f32 $-1.258291200e+07, v43  }
0x7e: {  	v43 =	vadd.s32 v9, v54;
	v54 =	vadd.s32 v11, v54;
	v7 =	vadd.f32 $1.258291200e+07, v7;
	[tilespmem:s28+$0xFFFFFF50] =	vst v47;
	v45 =	vld.idx.msk [tilespmem:v45+s15+$0x0], $0xffff  }
0x7f: {  	v3 =	vclamp.gez.f32 v63, $2.550000000e+02;
	v44 =	vadd.f32 $-1.258291200e+07, v44;
	v1 =	vclamp.gez.f32 v52, $2.550000000e+02;
	[tilespmem:s28+$0xFFFFFF90] =	vst v48;
	v36 =	vld.idx.msk [tilespmem:v36+s15+$0x0], $0xffff  }
0x80: {  	v61 =	vadd.f32 $1.258291200e+07, v0;
	v0 =	vadd.s32 v9, v24;
	v3 =	vadd.f32 $1.258291200e+07, v3;
	[tilespmem:s28+$0xFFFFFF00] =	vst v5;
	v5 =	vld.idx.msk [tilespmem:v57+s15+$0x0], $0xffff  }
0x81: {  	[tilespmem:s28+$0x1C0] =	vst v58;
	v1 =	vadd.f32 $1.258291200e+07, v1;
	v7 =	vadd.f32 $-1.258291200e+07, v7;
	v35 =	vld.idx.msk [tilespmem:v35+s15+$0x0], $0xffff;
	v12 =	vclamp.gez.f32 v12, $2.550000000e+02  }
0x82: {  	[tilespmem:s28+$0xFFFFFFD0] =	vst v44;
	v46 =	vld.idx.msk [tilespmem:v46+s15+$0x0], $0xffff;
	v60 =	vadd.f32 $-1.258291200e+07, v61;
	v61 =	vadd.s32 v9, v38;
	v12 =	vadd.f32 $1.258291200e+07, v12  }
0x83: {  	v3 =	vadd.f32 $-1.258291200e+07, v3;
	v1 =	vadd.f32 $-1.258291200e+07, v1;
	v33 =	vld.idx.msk [tilespmem:v33+s15+$0x0], $0xffff;
	v49 =	vclamp.gez.f32 v59, $2.550000000e+02;
	[tilespmem:s28+$0x10] =	vst v7  }
0x84: {  	[tilespmem:s28+$0x100] =	vst v60;
	v60 =	vld.idx.msk [tilespmem:v34+s15+$0x0], $0xffff;
	v42 =	vadd.f32 $1.258291200e+07, v49;
	v12 =	vadd.f32 $-1.258291200e+07, v12;
	v45 =	vclamp.gez.f32 v45, $2.550000000e+02  }
0x85: {  	v52 =	vld.idx.msk [tilespmem:v32+s15+$0x0], $0xffff;
	v36 =	vclamp.gez.f32 v36, $2.550000000e+02;
	v45 =	vadd.f32 $1.258291200e+07, v45;
	v5 =	vclamp.gez.f32 v5, $2.550000000e+02  }
0x86: {  	[tilespmem:s28+$0x50] =	vst v3;
	v6 =	vld.idx.msk [tilespmem:v54+s15+$0x0], $0xffff;
	v50 =	vadd.f32 $-1.258291200e+07, v42;
	v55 =	vadd.f32 $1.258291200e+07, v36;
	v35 =	vclamp.gez.f32 v35, $2.550000000e+02  }
0x87: {  	v54 =	vld.idx.msk [tilespmem:v31+s15+$0x0], $0xffff;
	v5 =	vadd.f32 $1.258291200e+07, v5;
	v46 =	vclamp.gez.f32 v46, $2.550000000e+02;
	v56 =	vadd.f32 $1.258291200e+07, v35  }
0x88: {  	v53 =	vld.idx.msk [tilespmem:v53+s15+$0x0], $0xffff;
	[tilespmem:s28+$0xFFFFFE10] =	vst v39;
	v33 =	vclamp.gez.f32 v33, $2.550000000e+02;
	v45 =	vadd.f32 $-1.258291200e+07, v45;
	v46 =	vadd.f32 $1.258291200e+07, v46  }
0x89: {  	v63 =	vld.idx.msk [tilespmem:v41+s15+$0x0], $0xffff;
	v24 =	vadd.s32 v8, v24;
	[tilespmem:s28+$0x90] =	vst v1;
	v33 =	vadd.f32 $1.258291200e+07, v33;
	v5 =	vadd.f32 $-1.258291200e+07, v5  }
0x8a: {  	v58 =	vld.idx.msk [tilespmem:v29+s15+$0x0], $0xffff;
	[tilespmem:s28+$0xFFFFFE60] =	vst v12;
	v2 =	vclamp.gez.f32 v60, $2.550000000e+02;
	v3 =	vclamp.gez.f32 v52, $2.550000000e+02;
	v29 =	vadd.f32 $-1.258291200e+07, v56  }
0x8b: {  	v30 =	vld.idx.msk [tilespmem:v30+s15+$0x0], $0xffff;
	[tilespmem:s28+$0x150] =	vst v50;
	v46 =	vadd.f32 $-1.258291200e+07, v46;
	v6 =	vclamp.gez.f32 v6, $2.550000000e+02;
	v2 =	vadd.f32 $1.258291200e+07, v2  }
0x8c: {  	v0 =	vld.idx.msk [tilespmem:v0+s15+$0x0], $0xffff;
	[tilespmem:s28+$0x190] =	vst v45;
	v3 =	vadd.f32 $1.258291200e+07, v3;
	v1 =	vclamp.gez.f32 v54, $2.550000000e+02;
	v6 =	vadd.f32 $1.258291200e+07, v6  }
0x8d: {  	v57 =	vld.idx.msk [tilespmem:v61+s15+$0x0], $0xffff;
	v61 =	vclamp.gez.f32 v53, $2.550000000e+02;
	[tilespmem:s28+$0xFFFFFED0] =	vst v5;
	v1 =	vadd.f32 $1.258291200e+07, v1;
	v2 =	vadd.f32 $-1.258291200e+07, v2  }
0x8e: {  	v5 =	vclamp.gez.f32 v63, $2.550000000e+02;
	v34 =	vadd.f32 $1.258291200e+07, v61;
	[tilespmem:s28+$0xFFFFFF10] =	vst v46;
	v3 =	vadd.f32 $-1.258291200e+07, v3  }
0x8f: {  	v38 =	vadd.s32 v8, v38;
	v60 =	vld.idx.msk [tilespmem:v28+s15+$0x0], $0xffff;
	v5 =	vadd.f32 $1.258291200e+07, v5;
	v6 =	vadd.f32 $-1.258291200e+07, v6;
	[tilespmem:s28+$0x1D0] =	vst v2  }
0x90: {  	v59 =	vclamp.gez.f32 v30, $2.550000000e+02;
	v28 =	vadd.f32 $-1.258291200e+07, v33;
	v40 =	vld.idx.msk [tilespmem:v40+s15+$0x0], $0xffff;
	v1 =	vadd.f32 $-1.258291200e+07, v1;
	[tilespmem:s28+$0x20] =	vst v3  }
0x91: {  	v37 =	vld.idx.msk [tilespmem:v37+s15+$0x0], $0xffff;
	v34 =	vadd.f32 $-1.258291200e+07, v34;
	v5 =	vadd.f32 $-1.258291200e+07, v5;
	v0 =	vclamp.gez.f32 v0, $2.550000000e+02;
	[tilespmem:s28+$0x110] =	vst v6  }
0x92: {  	v2 =	vclamp.gez.f32 v58, $2.550000000e+02;
	v12 =	vld.idx.msk [tilespmem:v27+s15+$0x0], $0xffff;
	v27 =	vadd.f32 $1.258291200e+07, v59;
	v0 =	vadd.f32 $1.258291200e+07, v0;
	[tilespmem:s28+$0x60] =	vst v1  }
0x93: {  	v2 =	vadd.f32 $1.258291200e+07, v2;
	v63 =	vld.idx.msk [tilespmem:v19+s15+$0x0], $0xffff;
	v62 =	vclamp.gez.f32 v57, $2.550000000e+02;
	[tilespmem:s28+$0xD0] =	vst v34;
	v34 =	vadd.f32 $-1.258291200e+07, v55  }
0x94: {  	v57 =	vld.idx.msk [tilespmem:v43+s15+$0x0], $0xffff;
	[tilespmem:s28+$0xFFFFFEA0] =	vst v5;
	v5 =	vclamp.gez.f32 v60, $2.550000000e+02;
	v45 =	vadd.f32 $1.258291200e+07, v62;
	v27 =	vadd.f32 $-1.258291200e+07, v27  }
0x95: {  	[tilespmem:s28+$0xFFFFFFA0] =	vst v29;
	v18 =	vld.idx.msk [tilespmem:v18+s15+$0x0], $0xffff;
	v51 =	vclamp.gez.f32 v40, $2.550000000e+02;
	v2 =	vadd.f32 $-1.258291200e+07, v2;
	v0 =	vadd.f32 $-1.258291200e+07, v0  }
0x96: {  	[tilespmem:s28+$0xFFFFFFE0] =	vst v28;
	v4 =	vld.idx.msk [tilespmem:v4+s15+$0x0], $0xffff;
	v5 =	vadd.f32 $1.258291200e+07, v5;
	v53 =	vadd.f32 $1.258291200e+07, v51;
	v37 =	vclamp.gez.f32 v37, $2.550000000e+02  }
0x97: {  	v62 =	vld.idx.msk [tilespmem:v20+s15+$0x0], $0xffff;
	[tilespmem:s28+$0xFFFFFF60] =	vst v34;
	v41 =	vadd.f32 $-1.258291200e+07, v45;
	v31 =	vadd.f32 $1.258291200e+07, v37  }
0x98: {  	v13 =	vadd.s32 v8, v13;
	v21 =	vld.idx.msk [tilespmem:v21+s15+$0x0], $0xffff;
	v5 =	vadd.f32 $-1.258291200e+07, v5;
	[tilespmem:s28+$0x160] =	vst v0;
	v6 =	vadd.f32 $-1.258291200e+07, v53  }
0x99: {  	v12 =	vclamp.gez.f32 v12, $2.550000000e+02;
	v34 =	vld.idx.msk [tilespmem:v24+s15+$0x0], $0xffff;
	v1 =	vclamp.gez.f32 v63, $2.550000000e+02;
	[tilespmem:s28+$0x1A0] =	vst v41;
	v31 =	vadd.f32 $-1.258291200e+07, v31  }
0x9a: {  	[tilespmem:s28+$0xA0] =	vst v27;
	v61 =	vclamp.gez.f32 v57, $2.550000000e+02;
	v12 =	vadd.f32 $1.258291200e+07, v12;
	v18 =	vclamp.gez.f32 v18, $2.550000000e+02;
	v7 =	vld.idx.msk [tilespmem:v38+s15+$0x0], $0xffff  }
0x9b: {  	v1 =	vadd.f32 $1.258291200e+07, v1;
	v4 =	vclamp.gez.f32 v4, $2.550000000e+02;
	[tilespmem:s28+$0xFFFFFEE0] =	vst v6;
	v6 =	vld.idx.msk [tilespmem:v26+s15+$0x0], $0xffff;
	v26 =	vadd.f32 $1.258291200e+07, v61  }
0x9c: {  	v32 =	vld.idx.msk [tilespmem:v17+s15+$0x0], $0xffff;
	v3 =	vclamp.gez.f32 v62, $2.550000000e+02;
	v18 =	vadd.f32 $1.258291200e+07, v18;
	v4 =	vadd.f32 $1.258291200e+07, v4  }
0x9d: {  	v14 =	vld.idx.msk [tilespmem:v14+s15+$0x0], $0xffff;
	[tilespmem:s28+$0xFFFFFF20] =	vst v31;
	v12 =	vadd.f32 $-1.258291200e+07, v12;
	v3 =	vadd.f32 $1.258291200e+07, v3  }
0x9e: {  	v20 =	vclamp.gez.f32 v21, $2.550000000e+02;
	v1 =	vadd.f32 $-1.258291200e+07, v1;
	v23 =	vld.idx.msk [tilespmem:v23+s15+$0x0], $0xffff;
	v26 =	vadd.f32 $-1.258291200e+07, v26  }
0x9f: {  	[tilespmem:s28+$0xFFFFFE20] =	vst v2;
	v4 =	vadd.f32 $-1.258291200e+07, v4;
	v3 =	vadd.f32 $-1.258291200e+07, v3;
	v2 =	vclamp.gez.f32 v34, $2.550000000e+02  }
0xa0: {  	v22 =	vld.idx.msk [tilespmem:v22+s15+$0x0], $0xffff;
	[tilespmem:s28+$0x120] =	vst v26;
	v43 =	vadd.f32 $1.258291200e+07, v2;
	v7 =	vclamp.gez.f32 v7, $2.550000000e+02;
	v6 =	vclamp.gez.f32 v6, $2.550000000e+02  }
0xa1: {  	v13 =	vld.idx.msk [tilespmem:v13+s15+$0x0], $0xffff;
	[tilespmem:s28+$0xE0] =	vst v4;
	v4 =	vclamp.gez.f32 v32, $2.550000000e+02;
	v7 =	vadd.f32 $1.258291200e+07, v7;
	v6 =	vadd.f32 $1.258291200e+07, v6  }
0xa2: {  	v15 =	vld.idx.msk [tilespmem:v15+s15+$0x0], $0xffff;
	v14 =	vclamp.gez.f32 v14, $2.550000000e+02;
	v4 =	vadd.f32 $1.258291200e+07, v4;
	v47 =	vadd.f32 $-1.258291200e+07, v43  }
0xa3: {  	v14 =	vadd.f32 $1.258291200e+07, v14;
	v19 =	vclamp.gez.f32 v23, $2.550000000e+02;
	v7 =	vadd.f32 $-1.258291200e+07, v7  }
0xa4: {  	v21 =	vadd.s32 v8, v25;
	v6 =	vadd.f32 $-1.258291200e+07, v6;
	v17 =	vadd.f32 $1.258291200e+07, v19  }
0xa5: {  	v19 =	vclamp.gez.f32 v22, $2.550000000e+02;
	v4 =	vadd.f32 $-1.258291200e+07, v4;
	v14 =	vadd.f32 $-1.258291200e+07, v14  }
0xa6: {  	s29 =	simm.s32 $0x1F;
	v22 =	vclamp.gez.f32 v13, $2.550000000e+02;
	v13 =	vld [tilespmem:$0x1FF70];
	v19 =	vadd.f32 $1.258291200e+07, v19;
	v33 =	vadd.f32 $-1.258291200e+07, v17  }
0xa7: {  	s30 =	simm.s32 $0x12;
	v17 =	vadd.f32 $1.258291200e+07, v20;
	v20 =	vmov s29;
	v15 =	vclamp.gez.f32 v15, $2.550000000e+02  }
0xa8: {  	s29 =	simm.s32 $0x11;
	[tilespmem:s28+$0x1B0] =	vst v7;
	v7 =	vmov s30;
	v35 =	vadd.f32 $-1.258291200e+07, v19;
	v37 =	vadd.f32 $1.258291200e+07, v15  }
0xa9: {  	v23 =	vmov s29;
	v7 =	vand.u32 $0xFFFFFFF2, v7;
	v36 =	vadd.f32 $-1.258291200e+07, v17  }
0xaa: {  	s29 =	simm.s32 $0x13;
	v17 =	vadd.f32 $-1.258291200e+07, v18;
	v23 =	vand.u32 $0xFFFFFFF1, v23;
	v38 =	vbroadcast v7, $0x0  }
0xab: {  	[tilespmem:s28+$0x1E0] =	vst v12;
	v12 =	vmov s29;
	s29 =	simm.s32 $0x14;
	v13 =	vand.u32 $0xFFFFFFF0, v13;
	v23 =	vbroadcast v23, $0x0  }
0xac: {  	[tilespmem:s28+$0xFFFFFE70] =	vst v5;
	v7 =	vand.u32 $0xFFFFFFF3, v12;
	v12 =	vmov s29;
	s29 =	simm.s32 $0x15;
	v13 =	vbroadcast v13, $0x0  }
0xad: {  	v16 =	vld.idx.msk [tilespmem:v16+s15+$0x0], $0xffff;
	[tilespmem:s28+$0xFFFFFEB0] =	vst v6;
	v6 =	vbroadcast v7, $0x0;
	v7 =	vand.u32 $0xFFFFFFF4, v12;
	v12 =	vmov s29;
	s29 =	simm.s32 $0x16  }
0xae: {  	v21 =	vld.idx.msk [tilespmem:v21+s15+$0x0], $0xffff;
	[tilespmem:s28+$0xFFFFFEF0] =	vst v14;
	v7 =	vbroadcast v7, $0x0;
	v12 =	vand.u32 $0xFFFFFFF5, v12;
	v14 =	vmov s29;
	s29 =	simm.s32 $0x17  }
0xaf: {  	[tilespmem:s28+$0xFFFFFFF0] =	vst v3;
	v20 =	vld.idx.msk [tilespmem:v20+s18+$0x0], $0xffff;
	v39 =	vbroadcast v12, $0x0;
	v14 =	vand.u32 $0xFFFFFFF6, v14;
	v40 =	vmov s29;
	s29 =	simm.s32 $0x18  }
0xb0: {  	[tilespmem:s28+$0x30] =	vst v1;
	v14 =	vbroadcast v14, $0x0;
	v12 =	vand.u32 $0xFFFFFFF7, v40;
	v15 =	vmov s29;
	s29 =	simm.s32 $0x19;
	v49 =	vld.idx.msk [tilespmem:v38+s18+$0x0], $0xffff  }
0xb1: {  	[tilespmem:s28+$0xFFFFFF30] =	vst v33;
	v12 =	vbroadcast v12, $0x0;
	v15 =	vand.u32 $0xFFFFFFF8, v15;
	v18 =	vmov s29;
	s29 =	simm.s32 $0x1A;
	v33 =	vld.idx.msk [tilespmem:v23+s18+$0x0], $0xffff  }
0xb2: {  	[tilespmem:s28+$0x170] =	vst v47;
	v41 =	vbroadcast v15, $0x0;
	v42 =	vand.u32 $0xFFFFFFF9, v18;
	v15 =	vmov s29;
	v13 =	vld.idx.msk [tilespmem:v13+s18+$0x0], $0xffff  }
0xb3: {  	[tilespmem:s28+$0xB0] =	vst v4;
	v16 =	vclamp.gez.f32 v16, $2.550000000e+02;
	v50 =	vld.idx.msk [tilespmem:v6+s18+$0x0], $0xffff;
	v44 =	vbroadcast v42, $0x0;
	v45 =	vand.u32 $0xFFFFFFFA, v15  }
0xb4: {  	v16 =	vadd.f32 $1.258291200e+07, v16;
	[tilespmem:s28+$0xFFFFFF70] =	vst v35;
	v51 =	vld.idx.msk [tilespmem:v7+s18+$0x0], $0xffff;
	v5 =	vbroadcast v45, $0x0  }
0xb5: {  	v46 =	vadd.f32 $-1.258291200e+07, v37;
	[tilespmem:s28+$0xFFFFFFB0] =	vst v36;
	s29 =	simm.s32 $0x1B;
	v6 =	vadd.f32 $1.258291200e+07, v22;
	v15 =	vclamp.gez.f32 v21, $2.550000000e+02;
	v52 =	vld.idx.msk [tilespmem:v39+s18+$0x0], $0xffff  }
0xb6: {  	v16 =	vadd.f32 $-1.258291200e+07, v16;
	[tilespmem:s28+$0x70] =	vst v17;
	v59 =	vmov s29;
	v7 =	vadd.f32 $1.258291200e+07, v15;
	v53 =	vld.idx.msk [tilespmem:v14+s18+$0x0], $0xffff  }
0xb7: {  	s30 =	simm.s32 $0x1D;
	[tilespmem:s28+$0x130] =	vst v46;
	s29 =	simm.s32 $0x1C;
	v60 =	vand.u32 $0xFFFFFFFB, v59;
	v48 =	vadd.f32 $-1.258291200e+07, v6;
	v54 =	vld.idx.msk [tilespmem:v12+s18+$0x0], $0xffff  }
0xb8: {  	[tilespmem:s28+$0xF0] =	vst v16;
	v61 =	vmov s29;
	v6 =	vadd.f32 $-1.258291200e+07, v7;
	v7 =	vmov s30;
	v56 =	vld.idx.msk [tilespmem:v41+s18+$0x0], $0xffff  }
0xb9: {  	v62 =	vand.u32 $0xFFFFFFFC, v61;
	v14 =	vbroadcast v60, $0x0;
	[tilespmem:s28+$0xFFFFFE30] =	vst v48;
	v63 =	vand.u32 $0xFFFFFFFD, v7;
	v42 =	vld.idx.msk [tilespmem:v44+s18+$0x0], $0xffff  }
0xba: {  	s29 =	simm.s32 $0x20;
	v16 =	vbroadcast v62, $0x0;
	s30 =	simm.s32 $0x1E;
	[tilespmem:s28+$0x1F0] =	vst v6;
	v30 =	vbroadcast v63, $0x0;
	v23 =	vld.idx.msk [tilespmem:v5+s18+$0x0], $0xffff  }
.LBB2_3:
0xbb: {  	v0 =	vmov s29  }
0xbc: {  	v55 =	vmov s30;
	v27 =	vadd.s32 v8, v50;
	v63 =	vadd.s32 v10, v50  }
0xbd: {  	s31 =	sadd.s32 $0xF, s29;
	v46 =	vadd.s32 v9, v50;
	v50 =	vadd.s32 v11, v50;
	[tilespmem:$0x1FF50] =	vst v0;
	v0 =	vand.u32 $0xFFFFFFFE, v55  }
0xbe: {  	v1 =	vmov s31;
	v0 =	vbroadcast v0, $0x0;
	v28 =	vadd.s32 v9, v20  }
0xbf: {  	v60 =	vadd.s32 v10, v20;
	v38 =	vadd.s32 v11, v20;
	v2 =	vadd.s32 v10, v13  }
0xc0: {  	v44 =	vadd.s32 v11, v13;
	v31 =	vadd.s32 v9, v13;
	v29 =	vadd.s32 v8, v49  }
0xc1: {  	v58 =	vld.idx.msk [tilespmem:v14+s18+$0x0], $0xffff;
	v26 =	vadd.s32 v8, v51;
	v25 =	vadd.s32 v8, v52;
	v24 =	vadd.s32 v8, v53  }
0xc2: {  	v57 =	vld.idx.msk [tilespmem:v16+s18+$0x0], $0xffff;
	v22 =	vadd.s32 v8, v54;
	v21 =	vadd.s32 v8, v56;
	v14 =	vadd.s32 v8, v42  }
0xc3: {  	v3 =	vadd.s32 v10, v33;
	v16 =	vadd.s32 v8, v23;
	v61 =	vadd.s32 v10, v49  }
0xc4: {  	v55 =	vld.idx.msk [tilespmem:v30+s18+$0x0], $0xffff;
	v48 =	vadd.s32 v9, v33;
	v47 =	vadd.s32 v9, v49;
	v45 =	vadd.s32 v9, v51  }
0xc5: {  	[tilespmem:$0x1FF60] =	vst v1;
	v6 =	vadd.s32 v10, v52;
	v43 =	vadd.s32 v9, v52;
	v40 =	vadd.s32 v9, v53  }
0xc6: {  	v7 =	vadd.s32 v10, v53;
	v39 =	vadd.s32 v9, v54;
	v37 =	vadd.s32 v9, v56;
	v41 =	vld.idx.msk [tilespmem:v0+s18+$0x0], $0xffff  }
0xc7: {  	v59 =	vadd.s32 v10, v54;
	v36 =	vadd.s32 v9, v42;
	v5 =	vadd.s32 v8, v57;
	v0 =	vld.idx.msk [tilespmem:v63+s15+$0x0], $0xffff  }
0xc8: {  	v35 =	vadd.s32 v9, v23;
	[tilespmem:$0x1FF30] =	vst v5;
	v5 =	vadd.s32 v10, v51;
	v1 =	vld.idx.msk [tilespmem:v60+s15+$0x0], $0xffff  }
0xc9: {  	v49 =	vadd.s32 v11, v49;
	v52 =	vadd.s32 v11, v52;
	v53 =	vadd.s32 v11, v53;
	v2 =	vld.idx.msk [tilespmem:v2+s15+$0x0], $0xffff  }
0xca: {  	v54 =	vadd.s32 v11, v54;
	v12 =	vadd.s32 v10, v23;
	v4 =	vadd.s32 v8, v58;
	v3 =	vld.idx.msk [tilespmem:v3+s15+$0x0], $0xffff  }
0xcb: {  	[tilespmem:$0x1FF20] =	vst v4;
	v62 =	vadd.s32 v8, v55;
	v4 =	vld.idx.msk [tilespmem:v61+s15+$0x0], $0xffff;
	v60 =	vadd.s32 v10, v41  }
0xcc: {  	v15 =	vadd.s32 v11, v42;
	[tilespmem:$0x1FF40] =	vst v62;
	v62 =	vadd.s32 v10, v56;
	v6 =	vld.idx.msk [tilespmem:v6+s15+$0x0], $0xffff  }
0xcd: {  	v17 =	vadd.s32 v10, v58;
	v32 =	vadd.s32 v9, v57;
	v18 =	vadd.s32 v10, v57;
	v5 =	vld.idx.msk [tilespmem:v5+s15+$0x0], $0xffff  }
0xce: {  	v19 =	vadd.s32 v10, v55;
	v51 =	vadd.s32 v11, v51;
	v63 =	vadd.s32 v10, v42;
	v7 =	vld.idx.msk [tilespmem:v7+s15+$0x0], $0xffff  }
0xcf: {  	v61 =	vadd.s32 v11, v33;
	v59 =	vld.idx.msk [tilespmem:v59+s15+$0x0], $0xffff;
	v0 =	vclamp.gez.f32 v0, $2.550000000e+02;
	v1 =	vclamp.gez.f32 v1, $2.550000000e+02  }
0xd0: {  	v2 =	vclamp.gez.f32 v2, $2.550000000e+02;
	v3 =	vclamp.gez.f32 v3, $2.550000000e+02;
	v0 =	vadd.f32 $1.258291200e+07, v0;
	v60 =	vld.idx.msk [tilespmem:v60+s15+$0x0], $0xffff  }
0xd1: {  	v62 =	vld.idx.msk [tilespmem:v62+s15+$0x0], $0xffff;
	v4 =	vclamp.gez.f32 v4, $2.550000000e+02;
	v1 =	vadd.f32 $1.258291200e+07, v1;
	v3 =	vadd.f32 $1.258291200e+07, v3  }
0xd2: {  	v4 =	vadd.f32 $1.258291200e+07, v4;
	v0 =	vadd.f32 $-1.258291200e+07, v0;
	v5 =	vclamp.gez.f32 v5, $2.550000000e+02  }
0xd3: {  	v63 =	vld.idx.msk [tilespmem:v63+s15+$0x0], $0xffff;
	v42 =	vadd.f32 $-1.258291200e+07, v1;
	v1 =	vadd.f32 $1.258291200e+07, v2;
	v2 =	vclamp.gez.f32 v6, $2.550000000e+02  }
0xd4: {  	v6 =	vclamp.gez.f32 v7, $2.550000000e+02;
	v7 =	vld.idx.msk [tilespmem:v12+s15+$0x0], $0xffff;
	v12 =	vclamp.gez.f32 v59, $2.550000000e+02;
	v3 =	vadd.f32 $-1.258291200e+07, v3  }
0xd5: {  	v17 =	vld.idx.msk [tilespmem:v17+s15+$0x0], $0xffff;
	v4 =	vadd.f32 $-1.258291200e+07, v4;
	v5 =	vadd.f32 $1.258291200e+07, v5;
	v60 =	vclamp.gez.f32 v60, $2.550000000e+02  }
0xd6: {  	s28 =	sadd.s32 $0x400, s28;
	v62 =	vclamp.gez.f32 v62, $2.550000000e+02;
	v2 =	vadd.f32 $1.258291200e+07, v2;
	v59 =	vadd.f32 $1.258291200e+07, v60  }
0xd7: {  	v18 =	vld.idx.msk [tilespmem:v18+s15+$0x0], $0xffff;
	v6 =	vadd.f32 $1.258291200e+07, v6;
	v12 =	vadd.f32 $1.258291200e+07, v12;
	[tilespmem:s28+$0xFFFFFEC0] =	vst v0;
	v60 =	vadd.s32 v11, v41  }
0xd8: {  	v19 =	vld.idx.msk [tilespmem:v19+s15+$0x0], $0xffff;
	v62 =	vadd.f32 $1.258291200e+07, v62;
	v63 =	vclamp.gez.f32 v63, $2.550000000e+02;
	[tilespmem:s28+$0xFFFFFE40] =	vst v3;
	v59 =	vadd.f32 $-1.258291200e+07, v59  }
0xd9: {  	v63 =	vadd.f32 $1.258291200e+07, v63;
	[tilespmem:s28+$0xFFFFFE80] =	vst v4;
	v1 =	vadd.f32 $-1.258291200e+07, v1;
	v7 =	vclamp.gez.f32 v7, $2.550000000e+02  }
0xda: {  	v17 =	vclamp.gez.f32 v17, $2.550000000e+02;
	v7 =	vadd.f32 $1.258291200e+07, v7;
	[tilespmem:s28+$0x180] =	vst v59;
	v59 =	vld.idx.msk [tilespmem:v61+s15+$0x0], $0xffff;
	v61 =	vadd.f32 $-1.258291200e+07, v2  }
0xdb: {  	[tilespmem:s28+$0xFFFFFE00] =	vst v1;
	v2 =	vadd.s32 v11, v23;
	v23 =	vld.idx.msk [tilespmem:v50+s15+$0x0], $0xffff;
	v50 =	vadd.s32 v11, v57;
	v57 =	vadd.f32 $-1.258291200e+07, v63  }
0xdc: {  	v3 =	vadd.f32 $1.258291200e+07, v17;
	v17 =	vclamp.gez.f32 v18, $2.550000000e+02;
	v18 =	vld.idx.msk [tilespmem:v60+s15+$0x0], $0xffff;
	v60 =	vadd.f32 $-1.258291200e+07, v5;
	[tilespmem:s28+$0xFFFFFF40] =	vst v61  }
0xdd: {  	v7 =	vadd.f32 $-1.258291200e+07, v7;
	v5 =	vadd.f32 $1.258291200e+07, v17;
	v17 =	vclamp.gez.f32 v19, $2.550000000e+02;
	v19 =	vld.idx.msk [tilespmem:v49+s15+$0x0], $0xffff;
	[tilespmem:s28+$0x40] =	vst v57  }
0xde: {  	v34 =	vadd.s32 v9, v58;
	v17 =	vadd.f32 $1.258291200e+07, v17;
	v61 =	vadd.f32 $-1.258291200e+07, v12;
	[tilespmem:s28+$0xFFFFFF00] =	vst v60;
	v15 =	vld.idx.msk [tilespmem:v15+s15+$0x0], $0xffff  }
0xdf: {  	v56 =	vadd.s32 v11, v56;
	[tilespmem:s28+$0x80] =	vst v7;
	v12 =	vadd.f32 $-1.258291200e+07, v62;
	v60 =	vadd.f32 $-1.258291200e+07, v6;
	v49 =	vld.idx.msk [tilespmem:v51+s15+$0x0], $0xffff  }
0xe0: {  	v6 =	vadd.s32 v11, v58;
	v58 =	vadd.f32 $-1.258291200e+07, v3;
	v51 =	vld.idx.msk [tilespmem:v52+s15+$0x0], $0xffff;
	v52 =	vadd.s32 v11, v55;
	[tilespmem:s28+$0xFFFFFFC0] =	vst v61  }
0xe1: {  	v44 =	vld.idx.msk [tilespmem:v44+s15+$0x0], $0xffff;
	v63 =	vadd.f32 $-1.258291200e+07, v17;
	[tilespmem:s28+$0xFFFFFF80] =	vst v60;
	v60 =	vadd.f32 $-1.258291200e+07, v5;
	v61 =	vclamp.gez.f32 v18, $2.550000000e+02  }
0xe2: {  	v2 =	vld.idx.msk [tilespmem:v2+s15+$0x0], $0xffff;
	v18 =	vclamp.gez.f32 v59, $2.550000000e+02;
	v19 =	vclamp.gez.f32 v19, $2.550000000e+02;
	v5 =	vadd.f32 $1.258291200e+07, v61  }
0xe3: {  	[tilespmem:s28+$0x0] =	vst v12;
	v12 =	vadd.s32 v9, v41;
	v53 =	vld.idx.msk [tilespmem:v53+s15+$0x0], $0xffff;
	v18 =	vadd.f32 $1.258291200e+07, v18;
	v17 =	vadd.f32 $1.258291200e+07, v19  }
0xe4: {  	[tilespmem:s28+$0x1C0] =	vst v42;
	v54 =	vld.idx.msk [tilespmem:v54+s15+$0x0], $0xffff;
	v19 =	vclamp.gez.f32 v23, $2.550000000e+02;
	v15 =	vclamp.gez.f32 v15, $2.550000000e+02;
	v5 =	vadd.f32 $-1.258291200e+07, v5  }
0xe5: {  	v62 =	vld.idx.msk [tilespmem:v56+s15+$0x0], $0xffff;
	[tilespmem:s28+$0xC0] =	vst v58;
	v7 =	vadd.f32 $-1.258291200e+07, v18;
	v18 =	vadd.f32 $1.258291200e+07, v19;
	v19 =	vclamp.gez.f32 v49, $2.550000000e+02  }
0xe6: {  	[tilespmem:s28+$0x100] =	vst v60;
	v6 =	vld.idx.msk [tilespmem:v6+s15+$0x0], $0xffff;
	v49 =	vadd.f32 $-1.258291200e+07, v17;
	v17 =	vadd.f32 $1.258291200e+07, v19;
	v19 =	vclamp.gez.f32 v51, $2.550000000e+02  }
0xe7: {  	v23 =	vld.idx.msk [tilespmem:v50+s15+$0x0], $0xffff;
	v2 =	vclamp.gez.f32 v2, $2.550000000e+02;
	[tilespmem:s28+$0x190] =	vst v5;
	v56 =	vadd.f32 $-1.258291200e+07, v18;
	v18 =	vadd.f32 $1.258291200e+07, v19  }
0xe8: {  	v19 =	vclamp.gez.f32 v53, $2.550000000e+02;
	[tilespmem:s28+$0xFFFFFE50] =	vst v7;
	v7 =	vadd.f32 $1.258291200e+07, v15;
	v15 =	vld.idx.msk [tilespmem:v38+s15+$0x0], $0xffff;
	v2 =	vadd.f32 $1.258291200e+07, v2  }
0xe9: {  	v57 =	vld.idx.msk [tilespmem:v12+s15+$0x0], $0xffff;
	v12 =	vadd.f32 $-1.258291200e+07, v17;
	v17 =	vadd.f32 $1.258291200e+07, v19;
	v19 =	vclamp.gez.f32 v54, $2.550000000e+02  }
0xea: {  	[tilespmem:s28+$0x140] =	vst v63;
	v60 =	vld.idx.msk [tilespmem:v48+s15+$0x0], $0xffff;
	v58 =	vadd.f32 $-1.258291200e+07, v18;
	v59 =	vadd.f32 $1.258291200e+07, v19;
	v18 =	vclamp.gez.f32 v62, $2.550000000e+02  }
0xeb: {  	v19 =	vld.idx.msk [tilespmem:v52+s15+$0x0], $0xffff;
	v6 =	vclamp.gez.f32 v6, $2.550000000e+02;
	[tilespmem:s28+$0xFFFFFED0] =	vst v56;
	v62 =	vadd.f32 $-1.258291200e+07, v7;
	v17 =	vadd.f32 $-1.258291200e+07, v17  }
0xec: {  	v30 =	vadd.s32 v8, v33;
	v18 =	vadd.f32 $1.258291200e+07, v18;
	v6 =	vadd.f32 $1.258291200e+07, v6;
	v7 =	vld.idx.msk [tilespmem:v46+s15+$0x0], $0xffff;
	[tilespmem:s28+$0xFFFFFF10] =	vst v12  }
0xed: {  	v12 =	vclamp.gez.f32 v23, $2.550000000e+02;
	v4 =	vadd.f32 $-1.258291200e+07, v59;
	v63 =	vld.idx.msk [tilespmem:v45+s15+$0x0], $0xffff;
	v45 =	vadd.f32 $-1.258291200e+07, v2  }
0xee: {  	[tilespmem:s28+$0xFFFFFE90] =	vst v49;
	v23 =	vadd.s32 v8, v41;
	v46 =	vadd.f32 $1.258291200e+07, v12;
	v61 =	vadd.f32 $-1.258291200e+07, v18  }
0xef: {  	v18 =	vld.idx.msk [tilespmem:v47+s15+$0x0], $0xffff;
	v48 =	vadd.f32 $-1.258291200e+07, v6;
	v6 =	vclamp.gez.f32 v15, $2.550000000e+02;
	v3 =	vclamp.gez.f32 v57, $2.550000000e+02  }
0xf0: {  	[tilespmem:s28+$0xFFFFFF50] =	vst v58;
	v15 =	vclamp.gez.f32 v60, $2.550000000e+02;
	v50 =	vadd.f32 $1.258291200e+07, v6;
	v3 =	vadd.f32 $1.258291200e+07, v3  }
0xf1: {  	v47 =	vld.idx.msk [tilespmem:v43+s15+$0x0], $0xffff;
	[tilespmem:s28+$0xFFFFFF90] =	vst v17;
	v12 =	vclamp.gez.f32 v19, $2.550000000e+02;
	v19 =	vclamp.gez.f32 v44, $2.550000000e+02;
	v15 =	vadd.f32 $1.258291200e+07, v15  }
0xf2: {  	[tilespmem:s28+$0xFFFFFFD0] =	vst v4;
	v17 =	vadd.f32 $1.258291200e+07, v19;
	v19 =	vld.idx.msk [tilespmem:v40+s15+$0x0], $0xffff;
	v7 =	vclamp.gez.f32 v7, $2.550000000e+02;
	v3 =	vadd.f32 $-1.258291200e+07, v3  }
0xf3: {  	v33 =	vadd.s32 v9, v55;
	v49 =	vld.idx.msk [tilespmem:v39+s15+$0x0], $0xffff;
	[tilespmem:s28+$0x10] =	vst v61;
	v12 =	vadd.f32 $1.258291200e+07, v12;
	v7 =	vadd.f32 $1.258291200e+07, v7  }
0xf4: {  	v53 =	vadd.f32 $-1.258291200e+07, v15;
	v6 =	vadd.f32 $-1.258291200e+07, v17;
	v17 =	vclamp.gez.f32 v18, $2.550000000e+02;
	v18 =	vld.idx.msk [tilespmem:v37+s15+$0x0], $0xffff;
	[tilespmem:s28+$0x1A0] =	vst v3  }
0xf5: {  	[tilespmem:s28+$0x50] =	vst v62;
	v51 =	vadd.f32 $-1.258291200e+07, v12;
	v52 =	vadd.f32 $1.258291200e+07, v17;
	v17 =	vclamp.gez.f32 v63, $2.550000000e+02;
	v12 =	vld.idx.msk [tilespmem:v23+s15+$0x0], $0xffff  }
0xf6: {  	[tilespmem:s28+$0x90] =	vst v45;
	v3 =	vadd.f32 $-1.258291200e+07, v50;
	v23 =	vld.idx.msk [tilespmem:v36+s15+$0x0], $0xffff;
	v15 =	vadd.f32 $1.258291200e+07, v17;
	v17 =	vclamp.gez.f32 v47, $2.550000000e+02  }
0xf7: {  	v35 =	vld.idx.msk [tilespmem:v35+s15+$0x0], $0xffff;
	[tilespmem:s28+$0xD0] =	vst v48;
	v56 =	vadd.f32 $-1.258291200e+07, v7;
	v55 =	vadd.f32 $1.258291200e+07, v17;
	v17 =	vclamp.gez.f32 v19, $2.550000000e+02  }
0xf8: {  	[tilespmem:s28+$0x150] =	vst v51;
	v19 =	vld.idx.msk [tilespmem:v34+s15+$0x0], $0xffff;
	v7 =	vadd.f32 $1.258291200e+07, v17;
	v17 =	vclamp.gez.f32 v49, $2.550000000e+02;
	v57 =	vadd.f32 $-1.258291200e+07, v15  }
0xf9: {  	[tilespmem:s28+$0xFFFFFE10] =	vst v6;
	v15 =	vld.idx.msk [tilespmem:v33+s15+$0x0], $0xffff;
	v6 =	vadd.f32 $1.258291200e+07, v17;
	v5 =	vadd.f32 $-1.258291200e+07, v55  }
0xfa: {  	[tilespmem:s28+$0x1D0] =	vst v3;
	v17 =	vld.idx.msk [tilespmem:v31+s15+$0x0], $0xffff;
	v18 =	vclamp.gez.f32 v18, $2.550000000e+02;
	v58 =	vadd.f32 $-1.258291200e+07, v7;
	v12 =	vclamp.gez.f32 v12, $2.550000000e+02  }
0xfb: {  	[tilespmem:s28+$0xFFFFFE60] =	vst v53;
	v59 =	vadd.f32 $1.258291200e+07, v18;
	v18 =	vld.idx.msk [tilespmem:v28+s15+$0x0], $0xffff;
	v7 =	vclamp.gez.f32 v23, $2.550000000e+02;
	v12 =	vadd.f32 $1.258291200e+07, v12  }
0xfc: {  	[tilespmem:s28+$0xFFFFFEE0] =	vst v56;
	v23 =	vld.idx.msk [tilespmem:v30+s15+$0x0], $0xffff;
	v61 =	vadd.f32 $-1.258291200e+07, v6;
	v60 =	vadd.f32 $1.258291200e+07, v7;
	v7 =	vclamp.gez.f32 v35, $2.550000000e+02  }
0xfd: {  	[tilespmem:s28+$0xFFFFFF20] =	vst v57;
	v6 =	vadd.f32 $1.258291200e+07, v7;
	v7 =	vclamp.gez.f32 v19, $2.550000000e+02;
	v12 =	vadd.f32 $-1.258291200e+07, v12  }
0xfe: {  	v2 =	vadd.f32 $-1.258291200e+07, v46;
	[tilespmem:s28+$0xFFFFFF60] =	vst v5;
	v19 =	vld.idx.msk [tilespmem:v27+s15+$0x0], $0xffff;
	v7 =	vadd.f32 $1.258291200e+07, v7  }
0xff: {  	v33 =	vadd.f32 $-1.258291200e+07, v6;
	[tilespmem:s28+$0x1B0] =	vst v12;
	v12 =	vclamp.gez.f32 v15, $2.550000000e+02;
	v15 =	vclamp.gez.f32 v17, $2.550000000e+02;
	v17 =	vld.idx.msk [tilespmem:v26+s15+$0x0], $0xffff  }
0x100: {  	[tilespmem:s28+$0xFFFFFFA0] =	vst v58;
	v6 =	vadd.f32 $1.258291200e+07, v12;
	v12 =	vadd.f32 $1.258291200e+07, v15;
	v15 =	vld.idx.msk [tilespmem:v25+s15+$0x0], $0xffff  }
0x101: {  	[tilespmem:s28+$0x110] =	vst v2;
	v34 =	vadd.f32 $-1.258291200e+07, v7;
	v7 =	vclamp.gez.f32 v18, $2.550000000e+02;
	v18 =	vclamp.gez.f32 v23, $2.550000000e+02;
	v23 =	vld.idx.msk [tilespmem:v24+s15+$0x0], $0xffff  }
0x102: {  	v32 =	vld.idx.msk [tilespmem:v32+s15+$0x0], $0xffff;
	v37 =	vadd.f32 $-1.258291200e+07, v6;
	v6 =	vadd.f32 $1.258291200e+07, v18  }
0x103: {  	v39 =	vadd.s32 v8, v13;
	v54 =	vadd.f32 $-1.258291200e+07, v52;
	v18 =	vclamp.gez.f32 v19, $2.550000000e+02  }
0x104: {  	v13 =	vadd.f32 $1.258291200e+07, v18;
	v40 =	vadd.f32 $-1.258291200e+07, v6;
	v6 =	vclamp.gez.f32 v17, $2.550000000e+02;
	v17 =	vld [tilespmem:$0x1FF20]  }
0x105: {  	[tilespmem:s28+$0xFFFFFEA0] =	vst v54;
	v63 =	vadd.f32 $-1.258291200e+07, v60;
	v18 =	vld [tilespmem:$0x1FF30];
	v6 =	vadd.f32 $1.258291200e+07, v6;
	v15 =	vclamp.gez.f32 v15, $2.550000000e+02  }
0x106: {  	v28 =	vld.idx.msk [tilespmem:v29+s15+$0x0], $0xffff;
	v42 =	vadd.f32 $-1.258291200e+07, v13;
	v13 =	vadd.f32 $1.258291200e+07, v15;
	v15 =	vclamp.gez.f32 v23, $2.550000000e+02  }
0x107: {  	v62 =	vclamp.gez.f32 v32, $2.550000000e+02;
	v43 =	vadd.f32 $-1.258291200e+07, v6;
	v6 =	vadd.f32 $1.258291200e+07, v15;
	v15 =	vld [tilespmem:$0x1FF40]  }
0x108: {  	v32 =	vadd.f32 $1.258291200e+07, v62;
	[tilespmem:s28+$0xFFFFFFE0] =	vst v61  }
0x109: {  	v22 =	vld.idx.msk [tilespmem:v22+s15+$0x0], $0xffff;
	[tilespmem:s28+$0x60] =	vst v63  }
0x10a: {  	v35 =	vadd.f32 $-1.258291200e+07, v32;
	v14 =	vld.idx.msk [tilespmem:v14+s15+$0x0], $0xffff;
	[tilespmem:s28+$0xA0] =	vst v33  }
0x10b: {  	v36 =	vadd.f32 $1.258291200e+07, v7;
	v16 =	vld.idx.msk [tilespmem:v16+s15+$0x0], $0xffff;
	[tilespmem:s28+$0xE0] =	vst v34;
	v7 =	vadd.f32 $-1.258291200e+07, v12;
	v12 =	vclamp.gez.f32 v28, $2.550000000e+02  }
0x10c: {  	[tilespmem:s28+$0x120] =	vst v35;
	v12 =	vadd.f32 $1.258291200e+07, v12;
	v17 =	vld.idx.msk [tilespmem:v17+s15+$0x0], $0xffff  }
0x10d: {  	v18 =	vld.idx.msk [tilespmem:v18+s15+$0x0], $0xffff  }
0x10e: {  	v3 =	vadd.f32 $-1.258291200e+07, v59;
	[tilespmem:s28+$0x160] =	vst v37;
	v12 =	vadd.f32 $-1.258291200e+07, v12  }
0x10f: {  	[tilespmem:s28+$0xFFFFFE20] =	vst v7;
	v7 =	vclamp.gez.f32 v22, $2.550000000e+02;
	v44 =	vadd.f32 $-1.258291200e+07, v6;
	v6 =	vclamp.gez.f32 v14, $2.550000000e+02;
	v15 =	vld.idx.msk [tilespmem:v15+s15+$0x0], $0xffff  }
0x110: {  	v7 =	vadd.f32 $1.258291200e+07, v7;
	[tilespmem:s28+$0xFFFFFEB0] =	vst v12;
	v12 =	vclamp.gez.f32 v16, $2.550000000e+02;
	v6 =	vadd.f32 $1.258291200e+07, v6  }
0x111: {  	v13 =	vadd.f32 $-1.258291200e+07, v13;
	v47 =	vadd.f32 $1.258291200e+07, v12;
	v12 =	vclamp.gez.f32 v17, $2.550000000e+02  }
0x112: {  	[tilespmem:s28+$0x20] =	vst v3;
	v48 =	vadd.f32 $-1.258291200e+07, v6;
	v6 =	vadd.f32 $1.258291200e+07, v12;
	v12 =	vclamp.gez.f32 v18, $2.550000000e+02  }
0x113: {  	v19 =	vld.idx.msk [tilespmem:v21+s15+$0x0], $0xffff;
	v7 =	vadd.f32 $-1.258291200e+07, v7;
	v12 =	vadd.f32 $1.258291200e+07, v12  }
0x114: {  	v4 =	vld.idx.msk [tilespmem:v39+s15+$0x0], $0xffff;
	[tilespmem:s28+$0xFFFFFF70] =	vst v13;
	v13 =	vclamp.gez.f32 v15, $2.550000000e+02;
	v49 =	vadd.f32 $-1.258291200e+07, v6  }
0x115: {  	[tilespmem:s28+$0xFFFFFFF0] =	vst v7;
	v6 =	vadd.f32 $1.258291200e+07, v13;
	v7 =	vadd.f32 $-1.258291200e+07, v12;
	v12 =	vld [tilespmem:$0x1FF50]  }
0x116: {  	s30 =	sadd.s32 $0x1, s29;
	v41 =	vadd.s32 v8, v20  }
0x117: {  	s0 =	sadd.s32 $0x2, s29;
	v38 =	vadd.f32 $-1.258291200e+07, v36;
	v50 =	vadd.f32 $-1.258291200e+07, v6;
	v6 =	vmov s30  }
0x118: {  	v19 =	vclamp.gez.f32 v19, $2.550000000e+02;
	v13 =	vmov s0;
	v6 =	vand.u32 $0xFFFFFFF1, v6  }
0x119: {  	v4 =	vclamp.gez.f32 v4, $2.550000000e+02;
	v52 =	vbroadcast v6, $0x0;
	v6 =	vand.u32 $0xFFFFFFF2, v13;
	v13 =	vld [tilespmem:$0x1FF60]  }
0x11a: {  	v4 =	vadd.f32 $1.258291200e+07, v4;
	s30 =	sadd.s32 $0x3, s29;
	v12 =	vand.u32 $0xFFFFFFF0, v12;
	v53 =	vbroadcast v6, $0x0  }
0x11b: {  	[tilespmem:s28+$0x1E0] =	vst v38;
	v5 =	vadd.f32 $-1.258291200e+07, v47;
	v51 =	vbroadcast v12, $0x0;
	v12 =	vmov s30;
	s30 =	sadd.s32 $0x4, s29  }
0x11c: {  	[tilespmem:s28+$0xFFFFFE70] =	vst v40;
	v4 =	vadd.f32 $-1.258291200e+07, v4;
	v6 =	vand.u32 $0xFFFFFFF3, v12;
	v12 =	vmov s30;
	s30 =	sadd.s32 $0x5, s29  }
0x11d: {  	[tilespmem:s28+$0x130] =	vst v7;
	v6 =	vbroadcast v6, $0x0;
	v7 =	vand.u32 $0xFFFFFFF4, v12;
	v12 =	vmov s30;
	s30 =	sadd.s32 $0x6, s29  }
0x11e: {  	v1 =	vld.idx.msk [tilespmem:v41+s15+$0x0], $0xffff;
	[tilespmem:s28+$0xFFFFFEF0] =	vst v42;
	v54 =	vbroadcast v7, $0x0;
	v7 =	vand.u32 $0xFFFFFFF5, v12;
	v12 =	vmov s30;
	s30 =	sadd.s32 $0x7, s29  }
0x11f: {  	[tilespmem:s28+$0xFFFFFF30] =	vst v43;
	v55 =	vbroadcast v7, $0x0;
	v7 =	vand.u32 $0xFFFFFFF6, v12;
	v12 =	vmov s30;
	s30 =	sadd.s32 $0x8, s29;
	v33 =	vld.idx.msk [tilespmem:v52+s18+$0x0], $0xffff  }
0x120: {  	[tilespmem:s28+$0xF0] =	vst v49;
	v56 =	vbroadcast v7, $0x0;
	v57 =	vand.u32 $0xFFFFFFF7, v12;
	v7 =	vmov s30;
	s30 =	sadd.s32 $0x9, s29;
	v49 =	vld.idx.msk [tilespmem:v53+s18+$0x0], $0xffff  }
0x121: {  	[tilespmem:s28+$0xFFFFFE30] =	vst v4;
	v20 =	vld.idx.msk [tilespmem:v13+s18+$0x0], $0xffff;
	v3 =	vbroadcast v57, $0x0;
	v58 =	vand.u32 $0xFFFFFFF8, v7;
	v7 =	vmov s30;
	s30 =	sadd.s32 $0xA, s29  }
0x122: {  	[tilespmem:s28+$0xB0] =	vst v5;
	v13 =	vld.idx.msk [tilespmem:v51+s18+$0x0], $0xffff;
	v59 =	vbroadcast v58, $0x0;
	v60 =	vand.u32 $0xFFFFFFF9, v7;
	v7 =	vmov s30  }
0x123: {  	v45 =	vadd.f32 $1.258291200e+07, v19;
	[tilespmem:s28+$0x170] =	vst v50;
	v50 =	vld.idx.msk [tilespmem:v6+s18+$0x0], $0xffff;
	v5 =	vbroadcast v60, $0x0;
	v6 =	vand.u32 $0xFFFFFFFA, v7  }
0x124: {  	v51 =	vld.idx.msk [tilespmem:v54+s18+$0x0], $0xffff;
	v61 =	vbroadcast v6, $0x0  }
0x125: {  	p1 =	slt.u32 s29, $0xB0;
	v46 =	vadd.f32 $-1.258291200e+07, v45;
	v1 =	vclamp.gez.f32 v1, $2.550000000e+02;
	[tilespmem:s28+$0xFFFFFFB0] =	vst v44;
	s30 =	sadd.s32 $0xB, s29;
	v52 =	vld.idx.msk [tilespmem:v55+s18+$0x0], $0xffff  }
.Ltmp2:
0x126: {  	v1 =	vadd.f32 $1.258291200e+07, v1;
	v7 =	vmov s30;
	s30 =	sadd.s32 $0xC, s29;
	v53 =	vld.idx.msk [tilespmem:v56+s18+$0x0], $0xffff;
	(pc) =	sbr.rel @p1 .LBB2_3-.Ltmp2, $4  }
0x127: {  	[tilespmem:s28+$0x30] =	vst v46;
	v6 =	vand.u32 $0xFFFFFFFB, v7;
	v7 =	vmov s30;
	s30 =	sadd.s32 $0xD, s29;
	v54 =	vld.idx.msk [tilespmem:v3+s18+$0x0], $0xffff  }
0x128: {  	v1 =	vadd.f32 $-1.258291200e+07, v1;
	[tilespmem:s28+$0x70] =	vst v48;
	v14 =	vbroadcast v6, $0x0;
	v6 =	vmov s30;
	v56 =	vld.idx.msk [tilespmem:v59+s18+$0x0], $0xffff  }
0x129: {  	v62 =	vand.u32 $0xFFFFFFFC, v7;
	v63 =	vand.u32 $0xFFFFFFFD, v6;
	v42 =	vld.idx.msk [tilespmem:v5+s18+$0x0], $0xffff  }
0x12a: {  	[tilespmem:s28+$0x1F0] =	vst v1;
	s30 =	sadd.s32 $0xE, s29;
	s29 =	sadd.s32 $0x10, s29;
	v16 =	vbroadcast v62, $0x0;
	v30 =	vbroadcast v63, $0x0;
	v23 =	vld.idx.msk [tilespmem:v61+s18+$0x0], $0xffff  }
0x12b: {  	v0 =	vmov s30;
	v25 =	vadd.s32 v9, v20  }
0x12c: {  	v6 =	vadd.s32 v10, v20;
	v35 =	vadd.s32 v11, v20;
	v7 =	vadd.s32 v10, v13  }
0x12d: {  	v39 =	vadd.s32 v11, v13;
	v27 =	vadd.s32 v9, v13;
	v26 =	vadd.s32 v8, v33  }
0x12e: {  	v24 =	vadd.s32 v8, v49;
	v22 =	vadd.s32 v8, v50;
	v21 =	vadd.s32 v8, v51  }
0x12f: {  	v4 =	vadd.s32 v8, v52;
	v3 =	vadd.s32 v8, v53;
	v12 =	vadd.s32 v10, v33  }
0x130: {  	v36 =	vld.idx.msk [tilespmem:v14+s18+$0x0], $0xffff;
	v15 =	vadd.s32 v10, v49;
	v44 =	vadd.s32 v9, v33;
	v61 =	vadd.s32 v10, v50  }
0x131: {  	v43 =	vadd.s32 v9, v49;
	v40 =	vadd.s32 v9, v50;
	v17 =	vadd.s32 v10, v51;
	v29 =	vld.idx.msk [tilespmem:v16+s18+$0x0], $0xffff  }
0x132: {  	v38 =	vadd.s32 v9, v51;
	v18 =	vadd.s32 v10, v52;
	v37 =	vadd.s32 v9, v52;
	v28 =	vld.idx.msk [tilespmem:v30+s18+$0x0], $0xffff  }
0x133: {  	v34 =	vadd.s32 v9, v53;
	v19 =	vadd.s32 v10, v53;
	v0 =	vand.u32 $0xFFFFFFFE, v0;
	v6 =	vld.idx.msk [tilespmem:v6+s15+$0x0], $0xffff  }
0x134: {  	v33 =	vadd.s32 v11, v33;
	v47 =	vadd.s32 v11, v49;
	v5 =	vbroadcast v0, $0x0;
	v7 =	vld.idx.msk [tilespmem:v7+s15+$0x0], $0xffff  }
0x135: {  	v48 =	vadd.s32 v11, v50;
	v49 =	vadd.s32 v11, v51;
	v51 =	vadd.s32 v11, v52;
	v12 =	vld.idx.msk [tilespmem:v12+s15+$0x0], $0xffff  }
0x136: {  	v52 =	vadd.s32 v11, v53;
	v2 =	vadd.s32 v8, v54;
	v45 =	vadd.s32 v10, v54;
	v15 =	vld.idx.msk [tilespmem:v15+s15+$0x0], $0xffff  }
0x137: {  	v32 =	vadd.s32 v9, v54;
	v54 =	vadd.s32 v11, v54;
	v1 =	vadd.s32 v8, v56;
	v17 =	vld.idx.msk [tilespmem:v17+s15+$0x0], $0xffff  }
0x138: {  	v30 =	vadd.s32 v9, v56;
	v62 =	vadd.s32 v10, v56;
	v55 =	vadd.s32 v11, v56;
	v18 =	vld.idx.msk [tilespmem:v18+s15+$0x0], $0xffff  }
0x139: {  	v16 =	vadd.s32 v8, v42;
	v31 =	vadd.s32 v9, v42;
	v63 =	vadd.s32 v10, v42;
	v19 =	vld.idx.msk [tilespmem:v19+s15+$0x0], $0xffff  }
0x13a: {  	v0 =	vadd.s32 v8, v23;
	v60 =	vadd.s32 v10, v23;
	v41 =	vld.idx.msk [tilespmem:v5+s18+$0x0], $0xffff;
	v6 =	vclamp.gez.f32 v6, $2.550000000e+02  }
0x13b: {  	v57 =	vadd.s32 v10, v36;
	v45 =	vld.idx.msk [tilespmem:v45+s15+$0x0], $0xffff;
	v7 =	vclamp.gez.f32 v7, $2.550000000e+02;
	v12 =	vclamp.gez.f32 v12, $2.550000000e+02  }
0x13c: {  	v58 =	vadd.s32 v10, v29;
	v15 =	vclamp.gez.f32 v15, $2.550000000e+02;
	v17 =	vclamp.gez.f32 v17, $2.550000000e+02  }
0x13d: {  	v50 =	vld.idx.msk [tilespmem:v62+s15+$0x0], $0xffff;
	v18 =	vclamp.gez.f32 v18, $2.550000000e+02;
	v6 =	vadd.f32 $1.258291200e+07, v6;
	v7 =	vadd.f32 $1.258291200e+07, v7  }
0x13e: {  	v5 =	vld.idx.msk [tilespmem:v61+s15+$0x0], $0xffff;
	v19 =	vclamp.gez.f32 v19, $2.550000000e+02;
	v12 =	vadd.f32 $1.258291200e+07, v12;
	v15 =	vadd.f32 $1.258291200e+07, v15  }
0x13f: {  	v53 =	vld.idx.msk [tilespmem:v63+s15+$0x0], $0xffff;
	v17 =	vadd.f32 $1.258291200e+07, v17;
	v18 =	vadd.f32 $1.258291200e+07, v18;
	v46 =	vadd.s32 v10, v41  }
0x140: {  	v57 =	vld.idx.msk [tilespmem:v57+s15+$0x0], $0xffff;
	v45 =	vclamp.gez.f32 v45, $2.550000000e+02;
	v19 =	vadd.f32 $1.258291200e+07, v19;
	v12 =	vadd.f32 $-1.258291200e+07, v12  }
0x141: {  	s28 =	sadd.s32 $0x400, s28;
	v14 =	vadd.s32 v8, v36;
	v56 =	vld.idx.msk [tilespmem:v60+s15+$0x0], $0xffff;
	v45 =	vadd.f32 $1.258291200e+07, v45;
	v15 =	vadd.f32 $-1.258291200e+07, v15  }
0x142: {  	v58 =	vld.idx.msk [tilespmem:v58+s15+$0x0], $0xffff;
	v50 =	vclamp.gez.f32 v50, $2.550000000e+02;
	v10 =	vadd.s32 v10, v28;
	v6 =	vadd.f32 $-1.258291200e+07, v6;
	[tilespmem:s28+$0xFFFFFE40] =	vst v12  }
0x143: {  	v5 =	vclamp.gez.f32 v5, $2.550000000e+02;
	v50 =	vadd.f32 $1.258291200e+07, v50;
	v7 =	vadd.f32 $-1.258291200e+07, v7;
	[tilespmem:s28+$0xFFFFFE80] =	vst v15;
	v33 =	vld.idx.msk [tilespmem:v33+s15+$0x0], $0xffff  }
0x144: {  	v53 =	vclamp.gez.f32 v53, $2.550000000e+02;
	v5 =	vadd.f32 $1.258291200e+07, v5;
	v15 =	vadd.f32 $-1.258291200e+07, v17;
	[tilespmem:s28+$0x1C0] =	vst v6;
	v46 =	vld.idx.msk [tilespmem:v46+s15+$0x0], $0xffff  }
0x145: {  	v53 =	vadd.f32 $1.258291200e+07, v53;
	v61 =	vclamp.gez.f32 v57, $2.550000000e+02;
	v60 =	vadd.f32 $-1.258291200e+07, v50;
	v35 =	vld.idx.msk [tilespmem:v35+s15+$0x0], $0xffff  }
0x146: {  	v59 =	vadd.s32 v11, v41;
	v12 =	vadd.f32 $1.258291200e+07, v61;
	[tilespmem:s28+$0xFFFFFF00] =	vst v15;
	v15 =	vadd.f32 $-1.258291200e+07, v19;
	v19 =	vld.idx.msk [tilespmem:v47+s15+$0x0], $0xffff  }
0x147: {  	v62 =	vclamp.gez.f32 v58, $2.550000000e+02;
	v58 =	vadd.f32 $-1.258291200e+07, v45;
	v47 =	vadd.s32 v11, v36;
	v10 =	vld.idx.msk [tilespmem:v10+s15+$0x0], $0xffff  }
0x148: {  	v50 =	vadd.s32 v11, v29;
	[tilespmem:s28+$0xFFFFFE00] =	vst v7;
	v5 =	vadd.f32 $-1.258291200e+07, v5;
	v17 =	vadd.f32 $1.258291200e+07, v62  }
0x149: {  	v61 =	vadd.f32 $-1.258291200e+07, v53;
	[tilespmem:s28+$0xFFFFFFC0] =	vst v58;
	v12 =	vadd.f32 $-1.258291200e+07, v12;
	v46 =	vclamp.gez.f32 v46, $2.550000000e+02  }
0x14a: {  	v56 =	vclamp.gez.f32 v56, $2.550000000e+02;
	[tilespmem:s28+$0xFFFFFF80] =	vst v15;
	v15 =	vld.idx.msk [tilespmem:v49+s15+$0x0], $0xffff;
	v17 =	vadd.f32 $-1.258291200e+07, v17;
	v46 =	vadd.f32 $1.258291200e+07, v46  }
0x14b: {  	v36 =	vadd.s32 v9, v36;
	v57 =	vld.idx.msk [tilespmem:v54+s15+$0x0], $0xffff;
	[tilespmem:s28+$0xC0] =	vst v12;
	v33 =	vclamp.gez.f32 v33, $2.550000000e+02;
	v35 =	vclamp.gez.f32 v35, $2.550000000e+02  }
0x14c: {  	[tilespmem:s28+$0x100] =	vst v17;
	v33 =	vadd.f32 $1.258291200e+07, v33;
	v7 =	vld.idx.msk [tilespmem:v47+s15+$0x0], $0xffff;
	v10 =	vclamp.gez.f32 v10, $2.550000000e+02;
	v46 =	vadd.f32 $-1.258291200e+07, v46  }
0x14d: {  	[tilespmem:s28+$0x0] =	vst v60;
	v19 =	vclamp.gez.f32 v19, $2.550000000e+02;
	v6 =	vld.idx.msk [tilespmem:v50+s15+$0x0], $0xffff;
	v35 =	vadd.f32 $1.258291200e+07, v35;
	v10 =	vadd.f32 $1.258291200e+07, v10  }
0x14e: {  	[tilespmem:s28+$0x180] =	vst v46;
	v46 =	vadd.f32 $1.258291200e+07, v56;
	v56 =	vadd.f32 $-1.258291200e+07, v18;
	v18 =	vadd.s32 v11, v42  }
0x14f: {  	[tilespmem:s28+$0xFFFFFEC0] =	vst v5;
	v58 =	vld.idx.msk [tilespmem:v55+s15+$0x0], $0xffff;
	v19 =	vadd.f32 $1.258291200e+07, v19;
	v15 =	vclamp.gez.f32 v15, $2.550000000e+02;
	v42 =	vadd.s32 v11, v23  }
0x150: {  	[tilespmem:s28+$0x40] =	vst v61;
	v49 =	vclamp.gez.f32 v57, $2.550000000e+02;
	v15 =	vadd.f32 $1.258291200e+07, v15;
	v10 =	vadd.f32 $-1.258291200e+07, v10;
	v63 =	vld.idx.msk [tilespmem:v59+s15+$0x0], $0xffff  }
0x151: {  	v19 =	vadd.f32 $-1.258291200e+07, v19;
	v11 =	vadd.s32 v11, v28;
	v59 =	vld.idx.msk [tilespmem:v48+s15+$0x0], $0xffff;
	[tilespmem:s28+$0xFFFFFF40] =	vst v56;
	v46 =	vadd.f32 $-1.258291200e+07, v46  }
0x152: {  	v7 =	vclamp.gez.f32 v7, $2.550000000e+02;
	v6 =	vclamp.gez.f32 v6, $2.550000000e+02;
	[tilespmem:s28+$0x140] =	vst v10;
	v10 =	vadd.f32 $-1.258291200e+07, v15;
	v51 =	vld.idx.msk [tilespmem:v51+s15+$0x0], $0xffff  }
0x153: {  	v7 =	vadd.f32 $1.258291200e+07, v7;
	v6 =	vadd.f32 $1.258291200e+07, v6;
	v56 =	vadd.s32 v9, v41;
	[tilespmem:s28+$0x80] =	vst v46;
	v12 =	vld.idx.msk [tilespmem:v18+s15+$0x0], $0xffff  }
0x154: {  	[tilespmem:s28+$0xFFFFFE90] =	vst v19;
	v41 =	vadd.s32 v8, v41;
	v18 =	vadd.f32 $-1.258291200e+07, v33;
	v60 =	vld.idx.msk [tilespmem:v42+s15+$0x0], $0xffff;
	v42 =	vadd.f32 $1.258291200e+07, v49  }
0x155: {  	[tilespmem:s28+$0xFFFFFF10] =	vst v10;
	v7 =	vadd.f32 $-1.258291200e+07, v7;
	v46 =	vclamp.gez.f32 v58, $2.550000000e+02;
	v62 =	vclamp.gez.f32 v63, $2.550000000e+02;
	v63 =	vld.idx.msk [tilespmem:v52+s15+$0x0], $0xffff  }
0x156: {  	v46 =	vadd.f32 $1.258291200e+07, v46;
	v11 =	vld.idx.msk [tilespmem:v11+s15+$0x0], $0xffff;
	[tilespmem:s28+$0xFFFFFE50] =	vst v18;
	v18 =	vadd.s32 v9, v23;
	v23 =	vadd.f32 $-1.258291200e+07, v42  }
0x157: {  	v19 =	vld.idx.msk [tilespmem:v39+s15+$0x0], $0xffff;
	v6 =	vadd.f32 $-1.258291200e+07, v6;
	[tilespmem:s28+$0xD0] =	vst v7;
	v45 =	vclamp.gez.f32 v59, $2.550000000e+02;
	v5 =	vadd.f32 $1.258291200e+07, v62  }
0x158: {  	v58 =	vld.idx.msk [tilespmem:v36+s15+$0x0], $0xffff;
	v59 =	vadd.f32 $1.258291200e+07, v45;
	v50 =	vadd.f32 $-1.258291200e+07, v46;
	v61 =	vclamp.gez.f32 v51, $2.550000000e+02;
	[tilespmem:s28+$0xFFFFFFD0] =	vst v23  }
0x159: {  	[tilespmem:s28+$0x110] =	vst v6;
	v51 =	vadd.s32 v9, v29;
	v5 =	vadd.f32 $-1.258291200e+07, v5;
	v12 =	vclamp.gez.f32 v12, $2.550000000e+02;
	v7 =	vld.idx.msk [tilespmem:v32+s15+$0x0], $0xffff  }
0x15a: {  	v6 =	vadd.s32 v9, v28;
	v23 =	vld.idx.msk [tilespmem:v38+s15+$0x0], $0xffff;
	[tilespmem:s28+$0x10] =	vst v50;
	v63 =	vclamp.gez.f32 v63, $2.550000000e+02;
	v12 =	vadd.f32 $1.258291200e+07, v12  }
0x15b: {  	v17 =	vadd.f32 $-1.258291200e+07, v59;
	v11 =	vclamp.gez.f32 v11, $2.550000000e+02;
	v9 =	vld.idx.msk [tilespmem:v30+s15+$0x0], $0xffff;
	[tilespmem:s28+$0x190] =	vst v5;
	v15 =	vadd.f32 $1.258291200e+07, v63  }
0x15c: {  	v19 =	vclamp.gez.f32 v19, $2.550000000e+02;
	v11 =	vadd.f32 $1.258291200e+07, v11;
	v48 =	vld.idx.msk [tilespmem:v56+s15+$0x0], $0xffff;
	v12 =	vadd.f32 $-1.258291200e+07, v12  }
0x15d: {  	v19 =	vadd.f32 $1.258291200e+07, v19;
	v52 =	vld.idx.msk [tilespmem:v43+s15+$0x0], $0xffff;
	v5 =	vclamp.gez.f32 v60, $2.550000000e+02;
	[tilespmem:s28+$0xFFFFFED0] =	vst v17;
	v15 =	vadd.f32 $-1.258291200e+07, v15  }
0x15e: {  	v5 =	vadd.f32 $1.258291200e+07, v5;
	v11 =	vadd.f32 $-1.258291200e+07, v11;
	[tilespmem:s28+$0x50] =	vst v12;
	v59 =	vclamp.gez.f32 v7, $2.550000000e+02;
	v7 =	vld.idx.msk [tilespmem:v51+s15+$0x0], $0xffff  }
0x15f: {  	v19 =	vadd.f32 $-1.258291200e+07, v19;
	v62 =	vadd.f32 $1.258291200e+07, v61;
	v23 =	vclamp.gez.f32 v23, $2.550000000e+02;
	[tilespmem:s28+$0xFFFFFF90] =	vst v15;
	v15 =	vld.idx.msk [tilespmem:v40+s15+$0x0], $0xffff  }
0x160: {  	v5 =	vadd.f32 $-1.258291200e+07, v5;
	v23 =	vadd.f32 $1.258291200e+07, v23;
	[tilespmem:s28+$0x150] =	vst v11;
	v9 =	vclamp.gez.f32 v9, $2.550000000e+02;
	v11 =	vld.idx.msk [tilespmem:v31+s15+$0x0], $0xffff  }
0x161: {  	v33 =	vadd.f32 $-1.258291200e+07, v62;
	v6 =	vld.idx.msk [tilespmem:v6+s15+$0x0], $0xffff;
	v9 =	vadd.f32 $1.258291200e+07, v9;
	v17 =	vclamp.gez.f32 v48, $2.550000000e+02  }
0x162: {  	v54 =	vclamp.gez.f32 v52, $2.550000000e+02;
	[tilespmem:s28+$0x90] =	vst v5;
	v12 =	vld.idx.msk [tilespmem:v34+s15+$0x0], $0xffff;
	v23 =	vadd.f32 $-1.258291200e+07, v23;
	v10 =	vadd.f32 $1.258291200e+07, v17  }
0x163: {  	v60 =	vclamp.gez.f32 v58, $2.550000000e+02;
	v56 =	vadd.f32 $1.258291200e+07, v54;
	v18 =	vld.idx.msk [tilespmem:v18+s15+$0x0], $0xffff;
	v9 =	vadd.f32 $-1.258291200e+07, v9  }
0x164: {  	v61 =	vadd.f32 $1.258291200e+07, v60;
	v17 =	vld.idx.msk [tilespmem:v44+s15+$0x0], $0xffff;
	[tilespmem:s28+$0xFFFFFF20] =	vst v23;
	v10 =	vadd.f32 $-1.258291200e+07, v10;
	v7 =	vclamp.gez.f32 v7, $2.550000000e+02  }
0x165: {  	v57 =	vadd.f32 $-1.258291200e+07, v56;
	[tilespmem:s28+$0x20] =	vst v9;
	v15 =	vclamp.gez.f32 v15, $2.550000000e+02;
	v11 =	vclamp.gez.f32 v11, $2.550000000e+02  }
0x166: {  	v9 =	vld.idx.msk [tilespmem:v21+s15+$0x0], $0xffff;
	v7 =	vadd.f32 $1.258291200e+07, v7;
	v6 =	vclamp.gez.f32 v6, $2.550000000e+02;
	[tilespmem:s28+$0x1A0] =	vst v10;
	v15 =	vadd.f32 $1.258291200e+07, v15  }
0x167: {  	[tilespmem:s28+$0xFFFFFE10] =	vst v19;
	v12 =	vclamp.gez.f32 v12, $2.550000000e+02;
	v11 =	vadd.f32 $1.258291200e+07, v11;
	v6 =	vadd.f32 $1.258291200e+07, v6;
	v53 =	vld.idx.msk [tilespmem:v41+s15+$0x0], $0xffff  }
0x168: {  	[tilespmem:s28+$0xFFFFFF50] =	vst v33;
	v1 =	vld.idx.msk [tilespmem:v1+s15+$0x0], $0xffff;
	v18 =	vclamp.gez.f32 v18, $2.550000000e+02;
	v12 =	vadd.f32 $1.258291200e+07, v12;
	v7 =	vadd.f32 $-1.258291200e+07, v7  }
0x169: {  	[tilespmem:s28+$0xFFFFFEA0] =	vst v57;
	v10 =	vld.idx.msk [tilespmem:v37+s15+$0x0], $0xffff;
	v17 =	vclamp.gez.f32 v17, $2.550000000e+02;
	v18 =	vadd.f32 $1.258291200e+07, v18;
	v15 =	vadd.f32 $-1.258291200e+07, v15  }
0x16a: {  	v55 =	vadd.f32 $1.258291200e+07, v17;
	v11 =	vadd.f32 $-1.258291200e+07, v11;
	[tilespmem:s28+$0x120] =	vst v7  }
0x16b: {  	v17 =	vadd.f32 $-1.258291200e+07, v35;
	v6 =	vadd.f32 $-1.258291200e+07, v6;
	[tilespmem:s28+$0xFFFFFEE0] =	vst v15  }
0x16c: {  	v12 =	vadd.f32 $-1.258291200e+07, v12;
	v9 =	vclamp.gez.f32 v9, $2.550000000e+02;
	[tilespmem:s28+$0x60] =	vst v11;
	v19 =	vclamp.gez.f32 v53, $2.550000000e+02  }
0x16d: {  	v5 =	vadd.f32 $-1.258291200e+07, v55;
	v15 =	vld.idx.msk [tilespmem:v27+s15+$0x0], $0xffff;
	[tilespmem:s28+$0x160] =	vst v6;
	v1 =	vclamp.gez.f32 v1, $2.550000000e+02;
	v19 =	vadd.f32 $1.258291200e+07, v19  }
0x16e: {  	v9 =	vadd.f32 $1.258291200e+07, v9;
	v10 =	vclamp.gez.f32 v10, $2.550000000e+02;
	[tilespmem:s28+$0xFFFFFFA0] =	vst v12;
	v12 =	vld.idx.msk [tilespmem:v22+s15+$0x0], $0xffff;
	v1 =	vadd.f32 $1.258291200e+07, v1  }
0x16f: {  	v6 =	vld.idx.msk [tilespmem:v16+s15+$0x0], $0xffff;
	v10 =	vadd.f32 $1.258291200e+07, v10;
	[tilespmem:s28+$0xFFFFFE60] =	vst v5;
	v19 =	vadd.f32 $-1.258291200e+07, v19  }
0x170: {  	v28 =	vadd.s32 v8, v28;
	[tilespmem:s28+$0x1D0] =	vst v17;
	v5 =	vadd.f32 $1.258291200e+07, v59;
	v9 =	vadd.f32 $-1.258291200e+07, v9;
	v23 =	vld.idx.msk [tilespmem:v26+s15+$0x0], $0xffff  }
0x171: {  	v7 =	vadd.s32 v8, v13;
	v17 =	vadd.s32 v8, v29;
	v10 =	vadd.f32 $-1.258291200e+07, v10;
	[tilespmem:s28+$0x1B0] =	vst v19;
	v19 =	vld.idx.msk [tilespmem:v25+s15+$0x0], $0xffff  }
0x172: {  	v8 =	vadd.s32 v8, v20;
	v3 =	vld.idx.msk [tilespmem:v3+s15+$0x0], $0xffff;
	v1 =	vadd.f32 $-1.258291200e+07, v1;
	v5 =	vadd.f32 $-1.258291200e+07, v5;
	[tilespmem:s28+$0xFFFFFF30] =	vst v9  }
0x173: {  	v62 =	vclamp.gez.f32 v15, $2.550000000e+02;
	v15 =	vadd.f32 $-1.258291200e+07, v18;
	v18 =	vadd.f32 $-1.258291200e+07, v61;
	[tilespmem:s28+$0xFFFFFF60] =	vst v10;
	v10 =	vld.idx.msk [tilespmem:v24+s15+$0x0], $0xffff  }
0x174: {  	[tilespmem:s28+$0xFFFFFFE0] =	vst v5;
	v5 =	vadd.f32 $1.258291200e+07, v62;
	v12 =	vclamp.gez.f32 v12, $2.550000000e+02;
	v6 =	vclamp.gez.f32 v6, $2.550000000e+02  }
0x175: {  	[tilespmem:s28+$0x30] =	vst v1;
	v24 =	vld.idx.msk [tilespmem:v28+s15+$0x0], $0xffff;
	v12 =	vadd.f32 $1.258291200e+07, v12;
	v6 =	vadd.f32 $1.258291200e+07, v6;
	v11 =	vclamp.gez.f32 v23, $2.550000000e+02  }
0x176: {  	v4 =	vld.idx.msk [tilespmem:v4+s15+$0x0], $0xffff;
	[tilespmem:s28+$0xA0] =	vst v15;
	v5 =	vadd.f32 $-1.258291200e+07, v5;
	v11 =	vadd.f32 $1.258291200e+07, v11;
	v19 =	vclamp.gez.f32 v19, $2.550000000e+02  }
0x177: {  	[tilespmem:s28+$0xE0] =	vst v18;
	v2 =	vld.idx.msk [tilespmem:v2+s15+$0x0], $0xffff;
	v3 =	vclamp.gez.f32 v3, $2.550000000e+02;
	v12 =	vadd.f32 $-1.258291200e+07, v12;
	v19 =	vadd.f32 $1.258291200e+07, v19  }
0x178: {  	v0 =	vld.idx.msk [tilespmem:v0+s15+$0x0], $0xffff;
	v3 =	vadd.f32 $1.258291200e+07, v3;
	[tilespmem:s28+$0xFFFFFE20] =	vst v5;
	v10 =	vclamp.gez.f32 v10, $2.550000000e+02;
	v11 =	vadd.f32 $-1.258291200e+07, v11  }
0x179: {  	[tilespmem:s28+$0xFFFFFEF0] =	vst v12;
	v7 =	vld.idx.msk [tilespmem:v7+s15+$0x0], $0xffff;
	v10 =	vadd.f32 $1.258291200e+07, v10;
	v15 =	vadd.f32 $-1.258291200e+07, v19  }
0x17a: {  	v26 =	vadd.f32 $-1.258291200e+07, v6;
	v3 =	vadd.f32 $-1.258291200e+07, v3;
	v5 =	vclamp.gez.f32 v24, $2.550000000e+02;
	[tilespmem:s28+$0xFFFFFE70] =	vst v11;
	v11 =	vld.idx.msk [tilespmem:v17+s15+$0x0], $0xffff  }
0x17b: {  	v4 =	vclamp.gez.f32 v4, $2.550000000e+02;
	v5 =	vadd.f32 $1.258291200e+07, v5;
	v63 =	vadd.f32 $-1.258291200e+07, v10;
	v10 =	vld.idx.msk [tilespmem:v14+s15+$0x0], $0xffff;
	[tilespmem:s28+$0x1E0] =	vst v15  }
0x17c: {  	[tilespmem:s28+$0x70] =	vst v26;
	v2 =	vclamp.gez.f32 v2, $2.550000000e+02;
	v4 =	vadd.f32 $1.258291200e+07, v4;
	v8 =	vld.idx.msk [tilespmem:v8+s15+$0x0], $0xffff  }
0x17d: {  	[tilespmem:s28+$0xFFFFFFB0] =	vst v3;
	v2 =	vadd.f32 $1.258291200e+07, v2;
	v0 =	vclamp.gez.f32 v0, $2.550000000e+02;
	v30 =	vadd.f32 $-1.258291200e+07, v5  }
0x17e: {  	v0 =	vadd.f32 $1.258291200e+07, v0;
	v4 =	vadd.f32 $-1.258291200e+07, v4;
	[tilespmem:s28+$0xFFFFFEB0] =	vst v63;
	v28 =	vclamp.gez.f32 v7, $2.550000000e+02  }
0x17f: {  	v2 =	vadd.f32 $-1.258291200e+07, v2;
	[tilespmem:s28+$0x170] =	vst v30;
	v1 =	vadd.f32 $1.258291200e+07, v28;
	v6 =	vclamp.gez.f32 v11, $2.550000000e+02  }
0x180: {  	v0 =	vadd.f32 $-1.258291200e+07, v0;
	[tilespmem:s28+$0xFFFFFF70] =	vst v4;
	v25 =	vclamp.gez.f32 v10, $2.550000000e+02;
	v27 =	vadd.f32 $1.258291200e+07, v6  }
0x181: {  	[tilespmem:s28+$0xFFFFFFF0] =	vst v2;
	v1 =	vadd.f32 $-1.258291200e+07, v1;
	v4 =	vadd.f32 $1.258291200e+07, v25;
	v29 =	vclamp.gez.f32 v8, $2.550000000e+02  }
0x182: {  	[tilespmem:s28+$0xB0] =	vst v0;
	v2 =	vadd.f32 $-1.258291200e+07, v27;
	v3 =	vadd.f32 $1.258291200e+07, v29  }
0x183: {  	s29 =	sadd.s32 s5, s26;
	[tilespmem:s28+$0xFFFFFE30] =	vst v1;
	v4 =	vadd.f32 $-1.258291200e+07, v4  }
0x184: {  	p1 =	seq.s32 s25, $0xF;
	s29 =	smul.u32 $0x600, s29;
	[tilespmem:s28+$0x130] =	vst v2;
	v31 =	vadd.f32 $-1.258291200e+07, v3  }
0x185: {  	s30 =	sadd.s32 @!p1 s26, s10;
	[tilespmem:s28+$0xF0] =	vst v4  }
0x186: {  	[tilespmem:s28+$0x1F0] =	vst v31;
	s28 =	sadd.s32 s4, s29;
	s29 =	smul.u32 @!p1 $0x600, s30  }
0x187: {  	[hbm4b:s28+s3] =	stream.linear.scatter [tilespmem:s19], [sflag:$0x3], $0x3000, $0x38;
	[tilespmem:$0xC200] =	vst v63  }
0x188: {  	s30 =	simm.s32 @!p1 $0x100;
	s28 =	sadd.s32 @!p1 s1, s29;
	s29 =	simm.s32 @!p1 $0x0  }
0x189: {  	[tilespmem:s30], [sflag:$0x1] =	stream.linear.gather @!p1 [hbm4b:s28+s29], $0x3000, $0x38;
	[tilespmem:$0xC200] =	vst v63  }
0x18a: {  	_ =	swait.ge [sflag:s20], $0x3000  }
0x18b: {  	[sflag:s20] =	ssyncset.done $0x0  }
0x18c: {  	s28 =	sor.u32 $0x1, s26;
	s29 =	simm.s32 @!p0 $0x4;
	[sflag:s20] =	ssyncadd.s32 $0xFFFFD000  }
0x18d: {  	v32 =	vmov s28;
	_ =	swait.ge @!p0 [sflag:s29], $0x3000  }
0x18e: {  	v33 =	vld [tilespmem:$0x1FF80]  }
0x18f: {  	v6 =	vld [tilespmem:$0x1FF90]  }
0x190: {  	[sflag:s29] =	ssyncset.done @!p0 $0x0;
	v7 =	vld [tilespmem:$0x1FFA0]  }
0x191: {  	v10 =	vld [tilespmem:$0x1FFB0];
	[sflag:s29] =	ssyncadd.s32 @!p0 $0xFFFFD000  }
0x192: {  	v9 =	vld.idx.msk [tilespmem:v32+s14+$0x0], $0xffff  }
0x193: {  	v11 =	vld [tilespmem:$0x1FFC0];
	s29 =	simm.s32 $0x0  }
0x194: {  	s30 =	simm.s32 $0x1;
	v0 =	vld.idx.msk [tilespmem:v32+s29+$0x0], $0xffff  }
0x195: {  	v13 =	vmov s30  }
0x196: {  	v13 =	vand.u32 $0xFFFFFFF1, v13  }
0x197: {  	v52 =	vbroadcast v13, $0x0;
	v34 =	vadd.s32 v33, v9;
	v35 =	vsub.s32 v6, v9  }
0x198: {  	v36 =	vadd.s32 v7, v9;
	v37 =	vsub.s32 v10, v9;
	v48 =	vadd.s32 v11, v9  }
0x199: {  	v49 =	vadd.s32 v33, v0;
	v50 =	vsub.s32 v6, v0;
	v6 =	vadd.s32 v7, v0  }
0x19a: {  	v51 =	vsub.s32 v10, v0;
	v10 =	vld [tilespmem:$0x1FFD0];
	vm0 =	vlt.s32 v34, $0x0;
	vm6 =	vlt.s32 v49, $0x0  }
0x19b: {  	v20 =	vld [tilespmem:$0x1FFE0];
	vm7 =	vlt.s32 v6, $0x0;
	v1 =	vsel vm0, v35, v34;
	v4 =	vsel vm6, v50, v49  }
0x19c: {  	v21 =	vld [tilespmem:$0x1FFF0];
	v5 =	vsel vm7, v51, v6;
	vm1 =	vgt.s32 v1, $0x3F;
	v38 =	vsub.s32 $0x7E, v1  }
0x19d: {  	vm2 =	vgt.s32 v4, $0x3F;
	v7 =	vsub.s32 $0x7E, v4;
	v6 =	vsub.s32 $0x7E, v5  }
0x19e: {  	v8 =	vsel vm1, v38, v1;
	v4 =	vsel vm2, v7, v4;
	vm1 =	vgt.s32 v5, $0x3F  }
0x19f: {  	v7 =	vsub.s32 v10, v9;
	v5 =	vsel vm1, v6, v5;
	v4 =	vshll.u32 v4, $0x6  }
0x1a0: {  	v6 =	vadd.s32 v11, v0;
	v10 =	vsub.s32 v10, v0;
	v11 =	vadd.s32 v20, v0  }
0x1a1: {  	v0 =	vsub.s32 v21, v0;
	vm9 =	vlt.s32 v6, $0x0;
	vm10 =	vlt.s32 v11, $0x0  }
0x1a2: {  	v5 =	vshll.u32 v5, $0x6;
	[tilespmem:$0xC100] =	vst v4;
	v6 =	vsel vm9, v10, v6;
	v0 =	vsel vm10, v0, v11  }
0x1a3: {  	[tilespmem:$0xC110] =	vst v5;
	v11 =	vadd.s32 $0x1000, v5;
	vm11 =	vgt.s32 v6, $0x3F;
	v10 =	vsub.s32 $0x7E, v6  }
0x1a4: {  	vm5 =	vlt.s32 v36, $0x0;
	v5 =	vadd.s32 $0x2000, v5;
	[tilespmem:$0xC150] =	vst v11;
	v6 =	vsel vm11, v10, v6  }
0x1a5: {  	vm12 =	vgt.s32 v0, $0x3F;
	[tilespmem:$0xC190] =	vst v5;
	v10 =	vsub.s32 $0x7E, v0;
	v6 =	vshll.u32 v6, $0x6  }
0x1a6: {  	v2 =	vsel vm5, v37, v36;
	v0 =	vsel vm12, v10, v0;
	v10 =	vadd.s32 $0x1000, v4;
	[tilespmem:$0xC120] =	vst v6  }
0x1a7: {  	vm8 =	vlt.s32 v48, $0x0;
	vm0 =	vgt.s32 v2, $0x3F;
	v4 =	vadd.s32 $0x2000, v4;
	[tilespmem:$0xC140] =	vst v10  }
0x1a8: {  	v39 =	vsub.s32 $0x7E, v2;
	v20 =	vadd.s32 v20, v9;
	v0 =	vshll.u32 v0, $0x6;
	[tilespmem:$0xC180] =	vst v4  }
0x1a9: {  	v3 =	vsel vm8, v7, v48;
	vm14 =	vlt.s32 v20, $0x0;
	v12 =	vadd.s32 $0x1000, v6;
	[tilespmem:$0xC130] =	vst v0  }
0x1aa: {  	vm13 =	vgt.s32 v3, $0x3F;
	v11 =	vmov s29;
	s29 =	simm.s32 $0xF;
	v6 =	vadd.s32 $0x2000, v6;
	[tilespmem:$0xC160] =	vst v12  }
0x1ab: {  	v11 =	vand.u32 $0xFFFFFFF0, v11;
	v10 =	vadd.s32 $0x1000, v0;
	v12 =	vmov s29;
	s29 =	simm.s32 $0x2;
	[tilespmem:$0xC1A0] =	vst v6  }
0x1ac: {  	v11 =	vbroadcast v11, $0x0;
	v0 =	vadd.s32 $0x2000, v0;
	[tilespmem:$0xC170] =	vst v10;
	v10 =	vmov s29;
	s29 =	simm.s32 $0x3  }
0x1ad: {  	v7 =	vsub.s32 $0x7E, v3;
	[tilespmem:$0xC1B0] =	vst v0;
	v10 =	vand.u32 $0xFFFFFFF2, v10;
	v13 =	vmov s29;
	s29 =	simm.s32 $0x4  }
0x1ae: {  	v4 =	vld.idx.msk [tilespmem:v52+s18+$0x0], $0xffff;
	v53 =	vbroadcast v10, $0x0;
	v10 =	vand.u32 $0xFFFFFFF3, v13;
	v13 =	vmov s29;
	s29 =	simm.s32 $0x5  }
0x1af: {  	v6 =	vbroadcast v10, $0x0;
	v10 =	vand.u32 $0xFFFFFFF4, v13;
	v13 =	vmov s29;
	s29 =	simm.s32 $0x6  }
0x1b0: {  	v54 =	vbroadcast v10, $0x0;
	v10 =	vand.u32 $0xFFFFFFF5, v13;
	v13 =	vmov s29;
	s29 =	simm.s32 $0x7  }
0x1b1: {  	v22 =	vld.idx.msk [tilespmem:v12+s18+$0x0], $0xffff;
	v10 =	vbroadcast v10, $0x0;
	v14 =	vand.u32 $0xFFFFFFF6, v13;
	v15 =	vmov s29;
	s29 =	simm.s32 $0x8  }
0x1b2: {  	s30 =	simm.s32 $0x10;
	v13 =	vld.idx.msk [tilespmem:v11+s18+$0x0], $0xffff;
	v11 =	vbroadcast v14, $0x0;
	v14 =	vand.u32 $0xFFFFFFF7, v15;
	v15 =	vmov s29;
	s29 =	simm.s32 $0x9  }
0x1b3: {  	v12 =	vmov s30;
	v60 =	vadd.s32 v8, v4;
	v16 =	vmov s29  }
0x1b4: {  	v14 =	vbroadcast v14, $0x0;
	v15 =	vand.u32 $0xFFFFFFF8, v15;
	s29 =	simm.s32 $0xA;
	v16 =	vand.u32 $0xFFFFFFF9, v16  }
0x1b5: {  	v15 =	vbroadcast v15, $0x0;
	v17 =	vmov s29;
	s29 =	simm.s32 $0xB;
	v16 =	vbroadcast v16, $0x0  }
0x1b6: {  	v17 =	vand.u32 $0xFFFFFFFA, v17;
	v18 =	vmov s29;
	s29 =	simm.s32 $0xC;
	v58 =	vadd.s32 v8, v22  }
0x1b7: {  	v17 =	vbroadcast v17, $0x0;
	v18 =	vand.u32 $0xFFFFFFFB, v18;
	v19 =	vmov s29  }
0x1b8: {  	s29 =	simm.s32 $0xD;
	v59 =	vadd.s32 v8, v13;
	v43 =	vld.idx.msk [tilespmem:v10+s18+$0x0], $0xffff;
	v18 =	vbroadcast v18, $0x0;
	v10 =	vand.u32 $0xFFFFFFFC, v19  }
0x1b9: {  	v5 =	vld.idx.msk [tilespmem:v53+s18+$0x0], $0xffff;
	v19 =	vsub.s32 v21, v9;
	v9 =	vsel vm13, v7, v3;
	v7 =	vmov s29  }
0x1ba: {  	v6 =	vld.idx.msk [tilespmem:v6+s18+$0x0], $0xffff;
	s29 =	simm.s32 $0xE;
	v21 =	vbroadcast v10, $0x0;
	v10 =	vsel vm0, v39, v2;
	v55 =	vsel vm14, v19, v20  }
0x1bb: {  	v0 =	vld.idx.msk [tilespmem:v54+s18+$0x0], $0xffff;
	v57 =	vand.u32 $0xFFFFFFFD, v7;
	v7 =	vmov s29;
	v27 =	vadd.s32 v9, v22  }
0x1bc: {  	v44 =	vld.idx.msk [tilespmem:v11+s18+$0x0], $0xffff;
	v29 =	vadd.s32 v9, v13;
	v42 =	vadd.s32 v9, v4;
	vm15 =	vgt.s32 v55, $0x3F  }
0x1bd: {  	v2 =	vld.idx.msk [tilespmem:v14+s18+$0x0], $0xffff;
	v56 =	vsub.s32 $0x7E, v55;
	v1 =	vbroadcast v57, $0x0;
	v7 =	vand.u32 $0xFFFFFFFE, v7  }
0x1be: {  	v34 =	vadd.s32 v10, v22;
	v39 =	vadd.s32 v10, v13;
	v61 =	vadd.s32 v8, v5;
	v45 =	vld.idx.msk [tilespmem:v15+s18+$0x0], $0xffff  }
0x1bf: {  	v41 =	vadd.s32 v9, v5;
	v11 =	vsel vm15, v56, v55;
	v40 =	vadd.s32 v9, v6;
	v3 =	vld.idx.msk [tilespmem:v16+s18+$0x0], $0xffff  }
0x1c0: {  	v7 =	vbroadcast v7, $0x0;
	v28 =	vadd.s32 v11, v4;
	v26 =	vadd.s32 v11, v5;
	v46 =	vld.idx.msk [tilespmem:v17+s18+$0x0], $0xffff;
	[tilespmem:$0x1FF10] =	vst v12  }
0x1c1: {  	v25 =	vadd.s32 v11, v6;
	v23 =	vadd.s32 v11, v0;
	v62 =	vadd.s32 v8, v0;
	v47 =	vld.idx.msk [tilespmem:v18+s18+$0x0], $0xffff  }
0x1c2: {  	v37 =	vadd.s32 v9, v0;
	v4 =	vadd.s32 v10, v4;
	v5 =	vadd.s32 v10, v5;
	v50 =	vld.idx.msk [tilespmem:v58+s16+$0x0], $0xffff  }
0x1c3: {  	v13 =	vadd.s32 v11, v13;
	v14 =	vadd.s32 v11, v43;
	v63 =	vadd.s32 v8, v43;
	v51 =	vld.idx.msk [tilespmem:v59+s16+$0x0], $0xffff  }
0x1c4: {  	v36 =	vadd.s32 v9, v43;
	v12 =	vadd.s32 v10, v0;
	v35 =	vadd.s32 v9, v44;
	v53 =	vld.idx.msk [tilespmem:v60+s16+$0x0], $0xffff  }
0x1c5: {  	v60 =	vadd.s32 v8, v44;
	v58 =	vadd.s32 v10, v43;
	v59 =	vadd.s32 v10, v44;
	v48 =	vld.idx.msk [tilespmem:v21+s18+$0x0], $0xffff  }
0x1c6: {  	v21 =	vadd.s32 v11, v44;
	v20 =	vadd.s32 v11, v2;
	v33 =	vadd.s32 v9, v2;
	v24 =	vld.idx.msk [tilespmem:v1+s18+$0x0], $0xffff  }
0x1c7: {  	v19 =	vadd.s32 v11, v45;
	v32 =	vadd.s32 v9, v45;
	v1 =	vld.idx.msk [tilespmem:v61+s16+$0x0], $0xffff;
	v61 =	vadd.s32 v8, v2  }
0x1c8: {  	v57 =	vadd.s32 v8, v45;
	v2 =	vadd.s32 v10, v2;
	v54 =	vadd.s32 v10, v45  }
0x1c9: {  	v18 =	vadd.s32 v11, v3;
	v38 =	vld.idx.msk [tilespmem:v7+s18+$0x0], $0xffff;
	v7 =	vadd.s32 v8, v6;
	v31 =	vadd.s32 v9, v3  }
0x1ca: {  	v49 =	vld.idx.msk [tilespmem:v62+s16+$0x0], $0xffff;
	v6 =	vadd.s32 v10, v6;
	v43 =	vadd.s32 v8, v3;
	v3 =	vadd.s32 v10, v3  }
0x1cb: {  	v17 =	vadd.s32 v11, v46;
	v30 =	vadd.s32 v9, v46;
	v52 =	vld.idx.msk [tilespmem:v63+s16+$0x0], $0xffff;
	v45 =	vadd.s32 v8, v46  }
0x1cc: {  	v46 =	vadd.s32 v10, v46;
	v44 =	vld.idx.msk [tilespmem:v60+s16+$0x0], $0xffff;
	v60 =	vadd.s32 v8, v47;
	v50 =	vclamp.gez.f32 v50, $2.550000000e+02  }
0x1cd: {  	v51 =	vclamp.gez.f32 v51, $2.550000000e+02;
	v53 =	vclamp.gez.f32 v53, $2.550000000e+02;
	v50 =	vadd.f32 $1.258291200e+07, v50;
	v55 =	vld.idx.msk [tilespmem:v61+s16+$0x0], $0xffff  }
0x1ce: {  	v51 =	vadd.f32 $1.258291200e+07, v51;
	v53 =	vadd.f32 $1.258291200e+07, v53;
	v61 =	vadd.s32 v8, v48;
	v57 =	vld.idx.msk [tilespmem:v57+s16+$0x0], $0xffff  }
0x1cf: {  	v1 =	vclamp.gez.f32 v1, $2.550000000e+02;
	v62 =	vadd.s32 v8, v24;
	v7 =	vld.idx.msk [tilespmem:v7+s16+$0x0], $0xffff;
	v56 =	vadd.s32 v8, v38  }
0x1d0: {  	v49 =	vclamp.gez.f32 v49, $2.550000000e+02;
	v50 =	vadd.f32 $-1.258291200e+07, v50;
	v43 =	vld.idx.msk [tilespmem:v43+s16+$0x0], $0xffff;
	v1 =	vadd.f32 $1.258291200e+07, v1  }
0x1d1: {  	v53 =	vadd.f32 $-1.258291200e+07, v53;
	v52 =	vclamp.gez.f32 v52, $2.550000000e+02;
	v45 =	vld.idx.msk [tilespmem:v45+s16+$0x0], $0xffff;
	v49 =	vadd.f32 $1.258291200e+07, v49  }
0x1d2: {  	s29 =	simm.s32 $0x94F0;
	v44 =	vclamp.gez.f32 v44, $2.550000000e+02;
	v60 =	vld.idx.msk [tilespmem:v60+s16+$0x0], $0xffff;
	v52 =	vadd.f32 $1.258291200e+07, v52;
	v1 =	vadd.f32 $-1.258291200e+07, v1  }
0x1d3: {  	[tilespmem:s29+$0xFFFFFC50] =	vst v53;
	v44 =	vadd.f32 $1.258291200e+07, v44;
	v49 =	vadd.f32 $-1.258291200e+07, v49;
	v55 =	vclamp.gez.f32 v55, $2.550000000e+02;
	v61 =	vld.idx.msk [tilespmem:v61+s16+$0x0], $0xffff  }
0x1d4: {  	v57 =	vclamp.gez.f32 v57, $2.550000000e+02;
	[tilespmem:s29+$0xFFFFFC90] =	vst v1;
	v1 =	vld.idx.msk [tilespmem:v4+s16+$0x0], $0xffff;
	v4 =	vadd.f32 $-1.258291200e+07, v52;
	v7 =	vclamp.gez.f32 v7, $2.550000000e+02  }
0x1d5: {  	v62 =	vld.idx.msk [tilespmem:v62+s16+$0x0], $0xffff;
	v55 =	vadd.f32 $1.258291200e+07, v55;
	v57 =	vadd.f32 $1.258291200e+07, v57;
	v43 =	vclamp.gez.f32 v43, $2.550000000e+02  }
0x1d6: {  	v44 =	vadd.f32 $-1.258291200e+07, v44;
	v7 =	vadd.f32 $1.258291200e+07, v7;
	v45 =	vclamp.gez.f32 v45, $2.550000000e+02  }
0x1d7: {  	v16 =	vadd.s32 v11, v47;
	v43 =	vadd.f32 $1.258291200e+07, v43;
	v45 =	vadd.f32 $1.258291200e+07, v45  }
0x1d8: {  	v56 =	vld.idx.msk [tilespmem:v56+s16+$0x0], $0xffff;
	[tilespmem:s29+$0xFFFFFD10] =	vst v49;
	v60 =	vclamp.gez.f32 v60, $2.550000000e+02;
	v49 =	vadd.f32 $-1.258291200e+07, v55;
	v7 =	vadd.f32 $-1.258291200e+07, v7  }
0x1d9: {  	v5 =	vld.idx.msk [tilespmem:v5+s16+$0x0], $0xffff;
	[tilespmem:s29+$0xFFFFFD50] =	vst v4;
	v0 =	vadd.f32 $1.258291200e+07, v60;
	v60 =	vadd.s32 v9, v47;
	v47 =	vadd.s32 v10, v47  }
0x1da: {  	v12 =	vld.idx.msk [tilespmem:v12+s16+$0x0], $0xffff;
	[tilespmem:s29+$0xFFFFFD90] =	vst v44;
	v4 =	vadd.f32 $-1.258291200e+07, v43;
	v61 =	vclamp.gez.f32 v61, $2.550000000e+02;
	v62 =	vclamp.gez.f32 v62, $2.550000000e+02  }
0x1db: {  	v44 =	vld.idx.msk [tilespmem:v58+s16+$0x0], $0xffff;
	v43 =	vadd.f32 $-1.258291200e+07, v45;
	v45 =	vadd.s32 v10, v24;
	[tilespmem:s29+$0xFFFFFDD0] =	vst v49;
	v61 =	vadd.f32 $1.258291200e+07, v61  }
0x1dc: {  	v58 =	vld.idx.msk [tilespmem:v59+s16+$0x0], $0xffff;
	v1 =	vclamp.gez.f32 v1, $2.550000000e+02;
	v52 =	vadd.f32 $1.258291200e+07, v62;
	[tilespmem:s29+$0xFFFFFCD0] =	vst v7;
	v7 =	vadd.f32 $-1.258291200e+07, v51  }
0x1dd: {  	[tilespmem:s29+$0xFFFFFFD0] =	vst v50;
	v56 =	vclamp.gez.f32 v56, $2.550000000e+02;
	v51 =	vadd.f32 $-1.258291200e+07, v57;
	v0 =	vadd.f32 $-1.258291200e+07, v0;
	v2 =	vld.idx.msk [tilespmem:v2+s16+$0x0], $0xffff  }
0x1de: {  	v1 =	vadd.f32 $1.258291200e+07, v1;
	v5 =	vclamp.gez.f32 v5, $2.550000000e+02;
	[tilespmem:s29+$0xFFFFFE50] =	vst v4;
	v56 =	vadd.f32 $1.258291200e+07, v56;
	v6 =	vld.idx.msk [tilespmem:v6+s16+$0x0], $0xffff  }
0x1df: {  	v5 =	vadd.f32 $1.258291200e+07, v5;
	v3 =	vld.idx.msk [tilespmem:v3+s16+$0x0], $0xffff;
	v12 =	vclamp.gez.f32 v12, $2.550000000e+02;
	v55 =	vadd.f32 $-1.258291200e+07, v61;
	[tilespmem:s29+$0xFFFFFE10] =	vst v51  }
0x1e0: {  	v15 =	vadd.s32 v11, v48;
	[tilespmem:s29+$0xFFFFFED0] =	vst v0;
	v12 =	vadd.f32 $1.258291200e+07, v12;
	v56 =	vadd.f32 $-1.258291200e+07, v56;
	v61 =	vld.idx.msk [tilespmem:v54+s16+$0x0], $0xffff  }
0x1e1: {  	v63 =	vadd.s32 v10, v38;
	v59 =	vadd.f32 $-1.258291200e+07, v52;
	v1 =	vadd.f32 $-1.258291200e+07, v1;
	[tilespmem:s29+$0xFFFFFC10] =	vst v7;
	v52 =	vld.idx.msk [tilespmem:v47+s16+$0x0], $0xffff  }
0x1e2: {  	v54 =	vclamp.gez.f32 v58, $2.550000000e+02;
	v39 =	vld.idx.msk [tilespmem:v39+s16+$0x0], $0xffff;
	v12 =	vadd.f32 $-1.258291200e+07, v12;
	[tilespmem:s29+$0xFFFFFF90] =	vst v56;
	v56 =	vadd.s32 v9, v48  }
0x1e3: {  	v58 =	vld.idx.msk [tilespmem:v34+s16+$0x0], $0xffff;
	[tilespmem:s29+$0xFFFFFF50] =	vst v59;
	v48 =	vadd.s32 v10, v48;
	v2 =	vclamp.gez.f32 v2, $2.550000000e+02;
	v6 =	vclamp.gez.f32 v6, $2.550000000e+02  }
0x1e4: {  	v7 =	vld.idx.msk [tilespmem:v45+s16+$0x0], $0xffff;
	v2 =	vadd.f32 $1.258291200e+07, v2;
	v3 =	vclamp.gez.f32 v3, $2.550000000e+02;
	v6 =	vadd.f32 $1.258291200e+07, v6  }
0x1e5: {  	v5 =	vadd.f32 $-1.258291200e+07, v5;
	[tilespmem:s29+$0xFFFFFF10] =	vst v55;
	v3 =	vadd.f32 $1.258291200e+07, v3;
	v4 =	vclamp.gez.f32 v61, $2.550000000e+02  }
0x1e6: {  	v63 =	vld.idx.msk [tilespmem:v63+s16+$0x0], $0xffff;
	[tilespmem:s29+$0xFFFFFD20] =	vst v12;
	v2 =	vadd.f32 $-1.258291200e+07, v2;
	v59 =	vclamp.gez.f32 v52, $2.550000000e+02;
	v6 =	vadd.f32 $-1.258291200e+07, v6  }
0x1e7: {  	[tilespmem:s29+$0xFFFFFC60] =	vst v1;
	v37 =	vld.idx.msk [tilespmem:v37+s16+$0x0], $0xffff;
	v39 =	vclamp.gez.f32 v39, $2.550000000e+02;
	v4 =	vadd.f32 $1.258291200e+07, v4;
	v3 =	vadd.f32 $-1.258291200e+07, v3  }
0x1e8: {  	[tilespmem:s29+$0xFFFFFCA0] =	vst v5;
	v61 =	vld.idx.msk [tilespmem:v42+s16+$0x0], $0xffff;
	v1 =	vclamp.gez.f32 v58, $2.550000000e+02;
	v34 =	vadd.f32 $1.258291200e+07, v59;
	v39 =	vadd.f32 $1.258291200e+07, v39  }
0x1e9: {  	v1 =	vadd.f32 $1.258291200e+07, v1;
	v48 =	vld.idx.msk [tilespmem:v48+s16+$0x0], $0xffff;
	v7 =	vclamp.gez.f32 v7, $2.550000000e+02;
	[tilespmem:s29+$0xFFFFFDE0] =	vst v2;
	v4 =	vadd.f32 $-1.258291200e+07, v4  }
0x1ea: {  	v53 =	vadd.s32 v9, v24;
	[tilespmem:s29+$0xFFFFFCE0] =	vst v6;
	v6 =	vld.idx.msk [tilespmem:v41+s16+$0x0], $0xffff;
	v7 =	vadd.f32 $1.258291200e+07, v7;
	v34 =	vadd.f32 $-1.258291200e+07, v34  }
0x1eb: {  	[tilespmem:s29+$0xFFFFFE90] =	vst v43;
	v62 =	vclamp.gez.f32 v63, $2.550000000e+02;
	v33 =	vld.idx.msk [tilespmem:v33+s16+$0x0], $0xffff;
	v39 =	vadd.f32 $-1.258291200e+07, v39;
	v1 =	vadd.f32 $-1.258291200e+07, v1  }
0x1ec: {  	v57 =	vadd.s32 v9, v38;
	v63 =	vadd.f32 $1.258291200e+07, v62;
	v62 =	vld.idx.msk [tilespmem:v46+s16+$0x0], $0xffff;
	v46 =	vadd.f32 $1.258291200e+07, v54  }
0x1ed: {  	[tilespmem:s29+$0xFFFFFE60] =	vst v3;
	v51 =	vclamp.gez.f32 v37, $2.550000000e+02;
	v5 =	vclamp.gez.f32 v61, $2.550000000e+02;
	v7 =	vadd.f32 $-1.258291200e+07, v7  }
0x1ee: {  	v12 =	vld.idx.msk [tilespmem:v40+s16+$0x0], $0xffff;
	[tilespmem:s29+$0xFFFFFE20] =	vst v4;
	v54 =	vadd.f32 $1.258291200e+07, v51;
	v49 =	vadd.f32 $-1.258291200e+07, v63;
	v63 =	vclamp.gez.f32 v44, $2.550000000e+02  }
0x1ef: {  	v52 =	vld.idx.msk [tilespmem:v31+s16+$0x0], $0xffff;
	[tilespmem:s29+$0xFFFFFEE0] =	vst v34;
	v5 =	vadd.f32 $1.258291200e+07, v5;
	v43 =	vadd.f32 $1.258291200e+07, v63;
	v63 =	vclamp.gez.f32 v48, $2.550000000e+02  }
0x1f0: {  	[tilespmem:s29+$0xFFFFFFE0] =	vst v1;
	v50 =	vld.idx.msk [tilespmem:v32+s16+$0x0], $0xffff;
	v31 =	vadd.f32 $-1.258291200e+07, v54;
	v44 =	vadd.f32 $1.258291200e+07, v63;
	v6 =	vclamp.gez.f32 v6, $2.550000000e+02  }
0x1f1: {  	v58 =	vld.idx.msk [tilespmem:v27+s16+$0x0], $0xffff;
	[tilespmem:s29+$0xFFFFFFA0] =	vst v49;
	v5 =	vadd.f32 $-1.258291200e+07, v5;
	v33 =	vclamp.gez.f32 v33, $2.550000000e+02;
	v43 =	vadd.f32 $-1.258291200e+07, v43  }
0x1f2: {  	[tilespmem:s29+$0xFFFFFC20] =	vst v39;
	v55 =	vld.idx.msk [tilespmem:v57+s16+$0x0], $0xffff;
	v57 =	vadd.f32 $-1.258291200e+07, v46;
	v0 =	vclamp.gez.f32 v62, $2.550000000e+02;
	v6 =	vadd.f32 $1.258291200e+07, v6  }
0x1f3: {  	v34 =	vld.idx.msk [tilespmem:v60+s16+$0x0], $0xffff;
	v12 =	vclamp.gez.f32 v12, $2.550000000e+02;
	v33 =	vadd.f32 $1.258291200e+07, v33;
	v0 =	vadd.f32 $1.258291200e+07, v0;
	[tilespmem:s29+$0xFFFFFD60] =	vst v43  }
0x1f4: {  	v38 =	vadd.s32 v11, v38;
	v48 =	vadd.f32 $-1.258291200e+07, v44;
	v12 =	vadd.f32 $1.258291200e+07, v12;
	[tilespmem:s29+$0xFFFFFDA0] =	vst v57;
	v57 =	vld.idx.msk [tilespmem:v29+s16+$0x0], $0xffff  }
0x1f5: {  	[tilespmem:s29+$0xFFFFFC70] =	vst v5;
	v6 =	vadd.f32 $-1.258291200e+07, v6;
	v3 =	vclamp.gez.f32 v50, $2.550000000e+02;
	v60 =	vadd.f32 $-1.258291200e+07, v33;
	v36 =	vld.idx.msk [tilespmem:v36+s16+$0x0], $0xffff  }
0x1f6: {  	v5 =	vclamp.gez.f32 v58, $2.550000000e+02;
	v0 =	vadd.f32 $-1.258291200e+07, v0;
	v47 =	vld.idx.msk [tilespmem:v35+s16+$0x0], $0xffff;
	[tilespmem:s29+$0xFFFFFF20] =	vst v48;
	v3 =	vadd.f32 $1.258291200e+07, v3  }
0x1f7: {  	[tilespmem:s29+$0xFFFFFF60] =	vst v7;
	v12 =	vadd.f32 $-1.258291200e+07, v12;
	v5 =	vadd.f32 $1.258291200e+07, v5;
	v7 =	vld.idx.msk [tilespmem:v56+s16+$0x0], $0xffff;
	v62 =	vclamp.gez.f32 v55, $2.550000000e+02  }
0x1f8: {  	v56 =	vld.idx.msk [tilespmem:v53+s16+$0x0], $0xffff;
	[tilespmem:s29+$0xFFFFFEA0] =	vst v0;
	v0 =	vclamp.gez.f32 v52, $2.550000000e+02;
	v3 =	vadd.f32 $-1.258291200e+07, v3;
	v42 =	vadd.f32 $1.258291200e+07, v62  }
0x1f9: {  	v61 =	vclamp.gez.f32 v34, $2.550000000e+02;
	[tilespmem:s29+$0xFFFFFCB0] =	vst v6;
	v6 =	vld.idx.msk [tilespmem:v28+s16+$0x0], $0xffff;
	v5 =	vadd.f32 $-1.258291200e+07, v5;
	v0 =	vadd.f32 $1.258291200e+07, v0  }
0x1fa: {  	[tilespmem:s29+$0xFFFFFCF0] =	vst v12;
	v12 =	vld.idx.msk [tilespmem:v26+s16+$0x0], $0xffff;
	v62 =	vadd.f32 $1.258291200e+07, v61;
	v1 =	vclamp.gez.f32 v57, $2.550000000e+02;
	v46 =	vadd.f32 $-1.258291200e+07, v42  }
0x1fb: {  	v30 =	vld.idx.msk [tilespmem:v30+s16+$0x0], $0xffff;
	v55 =	vclamp.gez.f32 v36, $2.550000000e+02;
	v0 =	vadd.f32 $-1.258291200e+07, v0;
	v1 =	vadd.f32 $1.258291200e+07, v1  }
0x1fc: {  	[tilespmem:s29+$0xFFFFFD30] =	vst v31;
	v2 =	vclamp.gez.f32 v47, $2.550000000e+02;
	v26 =	vadd.f32 $-1.258291200e+07, v62;
	v32 =	vadd.f32 $1.258291200e+07, v55  }
0x1fd: {  	v23 =	vld.idx.msk [tilespmem:v23+s16+$0x0], $0xffff;
	[tilespmem:s29+$0xFFFFFE30] =	vst v3;
	v2 =	vadd.f32 $1.258291200e+07, v2;
	v7 =	vclamp.gez.f32 v7, $2.550000000e+02;
	v63 =	vclamp.gez.f32 v56, $2.550000000e+02  }
0x1fe: {  	v33 =	vld.idx.msk [tilespmem:v19+s16+$0x0], $0xffff;
	v6 =	vclamp.gez.f32 v6, $2.550000000e+02;
	v7 =	vadd.f32 $1.258291200e+07, v7;
	v29 =	vadd.f32 $1.258291200e+07, v63  }
0x1ff: {  	v25 =	vld.idx.msk [tilespmem:v25+s16+$0x0], $0xffff;
	[tilespmem:s29+$0xFFFFFFB0] =	vst v46;
	v1 =	vadd.f32 $-1.258291200e+07, v1;
	v12 =	vclamp.gez.f32 v12, $2.550000000e+02;
	v6 =	vadd.f32 $1.258291200e+07, v6  }
0x200: {  	[tilespmem:s29+$0xFFFFFE70] =	vst v0;
	v49 =	vld.idx.msk [tilespmem:v38+s16+$0x0], $0xffff;
	v32 =	vadd.f32 $-1.258291200e+07, v32;
	v2 =	vadd.f32 $-1.258291200e+07, v2;
	v59 =	vclamp.gez.f32 v30, $2.550000000e+02  }
0x201: {  	s31 =	simm.s32 $0x12;
	v24 =	vadd.s32 v11, v24;
	[tilespmem:s29+$0xFFFFFDF0] =	vst v60;
	v12 =	vadd.f32 $1.258291200e+07, v12;
	v18 =	vld.idx.msk [tilespmem:v18+s16+$0x0], $0xffff;
	v27 =	vadd.f32 $1.258291200e+07, v59  }
0x202: {  	v37 =	vmov s31;
	v7 =	vadd.f32 $-1.258291200e+07, v7;
	v6 =	vadd.f32 $-1.258291200e+07, v6;
	[tilespmem:s29+$0xFFFFFD70] =	vst v32;
	v32 =	vld.idx.msk [tilespmem:v20+s16+$0x0], $0xffff  }
0x203: {  	[tilespmem:s29+$0xFFFFFDB0] =	vst v2;
	v20 =	vadd.f32 $-1.258291200e+07, v29;
	v12 =	vadd.f32 $-1.258291200e+07, v12;
	v0 =	vclamp.gez.f32 v33, $2.550000000e+02;
	v31 =	vld.idx.msk [tilespmem:v14+s16+$0x0], $0xffff  }
0x204: {  	s30 =	simm.s32 $0x1F;
	[tilespmem:s29+$0xFFFFFC30] =	vst v1;
	v27 =	vadd.f32 $-1.258291200e+07, v27;
	v14 =	vld.idx.msk [tilespmem:v21+s16+$0x0], $0xffff;
	v21 =	vclamp.gez.f32 v25, $2.550000000e+02;
	v0 =	vadd.f32 $1.258291200e+07, v0  }
0x205: {  	v13 =	vld.idx.msk [tilespmem:v13+s16+$0x0], $0xffff;
	v19 =	vadd.f32 $1.258291200e+07, v21;
	v21 =	vclamp.gez.f32 v23, $2.550000000e+02;
	[tilespmem:s29+$0xFFFFFF70] =	vst v20;
	v20 =	vmov s30  }
0x206: {  	[tilespmem:s29+$0xFFFFFEF0] =	vst v26;
	s30 =	simm.s32 $0x11;
	v4 =	vclamp.gez.f32 v49, $2.550000000e+02;
	v21 =	vadd.f32 $1.258291200e+07, v21;
	v18 =	vclamp.gez.f32 v18, $2.550000000e+02  }
0x207: {  	[tilespmem:s29+$0xFFFFFF30] =	vst v7;
	v7 =	vld.idx.msk [tilespmem:v16+s16+$0x0], $0xffff;
	v0 =	vadd.f32 $-1.258291200e+07, v0;
	v23 =	vmov s30;
	v4 =	vadd.f32 $1.258291200e+07, v4  }
0x208: {  	v16 =	vadd.f32 $-1.258291200e+07, v19;
	v18 =	vadd.f32 $1.258291200e+07, v18;
	v23 =	vand.u32 $0xFFFFFFF1, v23  }
0x209: {  	v15 =	vld.idx.msk [tilespmem:v15+s16+$0x0], $0xffff;
	s30 =	simm.s32 $0x13;
	v19 =	vadd.f32 $-1.258291200e+07, v21;
	v3 =	vclamp.gez.f32 v32, $2.550000000e+02;
	v21 =	vadd.s32 v11, v22  }
0x20a: {  	v22 =	vclamp.gez.f32 v13, $2.550000000e+02;
	v38 =	vbroadcast v23, $0x0;
	v23 =	vmov s30  }
0x20b: {  	v34 =	vld.idx.msk [tilespmem:v24+s16+$0x0], $0xffff;
	v4 =	vadd.f32 $-1.258291200e+07, v4;
	v2 =	vclamp.gez.f32 v31, $2.550000000e+02;
	v14 =	vclamp.gez.f32 v14, $2.550000000e+02  }
0x20c: {  	[tilespmem:s29+$0xFFFFFEB0] =	vst v27;
	s30 =	simm.s32 $0x14;
	v3 =	vadd.f32 $1.258291200e+07, v3;
	v7 =	vclamp.gez.f32 v7, $2.550000000e+02;
	v35 =	vadd.f32 $-1.258291200e+07, v18  }
0x20d: {  	v13 =	vld [tilespmem:$0x1FF10];
	[tilespmem:s29+$0xFFFFFC80] =	vst v6;
	v6 =	vand.u32 $0xFFFFFFF3, v23;
	v23 =	vmov s30;
	v2 =	vadd.f32 $1.258291200e+07, v2  }
0x20e: {  	v17 =	vld.idx.msk [tilespmem:v17+s16+$0x0], $0xffff;
	s30 =	simm.s32 $0x15;
	v14 =	vadd.f32 $1.258291200e+07, v14;
	v7 =	vadd.f32 $1.258291200e+07, v7;
	v15 =	vclamp.gez.f32 v15, $2.550000000e+02  }
0x20f: {  	[tilespmem:s29+$0xFFFFFCC0] =	vst v12;
	v6 =	vbroadcast v6, $0x0;
	v12 =	vand.u32 $0xFFFFFFF4, v23;
	v23 =	vmov s30  }
0x210: {  	[tilespmem:s29+$0xFFFFFD00] =	vst v16;
	v3 =	vadd.f32 $-1.258291200e+07, v3;
	v36 =	vadd.f32 $1.258291200e+07, v15;
	v1 =	vclamp.gez.f32 v34, $2.550000000e+02  }
0x211: {  	s30 =	simm.s32 $0x16;
	[tilespmem:s29+$0xFFFFFFC0] =	vst v4;
	v4 =	vand.u32 $0xFFFFFFF2, v37;
	v16 =	vbroadcast v12, $0x0;
	v12 =	vand.u32 $0xFFFFFFF5, v23  }
0x212: {  	v23 =	vmov s30;
	v2 =	vadd.f32 $-1.258291200e+07, v2;
	v14 =	vadd.f32 $-1.258291200e+07, v14  }
0x213: {  	[tilespmem:s29+$0xFFFFFFF0] =	vst v5;
	s30 =	simm.s32 $0x17;
	v17 =	vclamp.gez.f32 v17, $2.550000000e+02;
	v7 =	vadd.f32 $-1.258291200e+07, v7;
	v4 =	vbroadcast v4, $0x0  }
0x214: {  	v15 =	vbroadcast v12, $0x0;
	v23 =	vand.u32 $0xFFFFFFF6, v23;
	v39 =	vmov s30;
	v18 =	vld.idx.msk [tilespmem:v21+s16+$0x0], $0xffff  }
0x215: {  	[tilespmem:s29+$0xFFFFFE40] =	vst v0;
	s30 =	simm.s32 $0x18;
	v44 =	vadd.f32 $1.258291200e+07, v1;
	v13 =	vand.u32 $0xFFFFFFF0, v13;
	v21 =	vld.idx.msk [tilespmem:v20+s18+$0x0], $0xffff;
	v40 =	vbroadcast v23, $0x0  }
0x216: {  	[tilespmem:s29+$0xFFFFFD40] =	vst v19;
	v12 =	vand.u32 $0xFFFFFFF7, v39;
	v23 =	vmov s30;
	s30 =	simm.s32 $0x19;
	v13 =	vbroadcast v13, $0x0;
	v46 =	vld.idx.msk [tilespmem:v38+s18+$0x0], $0xffff  }
0x217: {  	[tilespmem:s29+$0xFFFFFDC0] =	vst v14;
	v41 =	vbroadcast v12, $0x0;
	v14 =	vand.u32 $0xFFFFFFF8, v23;
	v12 =	vmov s30;
	s30 =	simm.s32 $0x1A;
	v50 =	vld.idx.msk [tilespmem:v6+s18+$0x0], $0xffff  }
0x218: {  	[tilespmem:s29+$0xFFFFFE80] =	vst v35;
	v42 =	vbroadcast v14, $0x0;
	v43 =	vand.u32 $0xFFFFFFF9, v12;
	v14 =	vmov s30;
	v51 =	vld.idx.msk [tilespmem:v16+s18+$0x0], $0xffff  }
0x219: {  	v17 =	vadd.f32 $1.258291200e+07, v17;
	[tilespmem:s29+$0xFFFFFE00] =	vst v3;
	v45 =	vbroadcast v43, $0x0;
	v47 =	vand.u32 $0xFFFFFFFA, v14;
	v49 =	vld.idx.msk [tilespmem:v4+s18+$0x0], $0xffff  }
0x21a: {  	[tilespmem:s29+$0xFFFFFD80] =	vst v2;
	v0 =	vadd.f32 $-1.258291200e+07, v44;
	v4 =	vbroadcast v47, $0x0;
	v52 =	vld.idx.msk [tilespmem:v15+s18+$0x0], $0xffff  }
0x21b: {  	[tilespmem:s29+$0xFFFFFF00] =	vst v7;
	v17 =	vadd.f32 $-1.258291200e+07, v17;
	s30 =	simm.s32 $0x1B;
	v6 =	vadd.f32 $1.258291200e+07, v22;
	v14 =	vclamp.gez.f32 v18, $2.550000000e+02;
	v53 =	vld.idx.msk [tilespmem:v40+s18+$0x0], $0xffff  }
0x21c: {  	v12 =	vadd.f32 $-1.258291200e+07, v36;
	v7 =	vmov s30;
	s30 =	simm.s32 $0x1C;
	[tilespmem:s29+$0xFFFFFF80] =	vst v0;
	v14 =	vadd.f32 $1.258291200e+07, v14;
	v13 =	vld.idx.msk [tilespmem:v13+s18+$0x0], $0xffff  }
0x21d: {  	s31 =	simm.s32 $0x1D;
	[tilespmem:s29+$0xFFFFFEC0] =	vst v17;
	v60 =	vand.u32 $0xFFFFFFFB, v7;
	v61 =	vmov s30;
	v48 =	vadd.f32 $-1.258291200e+07, v6;
	v54 =	vld.idx.msk [tilespmem:v41+s18+$0x0], $0xffff  }
0x21e: {  	[tilespmem:s29+$0xFFFFFF40] =	vst v12;
	v7 =	vmov s31;
	v62 =	vand.u32 $0xFFFFFFFC, v61;
	v6 =	vadd.f32 $-1.258291200e+07, v14;
	v57 =	vld.idx.msk [tilespmem:v42+s18+$0x0], $0xffff  }
0x21f: {  	v63 =	vand.u32 $0xFFFFFFFD, v7;
	v17 =	vbroadcast v62, $0x0;
	[tilespmem:s29+$0xFFFFFC40] =	vst v48;
	v59 =	vld.idx.msk [tilespmem:v45+s18+$0x0], $0xffff  }
0x220: {  	s31 =	simm.s32 $0x1E;
	s30 =	simm.s32 $0x20;
	v16 =	vbroadcast v63, $0x0;
	v14 =	vbroadcast v60, $0x0;
	[tilespmem:s29+$0x0] =	vst v6;
	v36 =	vld.idx.msk [tilespmem:v4+s18+$0x0], $0xffff  }
.LBB2_5:
0x221: {  	v0 =	vmov s30;
	v60 =	vmov s31  }
0x222: {  	s0 =	sadd.s32 $0xF, s30;
	v26 =	vadd.s32 v11, v50;
	v31 =	vadd.s32 v8, v50;
	v45 =	vadd.s32 v9, v50  }
0x223: {  	v50 =	vadd.s32 v10, v50;
	[tilespmem:$0x1FEF0] =	vst v0;
	v1 =	vmov s0;
	v0 =	vand.u32 $0xFFFFFFFE, v60  }
0x224: {  	v0 =	vbroadcast v0, $0x0;
	v61 =	vadd.s32 v8, v21;
	v38 =	vadd.s32 v10, v21  }
0x225: {  	v2 =	vadd.s32 v8, v13;
	v43 =	vadd.s32 v10, v13;
	v29 =	vadd.s32 v11, v46  }
0x226: {  	v58 =	vld.idx.msk [tilespmem:v14+s18+$0x0], $0xffff;
	v28 =	vadd.s32 v11, v49;
	v25 =	vadd.s32 v11, v51;
	v24 =	vadd.s32 v11, v52  }
0x227: {  	v56 =	vld.idx.msk [tilespmem:v17+s18+$0x0], $0xffff;
	v23 =	vadd.s32 v11, v53;
	v22 =	vadd.s32 v11, v54;
	v14 =	vadd.s32 v11, v57  }
0x228: {  	v55 =	vld.idx.msk [tilespmem:v16+s18+$0x0], $0xffff;
	v16 =	vadd.s32 v11, v59;
	v3 =	vadd.s32 v8, v46;
	v17 =	vadd.s32 v11, v36  }
0x229: {  	v62 =	vadd.s32 v8, v49;
	v48 =	vadd.s32 v9, v46;
	v47 =	vadd.s32 v9, v49  }
0x22a: {  	[tilespmem:$0x1FF00] =	vst v1;
	v44 =	vadd.s32 v9, v51;
	v6 =	vadd.s32 v8, v52;
	v42 =	vadd.s32 v9, v52  }
0x22b: {  	v40 =	vadd.s32 v9, v53;
	v7 =	vadd.s32 v8, v53;
	v39 =	vadd.s32 v9, v54;
	v41 =	vld.idx.msk [tilespmem:v0+s18+$0x0], $0xffff  }
0x22c: {  	v37 =	vadd.s32 v9, v57;
	v60 =	vadd.s32 v8, v54;
	v35 =	vadd.s32 v9, v59;
	v0 =	vld.idx.msk [tilespmem:v31+s16+$0x0], $0xffff  }
0x22d: {  	v34 =	vadd.s32 v9, v36;
	v49 =	vadd.s32 v10, v49;
	v52 =	vadd.s32 v10, v52;
	v1 =	vld.idx.msk [tilespmem:v61+s16+$0x0], $0xffff  }
0x22e: {  	v53 =	vadd.s32 v10, v53;
	v4 =	vadd.s32 v11, v58;
	v15 =	vadd.s32 v8, v58;
	v2 =	vld.idx.msk [tilespmem:v2+s16+$0x0], $0xffff  }
0x22f: {  	v54 =	vadd.s32 v10, v54;
	[tilespmem:$0x1FEC0] =	vst v4;
	v5 =	vadd.s32 v11, v56;
	v3 =	vld.idx.msk [tilespmem:v3+s16+$0x0], $0xffff  }
0x230: {  	v12 =	vadd.s32 v8, v36;
	[tilespmem:$0x1FED0] =	vst v5;
	v5 =	vadd.s32 v8, v51;
	v4 =	vld.idx.msk [tilespmem:v62+s16+$0x0], $0xffff  }
0x231: {  	v33 =	vadd.s32 v9, v58;
	v63 =	vadd.s32 v11, v55;
	v6 =	vld.idx.msk [tilespmem:v6+s16+$0x0], $0xffff;
	v61 =	vadd.s32 v8, v41  }
0x232: {  	v32 =	vadd.s32 v9, v55;
	[tilespmem:$0x1FEE0] =	vst v63;
	v63 =	vadd.s32 v8, v59;
	v7 =	vld.idx.msk [tilespmem:v7+s16+$0x0], $0xffff  }
0x233: {  	v18 =	vadd.s32 v8, v56;
	v62 =	vadd.s32 v10, v46;
	v46 =	vadd.s32 v8, v57;
	v15 =	vld.idx.msk [tilespmem:v15+s16+$0x0], $0xffff  }
0x234: {  	v20 =	vadd.s32 v8, v55;
	v51 =	vadd.s32 v10, v51;
	v60 =	vld.idx.msk [tilespmem:v60+s16+$0x0], $0xffff;
	v0 =	vclamp.gez.f32 v0, $2.550000000e+02  }
0x235: {  	v59 =	vadd.s32 v10, v59;
	v5 =	vld.idx.msk [tilespmem:v5+s16+$0x0], $0xffff;
	v1 =	vclamp.gez.f32 v1, $2.550000000e+02;
	v3 =	vclamp.gez.f32 v3, $2.550000000e+02  }
0x236: {  	v4 =	vclamp.gez.f32 v4, $2.550000000e+02;
	v0 =	vadd.f32 $1.258291200e+07, v0;
	v1 =	vadd.f32 $1.258291200e+07, v1;
	v61 =	vld.idx.msk [tilespmem:v61+s16+$0x0], $0xffff  }
0x237: {  	v63 =	vld.idx.msk [tilespmem:v63+s16+$0x0], $0xffff;
	v2 =	vclamp.gez.f32 v2, $2.550000000e+02;
	v3 =	vadd.f32 $1.258291200e+07, v3;
	v4 =	vadd.f32 $1.258291200e+07, v4  }
0x238: {  	v19 =	vld.idx.msk [tilespmem:v46+s16+$0x0], $0xffff;
	v15 =	vclamp.gez.f32 v15, $2.550000000e+02;
	v0 =	vadd.f32 $-1.258291200e+07, v0;
	v46 =	vadd.f32 $-1.258291200e+07, v1  }
0x239: {  	v1 =	vadd.f32 $1.258291200e+07, v2;
	v2 =	vclamp.gez.f32 v6, $2.550000000e+02;
	v6 =	vclamp.gez.f32 v7, $2.550000000e+02;
	v7 =	vld.idx.msk [tilespmem:v12+s16+$0x0], $0xffff  }
0x23a: {  	v5 =	vclamp.gez.f32 v5, $2.550000000e+02;
	v12 =	vclamp.gez.f32 v60, $2.550000000e+02;
	v3 =	vadd.f32 $-1.258291200e+07, v3  }
0x23b: {  	v4 =	vadd.f32 $-1.258291200e+07, v4;
	v5 =	vadd.f32 $1.258291200e+07, v5;
	v60 =	vclamp.gez.f32 v61, $2.550000000e+02  }
0x23c: {  	v18 =	vld.idx.msk [tilespmem:v18+s16+$0x0], $0xffff;
	v2 =	vadd.f32 $1.258291200e+07, v2;
	v61 =	vadd.s32 v10, v41;
	v60 =	vadd.f32 $1.258291200e+07, v60  }
0x23d: {  	s29 =	sadd.s32 $0x400, s29;
	v63 =	vclamp.gez.f32 v63, $2.550000000e+02;
	v6 =	vadd.f32 $1.258291200e+07, v6;
	v12 =	vadd.f32 $1.258291200e+07, v12  }
0x23e: {  	v20 =	vld.idx.msk [tilespmem:v20+s16+$0x0], $0xffff;
	v63 =	vadd.f32 $1.258291200e+07, v63;
	[tilespmem:s29+$0xFFFFFCD0] =	vst v0;
	v7 =	vclamp.gez.f32 v7, $2.550000000e+02;
	v60 =	vadd.f32 $-1.258291200e+07, v60  }
0x23f: {  	v31 =	vadd.s32 v9, v56;
	[tilespmem:s29+$0xFFFFFC50] =	vst v3;
	v3 =	vadd.f32 $1.258291200e+07, v15;
	v7 =	vadd.f32 $1.258291200e+07, v7  }
0x240: {  	v19 =	vclamp.gez.f32 v19, $2.550000000e+02;
	v1 =	vadd.f32 $-1.258291200e+07, v1;
	v63 =	vadd.f32 $-1.258291200e+07, v63;
	[tilespmem:s29+$0xFFFFFF90] =	vst v60  }
0x241: {  	v15 =	vclamp.gez.f32 v18, $2.550000000e+02;
	[tilespmem:s29+$0xFFFFFC90] =	vst v4;
	v19 =	vadd.f32 $1.258291200e+07, v19;
	v7 =	vadd.f32 $-1.258291200e+07, v7;
	v18 =	vld.idx.msk [tilespmem:v61+s16+$0x0], $0xffff  }
0x242: {  	v0 =	vadd.f32 $-1.258291200e+07, v3;
	[tilespmem:s29+$0xFFFFFE50] =	vst v63;
	v60 =	vld.idx.msk [tilespmem:v62+s16+$0x0], $0xffff;
	v62 =	vadd.f32 $-1.258291200e+07, v2;
	v2 =	vadd.s32 v10, v36  }
0x243: {  	[tilespmem:s29+$0xFFFFFE90] =	vst v7;
	v61 =	vadd.f32 $-1.258291200e+07, v5;
	v5 =	vadd.f32 $1.258291200e+07, v15;
	v15 =	vclamp.gez.f32 v20, $2.550000000e+02;
	v20 =	vld.idx.msk [tilespmem:v49+s16+$0x0], $0xffff  }
0x244: {  	v57 =	vadd.s32 v10, v57;
	v36 =	vld.idx.msk [tilespmem:v50+s16+$0x0], $0xffff;
	v15 =	vadd.f32 $1.258291200e+07, v15;
	[tilespmem:s29+$0xFFFFFD50] =	vst v62;
	v62 =	vadd.f32 $-1.258291200e+07, v12  }
0x245: {  	v63 =	vld.idx.msk [tilespmem:v59+s16+$0x0], $0xffff;
	v12 =	vadd.f32 $-1.258291200e+07, v19;
	v19 =	vadd.s32 v10, v56;
	[tilespmem:s29+$0xFFFFFD10] =	vst v61;
	v61 =	vadd.f32 $-1.258291200e+07, v6  }
0x246: {  	v6 =	vadd.s32 v10, v58;
	v3 =	vadd.f32 $-1.258291200e+07, v5;
	v49 =	vld.idx.msk [tilespmem:v51+s16+$0x0], $0xffff;
	[tilespmem:s29+$0xFFFFFDD0] =	vst v62;
	v58 =	vclamp.gez.f32 v18, $2.550000000e+02  }
0x247: {  	v50 =	vld.idx.msk [tilespmem:v52+s16+$0x0], $0xffff;
	[tilespmem:s29+$0xFFFFFE10] =	vst v12;
	v12 =	vadd.s32 v9, v41;
	v18 =	vclamp.gez.f32 v60, $2.550000000e+02;
	v5 =	vadd.f32 $1.258291200e+07, v58  }
0x248: {  	v62 =	vadd.f32 $-1.258291200e+07, v15;
	[tilespmem:s29+$0xFFFFFD90] =	vst v61;
	v2 =	vld.idx.msk [tilespmem:v2+s16+$0x0], $0xffff;
	v20 =	vclamp.gez.f32 v20, $2.550000000e+02;
	v18 =	vadd.f32 $1.258291200e+07, v18  }
0x249: {  	v52 =	vld.idx.msk [tilespmem:v53+s16+$0x0], $0xffff;
	v15 =	vadd.f32 $1.258291200e+07, v20;
	v20 =	vclamp.gez.f32 v36, $2.550000000e+02;
	v5 =	vadd.f32 $-1.258291200e+07, v5  }
0x24a: {  	[tilespmem:s29+$0xFFFFFED0] =	vst v0;
	v51 =	vadd.s32 v10, v55;
	v60 =	vld.idx.msk [tilespmem:v54+s16+$0x0], $0xffff;
	v7 =	vadd.f32 $-1.258291200e+07, v18;
	v18 =	vadd.f32 $1.258291200e+07, v20  }
0x24b: {  	v61 =	vld.idx.msk [tilespmem:v57+s16+$0x0], $0xffff;
	[tilespmem:s29+$0xFFFFFF10] =	vst v3;
	v36 =	vclamp.gez.f32 v63, $2.550000000e+02;
	v20 =	vclamp.gez.f32 v49, $2.550000000e+02;
	v55 =	vadd.f32 $-1.258291200e+07, v15  }
0x24c: {  	v6 =	vld.idx.msk [tilespmem:v6+s16+$0x0], $0xffff;
	v15 =	vadd.f32 $1.258291200e+07, v20;
	v20 =	vclamp.gez.f32 v50, $2.550000000e+02;
	[tilespmem:s29+$0xFFFFFFA0] =	vst v5;
	v56 =	vadd.f32 $-1.258291200e+07, v18  }
0x24d: {  	v19 =	vld.idx.msk [tilespmem:v19+s16+$0x0], $0xffff;
	v2 =	vclamp.gez.f32 v2, $2.550000000e+02;
	v18 =	vadd.f32 $1.258291200e+07, v20;
	[tilespmem:s29+$0xFFFFFC60] =	vst v7;
	v7 =	vadd.f32 $1.258291200e+07, v36  }
0x24e: {  	[tilespmem:s29+$0xFFFFFC10] =	vst v1;
	v20 =	vclamp.gez.f32 v52, $2.550000000e+02;
	v2 =	vadd.f32 $1.258291200e+07, v2;
	v57 =	vld.idx.msk [tilespmem:v12+s16+$0x0], $0xffff;
	v12 =	vadd.f32 $-1.258291200e+07, v15  }
0x24f: {  	[tilespmem:s29+$0xFFFFFFD0] =	vst v46;
	v43 =	vld.idx.msk [tilespmem:v43+s16+$0x0], $0xffff;
	v15 =	vadd.f32 $1.258291200e+07, v20;
	v20 =	vclamp.gez.f32 v60, $2.550000000e+02;
	v58 =	vadd.f32 $-1.258291200e+07, v18  }
0x250: {  	[tilespmem:s29+$0xFFFFFF50] =	vst v62;
	v60 =	vld.idx.msk [tilespmem:v38+s16+$0x0], $0xffff;
	v59 =	vadd.f32 $1.258291200e+07, v20;
	v18 =	vclamp.gez.f32 v61, $2.550000000e+02;
	v63 =	vadd.f32 $-1.258291200e+07, v7  }
0x251: {  	v20 =	vld.idx.msk [tilespmem:v51+s16+$0x0], $0xffff;
	v6 =	vclamp.gez.f32 v6, $2.550000000e+02;
	[tilespmem:s29+$0xFFFFFCE0] =	vst v56;
	v15 =	vadd.f32 $-1.258291200e+07, v15;
	v18 =	vadd.f32 $1.258291200e+07, v18  }
0x252: {  	v61 =	vld.idx.msk [tilespmem:v48+s16+$0x0], $0xffff;
	v6 =	vadd.f32 $1.258291200e+07, v6;
	[tilespmem:s29+$0xFFFFFD20] =	vst v12;
	v12 =	vclamp.gez.f32 v19, $2.550000000e+02;
	v4 =	vadd.f32 $-1.258291200e+07, v59  }
0x253: {  	v27 =	vadd.s32 v9, v21;
	[tilespmem:s29+$0xFFFFFCA0] =	vst v55;
	v7 =	vld.idx.msk [tilespmem:v45+s16+$0x0], $0xffff;
	v48 =	vadd.f32 $1.258291200e+07, v12;
	v62 =	vadd.f32 $-1.258291200e+07, v18  }
0x254: {  	v19 =	vadd.s32 v11, v41;
	v18 =	vld.idx.msk [tilespmem:v47+s16+$0x0], $0xffff;
	v47 =	vadd.f32 $-1.258291200e+07, v2;
	v49 =	vadd.f32 $-1.258291200e+07, v6  }
0x255: {  	[tilespmem:s29+$0xFFFFFD60] =	vst v58;
	v3 =	vclamp.gez.f32 v57, $2.550000000e+02;
	v6 =	vclamp.gez.f32 v60, $2.550000000e+02;
	v2 =	vadd.f32 $-1.258291200e+07, v48  }
0x256: {  	v46 =	vld.idx.msk [tilespmem:v44+s16+$0x0], $0xffff;
	[tilespmem:s29+$0xFFFFFE60] =	vst v63;
	v3 =	vadd.f32 $1.258291200e+07, v3;
	v12 =	vclamp.gez.f32 v20, $2.550000000e+02;
	v20 =	vclamp.gez.f32 v43, $2.550000000e+02  }
0x257: {  	v30 =	vadd.s32 v9, v13;
	v42 =	vld.idx.msk [tilespmem:v42+s16+$0x0], $0xffff;
	[tilespmem:s29+$0xFFFFFDA0] =	vst v15;
	v52 =	vadd.f32 $1.258291200e+07, v6;
	v15 =	vadd.f32 $1.258291200e+07, v20  }
0x258: {  	[tilespmem:s29+$0xFFFFFDE0] =	vst v4;
	v12 =	vadd.f32 $1.258291200e+07, v12;
	v20 =	vld.idx.msk [tilespmem:v40+s16+$0x0], $0xffff;
	v7 =	vclamp.gez.f32 v7, $2.550000000e+02;
	v3 =	vadd.f32 $-1.258291200e+07, v3  }
0x259: {  	v50 =	vclamp.gez.f32 v61, $2.550000000e+02;
	v51 =	vld.idx.msk [tilespmem:v39+s16+$0x0], $0xffff;
	[tilespmem:s29+$0xFFFFFE20] =	vst v62;
	v7 =	vadd.f32 $1.258291200e+07, v7;
	v6 =	vadd.f32 $-1.258291200e+07, v15  }
0x25a: {  	v35 =	vld.idx.msk [tilespmem:v35+s16+$0x0], $0xffff;
	v15 =	vclamp.gez.f32 v18, $2.550000000e+02;
	v53 =	vadd.f32 $-1.258291200e+07, v12;
	v18 =	vadd.f32 $1.258291200e+07, v50;
	[tilespmem:s29+$0xFFFFFFB0] =	vst v3  }
0x25b: {  	[tilespmem:s29+$0xFFFFFEA0] =	vst v47;
	v3 =	vadd.f32 $-1.258291200e+07, v52;
	v54 =	vadd.f32 $1.258291200e+07, v15;
	v15 =	vclamp.gez.f32 v46, $2.550000000e+02;
	v12 =	vld.idx.msk [tilespmem:v19+s16+$0x0], $0xffff  }
0x25c: {  	[tilespmem:s29+$0xFFFFFEE0] =	vst v49;
	v19 =	vld.idx.msk [tilespmem:v37+s16+$0x0], $0xffff;
	v55 =	vadd.f32 $-1.258291200e+07, v18;
	v15 =	vadd.f32 $1.258291200e+07, v15;
	v18 =	vclamp.gez.f32 v42, $2.550000000e+02  }
0x25d: {  	v34 =	vld.idx.msk [tilespmem:v34+s16+$0x0], $0xffff;
	[tilespmem:s29+$0xFFFFFF20] =	vst v2;
	v58 =	vadd.f32 $-1.258291200e+07, v7;
	v57 =	vadd.f32 $1.258291200e+07, v18;
	v18 =	vclamp.gez.f32 v20, $2.550000000e+02  }
0x25e: {  	[tilespmem:s29+$0xFFFFFF60] =	vst v53;
	v20 =	vld.idx.msk [tilespmem:v33+s16+$0x0], $0xffff;
	v7 =	vadd.f32 $1.258291200e+07, v18;
	v18 =	vclamp.gez.f32 v51, $2.550000000e+02;
	v59 =	vadd.f32 $-1.258291200e+07, v15  }
0x25f: {  	[tilespmem:s29+$0xFFFFFC20] =	vst v6;
	v15 =	vld.idx.msk [tilespmem:v32+s16+$0x0], $0xffff;
	v6 =	vadd.f32 $1.258291200e+07, v18;
	v5 =	vadd.f32 $-1.258291200e+07, v57  }
0x260: {  	[tilespmem:s29+$0xFFFFFC70] =	vst v55;
	v18 =	vld.idx.msk [tilespmem:v30+s16+$0x0], $0xffff;
	v60 =	vadd.f32 $-1.258291200e+07, v7;
	v7 =	vclamp.gez.f32 v35, $2.550000000e+02;
	v12 =	vclamp.gez.f32 v12, $2.550000000e+02  }
0x261: {  	[tilespmem:s29+$0xFFFFFFE0] =	vst v3;
	v62 =	vld.idx.msk [tilespmem:v29+s16+$0x0], $0xffff;
	v19 =	vclamp.gez.f32 v19, $2.550000000e+02;
	v63 =	vadd.f32 $1.258291200e+07, v7;
	v12 =	vadd.f32 $1.258291200e+07, v12  }
0x262: {  	[tilespmem:s29+$0xFFFFFCF0] =	vst v58;
	v7 =	vclamp.gez.f32 v34, $2.550000000e+02;
	v29 =	vadd.f32 $-1.258291200e+07, v6;
	v61 =	vadd.f32 $1.258291200e+07, v19;
	v19 =	vld.idx.msk [tilespmem:v27+s16+$0x0], $0xffff  }
0x263: {  	v31 =	vld.idx.msk [tilespmem:v31+s16+$0x0], $0xffff;
	[tilespmem:s29+$0xFFFFFD30] =	vst v59;
	v6 =	vadd.f32 $1.258291200e+07, v7;
	v7 =	vclamp.gez.f32 v20, $2.550000000e+02;
	v12 =	vadd.f32 $-1.258291200e+07, v12  }
0x264: {  	[tilespmem:s29+$0xFFFFFD70] =	vst v5;
	v20 =	vld.idx.msk [tilespmem:v26+s16+$0x0], $0xffff;
	v7 =	vadd.f32 $1.258291200e+07, v7  }
0x265: {  	v33 =	vadd.f32 $-1.258291200e+07, v6;
	[tilespmem:s29+$0xFFFFFFC0] =	vst v12;
	v12 =	vclamp.gez.f32 v15, $2.550000000e+02;
	v15 =	vclamp.gez.f32 v18, $2.550000000e+02;
	v18 =	vld.idx.msk [tilespmem:v25+s16+$0x0], $0xffff  }
0x266: {  	[tilespmem:s29+$0xFFFFFDB0] =	vst v60;
	v6 =	vadd.f32 $1.258291200e+07, v12;
	v12 =	vadd.f32 $1.258291200e+07, v15;
	v15 =	vld.idx.msk [tilespmem:v24+s16+$0x0], $0xffff  }
0x267: {  	v23 =	vld.idx.msk [tilespmem:v23+s16+$0x0], $0xffff;
	v34 =	vadd.f32 $-1.258291200e+07, v7;
	v7 =	vclamp.gez.f32 v19, $2.550000000e+02;
	v19 =	vclamp.gez.f32 v62, $2.550000000e+02  }
0x268: {  	v39 =	vadd.s32 v11, v13;
	v37 =	vadd.f32 $-1.258291200e+07, v6;
	v6 =	vadd.f32 $1.258291200e+07, v19  }
0x269: {  	v56 =	vadd.f32 $-1.258291200e+07, v54;
	v30 =	vclamp.gez.f32 v31, $2.550000000e+02;
	v19 =	vclamp.gez.f32 v20, $2.550000000e+02  }
0x26a: {  	v13 =	vadd.f32 $1.258291200e+07, v19;
	v40 =	vadd.f32 $-1.258291200e+07, v6;
	v6 =	vclamp.gez.f32 v18, $2.550000000e+02;
	v18 =	vld [tilespmem:$0x1FEC0]  }
0x26b: {  	[tilespmem:s29+$0xFFFFFCB0] =	vst v56;
	v31 =	vadd.f32 $-1.258291200e+07, v63;
	v19 =	vld [tilespmem:$0x1FED0];
	v6 =	vadd.f32 $1.258291200e+07, v6;
	v15 =	vclamp.gez.f32 v15, $2.550000000e+02  }
0x26c: {  	v28 =	vld.idx.msk [tilespmem:v28+s16+$0x0], $0xffff;
	v42 =	vadd.f32 $-1.258291200e+07, v13;
	v13 =	vadd.f32 $1.258291200e+07, v15;
	v15 =	vclamp.gez.f32 v23, $2.550000000e+02  }
0x26d: {  	v43 =	vadd.f32 $-1.258291200e+07, v6;
	v6 =	vadd.f32 $1.258291200e+07, v15;
	v15 =	vld [tilespmem:$0x1FEE0]  }
0x26e: {  	v32 =	vadd.f32 $1.258291200e+07, v30;
	[tilespmem:s29+$0xFFFFFDF0] =	vst v29  }
0x26f: {  	v22 =	vld.idx.msk [tilespmem:v22+s16+$0x0], $0xffff;
	[tilespmem:s29+$0xFFFFFE70] =	vst v31  }
0x270: {  	v35 =	vadd.f32 $-1.258291200e+07, v32;
	v3 =	vadd.f32 $-1.258291200e+07, v61;
	v16 =	vld.idx.msk [tilespmem:v16+s16+$0x0], $0xffff;
	[tilespmem:s29+$0xFFFFFEB0] =	vst v33  }
0x271: {  	v17 =	vld.idx.msk [tilespmem:v17+s16+$0x0], $0xffff;
	[tilespmem:s29+$0xFFFFFEF0] =	vst v34;
	v36 =	vadd.f32 $1.258291200e+07, v7;
	v7 =	vadd.f32 $-1.258291200e+07, v12;
	v12 =	vclamp.gez.f32 v28, $2.550000000e+02  }
0x272: {  	[tilespmem:s29+$0xFFFFFF30] =	vst v35;
	v12 =	vadd.f32 $1.258291200e+07, v12;
	v18 =	vld.idx.msk [tilespmem:v18+s16+$0x0], $0xffff  }
0x273: {  	[tilespmem:s29+$0xFFFFFE30] =	vst v3;
	v19 =	vld.idx.msk [tilespmem:v19+s16+$0x0], $0xffff  }
0x274: {  	[tilespmem:s29+$0xFFFFFF70] =	vst v37;
	v12 =	vadd.f32 $-1.258291200e+07, v12  }
0x275: {  	[tilespmem:s29+$0xFFFFFC30] =	vst v7;
	v7 =	vclamp.gez.f32 v22, $2.550000000e+02;
	v44 =	vadd.f32 $-1.258291200e+07, v6;
	v6 =	vclamp.gez.f32 v16, $2.550000000e+02;
	v15 =	vld.idx.msk [tilespmem:v15+s16+$0x0], $0xffff  }
0x276: {  	v14 =	vld.idx.msk [tilespmem:v14+s16+$0x0], $0xffff;
	v7 =	vadd.f32 $1.258291200e+07, v7;
	[tilespmem:s29+$0xFFFFFCC0] =	vst v12;
	v12 =	vclamp.gez.f32 v17, $2.550000000e+02;
	v6 =	vadd.f32 $1.258291200e+07, v6  }
0x277: {  	v13 =	vadd.f32 $-1.258291200e+07, v13;
	v47 =	vadd.f32 $1.258291200e+07, v12;
	v12 =	vclamp.gez.f32 v18, $2.550000000e+02  }
0x278: {  	v48 =	vadd.f32 $-1.258291200e+07, v6;
	v6 =	vadd.f32 $1.258291200e+07, v12;
	v12 =	vclamp.gez.f32 v19, $2.550000000e+02  }
0x279: {  	v7 =	vadd.f32 $-1.258291200e+07, v7;
	v12 =	vadd.f32 $1.258291200e+07, v12  }
0x27a: {  	v4 =	vld.idx.msk [tilespmem:v39+s16+$0x0], $0xffff;
	[tilespmem:s29+$0xFFFFFD80] =	vst v13;
	v13 =	vclamp.gez.f32 v15, $2.550000000e+02;
	v49 =	vadd.f32 $-1.258291200e+07, v6  }
0x27b: {  	v14 =	vclamp.gez.f32 v14, $2.550000000e+02;
	[tilespmem:s29+$0xFFFFFE00] =	vst v7;
	v6 =	vadd.f32 $1.258291200e+07, v13;
	v7 =	vadd.f32 $-1.258291200e+07, v12;
	v12 =	vld [tilespmem:$0x1FEF0]  }
0x27c: {  	s0 =	sadd.s32 $0x1, s30;
	v41 =	vadd.s32 v11, v21;
	v45 =	vadd.f32 $1.258291200e+07, v14  }
0x27d: {  	s31 =	sadd.s32 $0x2, s30;
	v38 =	vadd.f32 $-1.258291200e+07, v36;
	v50 =	vadd.f32 $-1.258291200e+07, v6;
	v6 =	vmov s0  }
0x27e: {  	v46 =	vadd.f32 $-1.258291200e+07, v45;
	v13 =	vmov s31;
	v6 =	vand.u32 $0xFFFFFFF1, v6  }
0x27f: {  	v4 =	vclamp.gez.f32 v4, $2.550000000e+02;
	v52 =	vbroadcast v6, $0x0;
	v6 =	vand.u32 $0xFFFFFFF2, v13;
	v13 =	vld [tilespmem:$0x1FF00]  }
0x280: {  	[tilespmem:s29+$0xFFFFFFF0] =	vst v38;
	v4 =	vadd.f32 $1.258291200e+07, v4;
	s0 =	sadd.s32 $0x3, s30;
	v12 =	vand.u32 $0xFFFFFFF0, v12;
	v53 =	vbroadcast v6, $0x0  }
0x281: {  	[tilespmem:s29+$0xFFFFFC80] =	vst v40;
	v5 =	vadd.f32 $-1.258291200e+07, v47;
	v51 =	vbroadcast v12, $0x0;
	v12 =	vmov s0;
	s0 =	sadd.s32 $0x4, s30  }
0x282: {  	[tilespmem:s29+$0xFFFFFD00] =	vst v42;
	v4 =	vadd.f32 $-1.258291200e+07, v4;
	v6 =	vand.u32 $0xFFFFFFF3, v12;
	v12 =	vmov s0;
	s0 =	sadd.s32 $0x5, s30  }
0x283: {  	[tilespmem:s29+$0xFFFFFF40] =	vst v7;
	v6 =	vbroadcast v6, $0x0;
	v7 =	vand.u32 $0xFFFFFFF4, v12;
	v12 =	vmov s0;
	s0 =	sadd.s32 $0x6, s30  }
0x284: {  	v1 =	vld.idx.msk [tilespmem:v41+s16+$0x0], $0xffff;
	[tilespmem:s29+$0xFFFFFD40] =	vst v43;
	v54 =	vbroadcast v7, $0x0;
	v7 =	vand.u32 $0xFFFFFFF5, v12;
	v12 =	vmov s0;
	s0 =	sadd.s32 $0x7, s30  }
0x285: {  	[tilespmem:s29+$0xFFFFFE40] =	vst v46;
	v55 =	vbroadcast v7, $0x0;
	v7 =	vand.u32 $0xFFFFFFF6, v12;
	v12 =	vmov s0;
	s0 =	sadd.s32 $0x8, s30;
	v46 =	vld.idx.msk [tilespmem:v52+s18+$0x0], $0xffff  }
0x286: {  	[tilespmem:s29+$0xFFFFFF00] =	vst v49;
	v56 =	vbroadcast v7, $0x0;
	v57 =	vand.u32 $0xFFFFFFF7, v12;
	v7 =	vmov s0;
	s0 =	sadd.s32 $0x9, s30;
	v49 =	vld.idx.msk [tilespmem:v53+s18+$0x0], $0xffff  }
0x287: {  	[tilespmem:s29+$0xFFFFFC40] =	vst v4;
	v21 =	vld.idx.msk [tilespmem:v13+s18+$0x0], $0xffff;
	v3 =	vbroadcast v57, $0x0;
	v58 =	vand.u32 $0xFFFFFFF8, v7;
	v7 =	vmov s0;
	s0 =	sadd.s32 $0xA, s30  }
0x288: {  	[tilespmem:s29+$0xFFFFFEC0] =	vst v5;
	v13 =	vld.idx.msk [tilespmem:v51+s18+$0x0], $0xffff;
	v59 =	vbroadcast v58, $0x0;
	v60 =	vand.u32 $0xFFFFFFF9, v7;
	v7 =	vmov s0  }
0x289: {  	[tilespmem:s29+$0xFFFFFF80] =	vst v50;
	v50 =	vld.idx.msk [tilespmem:v6+s18+$0x0], $0xffff;
	v5 =	vbroadcast v60, $0x0;
	v6 =	vand.u32 $0xFFFFFFFA, v7  }
0x28a: {  	v51 =	vld.idx.msk [tilespmem:v54+s18+$0x0], $0xffff;
	v61 =	vbroadcast v6, $0x0  }
0x28b: {  	p0 =	slt.u32 s30, $0xB0;
	[tilespmem:s29+$0xFFFFFDC0] =	vst v44;
	v1 =	vclamp.gez.f32 v1, $2.550000000e+02;
	s0 =	sadd.s32 $0xB, s30;
	v52 =	vld.idx.msk [tilespmem:v55+s18+$0x0], $0xffff  }
.Ltmp3:
0x28c: {  	v1 =	vadd.f32 $1.258291200e+07, v1;
	v7 =	vmov s0;
	s0 =	sadd.s32 $0xC, s30;
	v53 =	vld.idx.msk [tilespmem:v56+s18+$0x0], $0xffff;
	(pc) =	sbr.rel @p0 .LBB2_5-.Ltmp3, $4  }
0x28d: {  	v6 =	vand.u32 $0xFFFFFFFB, v7;
	v7 =	vmov s0;
	s0 =	sadd.s32 $0xD, s30;
	v54 =	vld.idx.msk [tilespmem:v3+s18+$0x0], $0xffff  }
0x28e: {  	[tilespmem:s29+$0xFFFFFE80] =	vst v48;
	v1 =	vadd.f32 $-1.258291200e+07, v1;
	v14 =	vbroadcast v6, $0x0;
	v6 =	vmov s0;
	v57 =	vld.idx.msk [tilespmem:v59+s18+$0x0], $0xffff  }
0x28f: {  	v62 =	vand.u32 $0xFFFFFFFC, v7;
	v63 =	vand.u32 $0xFFFFFFFD, v6;
	v59 =	vld.idx.msk [tilespmem:v5+s18+$0x0], $0xffff  }
0x290: {  	s31 =	sadd.s32 $0xE, s30;
	[tilespmem:s29+$0x0] =	vst v1;
	s30 =	sadd.s32 $0x10, s30;
	v17 =	vbroadcast v62, $0x0;
	v16 =	vbroadcast v63, $0x0;
	v36 =	vld.idx.msk [tilespmem:v61+s18+$0x0], $0xffff  }
0x291: {  	v0 =	vmov s31;
	v26 =	vadd.s32 v9, v21;
	v7 =	vadd.s32 v8, v21  }
0x292: {  	v37 =	vadd.s32 v10, v21;
	v15 =	vadd.s32 v8, v13;
	v40 =	vadd.s32 v10, v13  }
0x293: {  	v27 =	vadd.s32 v11, v46;
	v25 =	vadd.s32 v11, v49;
	v24 =	vadd.s32 v11, v50  }
0x294: {  	v23 =	vadd.s32 v11, v51;
	v22 =	vadd.s32 v11, v52;
	v4 =	vadd.s32 v11, v53  }
0x295: {  	v19 =	vadd.s32 v8, v46;
	v20 =	vadd.s32 v8, v49;
	v43 =	vadd.s32 v9, v46  }
0x296: {  	v42 =	vadd.s32 v9, v49;
	v44 =	vadd.s32 v8, v50;
	v0 =	vand.u32 $0xFFFFFFFE, v0  }
0x297: {  	v41 =	vadd.s32 v9, v50;
	v45 =	vadd.s32 v8, v51;
	v6 =	vld.idx.msk [tilespmem:v17+s18+$0x0], $0xffff;
	v0 =	vbroadcast v0, $0x0  }
0x298: {  	v39 =	vadd.s32 v9, v51;
	v47 =	vadd.s32 v8, v52;
	v38 =	vadd.s32 v9, v52;
	v12 =	vld.idx.msk [tilespmem:v16+s18+$0x0], $0xffff  }
0x299: {  	v35 =	vadd.s32 v9, v53;
	v48 =	vadd.s32 v8, v53;
	v46 =	vadd.s32 v10, v46  }
0x29a: {  	v49 =	vadd.s32 v10, v49;
	v50 =	vadd.s32 v10, v50;
	v51 =	vadd.s32 v10, v51  }
0x29b: {  	v52 =	vadd.s32 v10, v52;
	v53 =	vadd.s32 v10, v53;
	v3 =	vadd.s32 v11, v54  }
0x29c: {  	v5 =	vld.idx.msk [tilespmem:v14+s18+$0x0], $0xffff;
	v34 =	vadd.s32 v9, v54;
	v2 =	vadd.s32 v11, v57;
	v55 =	vadd.s32 v11, v6  }
0x29d: {  	v33 =	vadd.s32 v9, v57;
	v56 =	vadd.s32 v11, v12;
	v18 =	vld.idx.msk [tilespmem:v0+s18+$0x0], $0xffff;
	[tilespmem:$0x1FEA0] =	vst v55  }
0x29e: {  	v58 =	vadd.s32 v8, v57;
	v57 =	vadd.s32 v10, v57;
	v14 =	vadd.s32 v11, v59;
	[tilespmem:$0x1FEB0] =	vst v56  }
0x29f: {  	v32 =	vadd.s32 v9, v59;
	v60 =	vadd.s32 v8, v59;
	v0 =	vadd.s32 v8, v12;
	v19 =	vld.idx.msk [tilespmem:v19+s16+$0x0], $0xffff  }
0x2a0: {  	v59 =	vadd.s32 v10, v59;
	v17 =	vadd.s32 v11, v36;
	v31 =	vadd.s32 v9, v36;
	v20 =	vld.idx.msk [tilespmem:v20+s16+$0x0], $0xffff  }
0x2a1: {  	v61 =	vadd.s32 v8, v36;
	v1 =	vadd.s32 v10, v36;
	v16 =	vadd.s32 v11, v5;
	v44 =	vld.idx.msk [tilespmem:v44+s16+$0x0], $0xffff  }
0x2a2: {  	v30 =	vadd.s32 v9, v5;
	v62 =	vadd.s32 v8, v5;
	v5 =	vadd.s32 v10, v5;
	v45 =	vld.idx.msk [tilespmem:v45+s16+$0x0], $0xffff  }
0x2a3: {  	v28 =	vadd.s32 v9, v6;
	v63 =	vadd.s32 v8, v6;
	v29 =	vadd.s32 v8, v18  }
0x2a4: {  	v6 =	vadd.s32 v10, v6;
	v55 =	vadd.s32 v8, v54;
	v54 =	vadd.s32 v10, v54;
	v0 =	vld.idx.msk [tilespmem:v0+s16+$0x0], $0xffff  }
0x2a5: {  	v8 =	vadd.s32 v10, v18;
	v36 =	vadd.s32 v11, v18;
	v19 =	vclamp.gez.f32 v19, $2.550000000e+02  }
0x2a6: {  	v15 =	vld.idx.msk [tilespmem:v15+s16+$0x0], $0xffff;
	v20 =	vclamp.gez.f32 v20, $2.550000000e+02;
	v44 =	vclamp.gez.f32 v44, $2.550000000e+02;
	v19 =	vadd.f32 $1.258291200e+07, v19  }
0x2a7: {  	v47 =	vld.idx.msk [tilespmem:v47+s16+$0x0], $0xffff;
	v45 =	vclamp.gez.f32 v45, $2.550000000e+02;
	v20 =	vadd.f32 $1.258291200e+07, v20;
	v44 =	vadd.f32 $1.258291200e+07, v44  }
0x2a8: {  	v19 =	vadd.f32 $-1.258291200e+07, v19;
	v56 =	vld.idx.msk [tilespmem:v29+s16+$0x0], $0xffff;
	v29 =	vadd.s32 v9, v12;
	v12 =	vadd.s32 v10, v12  }
0x2a9: {  	v10 =	vadd.s32 v9, v13;
	v9 =	vadd.s32 v9, v18;
	v18 =	vld.idx.msk [tilespmem:v55+s16+$0x0], $0xffff;
	v0 =	vclamp.gez.f32 v0, $2.550000000e+02  }
0x2aa: {  	v13 =	vadd.s32 v11, v13;
	v11 =	vadd.s32 v11, v21;
	v21 =	vld.idx.msk [tilespmem:v58+s16+$0x0], $0xffff;
	v0 =	vadd.f32 $1.258291200e+07, v0  }
0x2ab: {  	s29 =	sadd.s32 $0x400, s29;
	v48 =	vld.idx.msk [tilespmem:v48+s16+$0x0], $0xffff;
	v15 =	vclamp.gez.f32 v15, $2.550000000e+02;
	v45 =	vadd.f32 $1.258291200e+07, v45;
	v44 =	vadd.f32 $-1.258291200e+07, v44  }
0x2ac: {  	v7 =	vld.idx.msk [tilespmem:v7+s16+$0x0], $0xffff;
	v47 =	vclamp.gez.f32 v47, $2.550000000e+02;
	v15 =	vadd.f32 $1.258291200e+07, v15;
	[tilespmem:s29+$0xFFFFFC50] =	vst v19;
	v0 =	vadd.f32 $-1.258291200e+07, v0  }
0x2ad: {  	v47 =	vadd.f32 $1.258291200e+07, v47;
	v20 =	vadd.f32 $-1.258291200e+07, v20;
	v58 =	vld.idx.msk [tilespmem:v61+s16+$0x0], $0xffff;
	[tilespmem:s29+$0xFFFFFCD0] =	vst v44;
	v56 =	vclamp.gez.f32 v56, $2.550000000e+02  }
0x2ae: {  	v15 =	vadd.f32 $-1.258291200e+07, v15;
	v44 =	vld.idx.msk [tilespmem:v63+s16+$0x0], $0xffff;
	v18 =	vclamp.gez.f32 v18, $2.550000000e+02;
	[tilespmem:s29+$0xFFFFFF50] =	vst v0;
	v56 =	vadd.f32 $1.258291200e+07, v56  }
0x2af: {  	v61 =	vadd.f32 $-1.258291200e+07, v45;
	[tilespmem:s29+$0xFFFFFC90] =	vst v20;
	v21 =	vclamp.gez.f32 v21, $2.550000000e+02;
	v18 =	vadd.f32 $1.258291200e+07, v18;
	v12 =	vld.idx.msk [tilespmem:v12+s16+$0x0], $0xffff  }
0x2b0: {  	[tilespmem:s29+$0xFFFFFC10] =	vst v15;
	v63 =	vadd.f32 $1.258291200e+07, v21;
	v55 =	vadd.f32 $-1.258291200e+07, v56;
	v56 =	vld.idx.msk [tilespmem:v60+s16+$0x0], $0xffff;
	v60 =	vclamp.gez.f32 v48, $2.550000000e+02  }
0x2b1: {  	[tilespmem:s29+$0xFFFFFD10] =	vst v61;
	v48 =	vld.idx.msk [tilespmem:v62+s16+$0x0], $0xffff;
	v62 =	vadd.f32 $-1.258291200e+07, v47;
	v19 =	vadd.f32 $1.258291200e+07, v60  }
0x2b2: {  	v49 =	vld.idx.msk [tilespmem:v49+s16+$0x0], $0xffff;
	v58 =	vclamp.gez.f32 v58, $2.550000000e+02;
	v18 =	vadd.f32 $-1.258291200e+07, v18;
	v20 =	vadd.f32 $-1.258291200e+07, v63;
	[tilespmem:s29+$0xFFFFFF90] =	vst v55  }
0x2b3: {  	v7 =	vclamp.gez.f32 v7, $2.550000000e+02;
	v63 =	vld.idx.msk [tilespmem:v46+s16+$0x0], $0xffff;
	v60 =	vadd.f32 $1.258291200e+07, v58;
	[tilespmem:s29+$0xFFFFFD50] =	vst v62;
	v19 =	vadd.f32 $-1.258291200e+07, v19  }
0x2b4: {  	v7 =	vadd.f32 $1.258291200e+07, v7;
	v50 =	vld.idx.msk [tilespmem:v50+s16+$0x0], $0xffff;
	[tilespmem:s29+$0xFFFFFDD0] =	vst v18;
	v12 =	vclamp.gez.f32 v12, $2.550000000e+02  }
0x2b5: {  	v8 =	vld.idx.msk [tilespmem:v8+s16+$0x0], $0xffff;
	v12 =	vadd.f32 $1.258291200e+07, v12;
	v56 =	vclamp.gez.f32 v56, $2.550000000e+02;
	[tilespmem:s29+$0xFFFFFD90] =	vst v19;
	v19 =	vadd.f32 $-1.258291200e+07, v60  }
0x2b6: {  	v51 =	vld.idx.msk [tilespmem:v51+s16+$0x0], $0xffff;
	[tilespmem:s29+$0xFFFFFE10] =	vst v20;
	v61 =	vclamp.gez.f32 v48, $2.550000000e+02;
	v60 =	vadd.f32 $-1.258291200e+07, v7;
	v21 =	vadd.f32 $1.258291200e+07, v56  }
0x2b7: {  	v55 =	vld.idx.msk [tilespmem:v52+s16+$0x0], $0xffff;
	v48 =	vclamp.gez.f32 v44, $2.550000000e+02;
	v62 =	vadd.f32 $1.258291200e+07, v61;
	v12 =	vadd.f32 $-1.258291200e+07, v12;
	[tilespmem:s29+$0xFFFFFE90] =	vst v19  }
0x2b8: {  	v58 =	vld.idx.msk [tilespmem:v54+s16+$0x0], $0xffff;
	v45 =	vclamp.gez.f32 v63, $2.550000000e+02;
	v20 =	vadd.f32 $1.258291200e+07, v48;
	[tilespmem:s29+$0xFFFFFFD0] =	vst v60;
	v21 =	vadd.f32 $-1.258291200e+07, v21  }
0x2b9: {  	v52 =	vld.idx.msk [tilespmem:v40+s16+$0x0], $0xffff;
	v44 =	vclamp.gez.f32 v49, $2.550000000e+02;
	v45 =	vadd.f32 $1.258291200e+07, v45;
	v18 =	vadd.f32 $-1.258291200e+07, v62;
	[tilespmem:s29+$0xFFFFFF60] =	vst v12  }
0x2ba: {  	v56 =	vld.idx.msk [tilespmem:v53+s16+$0x0], $0xffff;
	v61 =	vadd.f32 $1.258291200e+07, v44;
	v8 =	vclamp.gez.f32 v8, $2.550000000e+02;
	v20 =	vadd.f32 $-1.258291200e+07, v20;
	[tilespmem:s29+$0xFFFFFE50] =	vst v21  }
0x2bb: {  	v19 =	vclamp.gez.f32 v51, $2.550000000e+02;
	v62 =	vld.idx.msk [tilespmem:v57+s16+$0x0], $0xffff;
	v63 =	vadd.f32 $-1.258291200e+07, v45;
	v8 =	vadd.f32 $1.258291200e+07, v8;
	[tilespmem:s29+$0xFFFFFED0] =	vst v18  }
0x2bc: {  	v7 =	vadd.f32 $-1.258291200e+07, v61;
	v19 =	vadd.f32 $1.258291200e+07, v19;
	v1 =	vld.idx.msk [tilespmem:v1+s16+$0x0], $0xffff;
	[tilespmem:s29+$0xFFFFFF10] =	vst v20;
	v21 =	vclamp.gez.f32 v50, $2.550000000e+02  }
0x2bd: {  	v18 =	vclamp.gez.f32 v55, $2.550000000e+02;
	[tilespmem:s29+$0xFFFFFC60] =	vst v63;
	v8 =	vadd.f32 $-1.258291200e+07, v8;
	v21 =	vadd.f32 $1.258291200e+07, v21;
	v48 =	vld.idx.msk [tilespmem:v59+s16+$0x0], $0xffff  }
0x2be: {  	[tilespmem:s29+$0xFFFFFCA0] =	vst v7;
	v49 =	vadd.f32 $-1.258291200e+07, v19;
	v50 =	vclamp.gez.f32 v58, $2.550000000e+02;
	v18 =	vadd.f32 $1.258291200e+07, v18;
	v5 =	vld.idx.msk [tilespmem:v5+s16+$0x0], $0xffff  }
0x2bf: {  	v6 =	vld.idx.msk [tilespmem:v6+s16+$0x0], $0xffff;
	v19 =	vadd.f32 $1.258291200e+07, v50;
	[tilespmem:s29+$0xFFFFFFA0] =	vst v8;
	v21 =	vadd.f32 $-1.258291200e+07, v21;
	v8 =	vclamp.gez.f32 v56, $2.550000000e+02  }
0x2c0: {  	v55 =	vld.idx.msk [tilespmem:v43+s16+$0x0], $0xffff;
	[tilespmem:s29+$0xFFFFFD20] =	vst v49;
	v18 =	vadd.f32 $-1.258291200e+07, v18;
	v51 =	vclamp.gez.f32 v62, $2.550000000e+02;
	v8 =	vadd.f32 $1.258291200e+07, v8  }
0x2c1: {  	v54 =	vld.idx.msk [tilespmem:v37+s16+$0x0], $0xffff;
	v53 =	vadd.f32 $-1.258291200e+07, v19;
	v1 =	vclamp.gez.f32 v1, $2.550000000e+02;
	v7 =	vadd.f32 $1.258291200e+07, v51;
	[tilespmem:s29+$0xFFFFFCE0] =	vst v21  }
0x2c2: {  	v9 =	vld.idx.msk [tilespmem:v9+s16+$0x0], $0xffff;
	v1 =	vadd.f32 $1.258291200e+07, v1;
	[tilespmem:s29+$0xFFFFFD60] =	vst v18;
	v8 =	vadd.f32 $-1.258291200e+07, v8;
	v0 =	vclamp.gez.f32 v48, $2.550000000e+02  }
0x2c3: {  	v60 =	vld.idx.msk [tilespmem:v39+s16+$0x0], $0xffff;
	[tilespmem:s29+$0xFFFFFDE0] =	vst v53;
	v7 =	vadd.f32 $-1.258291200e+07, v7;
	v5 =	vclamp.gez.f32 v5, $2.550000000e+02;
	v0 =	vadd.f32 $1.258291200e+07, v0  }
0x2c4: {  	v56 =	vld.idx.msk [tilespmem:v42+s16+$0x0], $0xffff;
	v6 =	vclamp.gez.f32 v6, $2.550000000e+02;
	v1 =	vadd.f32 $-1.258291200e+07, v1;
	v5 =	vadd.f32 $1.258291200e+07, v5;
	[tilespmem:s29+$0xFFFFFDA0] =	vst v8  }
0x2c5: {  	v57 =	vld.idx.msk [tilespmem:v41+s16+$0x0], $0xffff;
	v18 =	vclamp.gez.f32 v55, $2.550000000e+02;
	v6 =	vadd.f32 $1.258291200e+07, v6;
	[tilespmem:s29+$0xFFFFFE20] =	vst v7;
	v0 =	vadd.f32 $-1.258291200e+07, v0  }
0x2c6: {  	v61 =	vld.idx.msk [tilespmem:v38+s16+$0x0], $0xffff;
	v18 =	vadd.f32 $1.258291200e+07, v18;
	[tilespmem:s29+$0xFFFFFEA0] =	vst v1;
	v8 =	vclamp.gez.f32 v54, $2.550000000e+02;
	v5 =	vadd.f32 $-1.258291200e+07, v5  }
0x2c7: {  	v63 =	vld.idx.msk [tilespmem:v34+s16+$0x0], $0xffff;
	v9 =	vclamp.gez.f32 v9, $2.550000000e+02;
	v6 =	vadd.f32 $-1.258291200e+07, v6;
	v8 =	vadd.f32 $1.258291200e+07, v8;
	[tilespmem:s29+$0xFFFFFE60] =	vst v0  }
0x2c8: {  	v1 =	vclamp.gez.f32 v60, $2.550000000e+02;
	v62 =	vld.idx.msk [tilespmem:v35+s16+$0x0], $0xffff;
	v18 =	vadd.f32 $-1.258291200e+07, v18;
	v9 =	vadd.f32 $1.258291200e+07, v9;
	[tilespmem:s29+$0xFFFFFEE0] =	vst v5  }
0x2c9: {  	v58 =	vclamp.gez.f32 v52, $2.550000000e+02;
	v21 =	vld.idx.msk [tilespmem:v33+s16+$0x0], $0xffff;
	v1 =	vadd.f32 $1.258291200e+07, v1;
	[tilespmem:s29+$0xFFFFFF20] =	vst v6;
	v8 =	vadd.f32 $-1.258291200e+07, v8  }
0x2ca: {  	v33 =	vld.idx.msk [tilespmem:v31+s16+$0x0], $0xffff;
	v0 =	vadd.f32 $1.258291200e+07, v58;
	v7 =	vclamp.gez.f32 v57, $2.550000000e+02;
	[tilespmem:s29+$0xFFFFFC70] =	vst v18;
	v9 =	vadd.f32 $-1.258291200e+07, v9  }
0x2cb: {  	v5 =	vclamp.gez.f32 v61, $2.550000000e+02;
	v1 =	vadd.f32 $-1.258291200e+07, v1;
	v7 =	vadd.f32 $1.258291200e+07, v7;
	v32 =	vld.idx.msk [tilespmem:v32+s16+$0x0], $0xffff;
	[tilespmem:s29+$0xFFFFFFE0] =	vst v8  }
0x2cc: {  	v5 =	vadd.f32 $1.258291200e+07, v5;
	v34 =	vld.idx.msk [tilespmem:v30+s16+$0x0], $0xffff;
	v0 =	vadd.f32 $-1.258291200e+07, v0;
	[tilespmem:s29+$0xFFFFFFB0] =	vst v9;
	v9 =	vclamp.gez.f32 v56, $2.550000000e+02  }
0x2cd: {  	v41 =	vld.idx.msk [tilespmem:v27+s16+$0x0], $0xffff;
	[tilespmem:s29+$0xFFFFFD30] =	vst v1;
	v7 =	vadd.f32 $-1.258291200e+07, v7;
	v6 =	vclamp.gez.f32 v62, $2.550000000e+02;
	v9 =	vadd.f32 $1.258291200e+07, v9  }
0x2ce: {  	v35 =	vclamp.gez.f32 v63, $2.550000000e+02;
	v5 =	vadd.f32 $-1.258291200e+07, v5;
	v59 =	vld.idx.msk [tilespmem:v36+s16+$0x0], $0xffff;
	[tilespmem:s29+$0xFFFFFC20] =	vst v0;
	v6 =	vadd.f32 $1.258291200e+07, v6  }
0x2cf: {  	v39 =	vld.idx.msk [tilespmem:v26+s16+$0x0], $0xffff;
	v0 =	vclamp.gez.f32 v21, $2.550000000e+02;
	[tilespmem:s29+$0xFFFFFCF0] =	vst v7;
	v7 =	vadd.f32 $1.258291200e+07, v35;
	v9 =	vadd.f32 $-1.258291200e+07, v9  }
0x2d0: {  	v40 =	vclamp.gez.f32 v33, $2.550000000e+02;
	v36 =	vld.idx.msk [tilespmem:v28+s16+$0x0], $0xffff;
	v0 =	vadd.f32 $1.258291200e+07, v0;
	[tilespmem:s29+$0xFFFFFD70] =	vst v5;
	v6 =	vadd.f32 $-1.258291200e+07, v6  }
0x2d1: {  	v38 =	vld.idx.msk [tilespmem:v10+s16+$0x0], $0xffff;
	v10 =	vadd.f32 $1.258291200e+07, v40;
	v8 =	vclamp.gez.f32 v32, $2.550000000e+02;
	v7 =	vadd.f32 $-1.258291200e+07, v7;
	[tilespmem:s29+$0xFFFFFCB0] =	vst v9  }
0x2d2: {  	v8 =	vadd.f32 $1.258291200e+07, v8;
	v0 =	vadd.f32 $-1.258291200e+07, v0;
	[tilespmem:s29+$0xFFFFFDB0] =	vst v6;
	v9 =	vclamp.gez.f32 v34, $2.550000000e+02  }
0x2d3: {  	v37 =	vld.idx.msk [tilespmem:v29+s16+$0x0], $0xffff;
	v10 =	vadd.f32 $-1.258291200e+07, v10;
	v15 =	vclamp.gez.f32 v59, $2.550000000e+02;
	[tilespmem:s29+$0xFFFFFDF0] =	vst v7;
	v9 =	vadd.f32 $1.258291200e+07, v9  }
0x2d4: {  	v5 =	vclamp.gez.f32 v39, $2.550000000e+02;
	v42 =	vld.idx.msk [tilespmem:v25+s16+$0x0], $0xffff;
	v8 =	vadd.f32 $-1.258291200e+07, v8;
	[tilespmem:s29+$0xFFFFFE30] =	vst v0;
	v15 =	vadd.f32 $1.258291200e+07, v15  }
0x2d5: {  	v43 =	vld.idx.msk [tilespmem:v24+s16+$0x0], $0xffff;
	v6 =	vclamp.gez.f32 v41, $2.550000000e+02;
	[tilespmem:s29+$0xFFFFFEB0] =	vst v10;
	v5 =	vadd.f32 $1.258291200e+07, v5;
	v9 =	vadd.f32 $-1.258291200e+07, v9  }
0x2d6: {  	v12 =	vclamp.gez.f32 v36, $2.550000000e+02;
	v6 =	vadd.f32 $1.258291200e+07, v6;
	[tilespmem:s29+$0xFFFFFE70] =	vst v8;
	v15 =	vadd.f32 $-1.258291200e+07, v15  }
0x2d7: {  	v12 =	vadd.f32 $1.258291200e+07, v12;
	v1 =	vclamp.gez.f32 v38, $2.550000000e+02;
	v5 =	vadd.f32 $-1.258291200e+07, v5;
	[tilespmem:s29+$0xFFFFFEF0] =	vst v9  }
0x2d8: {  	v1 =	vadd.f32 $1.258291200e+07, v1;
	v6 =	vadd.f32 $-1.258291200e+07, v6;
	[tilespmem:s29+$0xFFFFFFC0] =	vst v15;
	v15 =	vclamp.gez.f32 v37, $2.550000000e+02  }
0x2d9: {  	v12 =	vadd.f32 $-1.258291200e+07, v12;
	[tilespmem:s29+$0xFFFFFFF0] =	vst v5;
	v7 =	vclamp.gez.f32 v42, $2.550000000e+02;
	v15 =	vadd.f32 $1.258291200e+07, v15  }
0x2da: {  	v0 =	vclamp.gez.f32 v43, $2.550000000e+02;
	v1 =	vadd.f32 $-1.258291200e+07, v1;
	[tilespmem:s29+$0xFFFFFC80] =	vst v6;
	v7 =	vadd.f32 $1.258291200e+07, v7  }
0x2db: {  	v44 =	vld.idx.msk [tilespmem:v23+s16+$0x0], $0xffff;
	v0 =	vadd.f32 $1.258291200e+07, v0;
	[tilespmem:s29+$0xFFFFFF30] =	vst v12;
	v46 =	vadd.f32 $-1.258291200e+07, v15  }
0x2dc: {  	v45 =	vld.idx.msk [tilespmem:v22+s16+$0x0], $0xffff;
	[tilespmem:s29+$0xFFFFFC30] =	vst v1;
	v7 =	vadd.f32 $-1.258291200e+07, v7  }
0x2dd: {  	v4 =	vld.idx.msk [tilespmem:v4+s16+$0x0], $0xffff;
	v0 =	vadd.f32 $-1.258291200e+07, v0;
	[tilespmem:s29+$0xFFFFFF70] =	vst v46  }
0x2de: {  	v3 =	vld.idx.msk [tilespmem:v3+s16+$0x0], $0xffff;
	[tilespmem:s29+$0xFFFFFCC0] =	vst v7  }
0x2df: {  	v7 =	vld [tilespmem:$0x1FEA0];
	[tilespmem:s29+$0xFFFFFD00] =	vst v0  }
0x2e0: {  	v0 =	vld [tilespmem:$0x1FEB0]  }
0x2e1: {  	v2 =	vld.idx.msk [tilespmem:v2+s16+$0x0], $0xffff  }
0x2e2: {  	v8 =	vclamp.gez.f32 v44, $2.550000000e+02;
	v47 =	vld.idx.msk [tilespmem:v14+s16+$0x0], $0xffff  }
0x2e3: {  	v48 =	vld.idx.msk [tilespmem:v17+s16+$0x0], $0xffff;
	v49 =	vclamp.gez.f32 v45, $2.550000000e+02;
	v8 =	vadd.f32 $1.258291200e+07, v8  }
0x2e4: {  	v9 =	vadd.f32 $1.258291200e+07, v49;
	v50 =	vld.idx.msk [tilespmem:v16+s16+$0x0], $0xffff;
	v4 =	vclamp.gez.f32 v4, $2.550000000e+02  }
0x2e5: {  	v8 =	vadd.f32 $-1.258291200e+07, v8;
	v52 =	vld.idx.msk [tilespmem:v11+s16+$0x0], $0xffff;
	v4 =	vadd.f32 $1.258291200e+07, v4;
	v3 =	vclamp.gez.f32 v3, $2.550000000e+02  }
0x2e6: {  	v9 =	vadd.f32 $-1.258291200e+07, v9;
	v2 =	vclamp.gez.f32 v2, $2.550000000e+02;
	v3 =	vadd.f32 $1.258291200e+07, v3;
	v51 =	vld.idx.msk [tilespmem:v13+s16+$0x0], $0xffff  }
0x2e7: {  	v2 =	vadd.f32 $1.258291200e+07, v2;
	v4 =	vadd.f32 $-1.258291200e+07, v4;
	v1 =	vclamp.gez.f32 v47, $2.550000000e+02;
	[tilespmem:s29+$0xFFFFFD40] =	vst v8;
	v7 =	vld.idx.msk [tilespmem:v7+s16+$0x0], $0xffff  }
0x2e8: {  	v5 =	vclamp.gez.f32 v48, $2.550000000e+02;
	v3 =	vadd.f32 $-1.258291200e+07, v3;
	v1 =	vadd.f32 $1.258291200e+07, v1;
	[tilespmem:s29+$0xFFFFFD80] =	vst v9;
	v0 =	vld.idx.msk [tilespmem:v0+s16+$0x0], $0xffff  }
0x2e9: {  	v53 =	vadd.f32 $1.258291200e+07, v5;
	v2 =	vadd.f32 $-1.258291200e+07, v2;
	v54 =	vclamp.gez.f32 v50, $2.550000000e+02;
	[tilespmem:s29+$0xFFFFFDC0] =	vst v4  }
0x2ea: {  	v61 =	vclamp.gez.f32 v52, $2.550000000e+02;
	v1 =	vadd.f32 $-1.258291200e+07, v1;
	v55 =	vadd.f32 $1.258291200e+07, v54;
	[tilespmem:s29+$0xFFFFFE00] =	vst v3  }
0x2eb: {  	v57 =	vadd.f32 $-1.258291200e+07, v53;
	v62 =	vadd.f32 $1.258291200e+07, v61;
	[tilespmem:s29+$0xFFFFFE40] =	vst v2;
	v59 =	vclamp.gez.f32 v51, $2.550000000e+02  }
0x2ec: {  	[tilespmem:s29+$0xFFFFFE80] =	vst v1;
	v3 =	vadd.f32 $-1.258291200e+07, v55;
	v1 =	vadd.f32 $1.258291200e+07, v59;
	v56 =	vclamp.gez.f32 v7, $2.550000000e+02  }
0x2ed: {  	[tilespmem:s29+$0xFFFFFEC0] =	vst v57;
	v63 =	vadd.f32 $-1.258291200e+07, v62;
	v58 =	vadd.f32 $1.258291200e+07, v56;
	v0 =	vclamp.gez.f32 v0, $2.550000000e+02  }
0x2ee: {  	[tilespmem:s29+$0xFFFFFF00] =	vst v3;
	v1 =	vadd.f32 $-1.258291200e+07, v1;
	v0 =	vadd.f32 $1.258291200e+07, v0  }
.Ltmp4:
0x2ef: {  	s0 =	sadd.s32 s5, s28;
	[tilespmem:s29+$0x0] =	vst v63;
	v60 =	vadd.f32 $-1.258291200e+07, v58;
	(pc) =	sbr.rel @p1 .LBB2_8-.Ltmp4, $4  }
0x2f0: {  	s0 =	smul.u32 $0x600, s0;
	[tilespmem:s29+$0xFFFFFC40] =	vst v1;
	v0 =	vadd.f32 $-1.258291200e+07, v0  }
0x2f1: {  	[tilespmem:s29+$0xFFFFFF40] =	vst v60  }
0x2f2: {  	s0 =	sadd.s32 s4, s0;
	[tilespmem:s29+$0xFFFFFF80] =	vst v0  }
0x2f3: {  	[hbm4b:s0+s3] =	stream.linear.scatter [tilespmem:s21], [sflag:$0x4], $0x3000, $0x38;
	[tilespmem:$0xC200] =	vst v63  }
.Ltmp5:
0x2f4: {  	s0 =	sadd.s32 s26, s11;
	(pc) =	sbr.rel .LBB2_2-.Ltmp5, $3  }
0x2f5: {  	s0 =	smul.u32 $0x600, s0;
	_ =	sdelay $0x1  }
0x2f6: {  	s25 =	sadd.s32 $0x1, s25;
	s0 =	sadd.s32 s1, s0  }
0x2f7: {  	[tilespmem:s16], [sflag:$0x2] =	stream.linear.gather [hbm4b:s0+s3], $0x3000, $0x38;
	[tilespmem:$0xC200] =	vst v63  }
.LBB2_9:
0x2f8: {  	_ =	sfence.sel $0x180000  }
0x2f9: {  	[bflag:$0x0] =	sbarrier.arrive $0xFFFF  }
0x2fa: {  	_ =	strace $0x90000047  }
0x2fb: {  	[bflag:$0x2] =	sbarrier.arrive $0xFFFF  }
0x2fc: {  	p0 =	sne.s32 s2, $0x0;
	s0 =	rddreg [dreg:$0x4]  }
0x2fd: {  	s0 =	sadd.s32 @!p0 $0x100000, s0  }
0x2fe: {  	[sflag:s0] =	ssyncadd.tile.s32 @!p0 $0x1;
	_ =	shalt  }
.Lfunc_end2:
_tile_overlayer_lowered:
.L_overlay_start_2:
0x2ff: {  	(tag) =	ssettag $0x2  }
0x300: {  	s0 =	rddreg [dreg:$0x0];
	s2 =	stileid.u32  }
0x301: {  	s1 =	rddreg [dreg:$0x1];
	p0 =	sne.s32 s2, $0x0  }
0x302: {  	s3 =	rddreg [dreg:$0x2];
	[bflag:$0x3] =	sbarrier.arrive $0xFFFF;
	s2 =	simm.s32 @!p0 $0x1C05  }
0x303: {  	[timem:s3], [sflag:s2] =	dma.local @!p0 [hbm:s0], s1  }
0x304: {  	s0 =	simm.s32 @!p0 $0x5  }
0x305: {  	_ =	swait.ge @!p0 [sflag:s0], s1  }
0x306: {  	s1 =	ssub.s32 @!p0 $0x0, s1;
	[sflag:s0] =	ssyncset.done @!p0 $0x0  }
0x307: {  	[sflag:s0] =	ssyncadd.s32 @!p0 s1  }
0x308: {  	[bflag:$0x3] =	sbarrier.arrive $0xFFFF  }
0x309: {  	_ =	shalt  }

// kernel: sparse-core-data-format-call.cloned.1.call-start
scs
called_computation_lowered:
.L_overlay_start_0:
0x0: {  	s2 =	sld [smem:$0x3FD9]  }
0x1: {  	s3 =	sld [smem:$0x3FFE];
	_ =	sdelay $0x1  }
0x2: {  	s1 =	srdreg.scid  }
0x3: {  	s0 =	sand.u32 $0x1, s1  }
0x4: {  	s18 =	sshll.u32 s0, $0xA;
	s2 =	sadd.s32 s3, s2  }
0x5: {  	s2 =	sadd.s32 s2, s18  }
0x6: {  	[smem:$0x3FC5] =	sst s2  }
0x7: {  	_ = 	snop  }
0x8: {  	s2 =	sld [smem:$0x3FD0];
	(tm) =	ssettm $0x1  }
0x9: {  	s19 =	sld [smem:$0x3FFB];
	_ =	sdelay $0x3  }
0xa: {  	_ =	strace s19  }
0xb: {  	s3 =	sld [smem:$0x3FFC];
	_ =	sdelay $0x3  }
0xc: {  	_ =	strace s3  }
0xd: {  	s3 =	sld [smem:$0x3FFD];
	_ =	sdelay $0x3  }
0xe: {  	_ =	strace s3  }
0xf: {  	_ =	strace $0x8FFFFFFF  }
0x10: {  	s20 =	sld [smem:$0x3FDB];
	_ =	sdelay $0x1  }
0x11: {  	s4 =	simm.s32 $_scs_section_size  }
0x12: {  	s5 =	simm.s32 $_size__tile_overlayer_lowered;
	s6 =	simm.s32 $_tile_overlayer_lowered  }
0x13: {  	s23 =	simm.s32 $0x1BFF;
	s22 =	sshll.u32 s6, $0x1;
	s3 =	sadd.s32 s4, s20  }
0x14: {  	s7 =	simm.s32 $0x0;
	s21 =	sshll.u32 s5, $0x1;
	s5 =	sadd.s32 s22, s3  }
0x15: {  	[timem:s7], [sflag:s23] =	dma.local [hbm:s5], s21  }
0x16: {  	_ =	swait.ge [sflag:s23], s21  }
0x17: {  	s4 =	ssub.s32 $0x0, s21;
	[sflag:s23] =	ssyncset.done $0x0  }
0x18: {  	[sflag:s23] =	ssyncadd.s32 s4;
	_ =	sdelay $0x1  }
0x19: {  	s24 =	simm.s32 $0x1B8B  }
0x1a: {  	_ =	swait.ge [sflag:s24], $0x1  }
0x1b: {  	[sflag:s24] =	ssyncset.done $0x0  }
0x1c: {  	s26 =	simm.s32 $0x1B8E;
	s25 =	sld [smem:$0x3FFE];
	[sflag:s24] =	ssyncadd.s32 $0xFFFFFFFF  }
0x1d: {  	s27 =	simm.s32 $execute0_lowered;
	[smem:$0x3FD2] =	sst s26  }
0x1e: {  	s5 =	sshll.u32 s27, $0x1;
	_ =	strace $0x80000049;
	[dreg:$0x1] =	wrdreg $0xFFFFFFFF  }
0x1f: {  	s28 =	simm.s32 $_size_execute0_lowered;
	s3 =	sadd.s32 s3, s5;
	[dreg:$0x0] =	wrdreg $0x0  }
0x20: {  	s5 =	sshll.u32 s28, $0x1;
	[dreg:$0x2] =	wrdreg s3  }
0x21: {  	[dreg:$0x3] =	wrdreg s5  }
0x22: {  	[dreg:$0x4] =	wrdreg $0xC0  }
0x23: {  	_ =	task [dreg:s7], $0x5FFFF  }
0x24: {  	[dreg:$0x1] =	wrdreg $0xFFFFFFFF  }
0x25: {  	[dreg:$0x0] =	wrdreg $0x60  }
0x26: {  	[dreg:$0x2] =	wrdreg s25  }
0x27: {  	[dreg:$0x3] =	wrdreg s2  }
0x28: {  	[dreg:$0x4] =	wrdreg $0x9  }
0x29: {  	_ =	task.clear_ibuf [dreg:s7], $0x5FFFF;
	_ =	strace $0x90000049  }
0x2a: {  	s29 =	simm.s32 $0x9;
	_ =	strace $0x8000004B  }
0x2b: {  	_ =	swait.ge [sflag:s29], $0x1  }
0x2c: {  	[sflag:s29] =	ssyncadd.s32 $0xFFFFFFFF  }
0x2d: {  	_ =	strace $0x9000004B  }
0x2e: {  	_ =	sfence  }
0x2f: {  	s30 =	sld [smem:$0x0];
	_ =	sdelay $0x2  }
0x30: {  	s31 =	sshll.u32 s1, $0xD;
	s1 =	sshrl.u32 s1, $0x2  }
0x31: {  	s3 =	sand.u32 $0x4000, s31;
	s1 =	sadd.s32 s1, s30  }
0x32: {  	s0 =	sor.u32 s3, s0;
	s1 =	sshll.u32 s1, $0x11  }
0x33: {  	s0 =	sor.u32 s1, s0  }
0x34: {  	s0 =	sadd.s32 $0x8F2B, s0  }
0x35: {  	[sflag:s0] =	ssyncadd.remote.s32 $0x1  }
0x36: {  	_ =	sfence.sel $0xFFFF  }
0x37: {  	[dreg:$0x0] =	wrdreg $0xFFFFFFFF;
	(pc) =	sbr.abs _section_cstart, $3  }
0x38: {  	[dreg:$0x1] =	wrdreg $0xFFFFFFFF  }
0x39: {  	_ =	task.clear_ibuf [dreg:s7], $0x2FFFF;
	_ =	strace $0x9FFFFFFF  }
0x3a: {  	(tm) =	ssettm $0x7FFFFFFF  }
0x3b: {  	_ =	shalt  }
tec
execute0_lowered:
.L_overlay_start_1:
0x0: {  	(tag) =	ssettag $0x1  }
0x1: {  	s4 =	rddreg [dreg:$0x0]  }
0x2: {  	s0 =	stileid.u32;
	s2 =	rddreg [dreg:$0x1]  }
0x3: {  	s7 =	srdreg.scid;
	s8 =	simm.s32 $0x2;
	s14 =	simm.s32 $0x0  }
0x4: {  	s9 =	simm.s32 $0x2000;
	s16 =	simm.s32 $0x0;
	s1 =	sshll.u32 s0, $0x7  }
0x5: {  	s15 =	simm.s32 $0x0;
	s11 =	simm.s32 $0x0;
	s3 =	sand.u32 $0x380, s1  }
0x6: {  	s13 =	simm.s32 $0x0;
	s7 =	sshll.u32 s7, $0x4;
	s5 =	ssub.s32 $0x400, s3  }
0x7: {  	s4 =	sadd.s32 $0x180800, s4;
	s1 =	rddreg [dreg:$0x2];
	s6 =	sand.u32 $0x380, s5  }
0x8: {  	s7 =	sand.u32 $0x10, s7;
	p0 =	sne.s32 s6, $0x0;
	s6 =	simm.s32 $0x1  }
.Ltmp0:
0x9: {  	s5 =	sshrl.u32 s5, $0xA;
	s6 =	simm.s32 @!p0 $0x0;
	(pc) =	sbr.rel .LBB1_1-.Ltmp0, $4  }
0xa: {  	_ =	strace $0x8000004A;
	s7 =	sor.u32 s0, s7;
	s6 =	sadd.s32 s6, s5  }
0xb: {  	s7 =	sshrl.u32 s7, $0x3;
	s5 =	simm.s32 $0x1;
	s6 =	smul.u32 $0x30, s6  }
0xc: {  	s12 =	smov.u32 s3;
	s10 =	smov.u32 s7;
	[sflag:s5] =	ssyncpa.u1 $0x0  }
0xd: {  	p0 =	por $0x0, $0x0;
	[sflag:s8] =	ssyncpa.u1 $0x0;
	s8 =	sor.u32 $0x1, s6  }
.LBB1_4:
0xe: {  	s19 =	sand.u32 $0x1F80, s15  }
0xf: {  	s16 =	sshll.u32 s16, $0x13;
	s20 =	sshrl.u32 s15, $0x3;
	s19 =	sadd.s32 s2, s19  }
0x10: {  	[tilespmem:s18+$0x810 ss:$0x81] =	vst.msk $0xffff, v2;
	s31 =	sand.u32 $0x7, s15;
	s20 =	sand.u32 $0xF, s20;
	s16 =	sadd.s32 s16, s19  }
0x11: {  	[tilespmem:s18+$0x1020 ss:$0x81] =	vst.msk $0xffff, v0;
	s14 =	sshll.u32 s14, $0xD;
	s15 =	sshll.u32 s31, $0x12;
	s16 =	sadd.s32 s20, s16  }
0x12: {  	[tilespmem:s18+$0x0 ss:$0x81] =	vst.msk $0xffff, v1;
	s15 =	sor.u32 $0x400, s15;
	s14 =	sadd.s32 s14, s16  }
0x13: {  	[hbm4b:s14+s15] =	stream.strided.scatter [tilespmem:s17], [sflag:$0x2], $0x2000, s9, s15, $0x20;
	[tilespmem:$0x8080] =	vst v63  }
.LBB1_5:
0x14: {  	s17 =	sadd.s32 $0x4, s10  }
0x15: {  	s14 =	simm.s32 $0x1;
	p2 =	sgt.s32 s17, $0x3F  }
0x16: {  	s14 =	simm.s32 @!p2 $0x0  }
0x17: {  	s18 =	sadd.s32 s14, s11  }
0x18: {  	s20 =	smov.u32 s12;
	s14 =	sadd.s32 $0x400, s12;
	p3 =	sgt.s32 s18, $0x2  }
0x19: {  	s20 =	smov.u32 @p3 s14  }
0x1a: {  	p1 =	slt.u32 s13, $0x2;
	s17 =	smov.u32 @p2 s7;
	p2 =	sgt.s32 s20, $0x3FF  }
0x1b: {  	s19 =	simm.s32 @!p1 $0x2;
	s20 =	smov.u32 @p2 s3;
	p2 =	sne.s32 s13, s8  }
.Ltmp1:
0x1c: {  	_ =	swait.ge @!p1 [sflag:s19], $0x2000;
	(pc) =	sbr.rel @!p2 .LBB1_6-.Ltmp1, $4  }
0x1d: {  	s16 =	smov.u32 s11;
	[sflag:s19] =	ssyncset.done @!p1 $0x0  }
0x1e: {  	s15 =	smov.u32 s12;
	p0 =	por !p0, !p0;
	[sflag:s19] =	ssyncadd.s32 @!p1 $0xFFFFE000  }
0x1f: {  	s18 =	simm.s32 @p3 $0x0;
	s14 =	smov.u32 s10;
	s10 =	smov.u32 s17  }
0x20: {  	s11 =	smov.u32 s18;
	s13 =	sadd.s32 $0x1, s13;
	s12 =	smov.u32 s20  }
.LBB1_1:
0x21: {  	p1 =	sge.u32 s13, s6  }
0x22: {  	s18 =	smul.u32 @!p1 $0xC00, s12  }
0x23: {  	s31 =	sadd.s32 $0xFFFFFFFF, s13;
	s17 =	sxor.u32 @!p1 $0xFFFFFFFF, s13;
	s19 =	sshll.u32 @!p1 s11, $0xA  }
0x24: {  	s20 =	sshll.u32 @!p1 s10, $0x4;
	s17 =	sshll.u32 @!p1 s17, $0xD;
	s18 =	sadd.s32 @!p1 s4, s18  }
0x25: {  	s20 =	sand.u32 @!p1 $0x3F0, s20;
	s17 =	sand.u32 @!p1 $0x2000, s17;
	s18 =	sadd.s32 @!p1 s19, s18  }
0x26: {  	s19 =	simm.s32 @!p1 $0x40;
	s18 =	sadd.s32 @!p1 s20, s18;
	s20 =	simm.s32 @!p1 $0x6000  }
0x27: {  	[tilespmem:s17], [sflag:$0x1] =	stream.strided.gather @!p1 [hbm4b:s18+s19], $0x2000, s20, s19, $0x38;
	[tilespmem:$0x8080] =	vst v63  }
0x28: {  	p1 =	sge.u32 s31, s6  }
.Ltmp2:
0x29: {  	_ = 	snop;
	(pc) =	sbr.rel @p1 .LBB1_5-.Ltmp2, $1  }
0x2a: {  	_ =	sdelay $0x3  }
0x2b: {  	s17 =	simm.s32 $0x1  }
0x2c: {  	_ =	swait.ge [sflag:s5], $0x2000;
	s17 =	simm.s32 @!p0 $0x0  }
0x2d: {  	[sflag:s5] =	ssyncset.done $0x0;
	s18 =	sshll.u32 s17, $0xD  }
0x2e: {  	[sflag:s5] =	ssyncadd.s32 $0xFFFFE000;
	s21 =	sor.u32 $0x20, s18  }
0x2f: {  	s17 =	smul.u32 $0x8100, s17;
	v3 =	vld [tilespmem:s21+$0x10]  }
0x30: {  	s30 =	sand.u32 $0x1, s13;
	v2 =	vld [tilespmem:s21+$0xFFFFFFF0]  }
0x31: {  	s18 =	smul.u32 $0x8100, s30;
	s17 =	sshrl.u32 s17, $0x2;
	v0 =	vld [tilespmem:s21+$0x0]  }
0x32: {  	v1 =	vld [tilespmem:s21+$0xFFFFFFE0];
	s19 =	sor.u32 $0x4000, s17  }
0x33: {  	s31 =	sshrl.u32 s18, $0x2;
	s18 =	sadd.s32 $0x0, s19  }
0x34: {  	s20 =	simm.s32 $0x4;
	s21 =	sadd.s32 $0x40, s21;
	s17 =	sor.u32 $0x4000, s31;
	[tilespmem:s18+$0x1830 ss:$0x81] =	vst.msk $0xffff, v3  }
.LBB1_3:
0x35: {  	v3 =	vld [tilespmem:s21+$0x10];
	p1 =	sne.s32 s20, $0x1FC;
	[tilespmem:s18+$0x810 ss:$0x81] =	vst.msk $0xffff, v2;
	s22 =	smov.u32 s20;
	s20 =	sadd.s32 $0x4, s20  }
.Ltmp3:
0x36: {  	v2 =	vld [tilespmem:s21+$0xFFFFFFF0];
	[tilespmem:s18+$0x1020 ss:$0x81] =	vst.msk $0xffff, v0;
	(pc) =	sbr.rel @p1 .LBB1_3-.Ltmp3, $4  }
0x37: {  	v0 =	vld [tilespmem:s21+$0x0];
	[tilespmem:s18+$0x0 ss:$0x81] =	vst.msk $0xffff, v1  }
0x38: {  	s18 =	sshra.s32 s22, $0x2;
	v1 =	vld [tilespmem:s21+$0xFFFFFFE0]  }
0x39: {  	s18 =	sadd.s32 s18, s19  }
0x3a: {  	s21 =	sadd.s32 $0x40, s21;
	[tilespmem:s18+$0x1830 ss:$0x81] =	vst.msk $0xffff, v3  }
.Ltmp4:
0x3b: {  	_ = 	snop;
	(pc) =	sbr.rel .LBB1_4-.Ltmp4, $1  }
0x3c: {  	_ =	sdelay $0x3  }
.LBB1_6:
0x3d: {  	_ =	sfence.sel $0x180000  }
0x3e: {  	s2 =	simm.s32 $0x1;
	[bflag:$0x0] =	sbarrier.arrive $0xFFFF  }
0x3f: {  	s31 =	simm.s32 $0x2;
	[sflag:s2] =	ssyncpa.u1 $0x1  }
0x40: {  	[sflag:s31] =	ssyncpa.u1 $0x1  }
0x41: {  	p0 =	sne.s32 s0, $0x0;
	_ =	strace $0x9000004A  }
0x42: {  	s0 =	sadd.s32 @!p0 $0x100000, s1;
	[bflag:$0x2] =	sbarrier.arrive $0xFFFF  }
0x43: {  	[sflag:s0] =	ssyncadd.tile.s32 @!p0 $0x1;
	_ =	shalt  }
.Lfunc_end1:
_tile_overlayer_lowered:
.L_overlay_start_2:
0x44: {  	(tag) =	ssettag $0x2  }
0x45: {  	s0 =	rddreg [dreg:$0x0];
	s2 =	stileid.u32  }
0x46: {  	s1 =	rddreg [dreg:$0x1];
	p0 =	sne.s32 s2, $0x0  }
0x47: {  	s3 =	rddreg [dreg:$0x2];
	[bflag:$0x3] =	sbarrier.arrive $0xFFFF;
	s2 =	simm.s32 @!p0 $0x1C01  }
0x48: {  	[timem:s3], [sflag:s2] =	dma.local @!p0 [hbm:s0], s1  }
0x49: {  	s0 =	simm.s32 @!p0 $0x1  }
0x4a: {  	_ =	swait.ge @!p0 [sflag:s0], s1  }
0x4b: {  	s1 =	ssub.s32 @!p0 $0x0, s1;
	[sflag:s0] =	ssyncset.done @!p0 $0x0  }
0x4c: {  	[sflag:s0] =	ssyncadd.s32 @!p0 s1  }
0x4d: {  	[bflag:$0x3] =	sbarrier.arrive $0xFFFF  }
0x4e: {  	_ =	shalt  }

</sc_bundles>
